<compile_context>
chip_gen: v7x
topology: tpu7x:2x2x1
jax: 0.10.2.dev20260603
libtpu: 0.0.44.dev20260713+nightly
codegen_flags: <defaults>
</compile_context>

<pallas_src>
import functools

import jax
import jax.numpy as jnp
from jax import lax
from jax.experimental import pallas as pl
from jax.experimental.pallas import tpu as pltpu
from jax.experimental.pallas import tpu_sc as plsc

B = 8
N = 8192
C = 16
S = 512
NSAMP = 32
R2 = 0.2 * 0.2
CH_IN = 32
C1 = 32
C2 = 64
M = B * S * NSAMP
EPS = 1e-5



def _fps_body(xyzs_ref, nx_ref, ny_ref, nz_ref, dist_ref):
    xyzs = xyzs_ref[...]
    xs = xyzs[0:B]
    ys = xyzs[B:2 * B]
    zs = xyzs[2 * B:3 * B]
    dist_ref[...] = jnp.full((B, N), 1e10, jnp.float32)
    nx_ref[...] = jnp.zeros((B, S), jnp.float32)
    ny_ref[...] = jnp.zeros((B, S), jnp.float32)
    nz_ref[...] = jnp.zeros((B, S), jnp.float32)
    iota_n = lax.broadcasted_iota(jnp.int32, (B, N), 1)
    iota_s = lax.broadcasted_iota(jnp.int32, (B, S), 1)

    def step(i, far):
        ohf = (iota_n == far).astype(jnp.float32)
        cx = jnp.sum(ohf * xs, axis=1, keepdims=True)
        cy = jnp.sum(ohf * ys, axis=1, keepdims=True)
        cz = jnp.sum(ohf * zs, axis=1, keepdims=True)
        sel = iota_s == i
        nx_ref[...] += jnp.where(sel, cx, 0.0)
        ny_ref[...] += jnp.where(sel, cy, 0.0)
        nz_ref[...] += jnp.where(sel, cz, 0.0)
        dx = xs - cx
        dy = ys - cy
        dz = zs - cz
        d = dx * dx + dy * dy + dz * dz
        dist = jnp.minimum(dist_ref[...], d)
        dist_ref[...] = dist
        m = jnp.max(dist, axis=1, keepdims=True)
        far_n = jnp.min(jnp.where(dist == m, iota_n, N), axis=1, keepdims=True)
        return far_n

    lax.fori_loop(0, S, step, jnp.zeros((B, 1), jnp.int32))


def _fps(xyzs):
    return pl.pallas_call(
        _fps_body,
        out_shape=[jax.ShapeDtypeStruct((B, S), jnp.float32)] * 3,
        scratch_shapes=[pltpu.VMEM((B, N), jnp.float32)],
    )(xyzs)



_NW = 32
_S_PER_W = S // (_NW // B)
_NBLK = N // 16
_UNROLL = 8
_GRP = 8


def _bq_body(xs_hbm, ys_hbm, zs_hbm, nx_hbm, ny_hbm, nz_hbm, table_hbm,
             out_hbm, xv, yv, zv, nxv, nyv, nzv, idxbuf, gidx, rows, sem):
    wid = lax.axis_index("s") * 2 + lax.axis_index("c")
    b = wid // 4
    s0 = (wid % 4) * _S_PER_W

    pltpu.sync_copy(xs_hbm.at[b], xv)
    pltpu.sync_copy(ys_hbm.at[b], yv)
    pltpu.sync_copy(zs_hbm.at[b], zv)
    pltpu.sync_copy(nx_hbm.at[b, pl.ds(s0, _S_PER_W)], nxv)
    pltpu.sync_copy(ny_hbm.at[b, pl.ds(s0, _S_PER_W)], nyv)
    pltpu.sync_copy(nz_hbm.at[b, pl.ds(s0, _S_PER_W)], nzv)

    lane = lax.iota(jnp.int32, 16)
    goff = b * N

    def group(g, carry):
        for jj in range(_GRP):
            j = g * _GRP + jj
            jo = (j // 16) * 16
            jv = jnp.full((16,), j % 16, jnp.int32)
            cx = nxv[pl.ds(jo, 16)][jv]
            cy = nyv[pl.ds(jo, 16)][jv]
            cz = nzv[pl.ds(jo, 16)][jv]

            def cond(st):
                nb, cnt = st
                return jnp.logical_and(cnt < NSAMP, nb < _NBLK)

            def body(st):
                nb, cnt = st
                cntv = jnp.full((16,), cnt, jnp.int32)
                for u in range(_UNROLL):
                    base = (nb + u) * 16
                    dx = xv[pl.ds(base, 16)] - cx
                    dy = yv[pl.ds(base, 16)] - cy
                    dz = zv[pl.ds(base, 16)] - cz
                    d = dx * dx + dy * dy + dz * dz
                    mask = d <= R2
                    c = plsc.cumsum(mask.astype(jnp.int32))
                    plsc.store_scatter(idxbuf, [cntv + c - 1], lane + base,
                                       mask=mask)
                    cntv = cntv + plsc.all_reduce_population_count(mask)
                return nb + _UNROLL, jnp.max(cntv)

            _, cnt = lax.while_loop(cond, body, (jnp.int32(0), jnp.int32(0)))
            m = jnp.minimum(cnt, NSAMP)
            lo_raw = idxbuf[pl.ds(0, 16)]
            first = lo_raw[jnp.zeros((16,), jnp.int32)]
            lo = jnp.where(lane < m, lo_raw, first)
            hi = jnp.where(lane + 16 < m, idxbuf[pl.ds(16, 16)], first)
            gidx[pl.ds(jj * NSAMP, 16)] = lo + goff
            gidx[pl.ds(jj * NSAMP + 16, 16)] = hi + goff
        pltpu.async_copy(table_hbm.at[gidx], rows, sem).wait()
        obase = (b * S + s0 + g * _GRP) * NSAMP
        pltpu.sync_copy(rows, out_hbm.at[pl.ds(obase, _GRP * NSAMP)])
        return carry

    lax.fori_loop(0, _S_PER_W // _GRP, group, jnp.int32(0))


@functools.cache
def _ball_gather():
    mesh = plsc.VectorSubcoreMesh(core_axis_name="c", subcore_axis_name="s")
    return pl.kernel(
        _bq_body,
        out_type=jax.ShapeDtypeStruct((M, CH_IN), jnp.float32),
        mesh=mesh,
        compiler_params=pltpu.CompilerParams(needs_layout_passes=False,
                                             use_tc_tiling_on_sc=False),
        scratch_types=[
            pltpu.VMEM((N,), jnp.float32),
            pltpu.VMEM((N,), jnp.float32),
            pltpu.VMEM((N,), jnp.float32),
            pltpu.VMEM((_S_PER_W,), jnp.float32),
            pltpu.VMEM((_S_PER_W,), jnp.float32),
            pltpu.VMEM((_S_PER_W,), jnp.float32),
            pltpu.VMEM((31 + 16 * _UNROLL + 1,), jnp.int32),
            pltpu.VMEM((_GRP * NSAMP,), jnp.int32),
            pltpu.VMEM((_GRP * NSAMP, CH_IN), jnp.float32),
            pltpu.SemaphoreType.DMA,
        ],
    )



_CHUNK = 8192
_GCHUNK = _CHUNK // NSAMP
_NCHUNK = M // _CHUNK


_CDIM = (((1,), (1,)), ((), ()))


def _mlp_body(g_ref, nxp_ref, w1_ref, b1_ref, g1_ref, be1_ref,
              w2_ref, b2_ref, g2_ref, be2_ref, out_ref,
              s1_ref, q1_ref, s2_ref, q2_ref):
    i = pl.program_id(0)
    phase = i // _NCHUNK

    def pre1():
        w1 = w1_ref[...]
        bc = lax.dot_general(nxp_ref[...], w1, _CDIM,
                             preferred_element_type=jnp.float32)
        p = lax.dot_general(g_ref[...], w1, _CDIM,
                            preferred_element_type=jnp.float32) + b1_ref[...]
        return (p.reshape(_GCHUNK, NSAMP, C1) - bc[:, None, :]).reshape(
            _CHUNK, C1)

    def hval():
        mu = s1_ref[...] / M
        var = q1_ref[...] / M - mu * mu
        sc = g1_ref[...] * lax.rsqrt(var + EPS)
        sh = be1_ref[...] - mu * sc
        return jnp.maximum(pre1() * sc + sh, 0.0)

    @pl.when(phase == 0)
    def _():
        p = pre1()

        @pl.when(i == 0)
        def _():
            s1_ref[...] = jnp.zeros((1, C1), jnp.float32)
            q1_ref[...] = jnp.zeros((1, C1), jnp.float32)

        s1_ref[...] += jnp.sum(p, axis=0, keepdims=True)
        q1_ref[...] += jnp.sum(p * p, axis=0, keepdims=True)

    @pl.when(phase == 1)
    def _():
        p2 = lax.dot_general(hval(), w2_ref[...], _CDIM,
                             preferred_element_type=jnp.float32) + b2_ref[...]

        @pl.when(i == _NCHUNK)
        def _():
            s2_ref[...] = jnp.zeros((1, C2), jnp.float32)
            q2_ref[...] = jnp.zeros((1, C2), jnp.float32)

        s2_ref[...] += jnp.sum(p2, axis=0, keepdims=True)
        q2_ref[...] += jnp.sum(p2 * p2, axis=0, keepdims=True)

    @pl.when(phase == 2)
    def _():
        mu = s2_ref[...] / M
        var = q2_ref[...] / M - mu * mu
        sc = g2_ref[...] * lax.rsqrt(var + EPS)
        sh = be2_ref[...] - mu * sc
        p2 = lax.dot_general(hval(), w2_ref[...], _CDIM,
                             preferred_element_type=jnp.float32) + b2_ref[...]
        y = jnp.maximum(p2 * sc + sh, 0.0)
        out_ref[...] = jnp.max(y.reshape(_GCHUNK, NSAMP, C2), axis=1)


def _mlp(g, nxp, w1, b1, g1, be1, w2, b2, g2, be2):
    nc = _NCHUNK

    def gmap(i):
        return (i % nc, 0)

    def omap(i):
        return (jnp.where(i >= 2 * nc, i - 2 * nc, 0), 0)

    def cmap(i):
        return (0, 0)

    return pl.pallas_call(
        _mlp_body,
        grid=(3 * nc,),
        in_specs=[pl.BlockSpec((_CHUNK, CH_IN), gmap),
                  pl.BlockSpec((_GCHUNK, CH_IN), gmap),
                  pl.BlockSpec((C1, CH_IN), cmap),
                  pl.BlockSpec((1, C1), cmap),
                  pl.BlockSpec((1, C1), cmap),
                  pl.BlockSpec((1, C1), cmap),
                  pl.BlockSpec((C2, C1), cmap),
                  pl.BlockSpec((1, C2), cmap),
                  pl.BlockSpec((1, C2), cmap),
                  pl.BlockSpec((1, C2), cmap)],
        out_specs=pl.BlockSpec((_GCHUNK, C2), omap),
        out_shape=jax.ShapeDtypeStruct((B * S, C2), jnp.float32),
        scratch_shapes=[
            pltpu.VMEM((1, C1), jnp.float32),
            pltpu.VMEM((1, C1), jnp.float32),
            pltpu.VMEM((1, C2), jnp.float32),
            pltpu.VMEM((1, C2), jnp.float32),
        ],
    )(g, nxp, w1, b1, g1, be1, w2, b2, g2, be2)



def kernel(xyz, features, W1, b1, g1, be1, W2, b2, g2, be2):
    xyzs = jnp.transpose(xyz, (2, 0, 1)).reshape(3 * B, N)
    xs = xyzs[0:B]
    ys = xyzs[B:2 * B]
    zs = xyzs[2 * B:3 * B]

    nx, ny, nz = _fps(xyzs)
    new_xyz = jnp.stack([nx, ny, nz], axis=-1)

    table = jnp.concatenate(
        [xyz, jnp.transpose(features, (0, 2, 1)),
         jnp.zeros((B, N, CH_IN - 3 - C), jnp.float32)], axis=-1,
    ).reshape(B * N, CH_IN)

    g = _ball_gather()(xs, ys, zs, nx, ny, nz, table)

    nxp = jnp.concatenate(
        [new_xyz.reshape(B * S, 3),
         jnp.zeros((B * S, CH_IN - 3), jnp.float32)], axis=-1)
    w1e = jnp.concatenate(
        [W1, jnp.zeros((C1, CH_IN - W1.shape[1]), jnp.float32)], axis=-1)

    out = _mlp(g, nxp, w1e, b1.reshape(1, C1), g1.reshape(1, C1),
               be1.reshape(1, C1), W2, b2.reshape(1, C2),
               g2.reshape(1, C2), be2.reshape(1, C2))

    new_features = jnp.transpose(out.reshape(B, S, C2), (0, 2, 1))
    return new_xyz, new_features

# --- scband reference (transcript-rebuilt; emitter-appended) ---
"""Pipeline reference for scband-point-net-set-abstraction-22213570855529 (READ-ONLY COPY).

The authoritative reference and input builder live on the scoring server;
editing this copy changes nothing except your own understanding.
"""

import jax, jax.numpy as jnp
import numpy as np

NPOINT = 512
RADIUS = 0.2
NSAMPLE = 32


def _index_points(points, idx):
    # points: (B, N, D), idx: (B, ...) -> (B, ..., D)
    return jax.vmap(lambda p, i: p[i])(points, idx)


def _farthest_point_sample(xyz, npoint):
    B, N, _ = xyz.shape
    distance = jnp.full((B, N), 1e10, dtype=xyz.dtype)
    farthest = jnp.zeros((B,), dtype=jnp.int32)

    def step(carry, _):
        dist_c, far = carry
        centroid = xyz[jnp.arange(B), far][:, None, :]
        d = jnp.sum((xyz - centroid) ** 2, axis=-1)
        dist_c = jnp.minimum(dist_c, d)
        nxt = jnp.argmax(dist_c, axis=-1).astype(jnp.int32)
        return (dist_c, nxt), far

    _, cents = jax.lax.scan(step, (distance, farthest), None, length=npoint)
    return jnp.transpose(cents)  # (B, npoint)


def _ball_query(radius, nsample, xyz, new_xyz):
    B, N, _ = xyz.shape
    sqrdists = jnp.sum((new_xyz[:, :, None, :] - xyz[:, None, :, :]) ** 2, axis=-1)
    ar = jnp.arange(N, dtype=jnp.int32)
    group_idx = jnp.where(sqrdists > radius ** 2, N, ar[None, None, :])
    group_idx = jnp.sort(group_idx, axis=-1)[:, :, :nsample]
    first = group_idx[:, :, 0:1]
    group_idx = jnp.where(group_idx == N, jnp.broadcast_to(first, group_idx.shape), group_idx)
    return group_idx


def setup_inputs(seed: int = 0):
    key = jax.random.key(seed)
    ks = jax.random.split(key, 8)
    B, N, C = 8, 8192, 16
    in_ch = C + 3
    xyz = jax.random.uniform(ks[0], (B, N, 3), dtype=jnp.float32)
    features = jax.random.normal(ks[1], (B, C, N), dtype=jnp.float32)
    W1 = jax.random.normal(ks[2], (32, in_ch), dtype=jnp.float32) * 0.1
    b1 = jnp.zeros((32,), jnp.float32)
    g1 = jnp.ones((32,), jnp.float32)
    be1 = jnp.zeros((32,), jnp.float32)
    W2 = jax.random.normal(ks[3], (64, 32), dtype=jnp.float32) * 0.1
    b2 = jnp.zeros((64,), jnp.float32)
    g2 = jnp.ones((64,), jnp.float32)
    be2 = jnp.zeros((64,), jnp.float32)
    return {"xyz": xyz, "features": features, "W1": W1, "b1": b1, "g1": g1, "be1": be1,
            "W2": W2, "b2": b2, "g2": g2, "be2": be2}


def reference(xyz, features, W1, b1, g1, be1, W2, b2, g2, be2):
    fps_idx = _farthest_point_sample(xyz, NPOINT)
    new_xyz = _index_points(xyz, fps_idx)  # (B, S, 3)
    idx = _ball_query(RADIUS, NSAMPLE, xyz, new_xyz)  # (B, S, nsample)
    grouped_xyz = _index_points(xyz, idx) - new_xyz[:, :, None, :]  # (B, S, ns, 3)
    grouped_feat = _index_points(jnp.transpose(features, (0, 2, 1)), idx)  # (B, S, ns, C)
    g = jnp.concatenate([grouped_xyz, grouped_feat], axis=-1)  # (B, S, ns, C+3)
    g = jnp.transpose(g, (0, 3, 2, 1))  # (B, C+3, ns, S)
    for W, b, gam, bet in ((W1, b1, g1, be1), (W2, b2, g2, be2)):
        g = jnp.einsum('oc,bcns->bons', W, g) + b[None, :, None, None]
        mean = jnp.mean(g, axis=(0, 2, 3), keepdims=True)
        var = jnp.var(g, axis=(0, 2, 3), keepdims=True)
        g = (g - mean) / jnp.sqrt(var + 1e-5) * gam[None, :, None, None] + bet[None, :, None, None]
        g = jax.nn.relu(g)
    new_features = jnp.max(g, axis=2)  # (B, C_out, S)
    return new_xyz, new_features

if __name__ == "__main__":
    import jax
    _d = setup_inputs()
    print(jax.jit(kernel)(*tuple(_d.values())))

</pallas_src>

<mosaic_0001>
#map = affine_map<(d0, d1) -> (0, 0)>
module attributes {stable_mosaic.version = 14 : i64} {
  func.func @_bq_body(%arg0: i32, %arg1: i32, %arg2: memref<8x8192xf32, #tpu.memory_space<hbm>>, %arg3: memref<8x8192xf32, #tpu.memory_space<hbm>>, %arg4: memref<8x8192xf32, #tpu.memory_space<hbm>>, %arg5: memref<8x512xf32, #tpu.memory_space<hbm>>, %arg6: memref<8x512xf32, #tpu.memory_space<hbm>>, %arg7: memref<8x512xf32, #tpu.memory_space<hbm>>, %arg8: memref<65536x32xf32, #tpu.memory_space<hbm>>, %arg9: memref<131072x32xf32, #tpu.memory_space<hbm>>, %arg10: memref<8192xf32, #tpu.memory_space<vmem>>, %arg11: memref<8192xf32, #tpu.memory_space<vmem>>, %arg12: memref<8192xf32, #tpu.memory_space<vmem>>, %arg13: memref<128xf32, #tpu.memory_space<vmem>>, %arg14: memref<128xf32, #tpu.memory_space<vmem>>, %arg15: memref<128xf32, #tpu.memory_space<vmem>>, %arg16: memref<160xi32, #tpu.memory_space<vmem>>, %arg17: memref<256xi32, #tpu.memory_space<vmem>>, %arg18: memref<256x32xf32, #tpu.memory_space<vmem>>, %arg19: memref<!tpu.dma_semaphore, #tpu.memory_space<semaphore_mem>>) attributes {dimension_semantics = [#tpu.dimension_semantics<core_parallel>, #tpu.dimension_semantics<subcore_parallel>], iteration_bounds = array<i64: 2, 16>, scalar_prefetch = 0 : i64, scratch_operands = 10 : i64, tpu.core_type = #tpu.core_type<sc_vector_subcore>, window_params = [{transform_indices = #map}, {transform_indices = #map}, {transform_indices = #map}, {transform_indices = #map}, {transform_indices = #map}, {transform_indices = #map}, {transform_indices = #map}, {transform_indices = #map}]} {
    %mul3A = arith.constant 2 : i32
    %mul3A_0 = arith.muli %arg1, %mul3A : i32
    %add3A = arith.addi %mul3A_0, %arg0 : i32
    %jit3A = arith.constant 4 : i32
    %div3A = arith.divsi %add3A, %jit3A : i32
    %sign3A = arith.constant 0 : i32
    %sign3A_1 = arith.cmpi sgt, %add3A, %sign3A : i32
    %sign3A_2 = arith.extui %sign3A_1 : i1 to i32
    %sign3A_3 = arith.constant 0 : i32
    %sign3A_4 = arith.cmpi slt, %add3A, %sign3A_3 : i32
    %sign3A_5 = arith.extui %sign3A_4 : i1 to i32
    %sign3A_6 = arith.subi %sign3A_2, %sign3A_5 : i32
    %sign3A_7 = arith.constant 0 : i32
    %sign3A_8 = arith.cmpi sgt, %jit3A, %sign3A_7 : i32
    %sign3A_9 = arith.extui %sign3A_8 : i1 to i32
    %sign3A_10 = arith.constant 0 : i32
    %sign3A_11 = arith.cmpi slt, %jit3A, %sign3A_10 : i32
    %sign3A_12 = arith.extui %sign3A_11 : i1 to i32
    %sign3A_13 = arith.subi %sign3A_9, %sign3A_12 : i32
    %ne3A = arith.cmpi ne, %sign3A_6, %sign3A_13 : i32
    %rem3A = arith.remsi %add3A, %jit3A : i32
    %ne3A_14 = arith.constant 0 : i32
    %ne3A_15 = arith.cmpi ne, %rem3A, %ne3A_14 : i32
    %and3A = arith.andi %ne3A, %ne3A_15 : i1
    %sub3A = arith.constant 1 : i32
    %sub3A_16 = arith.subi %div3A, %sub3A : i32
    %select_n3A = arith.select %and3A, %sub3A_16, %div3A : i32
    %jit3A_17 = arith.constant 4 : i32
    %eq3A = arith.constant 0 : i32
    %eq3A_18 = arith.cmpi eq, %jit3A_17, %eq3A : i32
    %jit3A_19 = arith.constant 1 : i32
    %select_n3A_20 = arith.select %eq3A_18, %jit3A_19, %jit3A_17 : i32
    %rem3A_21 = arith.remsi %add3A, %select_n3A_20 : i32
    %ne3A_22 = arith.constant 0 : i32
    %ne3A_23 = arith.cmpi ne, %rem3A_21, %ne3A_22 : i32
    %lt3A = arith.constant 0 : i32
    %lt3A_24 = arith.cmpi slt, %rem3A_21, %lt3A : i32
    %lt3A_25 = arith.constant 0 : i32
    %lt3A_26 = arith.cmpi slt, %select_n3A_20, %lt3A_25 : i32
    %ne3A_27 = arith.xori %lt3A_24, %lt3A_26 : i1
    %and3A_28 = arith.andi %ne3A_27, %ne3A_23 : i1
    %add3A_29 = arith.addi %rem3A_21, %select_n3A_20 : i32
    %select_n3A_30 = arith.select %and3A_28, %add3A_29, %rem3A_21 : i32
    %mul3A_31 = arith.constant 128 : i32
    %mul3A_32 = arith.muli %select_n3A_30, %mul3A_31 : i32
    "tpu.region"() ({
      %run_scoped3A = tpu.sem_alloc : memref<!tpu.dma_semaphore, #tpu.memory_space<semaphore_mem>>
      %dma_start3A = arith.constant 0 : i32
      %dma_start3A_40 = tpu.memref_slice %arg2[%select_n3A, %dma_start3A] : memref<8x8192xf32, #tpu.memory_space<hbm>> -> memref<1x8192xf32, #tpu.memory_space<hbm>>
      %dma_start3A_41 = tpu.memref_squeeze %dma_start3A_40 : memref<1x8192xf32, #tpu.memory_space<hbm>> -> memref<8192xf32, #tpu.memory_space<hbm>>
      %dma_start3A_42 = arith.constant 0 : i32
      %dma_start3A_43 = tpu.memref_slice %arg2[%select_n3A, %dma_start3A_42] : memref<8x8192xf32, #tpu.memory_space<hbm>> -> memref<1x8192xf32, #tpu.memory_space<hbm>>
      %dma_start3A_44 = tpu.memref_squeeze %dma_start3A_43 : memref<1x8192xf32, #tpu.memory_space<hbm>> -> memref<8192xf32, #tpu.memory_space<hbm>>
      tpu.enqueue_dma source(%dma_start3A_44 : memref<8192xf32, #tpu.memory_space<hbm>>) target(%arg10 : memref<8192xf32, #tpu.memory_space<vmem>>) target_semaphore(%run_scoped3A : memref<!tpu.dma_semaphore, #tpu.memory_space<semaphore_mem>>)
      %dma_wait3A = arith.constant 0 : i32
      %dma_wait3A_45 = tpu.memref_slice %arg2[%select_n3A, %dma_wait3A] : memref<8x8192xf32, #tpu.memory_space<hbm>> -> memref<1x8192xf32, #tpu.memory_space<hbm>>
      %dma_wait3A_46 = tpu.memref_squeeze %dma_wait3A_45 : memref<1x8192xf32, #tpu.memory_space<hbm>> -> memref<8192xf32, #tpu.memory_space<hbm>>
      %dma_wait3A_47 = arith.constant 0 : i32
      %dma_wait3A_48 = tpu.memref_slice %arg2[%select_n3A, %dma_wait3A_47] : memref<8x8192xf32, #tpu.memory_space<hbm>> -> memref<1x8192xf32, #tpu.memory_space<hbm>>
      %dma_wait3A_49 = tpu.memref_squeeze %dma_wait3A_48 : memref<1x8192xf32, #tpu.memory_space<hbm>> -> memref<8192xf32, #tpu.memory_space<hbm>>
      tpu.wait_dma2 semaphore(%run_scoped3A : memref<!tpu.dma_semaphore, #tpu.memory_space<semaphore_mem>>) src(%dma_wait3A_49 : memref<8192xf32, #tpu.memory_space<hbm>>) dst(%arg10 : memref<8192xf32, #tpu.memory_space<vmem>>)
      tpu.yield
    }) : () -> ()
    "tpu.region"() ({
      %run_scoped3A = tpu.sem_alloc : memref<!tpu.dma_semaphore, #tpu.memory_space<semaphore_mem>>
      %dma_start3A = arith.constant 0 : i32
      %dma_start3A_40 = tpu.memref_slice %arg3[%select_n3A, %dma_start3A] : memref<8x8192xf32, #tpu.memory_space<hbm>> -> memref<1x8192xf32, #tpu.memory_space<hbm>>
      %dma_start3A_41 = tpu.memref_squeeze %dma_start3A_40 : memref<1x8192xf32, #tpu.memory_space<hbm>> -> memref<8192xf32, #tpu.memory_space<hbm>>
      %dma_start3A_42 = arith.constant 0 : i32
      %dma_start3A_43 = tpu.memref_slice %arg3[%select_n3A, %dma_start3A_42] : memref<8x8192xf32, #tpu.memory_space<hbm>> -> memref<1x8192xf32, #tpu.memory_space<hbm>>
      %dma_start3A_44 = tpu.memref_squeeze %dma_start3A_43 : memref<1x8192xf32, #tpu.memory_space<hbm>> -> memref<8192xf32, #tpu.memory_space<hbm>>
      tpu.enqueue_dma source(%dma_start3A_44 : memref<8192xf32, #tpu.memory_space<hbm>>) target(%arg11 : memref<8192xf32, #tpu.memory_space<vmem>>) target_semaphore(%run_scoped3A : memref<!tpu.dma_semaphore, #tpu.memory_space<semaphore_mem>>)
      %dma_wait3A = arith.constant 0 : i32
      %dma_wait3A_45 = tpu.memref_slice %arg3[%select_n3A, %dma_wait3A] : memref<8x8192xf32, #tpu.memory_space<hbm>> -> memref<1x8192xf32, #tpu.memory_space<hbm>>
      %dma_wait3A_46 = tpu.memref_squeeze %dma_wait3A_45 : memref<1x8192xf32, #tpu.memory_space<hbm>> -> memref<8192xf32, #tpu.memory_space<hbm>>
      %dma_wait3A_47 = arith.constant 0 : i32
      %dma_wait3A_48 = tpu.memref_slice %arg3[%select_n3A, %dma_wait3A_47] : memref<8x8192xf32, #tpu.memory_space<hbm>> -> memref<1x8192xf32, #tpu.memory_space<hbm>>
      %dma_wait3A_49 = tpu.memref_squeeze %dma_wait3A_48 : memref<1x8192xf32, #tpu.memory_space<hbm>> -> memref<8192xf32, #tpu.memory_space<hbm>>
      tpu.wait_dma2 semaphore(%run_scoped3A : memref<!tpu.dma_semaphore, #tpu.memory_space<semaphore_mem>>) src(%dma_wait3A_49 : memref<8192xf32, #tpu.memory_space<hbm>>) dst(%arg11 : memref<8192xf32, #tpu.memory_space<vmem>>)
      tpu.yield
    }) : () -> ()
    "tpu.region"() ({
      %run_scoped3A = tpu.sem_alloc : memref<!tpu.dma_semaphore, #tpu.memory_space<semaphore_mem>>
      %dma_start3A = arith.constant 0 : i32
      %dma_start3A_40 = tpu.memref_slice %arg4[%select_n3A, %dma_start3A] : memref<8x8192xf32, #tpu.memory_space<hbm>> -> memref<1x8192xf32, #tpu.memory_space<hbm>>
      %dma_start3A_41 = tpu.memref_squeeze %dma_start3A_40 : memref<1x8192xf32, #tpu.memory_space<hbm>> -> memref<8192xf32, #tpu.memory_space<hbm>>
      %dma_start3A_42 = arith.constant 0 : i32
      %dma_start3A_43 = tpu.memref_slice %arg4[%select_n3A, %dma_start3A_42] : memref<8x8192xf32, #tpu.memory_space<hbm>> -> memref<1x8192xf32, #tpu.memory_space<hbm>>
      %dma_start3A_44 = tpu.memref_squeeze %dma_start3A_43 : memref<1x8192xf32, #tpu.memory_space<hbm>> -> memref<8192xf32, #tpu.memory_space<hbm>>
      tpu.enqueue_dma source(%dma_start3A_44 : memref<8192xf32, #tpu.memory_space<hbm>>) target(%arg12 : memref<8192xf32, #tpu.memory_space<vmem>>) target_semaphore(%run_scoped3A : memref<!tpu.dma_semaphore, #tpu.memory_space<semaphore_mem>>)
      %dma_wait3A = arith.constant 0 : i32
      %dma_wait3A_45 = tpu.memref_slice %arg4[%select_n3A, %dma_wait3A] : memref<8x8192xf32, #tpu.memory_space<hbm>> -> memref<1x8192xf32, #tpu.memory_space<hbm>>
      %dma_wait3A_46 = tpu.memref_squeeze %dma_wait3A_45 : memref<1x8192xf32, #tpu.memory_space<hbm>> -> memref<8192xf32, #tpu.memory_space<hbm>>
      %dma_wait3A_47 = arith.constant 0 : i32
      %dma_wait3A_48 = tpu.memref_slice %arg4[%select_n3A, %dma_wait3A_47] : memref<8x8192xf32, #tpu.memory_space<hbm>> -> memref<1x8192xf32, #tpu.memory_space<hbm>>
      %dma_wait3A_49 = tpu.memref_squeeze %dma_wait3A_48 : memref<1x8192xf32, #tpu.memory_space<hbm>> -> memref<8192xf32, #tpu.memory_space<hbm>>
      tpu.wait_dma2 semaphore(%run_scoped3A : memref<!tpu.dma_semaphore, #tpu.memory_space<semaphore_mem>>) src(%dma_wait3A_49 : memref<8192xf32, #tpu.memory_space<hbm>>) dst(%arg12 : memref<8192xf32, #tpu.memory_space<vmem>>)
      tpu.yield
    }) : () -> ()
    "tpu.region"() ({
      %run_scoped3A = tpu.sem_alloc : memref<!tpu.dma_semaphore, #tpu.memory_space<semaphore_mem>>
      %dma_start3A = tpu.memref_slice %arg5[%select_n3A, %mul3A_32] : memref<8x512xf32, #tpu.memory_space<hbm>> -> memref<1x128xf32, #tpu.memory_space<hbm>>
      %dma_start3A_40 = tpu.memref_squeeze %dma_start3A : memref<1x128xf32, #tpu.memory_space<hbm>> -> memref<128xf32, #tpu.memory_space<hbm>>
      %dma_start3A_41 = tpu.memref_slice %arg5[%select_n3A, %mul3A_32] : memref<8x512xf32, #tpu.memory_space<hbm>> -> memref<1x128xf32, #tpu.memory_space<hbm>>
      %dma_start3A_42 = tpu.memref_squeeze %dma_start3A_41 : memref<1x128xf32, #tpu.memory_space<hbm>> -> memref<128xf32, #tpu.memory_space<hbm>>
      tpu.enqueue_dma source(%dma_start3A_42 : memref<128xf32, #tpu.memory_space<hbm>>) target(%arg13 : memref<128xf32, #tpu.memory_space<vmem>>) target_semaphore(%run_scoped3A : memref<!tpu.dma_semaphore, #tpu.memory_space<semaphore_mem>>)
      %dma_wait3A = tpu.memref_slice %arg5[%select_n3A, %mul3A_32] : memref<8x512xf32, #tpu.memory_space<hbm>> -> memref<1x128xf32, #tpu.memory_space<hbm>>
      %dma_wait3A_43 = tpu.memref_squeeze %dma_wait3A : memref<1x128xf32, #tpu.memory_space<hbm>> -> memref<128xf32, #tpu.memory_space<hbm>>
      %dma_wait3A_44 = tpu.memref_slice %arg5[%select_n3A, %mul3A_32] : memref<8x512xf32, #tpu.memory_space<hbm>> -> memref<1x128xf32, #tpu.memory_space<hbm>>
      %dma_wait3A_45 = tpu.memref_squeeze %dma_wait3A_44 : memref<1x128xf32, #tpu.memory_space<hbm>> -> memref<128xf32, #tpu.memory_space<hbm>>
      tpu.wait_dma2 semaphore(%run_scoped3A : memref<!tpu.dma_semaphore, #tpu.memory_space<semaphore_mem>>) src(%dma_wait3A_45 : memref<128xf32, #tpu.memory_space<hbm>>) dst(%arg13 : memref<128xf32, #tpu.memory_space<vmem>>)
      tpu.yield
    }) : () -> ()
    "tpu.region"() ({
      %run_scoped3A = tpu.sem_alloc : memref<!tpu.dma_semaphore, #tpu.memory_space<semaphore_mem>>
      %dma_start3A = tpu.memref_slice %arg6[%select_n3A, %mul3A_32] : memref<8x512xf32, #tpu.memory_space<hbm>> -> memref<1x128xf32, #tpu.memory_space<hbm>>
      %dma_start3A_40 = tpu.memref_squeeze %dma_start3A : memref<1x128xf32, #tpu.memory_space<hbm>> -> memref<128xf32, #tpu.memory_space<hbm>>
      %dma_start3A_41 = tpu.memref_slice %arg6[%select_n3A, %mul3A_32] : memref<8x512xf32, #tpu.memory_space<hbm>> -> memref<1x128xf32, #tpu.memory_space<hbm>>
      %dma_start3A_42 = tpu.memref_squeeze %dma_start3A_41 : memref<1x128xf32, #tpu.memory_space<hbm>> -> memref<128xf32, #tpu.memory_space<hbm>>
      tpu.enqueue_dma source(%dma_start3A_42 : memref<128xf32, #tpu.memory_space<hbm>>) target(%arg14 : memref<128xf32, #tpu.memory_space<vmem>>) target_semaphore(%run_scoped3A : memref<!tpu.dma_semaphore, #tpu.memory_space<semaphore_mem>>)
      %dma_wait3A = tpu.memref_slice %arg6[%select_n3A, %mul3A_32] : memref<8x512xf32, #tpu.memory_space<hbm>> -> memref<1x128xf32, #tpu.memory_space<hbm>>
      %dma_wait3A_43 = tpu.memref_squeeze %dma_wait3A : memref<1x128xf32, #tpu.memory_space<hbm>> -> memref<128xf32, #tpu.memory_space<hbm>>
      %dma_wait3A_44 = tpu.memref_slice %arg6[%select_n3A, %mul3A_32] : memref<8x512xf32, #tpu.memory_space<hbm>> -> memref<1x128xf32, #tpu.memory_space<hbm>>
      %dma_wait3A_45 = tpu.memref_squeeze %dma_wait3A_44 : memref<1x128xf32, #tpu.memory_space<hbm>> -> memref<128xf32, #tpu.memory_space<hbm>>
      tpu.wait_dma2 semaphore(%run_scoped3A : memref<!tpu.dma_semaphore, #tpu.memory_space<semaphore_mem>>) src(%dma_wait3A_45 : memref<128xf32, #tpu.memory_space<hbm>>) dst(%arg14 : memref<128xf32, #tpu.memory_space<vmem>>)
      tpu.yield
    }) : () -> ()
    "tpu.region"() ({
      %run_scoped3A = tpu.sem_alloc : memref<!tpu.dma_semaphore, #tpu.memory_space<semaphore_mem>>
      %dma_start3A = tpu.memref_slice %arg7[%select_n3A, %mul3A_32] : memref<8x512xf32, #tpu.memory_space<hbm>> -> memref<1x128xf32, #tpu.memory_space<hbm>>
      %dma_start3A_40 = tpu.memref_squeeze %dma_start3A : memref<1x128xf32, #tpu.memory_space<hbm>> -> memref<128xf32, #tpu.memory_space<hbm>>
      %dma_start3A_41 = tpu.memref_slice %arg7[%select_n3A, %mul3A_32] : memref<8x512xf32, #tpu.memory_space<hbm>> -> memref<1x128xf32, #tpu.memory_space<hbm>>
      %dma_start3A_42 = tpu.memref_squeeze %dma_start3A_41 : memref<1x128xf32, #tpu.memory_space<hbm>> -> memref<128xf32, #tpu.memory_space<hbm>>
      tpu.enqueue_dma source(%dma_start3A_42 : memref<128xf32, #tpu.memory_space<hbm>>) target(%arg15 : memref<128xf32, #tpu.memory_space<vmem>>) target_semaphore(%run_scoped3A : memref<!tpu.dma_semaphore, #tpu.memory_space<semaphore_mem>>)
      %dma_wait3A = tpu.memref_slice %arg7[%select_n3A, %mul3A_32] : memref<8x512xf32, #tpu.memory_space<hbm>> -> memref<1x128xf32, #tpu.memory_space<hbm>>
      %dma_wait3A_43 = tpu.memref_squeeze %dma_wait3A : memref<1x128xf32, #tpu.memory_space<hbm>> -> memref<128xf32, #tpu.memory_space<hbm>>
      %dma_wait3A_44 = tpu.memref_slice %arg7[%select_n3A, %mul3A_32] : memref<8x512xf32, #tpu.memory_space<hbm>> -> memref<1x128xf32, #tpu.memory_space<hbm>>
      %dma_wait3A_45 = tpu.memref_squeeze %dma_wait3A_44 : memref<1x128xf32, #tpu.memory_space<hbm>> -> memref<128xf32, #tpu.memory_space<hbm>>
      tpu.wait_dma2 semaphore(%run_scoped3A : memref<!tpu.dma_semaphore, #tpu.memory_space<semaphore_mem>>) src(%dma_wait3A_45 : memref<128xf32, #tpu.memory_space<hbm>>) dst(%arg15 : memref<128xf32, #tpu.memory_space<vmem>>)
      tpu.yield
    }) : () -> ()
    %iota3A = tpu.iota {dimensions = array<i32: 0>} : vector<16xi32>
    %mul3A_33 = arith.constant 8192 : i32
    %mul3A_34 = arith.muli %select_n3A, %mul3A_33 : i32
    %scan3A = arith.constant 0 : i32
    %scan3A_35 = arith.constant 0 : i32
    %scan3A_36 = arith.constant 16 : i32
    %scan3A_37 = arith.addi %scan3A_35, %scan3A_36 : i32
    %scan3A_38 = arith.constant 1 : i32
    scf.for %scan3A_40 = %scan3A_35 to %scan3A_37 step %scan3A_38  : i32 {
      %mul3A_41 = arith.constant 8 : i32
      %mul3A_42 = arith.muli %scan3A_40, %mul3A_41 : i32
      %add3A_43 = arith.constant 0 : i32
      %add3A_44 = arith.addi %mul3A_42, %add3A_43 : i32
      %jit3A_45 = arith.constant 16 : i32
      %div3A_46 = arith.divsi %add3A_44, %jit3A_45 : i32
      %sign3A_47 = arith.constant 0 : i32
      %sign3A_48 = arith.cmpi sgt, %add3A_44, %sign3A_47 : i32
      %sign3A_49 = arith.extui %sign3A_48 : i1 to i32
      %sign3A_50 = arith.constant 0 : i32
      %sign3A_51 = arith.cmpi slt, %add3A_44, %sign3A_50 : i32
      %sign3A_52 = arith.extui %sign3A_51 : i1 to i32
      %sign3A_53 = arith.subi %sign3A_49, %sign3A_52 : i32
      %sign3A_54 = arith.constant 0 : i32
      %sign3A_55 = arith.cmpi sgt, %jit3A_45, %sign3A_54 : i32
      %sign3A_56 = arith.extui %sign3A_55 : i1 to i32
      %sign3A_57 = arith.constant 0 : i32
      %sign3A_58 = arith.cmpi slt, %jit3A_45, %sign3A_57 : i32
      %sign3A_59 = arith.extui %sign3A_58 : i1 to i32
      %sign3A_60 = arith.subi %sign3A_56, %sign3A_59 : i32
      %ne3A_61 = arith.cmpi ne, %sign3A_53, %sign3A_60 : i32
      %rem3A_62 = arith.remsi %add3A_44, %jit3A_45 : i32
      %ne3A_63 = arith.constant 0 : i32
      %ne3A_64 = arith.cmpi ne, %rem3A_62, %ne3A_63 : i32
      %and3A_65 = arith.andi %ne3A_61, %ne3A_64 : i1
      %sub3A_66 = arith.constant 1 : i32
      %sub3A_67 = arith.subi %div3A_46, %sub3A_66 : i32
      %select_n3A_68 = arith.select %and3A_65, %sub3A_67, %div3A_46 : i32
      %mul3A_69 = arith.constant 16 : i32
      %mul3A_70 = arith.muli %select_n3A_68, %mul3A_69 : i32
      %jit3A_71 = arith.constant 16 : i32
      %eq3A_72 = arith.constant 0 : i32
      %eq3A_73 = arith.cmpi eq, %jit3A_71, %eq3A_72 : i32
      %jit3A_74 = arith.constant 1 : i32
      %select_n3A_75 = arith.select %eq3A_73, %jit3A_74, %jit3A_71 : i32
      %rem3A_76 = arith.remsi %add3A_44, %select_n3A_75 : i32
      %ne3A_77 = arith.constant 0 : i32
      %ne3A_78 = arith.cmpi ne, %rem3A_76, %ne3A_77 : i32
      %lt3A_79 = arith.constant 0 : i32
      %lt3A_80 = arith.cmpi slt, %rem3A_76, %lt3A_79 : i32
      %lt3A_81 = arith.constant 0 : i32
      %lt3A_82 = arith.cmpi slt, %select_n3A_75, %lt3A_81 : i32
      %ne3A_83 = arith.xori %lt3A_80, %lt3A_82 : i1
      %and3A_84 = arith.andi %ne3A_83, %ne3A_78 : i1
      %add3A_85 = arith.addi %rem3A_76, %select_n3A_75 : i32
      %select_n3A_86 = arith.select %and3A_84, %add3A_85, %rem3A_76 : i32
      %broadcast_in_dim3A = vector.broadcast %select_n3A_86 : i32 to vector<16xi32>
      %get3A = arith.index_cast %mul3A_70 : i32 to index
      %get3A_87 = tpu.vector_load %arg13[%get3A] {strides = array<i32>} : memref<128xf32, #tpu.memory_space<vmem>>, vector<16xf32>,
      %lt3A_88 = arith.constant 0 : i32
      %lt3A_89 = vector.broadcast %lt3A_88 : i32 to vector<16xi32>
      %lt3A_90 = arith.cmpi slt, %broadcast_in_dim3A, %lt3A_89 : vector<16xi32>
      %add3A_91 = arith.constant 16 : i32
      %add3A_92 = vector.broadcast %add3A_91 : i32 to vector<16xi32>
      %add3A_93 = arith.addi %broadcast_in_dim3A, %add3A_92 : vector<16xi32>
      %select_n3A_94 = arith.select %lt3A_90, %add3A_93, %broadcast_in_dim3A : vector<16xi1>, vector<16xi32>
      %broadcast_in_dim3A_95 = vector.shape_cast %select_n3A_94 : vector<16xi32> to vector<16x1xi32>
      %gather3A = vector.shape_cast %broadcast_in_dim3A_95 : vector<16x1xi32> to vector<16xi32>
      %gather3A_96 = tpu.dynamic_gather %get3A_87[%gather3A] in [0] : vector<16xf32>, vector<16xi32> -> vector<16xf32>
      %get3A_97 = arith.index_cast %mul3A_70 : i32 to index
      %get3A_98 = tpu.vector_load %arg14[%get3A_97] {strides = array<i32>} : memref<128xf32, #tpu.memory_space<vmem>>, vector<16xf32>,
      %lt3A_99 = arith.constant 0 : i32
      %lt3A_100 = vector.broadcast %lt3A_99 : i32 to vector<16xi32>
      %lt3A_101 = arith.cmpi slt, %broadcast_in_dim3A, %lt3A_100 : vector<16xi32>
      %add3A_102 = arith.constant 16 : i32
      %add3A_103 = vector.broadcast %add3A_102 : i32 to vector<16xi32>
      %add3A_104 = arith.addi %broadcast_in_dim3A, %add3A_103 : vector<16xi32>
      %select_n3A_105 = arith.select %lt3A_101, %add3A_104, %broadcast_in_dim3A : vector<16xi1>, vector<16xi32>
      %broadcast_in_dim3A_106 = vector.shape_cast %select_n3A_105 : vector<16xi32> to vector<16x1xi32>
      %gather3A_107 = vector.shape_cast %broadcast_in_dim3A_106 : vector<16x1xi32> to vector<16xi32>
      %gather3A_108 = tpu.dynamic_gather %get3A_98[%gather3A_107] in [0] : vector<16xf32>, vector<16xi32> -> vector<16xf32>
      %get3A_109 = arith.index_cast %mul3A_70 : i32 to index
      %get3A_110 = tpu.vector_load %arg15[%get3A_109] {strides = array<i32>} : memref<128xf32, #tpu.memory_space<vmem>>, vector<16xf32>,
      %lt3A_111 = arith.constant 0 : i32
      %lt3A_112 = vector.broadcast %lt3A_111 : i32 to vector<16xi32>
      %lt3A_113 = arith.cmpi slt, %broadcast_in_dim3A, %lt3A_112 : vector<16xi32>
      %add3A_114 = arith.constant 16 : i32
      %add3A_115 = vector.broadcast %add3A_114 : i32 to vector<16xi32>
      %add3A_116 = arith.addi %broadcast_in_dim3A, %add3A_115 : vector<16xi32>
      %select_n3A_117 = arith.select %lt3A_113, %add3A_116, %broadcast_in_dim3A : vector<16xi1>, vector<16xi32>
      %broadcast_in_dim3A_118 = vector.shape_cast %select_n3A_117 : vector<16xi32> to vector<16x1xi32>
      %gather3A_119 = vector.shape_cast %broadcast_in_dim3A_118 : vector<16x1xi32> to vector<16xi32>
      %gather3A_120 = tpu.dynamic_gather %get3A_110[%gather3A_119] in [0] : vector<16xf32>, vector<16xi32> -> vector<16xf32>
      %while3A = arith.constant 0 : i32
      %while3A_121 = arith.constant 0 : i32
      %while3A_122:2 = scf.while (%while3A_1015 = %while3A, %while3A_1016 = %while3A_121) : (i32, i32) -> (i32, i32) {
        %lt3A_1017 = arith.constant 32 : i32
        %lt3A_1018 = arith.cmpi slt, %while3A_1016, %lt3A_1017 : i32
        %lt3A_1019 = arith.constant 512 : i32
        %lt3A_1020 = arith.cmpi slt, %while3A_1015, %lt3A_1019 : i32
        %and3A_1021 = arith.andi %lt3A_1018, %lt3A_1020 : i1
        scf.condition(%and3A_1021) %while3A_1015, %while3A_1016 : i32, i32
      } do {
      ^bb0(%while3A_1015: i32, %while3A_1016: i32):
        %broadcast_in_dim3A_1017 = vector.broadcast %while3A_1016 : i32 to vector<16xi32>
        %add3A_1018 = arith.constant 0 : i32
        %add3A_1019 = arith.addi %while3A_1015, %add3A_1018 : i32
        %mul3A_1020 = arith.constant 16 : i32
        %mul3A_1021 = arith.muli %add3A_1019, %mul3A_1020 : i32
        %get3A_1022 = arith.index_cast %mul3A_1021 : i32 to index
        %get3A_1023 = tpu.vector_load %arg10[%get3A_1022] {strides = array<i32>} : memref<8192xf32, #tpu.memory_space<vmem>>, vector<16xf32>,
        %sub3A_1024 = arith.subf %get3A_1023, %gather3A_96 : vector<16xf32>
        %get3A_1025 = arith.index_cast %mul3A_1021 : i32 to index
        %get3A_1026 = tpu.vector_load %arg11[%get3A_1025] {strides = array<i32>} : memref<8192xf32, #tpu.memory_space<vmem>>, vector<16xf32>,
        %sub3A_1027 = arith.subf %get3A_1026, %gather3A_108 : vector<16xf32>
        %get3A_1028 = arith.index_cast %mul3A_1021 : i32 to index
        %get3A_1029 = tpu.vector_load %arg12[%get3A_1028] {strides = array<i32>} : memref<8192xf32, #tpu.memory_space<vmem>>, vector<16xf32>,
        %sub3A_1030 = arith.subf %get3A_1029, %gather3A_120 : vector<16xf32>
        %mul3A_1031 = arith.mulf %sub3A_1024, %sub3A_1024 : vector<16xf32>
        %mul3A_1032 = arith.mulf %sub3A_1027, %sub3A_1027 : vector<16xf32>
        %add3A_1033 = arith.addf %mul3A_1031, %mul3A_1032 : vector<16xf32>
        %mul3A_1034 = arith.mulf %sub3A_1030, %sub3A_1030 : vector<16xf32>
        %add3A_1035 = arith.addf %add3A_1033, %mul3A_1034 : vector<16xf32>
        %le3A = arith.constant 4.000000e-02 : f32
        %le3A_1036 = vector.broadcast %le3A : f32 to vector<16xf32>
        %le3A_1037 = arith.cmpf ole, %add3A_1035, %le3A_1036 : vector<16xf32>
        %convert_element_type3A = arith.extui %le3A_1037 : vector<16xi1> to vector<16xi32>
        %broadcast_in_dim3A_1038 = arith.constant true
        %broadcast_in_dim3A_1039 = vector.broadcast %broadcast_in_dim3A_1038 : i1 to vector<16xi1>
        %masked_cumsum3A = tpu.scan <sum>, %convert_element_type3A masked %broadcast_in_dim3A_1039 : vector<16xi32>, vector<16xi1> -> vector<16xi32>
        %add3A_1040 = arith.addi %broadcast_in_dim3A_1017, %masked_cumsum3A : vector<16xi32>
        %sub3A_1041 = arith.constant 1 : i32
        %sub3A_1042 = vector.broadcast %sub3A_1041 : i32 to vector<16xi32>
        %sub3A_1043 = arith.subi %add3A_1040, %sub3A_1042 : vector<16xi32>
        %add3A_1044 = vector.broadcast %mul3A_1021 : i32 to vector<16xi32>
        %add3A_1045 = arith.addi %iota3A, %add3A_1044 : vector<16xi32>
        tpu.vector_store_idx %arg16[%sub3A_1043], %add3A_1045 masked %le3A_1037 : memref<160xi32, #tpu.memory_space<vmem>>[vector<16xi32>], vector<16xi32>, vector<16xi1>
        %all_reduce_population_count3A = tpu.all_reduce %le3A_1037 {dim = 0 : i64, kind = #tpu.reduction_kind<sum>} : vector<16xi1> -> vector<16xi32>
        %add3A_1046 = arith.addi %broadcast_in_dim3A_1017, %all_reduce_population_count3A : vector<16xi32>
        %add3A_1047 = arith.constant 1 : i32
        %add3A_1048 = arith.addi %while3A_1015, %add3A_1047 : i32
        %mul3A_1049 = arith.constant 16 : i32
        %mul3A_1050 = arith.muli %add3A_1048, %mul3A_1049 : i32
        %get3A_1051 = arith.index_cast %mul3A_1050 : i32 to index
        %get3A_1052 = tpu.vector_load %arg10[%get3A_1051] {strides = array<i32>} : memref<8192xf32, #tpu.memory_space<vmem>>, vector<16xf32>,
        %sub3A_1053 = arith.subf %get3A_1052, %gather3A_96 : vector<16xf32>
        %get3A_1054 = arith.index_cast %mul3A_1050 : i32 to index
        %get3A_1055 = tpu.vector_load %arg11[%get3A_1054] {strides = array<i32>} : memref<8192xf32, #tpu.memory_space<vmem>>, vector<16xf32>,
        %sub3A_1056 = arith.subf %get3A_1055, %gather3A_108 : vector<16xf32>
        %get3A_1057 = arith.index_cast %mul3A_1050 : i32 to index
        %get3A_1058 = tpu.vector_load %arg12[%get3A_1057] {strides = array<i32>} : memref<8192xf32, #tpu.memory_space<vmem>>, vector<16xf32>,
        %sub3A_1059 = arith.subf %get3A_1058, %gather3A_120 : vector<16xf32>
        %mul3A_1060 = arith.mulf %sub3A_1053, %sub3A_1053 : vector<16xf32>
        %mul3A_1061 = arith.mulf %sub3A_1056, %sub3A_1056 : vector<16xf32>
        %add3A_1062 = arith.addf %mul3A_1060, %mul3A_1061 : vector<16xf32>
        %mul3A_1063 = arith.mulf %sub3A_1059, %sub3A_1059 : vector<16xf32>
        %add3A_1064 = arith.addf %add3A_1062, %mul3A_1063 : vector<16xf32>
        %le3A_1065 = arith.constant 4.000000e-02 : f32
        %le3A_1066 = vector.broadcast %le3A_1065 : f32 to vector<16xf32>
        %le3A_1067 = arith.cmpf ole, %add3A_1064, %le3A_1066 : vector<16xf32>
        %convert_element_type3A_1068 = arith.extui %le3A_1067 : vector<16xi1> to vector<16xi32>
        %broadcast_in_dim3A_1069 = arith.constant true
        %broadcast_in_dim3A_1070 = vector.broadcast %broadcast_in_dim3A_1069 : i1 to vector<16xi1>
        %masked_cumsum3A_1071 = tpu.scan <sum>, %convert_element_type3A_1068 masked %broadcast_in_dim3A_1070 : vector<16xi32>, vector<16xi1> -> vector<16xi32>
        %add3A_1072 = arith.addi %add3A_1046, %masked_cumsum3A_1071 : vector<16xi32>
        %sub3A_1073 = arith.constant 1 : i32
        %sub3A_1074 = vector.broadcast %sub3A_1073 : i32 to vector<16xi32>
        %sub3A_1075 = arith.subi %add3A_1072, %sub3A_1074 : vector<16xi32>
        %add3A_1076 = vector.broadcast %mul3A_1050 : i32 to vector<16xi32>
        %add3A_1077 = arith.addi %iota3A, %add3A_1076 : vector<16xi32>
        tpu.vector_store_idx %arg16[%sub3A_1075], %add3A_1077 masked %le3A_1067 : memref<160xi32, #tpu.memory_space<vmem>>[vector<16xi32>], vector<16xi32>, vector<16xi1>
        %all_reduce_population_count3A_1078 = tpu.all_reduce %le3A_1067 {dim = 0 : i64, kind = #tpu.reduction_kind<sum>} : vector<16xi1> -> vector<16xi32>
        %add3A_1079 = arith.addi %add3A_1046, %all_reduce_population_count3A_1078 : vector<16xi32>
        %add3A_1080 = arith.constant 2 : i32
        %add3A_1081 = arith.addi %while3A_1015, %add3A_1080 : i32
        %mul3A_1082 = arith.constant 16 : i32
        %mul3A_1083 = arith.muli %add3A_1081, %mul3A_1082 : i32
        %get3A_1084 = arith.index_cast %mul3A_1083 : i32 to index
        %get3A_1085 = tpu.vector_load %arg10[%get3A_1084] {strides = array<i32>} : memref<8192xf32, #tpu.memory_space<vmem>>, vector<16xf32>,
        %sub3A_1086 = arith.subf %get3A_1085, %gather3A_96 : vector<16xf32>
        %get3A_1087 = arith.index_cast %mul3A_1083 : i32 to index
        %get3A_1088 = tpu.vector_load %arg11[%get3A_1087] {strides = array<i32>} : memref<8192xf32, #tpu.memory_space<vmem>>, vector<16xf32>,
        %sub3A_1089 = arith.subf %get3A_1088, %gather3A_108 : vector<16xf32>
        %get3A_1090 = arith.index_cast %mul3A_1083 : i32 to index
        %get3A_1091 = tpu.vector_load %arg12[%get3A_1090] {strides = array<i32>} : memref<8192xf32, #tpu.memory_space<vmem>>, vector<16xf32>,
        %sub3A_1092 = arith.subf %get3A_1091, %gather3A_120 : vector<16xf32>
        %mul3A_1093 = arith.mulf %sub3A_1086, %sub3A_1086 : vector<16xf32>
        %mul3A_1094 = arith.mulf %sub3A_1089, %sub3A_1089 : vector<16xf32>
        %add3A_1095 = arith.addf %mul3A_1093, %mul3A_1094 : vector<16xf32>
        %mul3A_1096 = arith.mulf %sub3A_1092, %sub3A_1092 : vector<16xf32>
        %add3A_1097 = arith.addf %add3A_1095, %mul3A_1096 : vector<16xf32>
        %le3A_1098 = arith.constant 4.000000e-02 : f32
        %le3A_1099 = vector.broadcast %le3A_1098 : f32 to vector<16xf32>
        %le3A_1100 = arith.cmpf ole, %add3A_1097, %le3A_1099 : vector<16xf32>
        %convert_element_type3A_1101 = arith.extui %le3A_1100 : vector<16xi1> to vector<16xi32>
        %broadcast_in_dim3A_1102 = arith.constant true
        %broadcast_in_dim3A_1103 = vector.broadcast %broadcast_in_dim3A_1102 : i1 to vector<16xi1>
        %masked_cumsum3A_1104 = tpu.scan <sum>, %convert_element_type3A_1101 masked %broadcast_in_dim3A_1103 : vector<16xi32>, vector<16xi1> -> vector<16xi32>
        %add3A_1105 = arith.addi %add3A_1079, %masked_cumsum3A_1104 : vector<16xi32>
        %sub3A_1106 = arith.constant 1 : i32
        %sub3A_1107 = vector.broadcast %sub3A_1106 : i32 to vector<16xi32>
        %sub3A_1108 = arith.subi %add3A_1105, %sub3A_1107 : vector<16xi32>
        %add3A_1109 = vector.broadcast %mul3A_1083 : i32 to vector<16xi32>
        %add3A_1110 = arith.addi %iota3A, %add3A_1109 : vector<16xi32>
        tpu.vector_store_idx %arg16[%sub3A_1108], %add3A_1110 masked %le3A_1100 : memref<160xi32, #tpu.memory_space<vmem>>[vector<16xi32>], vector<16xi32>, vector<16xi1>
        %all_reduce_population_count3A_1111 = tpu.all_reduce %le3A_1100 {dim = 0 : i64, kind = #tpu.reduction_kind<sum>} : vector<16xi1> -> vector<16xi32>
        %add3A_1112 = arith.addi %add3A_1079, %all_reduce_population_count3A_1111 : vector<16xi32>
        %add3A_1113 = arith.constant 3 : i32
        %add3A_1114 = arith.addi %while3A_1015, %add3A_1113 : i32
        %mul3A_1115 = arith.constant 16 : i32
        %mul3A_1116 = arith.muli %add3A_1114, %mul3A_1115 : i32
        %get3A_1117 = arith.index_cast %mul3A_1116 : i32 to index
        %get3A_1118 = tpu.vector_load %arg10[%get3A_1117] {strides = array<i32>} : memref<8192xf32, #tpu.memory_space<vmem>>, vector<16xf32>,
        %sub3A_1119 = arith.subf %get3A_1118, %gather3A_96 : vector<16xf32>
        %get3A_1120 = arith.index_cast %mul3A_1116 : i32 to index
        %get3A_1121 = tpu.vector_load %arg11[%get3A_1120] {strides = array<i32>} : memref<8192xf32, #tpu.memory_space<vmem>>, vector<16xf32>,
        %sub3A_1122 = arith.subf %get3A_1121, %gather3A_108 : vector<16xf32>
        %get3A_1123 = arith.index_cast %mul3A_1116 : i32 to index
        %get3A_1124 = tpu.vector_load %arg12[%get3A_1123] {strides = array<i32>} : memref<8192xf32, #tpu.memory_space<vmem>>, vector<16xf32>,
        %sub3A_1125 = arith.subf %get3A_1124, %gather3A_120 : vector<16xf32>
        %mul3A_1126 = arith.mulf %sub3A_1119, %sub3A_1119 : vector<16xf32>
        %mul3A_1127 = arith.mulf %sub3A_1122, %sub3A_1122 : vector<16xf32>
        %add3A_1128 = arith.addf %mul3A_1126, %mul3A_1127 : vector<16xf32>
        %mul3A_1129 = arith.mulf %sub3A_1125, %sub3A_1125 : vector<16xf32>
        %add3A_1130 = arith.addf %add3A_1128, %mul3A_1129 : vector<16xf32>
        %le3A_1131 = arith.constant 4.000000e-02 : f32
        %le3A_1132 = vector.broadcast %le3A_1131 : f32 to vector<16xf32>
        %le3A_1133 = arith.cmpf ole, %add3A_1130, %le3A_1132 : vector<16xf32>
        %convert_element_type3A_1134 = arith.extui %le3A_1133 : vector<16xi1> to vector<16xi32>
        %broadcast_in_dim3A_1135 = arith.constant true
        %broadcast_in_dim3A_1136 = vector.broadcast %broadcast_in_dim3A_1135 : i1 to vector<16xi1>
        %masked_cumsum3A_1137 = tpu.scan <sum>, %convert_element_type3A_1134 masked %broadcast_in_dim3A_1136 : vector<16xi32>, vector<16xi1> -> vector<16xi32>
        %add3A_1138 = arith.addi %add3A_1112, %masked_cumsum3A_1137 : vector<16xi32>
        %sub3A_1139 = arith.constant 1 : i32
        %sub3A_1140 = vector.broadcast %sub3A_1139 : i32 to vector<16xi32>
        %sub3A_1141 = arith.subi %add3A_1138, %sub3A_1140 : vector<16xi32>
        %add3A_1142 = vector.broadcast %mul3A_1116 : i32 to vector<16xi32>
        %add3A_1143 = arith.addi %iota3A, %add3A_1142 : vector<16xi32>
        tpu.vector_store_idx %arg16[%sub3A_1141], %add3A_1143 masked %le3A_1133 : memref<160xi32, #tpu.memory_space<vmem>>[vector<16xi32>], vector<16xi32>, vector<16xi1>
        %all_reduce_population_count3A_1144 = tpu.all_reduce %le3A_1133 {dim = 0 : i64, kind = #tpu.reduction_kind<sum>} : vector<16xi1> -> vector<16xi32>
        %add3A_1145 = arith.addi %add3A_1112, %all_reduce_population_count3A_1144 : vector<16xi32>
        %add3A_1146 = arith.constant 4 : i32
        %add3A_1147 = arith.addi %while3A_1015, %add3A_1146 : i32
        %mul3A_1148 = arith.constant 16 : i32
        %mul3A_1149 = arith.muli %add3A_1147, %mul3A_1148 : i32
        %get3A_1150 = arith.index_cast %mul3A_1149 : i32 to index
        %get3A_1151 = tpu.vector_load %arg10[%get3A_1150] {strides = array<i32>} : memref<8192xf32, #tpu.memory_space<vmem>>, vector<16xf32>,
        %sub3A_1152 = arith.subf %get3A_1151, %gather3A_96 : vector<16xf32>
        %get3A_1153 = arith.index_cast %mul3A_1149 : i32 to index
        %get3A_1154 = tpu.vector_load %arg11[%get3A_1153] {strides = array<i32>} : memref<8192xf32, #tpu.memory_space<vmem>>, vector<16xf32>,
        %sub3A_1155 = arith.subf %get3A_1154, %gather3A_108 : vector<16xf32>
        %get3A_1156 = arith.index_cast %mul3A_1149 : i32 to index
        %get3A_1157 = tpu.vector_load %arg12[%get3A_1156] {strides = array<i32>} : memref<8192xf32, #tpu.memory_space<vmem>>, vector<16xf32>,
        %sub3A_1158 = arith.subf %get3A_1157, %gather3A_120 : vector<16xf32>
        %mul3A_1159 = arith.mulf %sub3A_1152, %sub3A_1152 : vector<16xf32>
        %mul3A_1160 = arith.mulf %sub3A_1155, %sub3A_1155 : vector<16xf32>
        %add3A_1161 = arith.addf %mul3A_1159, %mul3A_1160 : vector<16xf32>
        %mul3A_1162 = arith.mulf %sub3A_1158, %sub3A_1158 : vector<16xf32>
        %add3A_1163 = arith.addf %add3A_1161, %mul3A_1162 : vector<16xf32>
        %le3A_1164 = arith.constant 4.000000e-02 : f32
        %le3A_1165 = vector.broadcast %le3A_1164 : f32 to vector<16xf32>
        %le3A_1166 = arith.cmpf ole, %add3A_1163, %le3A_1165 : vector<16xf32>
        %convert_element_type3A_1167 = arith.extui %le3A_1166 : vector<16xi1> to vector<16xi32>
        %broadcast_in_dim3A_1168 = arith.constant true
        %broadcast_in_dim3A_1169 = vector.broadcast %broadcast_in_dim3A_1168 : i1 to vector<16xi1>
        %masked_cumsum3A_1170 = tpu.scan <sum>, %convert_element_type3A_1167 masked %broadcast_in_dim3A_1169 : vector<16xi32>, vector<16xi1> -> vector<16xi32>
        %add3A_1171 = arith.addi %add3A_1145, %masked_cumsum3A_1170 : vector<16xi32>
        %sub3A_1172 = arith.constant 1 : i32
        %sub3A_1173 = vector.broadcast %sub3A_1172 : i32 to vector<16xi32>
        %sub3A_1174 = arith.subi %add3A_1171, %sub3A_1173 : vector<16xi32>
        %add3A_1175 = vector.broadcast %mul3A_1149 : i32 to vector<16xi32>
        %add3A_1176 = arith.addi %iota3A, %add3A_1175 : vector<16xi32>
        tpu.vector_store_idx %arg16[%sub3A_1174], %add3A_1176 masked %le3A_1166 : memref<160xi32, #tpu.memory_space<vmem>>[vector<16xi32>], vector<16xi32>, vector<16xi1>
        %all_reduce_population_count3A_1177 = tpu.all_reduce %le3A_1166 {dim = 0 : i64, kind = #tpu.reduction_kind<sum>} : vector<16xi1> -> vector<16xi32>
        %add3A_1178 = arith.addi %add3A_1145, %all_reduce_population_count3A_1177 : vector<16xi32>
        %add3A_1179 = arith.constant 5 : i32
        %add3A_1180 = arith.addi %while3A_1015, %add3A_1179 : i32
        %mul3A_1181 = arith.constant 16 : i32
        %mul3A_1182 = arith.muli %add3A_1180, %mul3A_1181 : i32
        %get3A_1183 = arith.index_cast %mul3A_1182 : i32 to index
        %get3A_1184 = tpu.vector_load %arg10[%get3A_1183] {strides = array<i32>} : memref<8192xf32, #tpu.memory_space<vmem>>, vector<16xf32>,
        %sub3A_1185 = arith.subf %get3A_1184, %gather3A_96 : vector<16xf32>
        %get3A_1186 = arith.index_cast %mul3A_1182 : i32 to index
        %get3A_1187 = tpu.vector_load %arg11[%get3A_1186] {strides = array<i32>} : memref<8192xf32, #tpu.memory_space<vmem>>, vector<16xf32>,
        %sub3A_1188 = arith.subf %get3A_1187, %gather3A_108 : vector<16xf32>
        %get3A_1189 = arith.index_cast %mul3A_1182 : i32 to index
        %get3A_1190 = tpu.vector_load %arg12[%get3A_1189] {strides = array<i32>} : memref<8192xf32, #tpu.memory_space<vmem>>, vector<16xf32>,
        %sub3A_1191 = arith.subf %get3A_1190, %gather3A_120 : vector<16xf32>
        %mul3A_1192 = arith.mulf %sub3A_1185, %sub3A_1185 : vector<16xf32>
        %mul3A_1193 = arith.mulf %sub3A_1188, %sub3A_1188 : vector<16xf32>
        %add3A_1194 = arith.addf %mul3A_1192, %mul3A_1193 : vector<16xf32>
        %mul3A_1195 = arith.mulf %sub3A_1191, %sub3A_1191 : vector<16xf32>
        %add3A_1196 = arith.addf %add3A_1194, %mul3A_1195 : vector<16xf32>
        %le3A_1197 = arith.constant 4.000000e-02 : f32
        %le3A_1198 = vector.broadcast %le3A_1197 : f32 to vector<16xf32>
        %le3A_1199 = arith.cmpf ole, %add3A_1196, %le3A_1198 : vector<16xf32>
        %convert_element_type3A_1200 = arith.extui %le3A_1199 : vector<16xi1> to vector<16xi32>
        %broadcast_in_dim3A_1201 = arith.constant true
        %broadcast_in_dim3A_1202 = vector.broadcast %broadcast_in_dim3A_1201 : i1 to vector<16xi1>
        %masked_cumsum3A_1203 = tpu.scan <sum>, %convert_element_type3A_1200 masked %broadcast_in_dim3A_1202 : vector<16xi32>, vector<16xi1> -> vector<16xi32>
        %add3A_1204 = arith.addi %add3A_1178, %masked_cumsum3A_1203 : vector<16xi32>
        %sub3A_1205 = arith.constant 1 : i32
        %sub3A_1206 = vector.broadcast %sub3A_1205 : i32 to vector<16xi32>
        %sub3A_1207 = arith.subi %add3A_1204, %sub3A_1206 : vector<16xi32>
        %add3A_1208 = vector.broadcast %mul3A_1182 : i32 to vector<16xi32>
        %add3A_1209 = arith.addi %iota3A, %add3A_1208 : vector<16xi32>
        tpu.vector_store_idx %arg16[%sub3A_1207], %add3A_1209 masked %le3A_1199 : memref<160xi32, #tpu.memory_space<vmem>>[vector<16xi32>], vector<16xi32>, vector<16xi1>
        %all_reduce_population_count3A_1210 = tpu.all_reduce %le3A_1199 {dim = 0 : i64, kind = #tpu.reduction_kind<sum>} : vector<16xi1> -> vector<16xi32>
        %add3A_1211 = arith.addi %add3A_1178, %all_reduce_population_count3A_1210 : vector<16xi32>
        %add3A_1212 = arith.constant 6 : i32
        %add3A_1213 = arith.addi %while3A_1015, %add3A_1212 : i32
        %mul3A_1214 = arith.constant 16 : i32
        %mul3A_1215 = arith.muli %add3A_1213, %mul3A_1214 : i32
        %get3A_1216 = arith.index_cast %mul3A_1215 : i32 to index
        %get3A_1217 = tpu.vector_load %arg10[%get3A_1216] {strides = array<i32>} : memref<8192xf32, #tpu.memory_space<vmem>>, vector<16xf32>,
        %sub3A_1218 = arith.subf %get3A_1217, %gather3A_96 : vector<16xf32>
        %get3A_1219 = arith.index_cast %mul3A_1215 : i32 to index
        %get3A_1220 = tpu.vector_load %arg11[%get3A_1219] {strides = array<i32>} : memref<8192xf32, #tpu.memory_space<vmem>>, vector<16xf32>,
        %sub3A_1221 = arith.subf %get3A_1220, %gather3A_108 : vector<16xf32>
        %get3A_1222 = arith.index_cast %mul3A_1215 : i32 to index
        %get3A_1223 = tpu.vector_load %arg12[%get3A_1222] {strides = array<i32>} : memref<8192xf32, #tpu.memory_space<vmem>>, vector<16xf32>,
        %sub3A_1224 = arith.subf %get3A_1223, %gather3A_120 : vector<16xf32>
        %mul3A_1225 = arith.mulf %sub3A_1218, %sub3A_1218 : vector<16xf32>
        %mul3A_1226 = arith.mulf %sub3A_1221, %sub3A_1221 : vector<16xf32>
        %add3A_1227 = arith.addf %mul3A_1225, %mul3A_1226 : vector<16xf32>
        %mul3A_1228 = arith.mulf %sub3A_1224, %sub3A_1224 : vector<16xf32>
        %add3A_1229 = arith.addf %add3A_1227, %mul3A_1228 : vector<16xf32>
        %le3A_1230 = arith.constant 4.000000e-02 : f32
        %le3A_1231 = vector.broadcast %le3A_1230 : f32 to vector<16xf32>
        %le3A_1232 = arith.cmpf ole, %add3A_1229, %le3A_1231 : vector<16xf32>
        %convert_element_type3A_1233 = arith.extui %le3A_1232 : vector<16xi1> to vector<16xi32>
        %broadcast_in_dim3A_1234 = arith.constant true
        %broadcast_in_dim3A_1235 = vector.broadcast %broadcast_in_dim3A_1234 : i1 to vector<16xi1>
        %masked_cumsum3A_1236 = tpu.scan <sum>, %convert_element_type3A_1233 masked %broadcast_in_dim3A_1235 : vector<16xi32>, vector<16xi1> -> vector<16xi32>
        %add3A_1237 = arith.addi %add3A_1211, %masked_cumsum3A_1236 : vector<16xi32>
        %sub3A_1238 = arith.constant 1 : i32
        %sub3A_1239 = vector.broadcast %sub3A_1238 : i32 to vector<16xi32>
        %sub3A_1240 = arith.subi %add3A_1237, %sub3A_1239 : vector<16xi32>
        %add3A_1241 = vector.broadcast %mul3A_1215 : i32 to vector<16xi32>
        %add3A_1242 = arith.addi %iota3A, %add3A_1241 : vector<16xi32>
        tpu.vector_store_idx %arg16[%sub3A_1240], %add3A_1242 masked %le3A_1232 : memref<160xi32, #tpu.memory_space<vmem>>[vector<16xi32>], vector<16xi32>, vector<16xi1>
        %all_reduce_population_count3A_1243 = tpu.all_reduce %le3A_1232 {dim = 0 : i64, kind = #tpu.reduction_kind<sum>} : vector<16xi1> -> vector<16xi32>
        %add3A_1244 = arith.addi %add3A_1211, %all_reduce_population_count3A_1243 : vector<16xi32>
        %add3A_1245 = arith.constant 7 : i32
        %add3A_1246 = arith.addi %while3A_1015, %add3A_1245 : i32
        %mul3A_1247 = arith.constant 16 : i32
        %mul3A_1248 = arith.muli %add3A_1246, %mul3A_1247 : i32
        %get3A_1249 = arith.index_cast %mul3A_1248 : i32 to index
        %get3A_1250 = tpu.vector_load %arg10[%get3A_1249] {strides = array<i32>} : memref<8192xf32, #tpu.memory_space<vmem>>, vector<16xf32>,
        %sub3A_1251 = arith.subf %get3A_1250, %gather3A_96 : vector<16xf32>
        %get3A_1252 = arith.index_cast %mul3A_1248 : i32 to index
        %get3A_1253 = tpu.vector_load %arg11[%get3A_1252] {strides = array<i32>} : memref<8192xf32, #tpu.memory_space<vmem>>, vector<16xf32>,
        %sub3A_1254 = arith.subf %get3A_1253, %gather3A_108 : vector<16xf32>
        %get3A_1255 = arith.index_cast %mul3A_1248 : i32 to index
        %get3A_1256 = tpu.vector_load %arg12[%get3A_1255] {strides = array<i32>} : memref<8192xf32, #tpu.memory_space<vmem>>, vector<16xf32>,
        %sub3A_1257 = arith.subf %get3A_1256, %gather3A_120 : vector<16xf32>
        %mul3A_1258 = arith.mulf %sub3A_1251, %sub3A_1251 : vector<16xf32>
        %mul3A_1259 = arith.mulf %sub3A_1254, %sub3A_1254 : vector<16xf32>
        %add3A_1260 = arith.addf %mul3A_1258, %mul3A_1259 : vector<16xf32>
        %mul3A_1261 = arith.mulf %sub3A_1257, %sub3A_1257 : vector<16xf32>
        %add3A_1262 = arith.addf %add3A_1260, %mul3A_1261 : vector<16xf32>
        %le3A_1263 = arith.constant 4.000000e-02 : f32
        %le3A_1264 = vector.broadcast %le3A_1263 : f32 to vector<16xf32>
        %le3A_1265 = arith.cmpf ole, %add3A_1262, %le3A_1264 : vector<16xf32>
        %convert_element_type3A_1266 = arith.extui %le3A_1265 : vector<16xi1> to vector<16xi32>
        %broadcast_in_dim3A_1267 = arith.constant true
        %broadcast_in_dim3A_1268 = vector.broadcast %broadcast_in_dim3A_1267 : i1 to vector<16xi1>
        %masked_cumsum3A_1269 = tpu.scan <sum>, %convert_element_type3A_1266 masked %broadcast_in_dim3A_1268 : vector<16xi32>, vector<16xi1> -> vector<16xi32>
        %add3A_1270 = arith.addi %add3A_1244, %masked_cumsum3A_1269 : vector<16xi32>
        %sub3A_1271 = arith.constant 1 : i32
        %sub3A_1272 = vector.broadcast %sub3A_1271 : i32 to vector<16xi32>
        %sub3A_1273 = arith.subi %add3A_1270, %sub3A_1272 : vector<16xi32>
        %add3A_1274 = vector.broadcast %mul3A_1248 : i32 to vector<16xi32>
        %add3A_1275 = arith.addi %iota3A, %add3A_1274 : vector<16xi32>
        tpu.vector_store_idx %arg16[%sub3A_1273], %add3A_1275 masked %le3A_1265 : memref<160xi32, #tpu.memory_space<vmem>>[vector<16xi32>], vector<16xi32>, vector<16xi1>
        %all_reduce_population_count3A_1276 = tpu.all_reduce %le3A_1265 {dim = 0 : i64, kind = #tpu.reduction_kind<sum>} : vector<16xi1> -> vector<16xi32>
        %add3A_1277 = arith.addi %add3A_1244, %all_reduce_population_count3A_1276 : vector<16xi32>
        %add3A_1278 = arith.constant 8 : i32
        %add3A_1279 = arith.addi %while3A_1015, %add3A_1278 : i32
        %reduce_max3A = arith.constant true
        %reduce_max3A_1280 = vector.broadcast %reduce_max3A : i1 to vector<16xi1>
        %reduce_max3A_1281 = arith.constant -2147483648 : i32
        %reduce_max3A_1282 = vector.broadcast %reduce_max3A_1281 : i32 to vector<16xi32>
        %reduce_max3A_1283 = arith.xori %add3A_1277, %reduce_max3A_1282 : vector<16xi32>
        %reduce_max3A_1284 = tpu.scan <max>, %reduce_max3A_1283 masked %reduce_max3A_1280 : vector<16xi32>, vector<16xi1> -> vector<16xi32>
        %reduce_max3A_1285 = arith.xori %reduce_max3A_1284, %reduce_max3A_1282 : vector<16xi32>
        %reduce_max3A_1286 = vector.extract %reduce_max3A_1285[15] : i32 from vector<16xi32>
        scf.yield %add3A_1279, %reduce_max3A_1286 : i32, i32
      }
      %min3A = arith.constant 32 : i32
      %min3A_123 = arith.minsi %while3A_122#1, %min3A : i32
      %get3A_124 = arith.constant 0 : index
      %get3A_125 = tpu.vector_load %arg16[%get3A_124] {strides = array<i32>} : memref<160xi32, #tpu.memory_space<vmem>>, vector<16xi32>,
      %broadcast_in_dim3A_126 = arith.constant 0 : i32
      %broadcast_in_dim3A_127 = vector.broadcast %broadcast_in_dim3A_126 : i32 to vector<16xi32>
      %lt3A_128 = arith.constant 0 : i32
      %lt3A_129 = vector.broadcast %lt3A_128 : i32 to vector<16xi32>
      %lt3A_130 = arith.cmpi slt, %broadcast_in_dim3A_127, %lt3A_129 : vector<16xi32>
      %add3A_131 = arith.constant 16 : i32
      %add3A_132 = vector.broadcast %add3A_131 : i32 to vector<16xi32>
      %add3A_133 = arith.addi %broadcast_in_dim3A_127, %add3A_132 : vector<16xi32>
      %select_n3A_134 = arith.select %lt3A_130, %add3A_133, %broadcast_in_dim3A_127 : vector<16xi1>, vector<16xi32>
      %broadcast_in_dim3A_135 = vector.shape_cast %select_n3A_134 : vector<16xi32> to vector<16x1xi32>
      %gather3A_136 = vector.shape_cast %broadcast_in_dim3A_135 : vector<16x1xi32> to vector<16xi32>
      %gather3A_137 = tpu.dynamic_gather %get3A_125[%gather3A_136] in [0] : vector<16xi32>, vector<16xi32> -> vector<16xi32>
      %lt3A_138 = vector.broadcast %min3A_123 : i32 to vector<16xi32>
      %lt3A_139 = arith.cmpi slt, %iota3A, %lt3A_138 : vector<16xi32>
      %select_n3A_140 = arith.select %lt3A_139, %get3A_125, %gather3A_137 : vector<16xi1>, vector<16xi32>
      %add3A_141 = arith.constant 16 : i32
      %add3A_142 = vector.broadcast %add3A_141 : i32 to vector<16xi32>
      %add3A_143 = arith.addi %iota3A, %add3A_142 : vector<16xi32>
      %lt3A_144 = vector.broadcast %min3A_123 : i32 to vector<16xi32>
      %lt3A_145 = arith.cmpi slt, %add3A_143, %lt3A_144 : vector<16xi32>
      %get3A_146 = arith.constant 16 : index
      %get3A_147 = tpu.vector_load %arg16[%get3A_146] {strides = array<i32>} : memref<160xi32, #tpu.memory_space<vmem>>, vector<16xi32>,
      %select_n3A_148 = arith.select %lt3A_145, %get3A_147, %gather3A_137 : vector<16xi1>, vector<16xi32>
      %add3A_149 = vector.broadcast %mul3A_34 : i32 to vector<16xi32>
      %add3A_150 = arith.addi %select_n3A_140, %add3A_149 : vector<16xi32>
      %swap3A = arith.constant 0 : index
      %swap3A_151 = tpu.vector_load %arg17[%swap3A] {strides = array<i32>} : memref<256xi32, #tpu.memory_space<vmem>>, vector<16xi32>,
      tpu.vector_store %arg17[%swap3A], %add3A_150 {strides = array<i32>} : memref<256xi32, #tpu.memory_space<vmem>>, vector<16xi32>,
      %add3A_152 = vector.broadcast %mul3A_34 : i32 to vector<16xi32>
      %add3A_153 = arith.addi %select_n3A_148, %add3A_152 : vector<16xi32>
      %swap3A_154 = arith.constant 16 : index
      %swap3A_155 = tpu.vector_load %arg17[%swap3A_154] {strides = array<i32>} : memref<256xi32, #tpu.memory_space<vmem>>, vector<16xi32>,
      tpu.vector_store %arg17[%swap3A_154], %add3A_153 {strides = array<i32>} : memref<256xi32, #tpu.memory_space<vmem>>, vector<16xi32>,
      %mul3A_156 = arith.constant 8 : i32
      %mul3A_157 = arith.muli %scan3A_40, %mul3A_156 : i32
      %add3A_158 = arith.constant 1 : i32
      %add3A_159 = arith.addi %mul3A_157, %add3A_158 : i32
      %jit3A_160 = arith.constant 16 : i32
      %div3A_161 = arith.divsi %add3A_159, %jit3A_160 : i32
      %sign3A_162 = arith.constant 0 : i32
      %sign3A_163 = arith.cmpi sgt, %add3A_159, %sign3A_162 : i32
      %sign3A_164 = arith.extui %sign3A_163 : i1 to i32
      %sign3A_165 = arith.constant 0 : i32
      %sign3A_166 = arith.cmpi slt, %add3A_159, %sign3A_165 : i32
      %sign3A_167 = arith.extui %sign3A_166 : i1 to i32
      %sign3A_168 = arith.subi %sign3A_164, %sign3A_167 : i32
      %sign3A_169 = arith.constant 0 : i32
      %sign3A_170 = arith.cmpi sgt, %jit3A_160, %sign3A_169 : i32
      %sign3A_171 = arith.extui %sign3A_170 : i1 to i32
      %sign3A_172 = arith.constant 0 : i32
      %sign3A_173 = arith.cmpi slt, %jit3A_160, %sign3A_172 : i32
      %sign3A_174 = arith.extui %sign3A_173 : i1 to i32
      %sign3A_175 = arith.subi %sign3A_171, %sign3A_174 : i32
      %ne3A_176 = arith.cmpi ne, %sign3A_168, %sign3A_175 : i32
      %rem3A_177 = arith.remsi %add3A_159, %jit3A_160 : i32
      %ne3A_178 = arith.constant 0 : i32
      %ne3A_179 = arith.cmpi ne, %rem3A_177, %ne3A_178 : i32
      %and3A_180 = arith.andi %ne3A_176, %ne3A_179 : i1
      %sub3A_181 = arith.constant 1 : i32
      %sub3A_182 = arith.subi %div3A_161, %sub3A_181 : i32
      %select_n3A_183 = arith.select %and3A_180, %sub3A_182, %div3A_161 : i32
      %mul3A_184 = arith.constant 16 : i32
      %mul3A_185 = arith.muli %select_n3A_183, %mul3A_184 : i32
      %jit3A_186 = arith.constant 16 : i32
      %eq3A_187 = arith.constant 0 : i32
      %eq3A_188 = arith.cmpi eq, %jit3A_186, %eq3A_187 : i32
      %jit3A_189 = arith.constant 1 : i32
      %select_n3A_190 = arith.select %eq3A_188, %jit3A_189, %jit3A_186 : i32
      %rem3A_191 = arith.remsi %add3A_159, %select_n3A_190 : i32
      %ne3A_192 = arith.constant 0 : i32
      %ne3A_193 = arith.cmpi ne, %rem3A_191, %ne3A_192 : i32
      %lt3A_194 = arith.constant 0 : i32
      %lt3A_195 = arith.cmpi slt, %rem3A_191, %lt3A_194 : i32
      %lt3A_196 = arith.constant 0 : i32
      %lt3A_197 = arith.cmpi slt, %select_n3A_190, %lt3A_196 : i32
      %ne3A_198 = arith.xori %lt3A_195, %lt3A_197 : i1
      %and3A_199 = arith.andi %ne3A_198, %ne3A_193 : i1
      %add3A_200 = arith.addi %rem3A_191, %select_n3A_190 : i32
      %select_n3A_201 = arith.select %and3A_199, %add3A_200, %rem3A_191 : i32
      %broadcast_in_dim3A_202 = vector.broadcast %select_n3A_201 : i32 to vector<16xi32>
      %get3A_203 = arith.index_cast %mul3A_185 : i32 to index
      %get3A_204 = tpu.vector_load %arg13[%get3A_203] {strides = array<i32>} : memref<128xf32, #tpu.memory_space<vmem>>, vector<16xf32>,
      %lt3A_205 = arith.constant 0 : i32
      %lt3A_206 = vector.broadcast %lt3A_205 : i32 to vector<16xi32>
      %lt3A_207 = arith.cmpi slt, %broadcast_in_dim3A_202, %lt3A_206 : vector<16xi32>
      %add3A_208 = arith.constant 16 : i32
      %add3A_209 = vector.broadcast %add3A_208 : i32 to vector<16xi32>
      %add3A_210 = arith.addi %broadcast_in_dim3A_202, %add3A_209 : vector<16xi32>
      %select_n3A_211 = arith.select %lt3A_207, %add3A_210, %broadcast_in_dim3A_202 : vector<16xi1>, vector<16xi32>
      %broadcast_in_dim3A_212 = vector.shape_cast %select_n3A_211 : vector<16xi32> to vector<16x1xi32>
      %gather3A_213 = vector.shape_cast %broadcast_in_dim3A_212 : vector<16x1xi32> to vector<16xi32>
      %gather3A_214 = tpu.dynamic_gather %get3A_204[%gather3A_213] in [0] : vector<16xf32>, vector<16xi32> -> vector<16xf32>
      %get3A_215 = arith.index_cast %mul3A_185 : i32 to index
      %get3A_216 = tpu.vector_load %arg14[%get3A_215] {strides = array<i32>} : memref<128xf32, #tpu.memory_space<vmem>>, vector<16xf32>,
      %lt3A_217 = arith.constant 0 : i32
      %lt3A_218 = vector.broadcast %lt3A_217 : i32 to vector<16xi32>
      %lt3A_219 = arith.cmpi slt, %broadcast_in_dim3A_202, %lt3A_218 : vector<16xi32>
      %add3A_220 = arith.constant 16 : i32
      %add3A_221 = vector.broadcast %add3A_220 : i32 to vector<16xi32>
      %add3A_222 = arith.addi %broadcast_in_dim3A_202, %add3A_221 : vector<16xi32>
      %select_n3A_223 = arith.select %lt3A_219, %add3A_222, %broadcast_in_dim3A_202 : vector<16xi1>, vector<16xi32>
      %broadcast_in_dim3A_224 = vector.shape_cast %select_n3A_223 : vector<16xi32> to vector<16x1xi32>
      %gather3A_225 = vector.shape_cast %broadcast_in_dim3A_224 : vector<16x1xi32> to vector<16xi32>
      %gather3A_226 = tpu.dynamic_gather %get3A_216[%gather3A_225] in [0] : vector<16xf32>, vector<16xi32> -> vector<16xf32>
      %get3A_227 = arith.index_cast %mul3A_185 : i32 to index
      %get3A_228 = tpu.vector_load %arg15[%get3A_227] {strides = array<i32>} : memref<128xf32, #tpu.memory_space<vmem>>, vector<16xf32>,
      %lt3A_229 = arith.constant 0 : i32
      %lt3A_230 = vector.broadcast %lt3A_229 : i32 to vector<16xi32>
      %lt3A_231 = arith.cmpi slt, %broadcast_in_dim3A_202, %lt3A_230 : vector<16xi32>
      %add3A_232 = arith.constant 16 : i32
      %add3A_233 = vector.broadcast %add3A_232 : i32 to vector<16xi32>
      %add3A_234 = arith.addi %broadcast_in_dim3A_202, %add3A_233 : vector<16xi32>
      %select_n3A_235 = arith.select %lt3A_231, %add3A_234, %broadcast_in_dim3A_202 : vector<16xi1>, vector<16xi32>
      %broadcast_in_dim3A_236 = vector.shape_cast %select_n3A_235 : vector<16xi32> to vector<16x1xi32>
      %gather3A_237 = vector.shape_cast %broadcast_in_dim3A_236 : vector<16x1xi32> to vector<16xi32>
      %gather3A_238 = tpu.dynamic_gather %get3A_228[%gather3A_237] in [0] : vector<16xf32>, vector<16xi32> -> vector<16xf32>
      %while3A_239 = arith.constant 0 : i32
      %while3A_240 = arith.constant 0 : i32
      %while3A_241:2 = scf.while (%while3A_1015 = %while3A_239, %while3A_1016 = %while3A_240) : (i32, i32) -> (i32, i32) {
        %lt3A_1017 = arith.constant 32 : i32
        %lt3A_1018 = arith.cmpi slt, %while3A_1016, %lt3A_1017 : i32
        %lt3A_1019 = arith.constant 512 : i32
        %lt3A_1020 = arith.cmpi slt, %while3A_1015, %lt3A_1019 : i32
        %and3A_1021 = arith.andi %lt3A_1018, %lt3A_1020 : i1
        scf.condition(%and3A_1021) %while3A_1015, %while3A_1016 : i32, i32
      } do {
      ^bb0(%while3A_1015: i32, %while3A_1016: i32):
        %broadcast_in_dim3A_1017 = vector.broadcast %while3A_1016 : i32 to vector<16xi32>
        %add3A_1018 = arith.constant 0 : i32
        %add3A_1019 = arith.addi %while3A_1015, %add3A_1018 : i32
        %mul3A_1020 = arith.constant 16 : i32
        %mul3A_1021 = arith.muli %add3A_1019, %mul3A_1020 : i32
        %get3A_1022 = arith.index_cast %mul3A_1021 : i32 to index
        %get3A_1023 = tpu.vector_load %arg10[%get3A_1022] {strides = array<i32>} : memref<8192xf32, #tpu.memory_space<vmem>>, vector<16xf32>,
        %sub3A_1024 = arith.subf %get3A_1023, %gather3A_214 : vector<16xf32>
        %get3A_1025 = arith.index_cast %mul3A_1021 : i32 to index
        %get3A_1026 = tpu.vector_load %arg11[%get3A_1025] {strides = array<i32>} : memref<8192xf32, #tpu.memory_space<vmem>>, vector<16xf32>,
        %sub3A_1027 = arith.subf %get3A_1026, %gather3A_226 : vector<16xf32>
        %get3A_1028 = arith.index_cast %mul3A_1021 : i32 to index
        %get3A_1029 = tpu.vector_load %arg12[%get3A_1028] {strides = array<i32>} : memref<8192xf32, #tpu.memory_space<vmem>>, vector<16xf32>,
        %sub3A_1030 = arith.subf %get3A_1029, %gather3A_238 : vector<16xf32>
        %mul3A_1031 = arith.mulf %sub3A_1024, %sub3A_1024 : vector<16xf32>
        %mul3A_1032 = arith.mulf %sub3A_1027, %sub3A_1027 : vector<16xf32>
        %add3A_1033 = arith.addf %mul3A_1031, %mul3A_1032 : vector<16xf32>
        %mul3A_1034 = arith.mulf %sub3A_1030, %sub3A_1030 : vector<16xf32>
        %add3A_1035 = arith.addf %add3A_1033, %mul3A_1034 : vector<16xf32>
        %le3A = arith.constant 4.000000e-02 : f32
        %le3A_1036 = vector.broadcast %le3A : f32 to vector<16xf32>
        %le3A_1037 = arith.cmpf ole, %add3A_1035, %le3A_1036 : vector<16xf32>
        %convert_element_type3A = arith.extui %le3A_1037 : vector<16xi1> to vector<16xi32>
        %broadcast_in_dim3A_1038 = arith.constant true
        %broadcast_in_dim3A_1039 = vector.broadcast %broadcast_in_dim3A_1038 : i1 to vector<16xi1>
        %masked_cumsum3A = tpu.scan <sum>, %convert_element_type3A masked %broadcast_in_dim3A_1039 : vector<16xi32>, vector<16xi1> -> vector<16xi32>
        %add3A_1040 = arith.addi %broadcast_in_dim3A_1017, %masked_cumsum3A : vector<16xi32>
        %sub3A_1041 = arith.constant 1 : i32
        %sub3A_1042 = vector.broadcast %sub3A_1041 : i32 to vector<16xi32>
        %sub3A_1043 = arith.subi %add3A_1040, %sub3A_1042 : vector<16xi32>
        %add3A_1044 = vector.broadcast %mul3A_1021 : i32 to vector<16xi32>
        %add3A_1045 = arith.addi %iota3A, %add3A_1044 : vector<16xi32>
        tpu.vector_store_idx %arg16[%sub3A_1043], %add3A_1045 masked %le3A_1037 : memref<160xi32, #tpu.memory_space<vmem>>[vector<16xi32>], vector<16xi32>, vector<16xi1>
        %all_reduce_population_count3A = tpu.all_reduce %le3A_1037 {dim = 0 : i64, kind = #tpu.reduction_kind<sum>} : vector<16xi1> -> vector<16xi32>
        %add3A_1046 = arith.addi %broadcast_in_dim3A_1017, %all_reduce_population_count3A : vector<16xi32>
        %add3A_1047 = arith.constant 1 : i32
        %add3A_1048 = arith.addi %while3A_1015, %add3A_1047 : i32
        %mul3A_1049 = arith.constant 16 : i32
        %mul3A_1050 = arith.muli %add3A_1048, %mul3A_1049 : i32
        %get3A_1051 = arith.index_cast %mul3A_1050 : i32 to index
        %get3A_1052 = tpu.vector_load %arg10[%get3A_1051] {strides = array<i32>} : memref<8192xf32, #tpu.memory_space<vmem>>, vector<16xf32>,
        %sub3A_1053 = arith.subf %get3A_1052, %gather3A_214 : vector<16xf32>
        %get3A_1054 = arith.index_cast %mul3A_1050 : i32 to index
        %get3A_1055 = tpu.vector_load %arg11[%get3A_1054] {strides = array<i32>} : memref<8192xf32, #tpu.memory_space<vmem>>, vector<16xf32>,
        %sub3A_1056 = arith.subf %get3A_1055, %gather3A_226 : vector<16xf32>
        %get3A_1057 = arith.index_cast %mul3A_1050 : i32 to index
        %get3A_1058 = tpu.vector_load %arg12[%get3A_1057] {strides = array<i32>} : memref<8192xf32, #tpu.memory_space<vmem>>, vector<16xf32>,
        %sub3A_1059 = arith.subf %get3A_1058, %gather3A_238 : vector<16xf32>
        %mul3A_1060 = arith.mulf %sub3A_1053, %sub3A_1053 : vector<16xf32>
        %mul3A_1061 = arith.mulf %sub3A_1056, %sub3A_1056 : vector<16xf32>
        %add3A_1062 = arith.addf %mul3A_1060, %mul3A_1061 : vector<16xf32>
        %mul3A_1063 = arith.mulf %sub3A_1059, %sub3A_1059 : vector<16xf32>
        %add3A_1064 = arith.addf %add3A_1062, %mul3A_1063 : vector<16xf32>
        %le3A_1065 = arith.constant 4.000000e-02 : f32
        %le3A_1066 = vector.broadcast %le3A_1065 : f32 to vector<16xf32>
        %le3A_1067 = arith.cmpf ole, %add3A_1064, %le3A_1066 : vector<16xf32>
        %convert_element_type3A_1068 = arith.extui %le3A_1067 : vector<16xi1> to vector<16xi32>
        %broadcast_in_dim3A_1069 = arith.constant true
        %broadcast_in_dim3A_1070 = vector.broadcast %broadcast_in_dim3A_1069 : i1 to vector<16xi1>
        %masked_cumsum3A_1071 = tpu.scan <sum>, %convert_element_type3A_1068 masked %broadcast_in_dim3A_1070 : vector<16xi32>, vector<16xi1> -> vector<16xi32>
        %add3A_1072 = arith.addi %add3A_1046, %masked_cumsum3A_1071 : vector<16xi32>
        %sub3A_1073 = arith.constant 1 : i32
        %sub3A_1074 = vector.broadcast %sub3A_1073 : i32 to vector<16xi32>
        %sub3A_1075 = arith.subi %add3A_1072, %sub3A_1074 : vector<16xi32>
        %add3A_1076 = vector.broadcast %mul3A_1050 : i32 to vector<16xi32>
        %add3A_1077 = arith.addi %iota3A, %add3A_1076 : vector<16xi32>
        tpu.vector_store_idx %arg16[%sub3A_1075], %add3A_1077 masked %le3A_1067 : memref<160xi32, #tpu.memory_space<vmem>>[vector<16xi32>], vector<16xi32>, vector<16xi1>
        %all_reduce_population_count3A_1078 = tpu.all_reduce %le3A_1067 {dim = 0 : i64, kind = #tpu.reduction_kind<sum>} : vector<16xi1> -> vector<16xi32>
        %add3A_1079 = arith.addi %add3A_1046, %all_reduce_population_count3A_1078 : vector<16xi32>
        %add3A_1080 = arith.constant 2 : i32
        %add3A_1081 = arith.addi %while3A_1015, %add3A_1080 : i32
        %mul3A_1082 = arith.constant 16 : i32
        %mul3A_1083 = arith.muli %add3A_1081, %mul3A_1082 : i32
        %get3A_1084 = arith.index_cast %mul3A_1083 : i32 to index
        %get3A_1085 = tpu.vector_load %arg10[%get3A_1084] {strides = array<i32>} : memref<8192xf32, #tpu.memory_space<vmem>>, vector<16xf32>,
        %sub3A_1086 = arith.subf %get3A_1085, %gather3A_214 : vector<16xf32>
        %get3A_1087 = arith.index_cast %mul3A_1083 : i32 to index
        %get3A_1088 = tpu.vector_load %arg11[%get3A_1087] {strides = array<i32>} : memref<8192xf32, #tpu.memory_space<vmem>>, vector<16xf32>,
        %sub3A_1089 = arith.subf %get3A_1088, %gather3A_226 : vector<16xf32>
        %get3A_1090 = arith.index_cast %mul3A_1083 : i32 to index
        %get3A_1091 = tpu.vector_load %arg12[%get3A_1090] {strides = array<i32>} : memref<8192xf32, #tpu.memory_space<vmem>>, vector<16xf32>,
        %sub3A_1092 = arith.subf %get3A_1091, %gather3A_238 : vector<16xf32>
        %mul3A_1093 = arith.mulf %sub3A_1086, %sub3A_1086 : vector<16xf32>
        %mul3A_1094 = arith.mulf %sub3A_1089, %sub3A_1089 : vector<16xf32>
        %add3A_1095 = arith.addf %mul3A_1093, %mul3A_1094 : vector<16xf32>
        %mul3A_1096 = arith.mulf %sub3A_1092, %sub3A_1092 : vector<16xf32>
        %add3A_1097 = arith.addf %add3A_1095, %mul3A_1096 : vector<16xf32>
        %le3A_1098 = arith.constant 4.000000e-02 : f32
        %le3A_1099 = vector.broadcast %le3A_1098 : f32 to vector<16xf32>
        %le3A_1100 = arith.cmpf ole, %add3A_1097, %le3A_1099 : vector<16xf32>
        %convert_element_type3A_1101 = arith.extui %le3A_1100 : vector<16xi1> to vector<16xi32>
        %broadcast_in_dim3A_1102 = arith.constant true
        %broadcast_in_dim3A_1103 = vector.broadcast %broadcast_in_dim3A_1102 : i1 to vector<16xi1>
        %masked_cumsum3A_1104 = tpu.scan <sum>, %convert_element_type3A_1101 masked %broadcast_in_dim3A_1103 : vector<16xi32>, vector<16xi1> -> vector<16xi32>
        %add3A_1105 = arith.addi %add3A_1079, %masked_cumsum3A_1104 : vector<16xi32>
        %sub3A_1106 = arith.constant 1 : i32
        %sub3A_1107 = vector.broadcast %sub3A_1106 : i32 to vector<16xi32>
        %sub3A_1108 = arith.subi %add3A_1105, %sub3A_1107 : vector<16xi32>
        %add3A_1109 = vector.broadcast %mul3A_1083 : i32 to vector<16xi32>
        %add3A_1110 = arith.addi %iota3A, %add3A_1109 : vector<16xi32>
        tpu.vector_store_idx %arg16[%sub3A_1108], %add3A_1110 masked %le3A_1100 : memref<160xi32, #tpu.memory_space<vmem>>[vector<16xi32>], vector<16xi32>, vector<16xi1>
        %all_reduce_population_count3A_1111 = tpu.all_reduce %le3A_1100 {dim = 0 : i64, kind = #tpu.reduction_kind<sum>} : vector<16xi1> -> vector<16xi32>
        %add3A_1112 = arith.addi %add3A_1079, %all_reduce_population_count3A_1111 : vector<16xi32>
        %add3A_1113 = arith.constant 3 : i32
        %add3A_1114 = arith.addi %while3A_1015, %add3A_1113 : i32
        %mul3A_1115 = arith.constant 16 : i32
        %mul3A_1116 = arith.muli %add3A_1114, %mul3A_1115 : i32
        %get3A_1117 = arith.index_cast %mul3A_1116 : i32 to index
        %get3A_1118 = tpu.vector_load %arg10[%get3A_1117] {strides = array<i32>} : memref<8192xf32, #tpu.memory_space<vmem>>, vector<16xf32>,
        %sub3A_1119 = arith.subf %get3A_1118, %gather3A_214 : vector<16xf32>
        %get3A_1120 = arith.index_cast %mul3A_1116 : i32 to index
        %get3A_1121 = tpu.vector_load %arg11[%get3A_1120] {strides = array<i32>} : memref<8192xf32, #tpu.memory_space<vmem>>, vector<16xf32>,
        %sub3A_1122 = arith.subf %get3A_1121, %gather3A_226 : vector<16xf32>
        %get3A_1123 = arith.index_cast %mul3A_1116 : i32 to index
        %get3A_1124 = tpu.vector_load %arg12[%get3A_1123] {strides = array<i32>} : memref<8192xf32, #tpu.memory_space<vmem>>, vector<16xf32>,
        %sub3A_1125 = arith.subf %get3A_1124, %gather3A_238 : vector<16xf32>
        %mul3A_1126 = arith.mulf %sub3A_1119, %sub3A_1119 : vector<16xf32>
        %mul3A_1127 = arith.mulf %sub3A_1122, %sub3A_1122 : vector<16xf32>
        %add3A_1128 = arith.addf %mul3A_1126, %mul3A_1127 : vector<16xf32>
        %mul3A_1129 = arith.mulf %sub3A_1125, %sub3A_1125 : vector<16xf32>
        %add3A_1130 = arith.addf %add3A_1128, %mul3A_1129 : vector<16xf32>
        %le3A_1131 = arith.constant 4.000000e-02 : f32
        %le3A_1132 = vector.broadcast %le3A_1131 : f32 to vector<16xf32>
        %le3A_1133 = arith.cmpf ole, %add3A_1130, %le3A_1132 : vector<16xf32>
        %convert_element_type3A_1134 = arith.extui %le3A_1133 : vector<16xi1> to vector<16xi32>
        %broadcast_in_dim3A_1135 = arith.constant true
        %broadcast_in_dim3A_1136 = vector.broadcast %broadcast_in_dim3A_1135 : i1 to vector<16xi1>
        %masked_cumsum3A_1137 = tpu.scan <sum>, %convert_element_type3A_1134 masked %broadcast_in_dim3A_1136 : vector<16xi32>, vector<16xi1> -> vector<16xi32>
        %add3A_1138 = arith.addi %add3A_1112, %masked_cumsum3A_1137 : vector<16xi32>
        %sub3A_1139 = arith.constant 1 : i32
        %sub3A_1140 = vector.broadcast %sub3A_1139 : i32 to vector<16xi32>
        %sub3A_1141 = arith.subi %add3A_1138, %sub3A_1140 : vector<16xi32>
        %add3A_1142 = vector.broadcast %mul3A_1116 : i32 to vector<16xi32>
        %add3A_1143 = arith.addi %iota3A, %add3A_1142 : vector<16xi32>
        tpu.vector_store_idx %arg16[%sub3A_1141], %add3A_1143 masked %le3A_1133 : memref<160xi32, #tpu.memory_space<vmem>>[vector<16xi32>], vector<16xi32>, vector<16xi1>
        %all_reduce_population_count3A_1144 = tpu.all_reduce %le3A_1133 {dim = 0 : i64, kind = #tpu.reduction_kind<sum>} : vector<16xi1> -> vector<16xi32>
        %add3A_1145 = arith.addi %add3A_1112, %all_reduce_population_count3A_1144 : vector<16xi32>
        %add3A_1146 = arith.constant 4 : i32
        %add3A_1147 = arith.addi %while3A_1015, %add3A_1146 : i32
        %mul3A_1148 = arith.constant 16 : i32
        %mul3A_1149 = arith.muli %add3A_1147, %mul3A_1148 : i32
        %get3A_1150 = arith.index_cast %mul3A_1149 : i32 to index
        %get3A_1151 = tpu.vector_load %arg10[%get3A_1150] {strides = array<i32>} : memref<8192xf32, #tpu.memory_space<vmem>>, vector<16xf32>,
        %sub3A_1152 = arith.subf %get3A_1151, %gather3A_214 : vector<16xf32>
        %get3A_1153 = arith.index_cast %mul3A_1149 : i32 to index
        %get3A_1154 = tpu.vector_load %arg11[%get3A_1153] {strides = array<i32>} : memref<8192xf32, #tpu.memory_space<vmem>>, vector<16xf32>,
        %sub3A_1155 = arith.subf %get3A_1154, %gather3A_226 : vector<16xf32>
        %get3A_1156 = arith.index_cast %mul3A_1149 : i32 to index
        %get3A_1157 = tpu.vector_load %arg12[%get3A_1156] {strides = array<i32>} : memref<8192xf32, #tpu.memory_space<vmem>>, vector<16xf32>,
        %sub3A_1158 = arith.subf %get3A_1157, %gather3A_238 : vector<16xf32>
        %mul3A_1159 = arith.mulf %sub3A_1152, %sub3A_1152 : vector<16xf32>
        %mul3A_1160 = arith.mulf %sub3A_1155, %sub3A_1155 : vector<16xf32>
        %add3A_1161 = arith.addf %mul3A_1159, %mul3A_1160 : vector<16xf32>
        %mul3A_1162 = arith.mulf %sub3A_1158, %sub3A_1158 : vector<16xf32>
        %add3A_1163 = arith.addf %add3A_1161, %mul3A_1162 : vector<16xf32>
        %le3A_1164 = arith.constant 4.000000e-02 : f32
        %le3A_1165 = vector.broadcast %le3A_1164 : f32 to vector<16xf32>
        %le3A_1166 = arith.cmpf ole, %add3A_1163, %le3A_1165 : vector<16xf32>
        %convert_element_type3A_1167 = arith.extui %le3A_1166 : vector<16xi1> to vector<16xi32>
        %broadcast_in_dim3A_1168 = arith.constant true
        %broadcast_in_dim3A_1169 = vector.broadcast %broadcast_in_dim3A_1168 : i1 to vector<16xi1>
        %masked_cumsum3A_1170 = tpu.scan <sum>, %convert_element_type3A_1167 masked %broadcast_in_dim3A_1169 : vector<16xi32>, vector<16xi1> -> vector<16xi32>
        %add3A_1171 = arith.addi %add3A_1145, %masked_cumsum3A_1170 : vector<16xi32>
        %sub3A_1172 = arith.constant 1 : i32
        %sub3A_1173 = vector.broadcast %sub3A_1172 : i32 to vector<16xi32>
        %sub3A_1174 = arith.subi %add3A_1171, %sub3A_1173 : vector<16xi32>
        %add3A_1175 = vector.broadcast %mul3A_1149 : i32 to vector<16xi32>
        %add3A_1176 = arith.addi %iota3A, %add3A_1175 : vector<16xi32>
        tpu.vector_store_idx %arg16[%sub3A_1174], %add3A_1176 masked %le3A_1166 : memref<160xi32, #tpu.memory_space<vmem>>[vector<16xi32>], vector<16xi32>, vector<16xi1>
        %all_reduce_population_count3A_1177 = tpu.all_reduce %le3A_1166 {dim = 0 : i64, kind = #tpu.reduction_kind<sum>} : vector<16xi1> -> vector<16xi32>
        %add3A_1178 = arith.addi %add3A_1145, %all_reduce_population_count3A_1177 : vector<16xi32>
        %add3A_1179 = arith.constant 5 : i32
        %add3A_1180 = arith.addi %while3A_1015, %add3A_1179 : i32
        %mul3A_1181 = arith.constant 16 : i32
        %mul3A_1182 = arith.muli %add3A_1180, %mul3A_1181 : i32
        %get3A_1183 = arith.index_cast %mul3A_1182 : i32 to index
        %get3A_1184 = tpu.vector_load %arg10[%get3A_1183] {strides = array<i32>} : memref<8192xf32, #tpu.memory_space<vmem>>, vector<16xf32>,
        %sub3A_1185 = arith.subf %get3A_1184, %gather3A_214 : vector<16xf32>
        %get3A_1186 = arith.index_cast %mul3A_1182 : i32 to index
        %get3A_1187 = tpu.vector_load %arg11[%get3A_1186] {strides = array<i32>} : memref<8192xf32, #tpu.memory_space<vmem>>, vector<16xf32>,
        %sub3A_1188 = arith.subf %get3A_1187, %gather3A_226 : vector<16xf32>
        %get3A_1189 = arith.index_cast %mul3A_1182 : i32 to index
        %get3A_1190 = tpu.vector_load %arg12[%get3A_1189] {strides = array<i32>} : memref<8192xf32, #tpu.memory_space<vmem>>, vector<16xf32>,
        %sub3A_1191 = arith.subf %get3A_1190, %gather3A_238 : vector<16xf32>
        %mul3A_1192 = arith.mulf %sub3A_1185, %sub3A_1185 : vector<16xf32>
        %mul3A_1193 = arith.mulf %sub3A_1188, %sub3A_1188 : vector<16xf32>
        %add3A_1194 = arith.addf %mul3A_1192, %mul3A_1193 : vector<16xf32>
        %mul3A_1195 = arith.mulf %sub3A_1191, %sub3A_1191 : vector<16xf32>
        %add3A_1196 = arith.addf %add3A_1194, %mul3A_1195 : vector<16xf32>
        %le3A_1197 = arith.constant 4.000000e-02 : f32
        %le3A_1198 = vector.broadcast %le3A_1197 : f32 to vector<16xf32>
        %le3A_1199 = arith.cmpf ole, %add3A_1196, %le3A_1198 : vector<16xf32>
        %convert_element_type3A_1200 = arith.extui %le3A_1199 : vector<16xi1> to vector<16xi32>
        %broadcast_in_dim3A_1201 = arith.constant true
        %broadcast_in_dim3A_1202 = vector.broadcast %broadcast_in_dim3A_1201 : i1 to vector<16xi1>
        %masked_cumsum3A_1203 = tpu.scan <sum>, %convert_element_type3A_1200 masked %broadcast_in_dim3A_1202 : vector<16xi32>, vector<16xi1> -> vector<16xi32>
        %add3A_1204 = arith.addi %add3A_1178, %masked_cumsum3A_1203 : vector<16xi32>
        %sub3A_1205 = arith.constant 1 : i32
        %sub3A_1206 = vector.broadcast %sub3A_1205 : i32 to vector<16xi32>
        %sub3A_1207 = arith.subi %add3A_1204, %sub3A_1206 : vector<16xi32>
        %add3A_1208 = vector.broadcast %mul3A_1182 : i32 to vector<16xi32>
        %add3A_1209 = arith.addi %iota3A, %add3A_1208 : vector<16xi32>
        tpu.vector_store_idx %arg16[%sub3A_1207], %add3A_1209 masked %le3A_1199 : memref<160xi32, #tpu.memory_space<vmem>>[vector<16xi32>], vector<16xi32>, vector<16xi1>
        %all_reduce_population_count3A_1210 = tpu.all_reduce %le3A_1199 {dim = 0 : i64, kind = #tpu.reduction_kind<sum>} : vector<16xi1> -> vector<16xi32>
        %add3A_1211 = arith.addi %add3A_1178, %all_reduce_population_count3A_1210 : vector<16xi32>
        %add3A_1212 = arith.constant 6 : i32
        %add3A_1213 = arith.addi %while3A_1015, %add3A_1212 : i32
        %mul3A_1214 = arith.constant 16 : i32
        %mul3A_1215 = arith.muli %add3A_1213, %mul3A_1214 : i32
        %get3A_1216 = arith.index_cast %mul3A_1215 : i32 to index
        %get3A_1217 = tpu.vector_load %arg10[%get3A_1216] {strides = array<i32>} : memref<8192xf32, #tpu.memory_space<vmem>>, vector<16xf32>,
        %sub3A_1218 = arith.subf %get3A_1217, %gather3A_214 : vector<16xf32>
        %get3A_1219 = arith.index_cast %mul3A_1215 : i32 to index
        %get3A_1220 = tpu.vector_load %arg11[%get3A_1219] {strides = array<i32>} : memref<8192xf32, #tpu.memory_space<vmem>>, vector<16xf32>,
        %sub3A_1221 = arith.subf %get3A_1220, %gather3A_226 : vector<16xf32>
        %get3A_1222 = arith.index_cast %mul3A_1215 : i32 to index
        %get3A_1223 = tpu.vector_load %arg12[%get3A_1222] {strides = array<i32>} : memref<8192xf32, #tpu.memory_space<vmem>>, vector<16xf32>,
        %sub3A_1224 = arith.subf %get3A_1223, %gather3A_238 : vector<16xf32>
        %mul3A_1225 = arith.mulf %sub3A_1218, %sub3A_1218 : vector<16xf32>
        %mul3A_1226 = arith.mulf %sub3A_1221, %sub3A_1221 : vector<16xf32>
        %add3A_1227 = arith.addf %mul3A_1225, %mul3A_1226 : vector<16xf32>
        %mul3A_1228 = arith.mulf %sub3A_1224, %sub3A_1224 : vector<16xf32>
        %add3A_1229 = arith.addf %add3A_1227, %mul3A_1228 : vector<16xf32>
        %le3A_1230 = arith.constant 4.000000e-02 : f32
        %le3A_1231 = vector.broadcast %le3A_1230 : f32 to vector<16xf32>
        %le3A_1232 = arith.cmpf ole, %add3A_1229, %le3A_1231 : vector<16xf32>
        %convert_element_type3A_1233 = arith.extui %le3A_1232 : vector<16xi1> to vector<16xi32>
        %broadcast_in_dim3A_1234 = arith.constant true
        %broadcast_in_dim3A_1235 = vector.broadcast %broadcast_in_dim3A_1234 : i1 to vector<16xi1>
        %masked_cumsum3A_1236 = tpu.scan <sum>, %convert_element_type3A_1233 masked %broadcast_in_dim3A_1235 : vector<16xi32>, vector<16xi1> -> vector<16xi32>
        %add3A_1237 = arith.addi %add3A_1211, %masked_cumsum3A_1236 : vector<16xi32>
        %sub3A_1238 = arith.constant 1 : i32
        %sub3A_1239 = vector.broadcast %sub3A_1238 : i32 to vector<16xi32>
        %sub3A_1240 = arith.subi %add3A_1237, %sub3A_1239 : vector<16xi32>
        %add3A_1241 = vector.broadcast %mul3A_1215 : i32 to vector<16xi32>
        %add3A_1242 = arith.addi %iota3A, %add3A_1241 : vector<16xi32>
        tpu.vector_store_idx %arg16[%sub3A_1240], %add3A_1242 masked %le3A_1232 : memref<160xi32, #tpu.memory_space<vmem>>[vector<16xi32>], vector<16xi32>, vector<16xi1>
        %all_reduce_population_count3A_1243 = tpu.all_reduce %le3A_1232 {dim = 0 : i64, kind = #tpu.reduction_kind<sum>} : vector<16xi1> -> vector<16xi32>
        %add3A_1244 = arith.addi %add3A_1211, %all_reduce_population_count3A_1243 : vector<16xi32>
        %add3A_1245 = arith.constant 7 : i32
        %add3A_1246 = arith.addi %while3A_1015, %add3A_1245 : i32
        %mul3A_1247 = arith.constant 16 : i32
        %mul3A_1248 = arith.muli %add3A_1246, %mul3A_1247 : i32
        %get3A_1249 = arith.index_cast %mul3A_1248 : i32 to index
        %get3A_1250 = tpu.vector_load %arg10[%get3A_1249] {strides = array<i32>} : memref<8192xf32, #tpu.memory_space<vmem>>, vector<16xf32>,
        %sub3A_1251 = arith.subf %get3A_1250, %gather3A_214 : vector<16xf32>
        %get3A_1252 = arith.index_cast %mul3A_1248 : i32 to index
        %get3A_1253 = tpu.vector_load %arg11[%get3A_1252] {strides = array<i32>} : memref<8192xf32, #tpu.memory_space<vmem>>, vector<16xf32>,
        %sub3A_1254 = arith.subf %get3A_1253, %gather3A_226 : vector<16xf32>
        %get3A_1255 = arith.index_cast %mul3A_1248 : i32 to index
        %get3A_1256 = tpu.vector_load %arg12[%get3A_1255] {strides = array<i32>} : memref<8192xf32, #tpu.memory_space<vmem>>, vector<16xf32>,
        %sub3A_1257 = arith.subf %get3A_1256, %gather3A_238 : vector<16xf32>
        %mul3A_1258 = arith.mulf %sub3A_1251, %sub3A_1251 : vector<16xf32>
        %mul3A_1259 = arith.mulf %sub3A_1254, %sub3A_1254 : vector<16xf32>
        %add3A_1260 = arith.addf %mul3A_1258, %mul3A_1259 : vector<16xf32>
        %mul3A_1261 = arith.mulf %sub3A_1257, %sub3A_1257 : vector<16xf32>
        %add3A_1262 = arith.addf %add3A_1260, %mul3A_1261 : vector<16xf32>
        %le3A_1263 = arith.constant 4.000000e-02 : f32
        %le3A_1264 = vector.broadcast %le3A_1263 : f32 to vector<16xf32>
        %le3A_1265 = arith.cmpf ole, %add3A_1262, %le3A_1264 : vector<16xf32>
        %convert_element_type3A_1266 = arith.extui %le3A_1265 : vector<16xi1> to vector<16xi32>
        %broadcast_in_dim3A_1267 = arith.constant true
        %broadcast_in_dim3A_1268 = vector.broadcast %broadcast_in_dim3A_1267 : i1 to vector<16xi1>
        %masked_cumsum3A_1269 = tpu.scan <sum>, %convert_element_type3A_1266 masked %broadcast_in_dim3A_1268 : vector<16xi32>, vector<16xi1> -> vector<16xi32>
        %add3A_1270 = arith.addi %add3A_1244, %masked_cumsum3A_1269 : vector<16xi32>
        %sub3A_1271 = arith.constant 1 : i32
        %sub3A_1272 = vector.broadcast %sub3A_1271 : i32 to vector<16xi32>
        %sub3A_1273 = arith.subi %add3A_1270, %sub3A_1272 : vector<16xi32>
        %add3A_1274 = vector.broadcast %mul3A_1248 : i32 to vector<16xi32>
        %add3A_1275 = arith.addi %iota3A, %add3A_1274 : vector<16xi32>
        tpu.vector_store_idx %arg16[%sub3A_1273], %add3A_1275 masked %le3A_1265 : memref<160xi32, #tpu.memory_space<vmem>>[vector<16xi32>], vector<16xi32>, vector<16xi1>
        %all_reduce_population_count3A_1276 = tpu.all_reduce %le3A_1265 {dim = 0 : i64, kind = #tpu.reduction_kind<sum>} : vector<16xi1> -> vector<16xi32>
        %add3A_1277 = arith.addi %add3A_1244, %all_reduce_population_count3A_1276 : vector<16xi32>
        %add3A_1278 = arith.constant 8 : i32
        %add3A_1279 = arith.addi %while3A_1015, %add3A_1278 : i32
        %reduce_max3A = arith.constant true
        %reduce_max3A_1280 = vector.broadcast %reduce_max3A : i1 to vector<16xi1>
        %reduce_max3A_1281 = arith.constant -2147483648 : i32
        %reduce_max3A_1282 = vector.broadcast %reduce_max3A_1281 : i32 to vector<16xi32>
        %reduce_max3A_1283 = arith.xori %add3A_1277, %reduce_max3A_1282 : vector<16xi32>
        %reduce_max3A_1284 = tpu.scan <max>, %reduce_max3A_1283 masked %reduce_max3A_1280 : vector<16xi32>, vector<16xi1> -> vector<16xi32>
        %reduce_max3A_1285 = arith.xori %reduce_max3A_1284, %reduce_max3A_1282 : vector<16xi32>
        %reduce_max3A_1286 = vector.extract %reduce_max3A_1285[15] : i32 from vector<16xi32>
        scf.yield %add3A_1279, %reduce_max3A_1286 : i32, i32
      }
      %min3A_242 = arith.constant 32 : i32
      %min3A_243 = arith.minsi %while3A_241#1, %min3A_242 : i32
      %get3A_244 = arith.constant 0 : index
      %get3A_245 = tpu.vector_load %arg16[%get3A_244] {strides = array<i32>} : memref<160xi32, #tpu.memory_space<vmem>>, vector<16xi32>,
      %broadcast_in_dim3A_246 = arith.constant 0 : i32
      %broadcast_in_dim3A_247 = vector.broadcast %broadcast_in_dim3A_246 : i32 to vector<16xi32>
      %lt3A_248 = arith.constant 0 : i32
      %lt3A_249 = vector.broadcast %lt3A_248 : i32 to vector<16xi32>
      %lt3A_250 = arith.cmpi slt, %broadcast_in_dim3A_247, %lt3A_249 : vector<16xi32>
      %add3A_251 = arith.constant 16 : i32
      %add3A_252 = vector.broadcast %add3A_251 : i32 to vector<16xi32>
      %add3A_253 = arith.addi %broadcast_in_dim3A_247, %add3A_252 : vector<16xi32>
      %select_n3A_254 = arith.select %lt3A_250, %add3A_253, %broadcast_in_dim3A_247 : vector<16xi1>, vector<16xi32>
      %broadcast_in_dim3A_255 = vector.shape_cast %select_n3A_254 : vector<16xi32> to vector<16x1xi32>
      %gather3A_256 = vector.shape_cast %broadcast_in_dim3A_255 : vector<16x1xi32> to vector<16xi32>
      %gather3A_257 = tpu.dynamic_gather %get3A_245[%gather3A_256] in [0] : vector<16xi32>, vector<16xi32> -> vector<16xi32>
      %lt3A_258 = vector.broadcast %min3A_243 : i32 to vector<16xi32>
      %lt3A_259 = arith.cmpi slt, %iota3A, %lt3A_258 : vector<16xi32>
      %select_n3A_260 = arith.select %lt3A_259, %get3A_245, %gather3A_257 : vector<16xi1>, vector<16xi32>
      %add3A_261 = arith.constant 16 : i32
      %add3A_262 = vector.broadcast %add3A_261 : i32 to vector<16xi32>
      %add3A_263 = arith.addi %iota3A, %add3A_262 : vector<16xi32>
      %lt3A_264 = vector.broadcast %min3A_243 : i32 to vector<16xi32>
      %lt3A_265 = arith.cmpi slt, %add3A_263, %lt3A_264 : vector<16xi32>
      %get3A_266 = arith.constant 16 : index
      %get3A_267 = tpu.vector_load %arg16[%get3A_266] {strides = array<i32>} : memref<160xi32, #tpu.memory_space<vmem>>, vector<16xi32>,
      %select_n3A_268 = arith.select %lt3A_265, %get3A_267, %gather3A_257 : vector<16xi1>, vector<16xi32>
      %add3A_269 = vector.broadcast %mul3A_34 : i32 to vector<16xi32>
      %add3A_270 = arith.addi %select_n3A_260, %add3A_269 : vector<16xi32>
      %swap3A_271 = arith.constant 32 : index
      %swap3A_272 = tpu.vector_load %arg17[%swap3A_271] {strides = array<i32>} : memref<256xi32, #tpu.memory_space<vmem>>, vector<16xi32>,
      tpu.vector_store %arg17[%swap3A_271], %add3A_270 {strides = array<i32>} : memref<256xi32, #tpu.memory_space<vmem>>, vector<16xi32>,
      %add3A_273 = vector.broadcast %mul3A_34 : i32 to vector<16xi32>
      %add3A_274 = arith.addi %select_n3A_268, %add3A_273 : vector<16xi32>
      %swap3A_275 = arith.constant 48 : index
      %swap3A_276 = tpu.vector_load %arg17[%swap3A_275] {strides = array<i32>} : memref<256xi32, #tpu.memory_space<vmem>>, vector<16xi32>,
      tpu.vector_store %arg17[%swap3A_275], %add3A_274 {strides = array<i32>} : memref<256xi32, #tpu.memory_space<vmem>>, vector<16xi32>,
      %mul3A_277 = arith.constant 8 : i32
      %mul3A_278 = arith.muli %scan3A_40, %mul3A_277 : i32
      %add3A_279 = arith.constant 2 : i32
      %add3A_280 = arith.addi %mul3A_278, %add3A_279 : i32
      %jit3A_281 = arith.constant 16 : i32
      %div3A_282 = arith.divsi %add3A_280, %jit3A_281 : i32
      %sign3A_283 = arith.constant 0 : i32
      %sign3A_284 = arith.cmpi sgt, %add3A_280, %sign3A_283 : i32
      %sign3A_285 = arith.extui %sign3A_284 : i1 to i32
      %sign3A_286 = arith.constant 0 : i32
      %sign3A_287 = arith.cmpi slt, %add3A_280, %sign3A_286 : i32
      %sign3A_288 = arith.extui %sign3A_287 : i1 to i32
      %sign3A_289 = arith.subi %sign3A_285, %sign3A_288 : i32
      %sign3A_290 = arith.constant 0 : i32
      %sign3A_291 = arith.cmpi sgt, %jit3A_281, %sign3A_290 : i32
      %sign3A_292 = arith.extui %sign3A_291 : i1 to i32
      %sign3A_293 = arith.constant 0 : i32
      %sign3A_294 = arith.cmpi slt, %jit3A_281, %sign3A_293 : i32
      %sign3A_295 = arith.extui %sign3A_294 : i1 to i32
      %sign3A_296 = arith.subi %sign3A_292, %sign3A_295 : i32
      %ne3A_297 = arith.cmpi ne, %sign3A_289, %sign3A_296 : i32
      %rem3A_298 = arith.remsi %add3A_280, %jit3A_281 : i32
      %ne3A_299 = arith.constant 0 : i32
      %ne3A_300 = arith.cmpi ne, %rem3A_298, %ne3A_299 : i32
      %and3A_301 = arith.andi %ne3A_297, %ne3A_300 : i1
      %sub3A_302 = arith.constant 1 : i32
      %sub3A_303 = arith.subi %div3A_282, %sub3A_302 : i32
      %select_n3A_304 = arith.select %and3A_301, %sub3A_303, %div3A_282 : i32
      %mul3A_305 = arith.constant 16 : i32
      %mul3A_306 = arith.muli %select_n3A_304, %mul3A_305 : i32
      %jit3A_307 = arith.constant 16 : i32
      %eq3A_308 = arith.constant 0 : i32
      %eq3A_309 = arith.cmpi eq, %jit3A_307, %eq3A_308 : i32
      %jit3A_310 = arith.constant 1 : i32
      %select_n3A_311 = arith.select %eq3A_309, %jit3A_310, %jit3A_307 : i32
      %rem3A_312 = arith.remsi %add3A_280, %select_n3A_311 : i32
      %ne3A_313 = arith.constant 0 : i32
      %ne3A_314 = arith.cmpi ne, %rem3A_312, %ne3A_313 : i32
      %lt3A_315 = arith.constant 0 : i32
      %lt3A_316 = arith.cmpi slt, %rem3A_312, %lt3A_315 : i32
      %lt3A_317 = arith.constant 0 : i32
      %lt3A_318 = arith.cmpi slt, %select_n3A_311, %lt3A_317 : i32
      %ne3A_319 = arith.xori %lt3A_316, %lt3A_318 : i1
      %and3A_320 = arith.andi %ne3A_319, %ne3A_314 : i1
      %add3A_321 = arith.addi %rem3A_312, %select_n3A_311 : i32
      %select_n3A_322 = arith.select %and3A_320, %add3A_321, %rem3A_312 : i32
      %broadcast_in_dim3A_323 = vector.broadcast %select_n3A_322 : i32 to vector<16xi32>
      %get3A_324 = arith.index_cast %mul3A_306 : i32 to index
      %get3A_325 = tpu.vector_load %arg13[%get3A_324] {strides = array<i32>} : memref<128xf32, #tpu.memory_space<vmem>>, vector<16xf32>,
      %lt3A_326 = arith.constant 0 : i32
      %lt3A_327 = vector.broadcast %lt3A_326 : i32 to vector<16xi32>
      %lt3A_328 = arith.cmpi slt, %broadcast_in_dim3A_323, %lt3A_327 : vector<16xi32>
      %add3A_329 = arith.constant 16 : i32
      %add3A_330 = vector.broadcast %add3A_329 : i32 to vector<16xi32>
      %add3A_331 = arith.addi %broadcast_in_dim3A_323, %add3A_330 : vector<16xi32>
      %select_n3A_332 = arith.select %lt3A_328, %add3A_331, %broadcast_in_dim3A_323 : vector<16xi1>, vector<16xi32>
      %broadcast_in_dim3A_333 = vector.shape_cast %select_n3A_332 : vector<16xi32> to vector<16x1xi32>
      %gather3A_334 = vector.shape_cast %broadcast_in_dim3A_333 : vector<16x1xi32> to vector<16xi32>
      %gather3A_335 = tpu.dynamic_gather %get3A_325[%gather3A_334] in [0] : vector<16xf32>, vector<16xi32> -> vector<16xf32>
      %get3A_336 = arith.index_cast %mul3A_306 : i32 to index
      %get3A_337 = tpu.vector_load %arg14[%get3A_336] {strides = array<i32>} : memref<128xf32, #tpu.memory_space<vmem>>, vector<16xf32>,
      %lt3A_338 = arith.constant 0 : i32
      %lt3A_339 = vector.broadcast %lt3A_338 : i32 to vector<16xi32>
      %lt3A_340 = arith.cmpi slt, %broadcast_in_dim3A_323, %lt3A_339 : vector<16xi32>
      %add3A_341 = arith.constant 16 : i32
      %add3A_342 = vector.broadcast %add3A_341 : i32 to vector<16xi32>
      %add3A_343 = arith.addi %broadcast_in_dim3A_323, %add3A_342 : vector<16xi32>
      %select_n3A_344 = arith.select %lt3A_340, %add3A_343, %broadcast_in_dim3A_323 : vector<16xi1>, vector<16xi32>
      %broadcast_in_dim3A_345 = vector.shape_cast %select_n3A_344 : vector<16xi32> to vector<16x1xi32>
      %gather3A_346 = vector.shape_cast %broadcast_in_dim3A_345 : vector<16x1xi32> to vector<16xi32>
      %gather3A_347 = tpu.dynamic_gather %get3A_337[%gather3A_346] in [0] : vector<16xf32>, vector<16xi32> -> vector<16xf32>
      %get3A_348 = arith.index_cast %mul3A_306 : i32 to index
      %get3A_349 = tpu.vector_load %arg15[%get3A_348] {strides = array<i32>} : memref<128xf32, #tpu.memory_space<vmem>>, vector<16xf32>,
      %lt3A_350 = arith.constant 0 : i32
      %lt3A_351 = vector.broadcast %lt3A_350 : i32 to vector<16xi32>
      %lt3A_352 = arith.cmpi slt, %broadcast_in_dim3A_323, %lt3A_351 : vector<16xi32>
      %add3A_353 = arith.constant 16 : i32
      %add3A_354 = vector.broadcast %add3A_353 : i32 to vector<16xi32>
      %add3A_355 = arith.addi %broadcast_in_dim3A_323, %add3A_354 : vector<16xi32>
      %select_n3A_356 = arith.select %lt3A_352, %add3A_355, %broadcast_in_dim3A_323 : vector<16xi1>, vector<16xi32>
      %broadcast_in_dim3A_357 = vector.shape_cast %select_n3A_356 : vector<16xi32> to vector<16x1xi32>
      %gather3A_358 = vector.shape_cast %broadcast_in_dim3A_357 : vector<16x1xi32> to vector<16xi32>
      %gather3A_359 = tpu.dynamic_gather %get3A_349[%gather3A_358] in [0] : vector<16xf32>, vector<16xi32> -> vector<16xf32>
      %while3A_360 = arith.constant 0 : i32
      %while3A_361 = arith.constant 0 : i32
      %while3A_362:2 = scf.while (%while3A_1015 = %while3A_360, %while3A_1016 = %while3A_361) : (i32, i32) -> (i32, i32) {
        %lt3A_1017 = arith.constant 32 : i32
        %lt3A_1018 = arith.cmpi slt, %while3A_1016, %lt3A_1017 : i32
        %lt3A_1019 = arith.constant 512 : i32
        %lt3A_1020 = arith.cmpi slt, %while3A_1015, %lt3A_1019 : i32
        %and3A_1021 = arith.andi %lt3A_1018, %lt3A_1020 : i1
        scf.condition(%and3A_1021) %while3A_1015, %while3A_1016 : i32, i32
      } do {
      ^bb0(%while3A_1015: i32, %while3A_1016: i32):
        %broadcast_in_dim3A_1017 = vector.broadcast %while3A_1016 : i32 to vector<16xi32>
        %add3A_1018 = arith.constant 0 : i32
        %add3A_1019 = arith.addi %while3A_1015, %add3A_1018 : i32
        %mul3A_1020 = arith.constant 16 : i32
        %mul3A_1021 = arith.muli %add3A_1019, %mul3A_1020 : i32
        %get3A_1022 = arith.index_cast %mul3A_1021 : i32 to index
        %get3A_1023 = tpu.vector_load %arg10[%get3A_1022] {strides = array<i32>} : memref<8192xf32, #tpu.memory_space<vmem>>, vector<16xf32>,
        %sub3A_1024 = arith.subf %get3A_1023, %gather3A_335 : vector<16xf32>
        %get3A_1025 = arith.index_cast %mul3A_1021 : i32 to index
        %get3A_1026 = tpu.vector_load %arg11[%get3A_1025] {strides = array<i32>} : memref<8192xf32, #tpu.memory_space<vmem>>, vector<16xf32>,
        %sub3A_1027 = arith.subf %get3A_1026, %gather3A_347 : vector<16xf32>
        %get3A_1028 = arith.index_cast %mul3A_1021 : i32 to index
        %get3A_1029 = tpu.vector_load %arg12[%get3A_1028] {strides = array<i32>} : memref<8192xf32, #tpu.memory_space<vmem>>, vector<16xf32>,
        %sub3A_1030 = arith.subf %get3A_1029, %gather3A_359 : vector<16xf32>
        %mul3A_1031 = arith.mulf %sub3A_1024, %sub3A_1024 : vector<16xf32>
        %mul3A_1032 = arith.mulf %sub3A_1027, %sub3A_1027 : vector<16xf32>
        %add3A_1033 = arith.addf %mul3A_1031, %mul3A_1032 : vector<16xf32>
        %mul3A_1034 = arith.mulf %sub3A_1030, %sub3A_1030 : vector<16xf32>
        %add3A_1035 = arith.addf %add3A_1033, %mul3A_1034 : vector<16xf32>
        %le3A = arith.constant 4.000000e-02 : f32
        %le3A_1036 = vector.broadcast %le3A : f32 to vector<16xf32>
        %le3A_1037 = arith.cmpf ole, %add3A_1035, %le3A_1036 : vector<16xf32>
        %convert_element_type3A = arith.extui %le3A_1037 : vector<16xi1> to vector<16xi32>
        %broadcast_in_dim3A_1038 = arith.constant true
        %broadcast_in_dim3A_1039 = vector.broadcast %broadcast_in_dim3A_1038 : i1 to vector<16xi1>
        %masked_cumsum3A = tpu.scan <sum>, %convert_element_type3A masked %broadcast_in_dim3A_1039 : vector<16xi32>, vector<16xi1> -> vector<16xi32>
        %add3A_1040 = arith.addi %broadcast_in_dim3A_1017, %masked_cumsum3A : vector<16xi32>
        %sub3A_1041 = arith.constant 1 : i32
        %sub3A_1042 = vector.broadcast %sub3A_1041 : i32 to vector<16xi32>
        %sub3A_1043 = arith.subi %add3A_1040, %sub3A_1042 : vector<16xi32>
        %add3A_1044 = vector.broadcast %mul3A_1021 : i32 to vector<16xi32>
        %add3A_1045 = arith.addi %iota3A, %add3A_1044 : vector<16xi32>
        tpu.vector_store_idx %arg16[%sub3A_1043], %add3A_1045 masked %le3A_1037 : memref<160xi32, #tpu.memory_space<vmem>>[vector<16xi32>], vector<16xi32>, vector<16xi1>
        %all_reduce_population_count3A = tpu.all_reduce %le3A_1037 {dim = 0 : i64, kind = #tpu.reduction_kind<sum>} : vector<16xi1> -> vector<16xi32>
        %add3A_1046 = arith.addi %broadcast_in_dim3A_1017, %all_reduce_population_count3A : vector<16xi32>
        %add3A_1047 = arith.constant 1 : i32
        %add3A_1048 = arith.addi %while3A_1015, %add3A_1047 : i32
        %mul3A_1049 = arith.constant 16 : i32
        %mul3A_1050 = arith.muli %add3A_1048, %mul3A_1049 : i32
        %get3A_1051 = arith.index_cast %mul3A_1050 : i32 to index
        %get3A_1052 = tpu.vector_load %arg10[%get3A_1051] {strides = array<i32>} : memref<8192xf32, #tpu.memory_space<vmem>>, vector<16xf32>,
        %sub3A_1053 = arith.subf %get3A_1052, %gather3A_335 : vector<16xf32>
        %get3A_1054 = arith.index_cast %mul3A_1050 : i32 to index
        %get3A_1055 = tpu.vector_load %arg11[%get3A_1054] {strides = array<i32>} : memref<8192xf32, #tpu.memory_space<vmem>>, vector<16xf32>,
        %sub3A_1056 = arith.subf %get3A_1055, %gather3A_347 : vector<16xf32>
        %get3A_1057 = arith.index_cast %mul3A_1050 : i32 to index
        %get3A_1058 = tpu.vector_load %arg12[%get3A_1057] {strides = array<i32>} : memref<8192xf32, #tpu.memory_space<vmem>>, vector<16xf32>,
        %sub3A_1059 = arith.subf %get3A_1058, %gather3A_359 : vector<16xf32>
        %mul3A_1060 = arith.mulf %sub3A_1053, %sub3A_1053 : vector<16xf32>
        %mul3A_1061 = arith.mulf %sub3A_1056, %sub3A_1056 : vector<16xf32>
        %add3A_1062 = arith.addf %mul3A_1060, %mul3A_1061 : vector<16xf32>
        %mul3A_1063 = arith.mulf %sub3A_1059, %sub3A_1059 : vector<16xf32>
        %add3A_1064 = arith.addf %add3A_1062, %mul3A_1063 : vector<16xf32>
        %le3A_1065 = arith.constant 4.000000e-02 : f32
        %le3A_1066 = vector.broadcast %le3A_1065 : f32 to vector<16xf32>
        %le3A_1067 = arith.cmpf ole, %add3A_1064, %le3A_1066 : vector<16xf32>
        %convert_element_type3A_1068 = arith.extui %le3A_1067 : vector<16xi1> to vector<16xi32>
        %broadcast_in_dim3A_1069 = arith.constant true
        %broadcast_in_dim3A_1070 = vector.broadcast %broadcast_in_dim3A_1069 : i1 to vector<16xi1>
        %masked_cumsum3A_1071 = tpu.scan <sum>, %convert_element_type3A_1068 masked %broadcast_in_dim3A_1070 : vector<16xi32>, vector<16xi1> -> vector<16xi32>
        %add3A_1072 = arith.addi %add3A_1046, %masked_cumsum3A_1071 : vector<16xi32>
        %sub3A_1073 = arith.constant 1 : i32
        %sub3A_1074 = vector.broadcast %sub3A_1073 : i32 to vector<16xi32>
        %sub3A_1075 = arith.subi %add3A_1072, %sub3A_1074 : vector<16xi32>
        %add3A_1076 = vector.broadcast %mul3A_1050 : i32 to vector<16xi32>
        %add3A_1077 = arith.addi %iota3A, %add3A_1076 : vector<16xi32>
        tpu.vector_store_idx %arg16[%sub3A_1075], %add3A_1077 masked %le3A_1067 : memref<160xi32, #tpu.memory_space<vmem>>[vector<16xi32>], vector<16xi32>, vector<16xi1>
        %all_reduce_population_count3A_1078 = tpu.all_reduce %le3A_1067 {dim = 0 : i64, kind = #tpu.reduction_kind<sum>} : vector<16xi1> -> vector<16xi32>
        %add3A_1079 = arith.addi %add3A_1046, %all_reduce_population_count3A_1078 : vector<16xi32>
        %add3A_1080 = arith.constant 2 : i32
        %add3A_1081 = arith.addi %while3A_1015, %add3A_1080 : i32
        %mul3A_1082 = arith.constant 16 : i32
        %mul3A_1083 = arith.muli %add3A_1081, %mul3A_1082 : i32
        %get3A_1084 = arith.index_cast %mul3A_1083 : i32 to index
        %get3A_1085 = tpu.vector_load %arg10[%get3A_1084] {strides = array<i32>} : memref<8192xf32, #tpu.memory_space<vmem>>, vector<16xf32>,
        %sub3A_1086 = arith.subf %get3A_1085, %gather3A_335 : vector<16xf32>
        %get3A_1087 = arith.index_cast %mul3A_1083 : i32 to index
        %get3A_1088 = tpu.vector_load %arg11[%get3A_1087] {strides = array<i32>} : memref<8192xf32, #tpu.memory_space<vmem>>, vector<16xf32>,
        %sub3A_1089 = arith.subf %get3A_1088, %gather3A_347 : vector<16xf32>
        %get3A_1090 = arith.index_cast %mul3A_1083 : i32 to index
        %get3A_1091 = tpu.vector_load %arg12[%get3A_1090] {strides = array<i32>} : memref<8192xf32, #tpu.memory_space<vmem>>, vector<16xf32>,
        %sub3A_1092 = arith.subf %get3A_1091, %gather3A_359 : vector<16xf32>
        %mul3A_1093 = arith.mulf %sub3A_1086, %sub3A_1086 : vector<16xf32>
        %mul3A_1094 = arith.mulf %sub3A_1089, %sub3A_1089 : vector<16xf32>
        %add3A_1095 = arith.addf %mul3A_1093, %mul3A_1094 : vector<16xf32>
        %mul3A_1096 = arith.mulf %sub3A_1092, %sub3A_1092 : vector<16xf32>
        %add3A_1097 = arith.addf %add3A_1095, %mul3A_1096 : vector<16xf32>
        %le3A_1098 = arith.constant 4.000000e-02 : f32
        %le3A_1099 = vector.broadcast %le3A_1098 : f32 to vector<16xf32>
        %le3A_1100 = arith.cmpf ole, %add3A_1097, %le3A_1099 : vector<16xf32>
        %convert_element_type3A_1101 = arith.extui %le3A_1100 : vector<16xi1> to vector<16xi32>
        %broadcast_in_dim3A_1102 = arith.constant true
        %broadcast_in_dim3A_1103 = vector.broadcast %broadcast_in_dim3A_1102 : i1 to vector<16xi1>
        %masked_cumsum3A_1104 = tpu.scan <sum>, %convert_element_type3A_1101 masked %broadcast_in_dim3A_1103 : vector<16xi32>, vector<16xi1> -> vector<16xi32>
        %add3A_1105 = arith.addi %add3A_1079, %masked_cumsum3A_1104 : vector<16xi32>
        %sub3A_1106 = arith.constant 1 : i32
        %sub3A_1107 = vector.broadcast %sub3A_1106 : i32 to vector<16xi32>
        %sub3A_1108 = arith.subi %add3A_1105, %sub3A_1107 : vector<16xi32>
        %add3A_1109 = vector.broadcast %mul3A_1083 : i32 to vector<16xi32>
        %add3A_1110 = arith.addi %iota3A, %add3A_1109 : vector<16xi32>
        tpu.vector_store_idx %arg16[%sub3A_1108], %add3A_1110 masked %le3A_1100 : memref<160xi32, #tpu.memory_space<vmem>>[vector<16xi32>], vector<16xi32>, vector<16xi1>
        %all_reduce_population_count3A_1111 = tpu.all_reduce %le3A_1100 {dim = 0 : i64, kind = #tpu.reduction_kind<sum>} : vector<16xi1> -> vector<16xi32>
        %add3A_1112 = arith.addi %add3A_1079, %all_reduce_population_count3A_1111 : vector<16xi32>
        %add3A_1113 = arith.constant 3 : i32
        %add3A_1114 = arith.addi %while3A_1015, %add3A_1113 : i32
        %mul3A_1115 = arith.constant 16 : i32
        %mul3A_1116 = arith.muli %add3A_1114, %mul3A_1115 : i32
        %get3A_1117 = arith.index_cast %mul3A_1116 : i32 to index
        %get3A_1118 = tpu.vector_load %arg10[%get3A_1117] {strides = array<i32>} : memref<8192xf32, #tpu.memory_space<vmem>>, vector<16xf32>,
        %sub3A_1119 = arith.subf %get3A_1118, %gather3A_335 : vector<16xf32>
        %get3A_1120 = arith.index_cast %mul3A_1116 : i32 to index
        %get3A_1121 = tpu.vector_load %arg11[%get3A_1120] {strides = array<i32>} : memref<8192xf32, #tpu.memory_space<vmem>>, vector<16xf32>,
        %sub3A_1122 = arith.subf %get3A_1121, %gather3A_347 : vector<16xf32>
        %get3A_1123 = arith.index_cast %mul3A_1116 : i32 to index
        %get3A_1124 = tpu.vector_load %arg12[%get3A_1123] {strides = array<i32>} : memref<8192xf32, #tpu.memory_space<vmem>>, vector<16xf32>,
        %sub3A_1125 = arith.subf %get3A_1124, %gather3A_359 : vector<16xf32>
        %mul3A_1126 = arith.mulf %sub3A_1119, %sub3A_1119 : vector<16xf32>
        %mul3A_1127 = arith.mulf %sub3A_1122, %sub3A_1122 : vector<16xf32>
        %add3A_1128 = arith.addf %mul3A_1126, %mul3A_1127 : vector<16xf32>
        %mul3A_1129 = arith.mulf %sub3A_1125, %sub3A_1125 : vector<16xf32>
        %add3A_1130 = arith.addf %add3A_1128, %mul3A_1129 : vector<16xf32>
        %le3A_1131 = arith.constant 4.000000e-02 : f32
        %le3A_1132 = vector.broadcast %le3A_1131 : f32 to vector<16xf32>
        %le3A_1133 = arith.cmpf ole, %add3A_1130, %le3A_1132 : vector<16xf32>
        %convert_element_type3A_1134 = arith.extui %le3A_1133 : vector<16xi1> to vector<16xi32>
        %broadcast_in_dim3A_1135 = arith.constant true
        %broadcast_in_dim3A_1136 = vector.broadcast %broadcast_in_dim3A_1135 : i1 to vector<16xi1>
        %masked_cumsum3A_1137 = tpu.scan <sum>, %convert_element_type3A_1134 masked %broadcast_in_dim3A_1136 : vector<16xi32>, vector<16xi1> -> vector<16xi32>
        %add3A_1138 = arith.addi %add3A_1112, %masked_cumsum3A_1137 : vector<16xi32>
        %sub3A_1139 = arith.constant 1 : i32
        %sub3A_1140 = vector.broadcast %sub3A_1139 : i32 to vector<16xi32>
        %sub3A_1141 = arith.subi %add3A_1138, %sub3A_1140 : vector<16xi32>
        %add3A_1142 = vector.broadcast %mul3A_1116 : i32 to vector<16xi32>
        %add3A_1143 = arith.addi %iota3A, %add3A_1142 : vector<16xi32>
        tpu.vector_store_idx %arg16[%sub3A_1141], %add3A_1143 masked %le3A_1133 : memref<160xi32, #tpu.memory_space<vmem>>[vector<16xi32>], vector<16xi32>, vector<16xi1>
        %all_reduce_population_count3A_1144 = tpu.all_reduce %le3A_1133 {dim = 0 : i64, kind = #tpu.reduction_kind<sum>} : vector<16xi1> -> vector<16xi32>
        %add3A_1145 = arith.addi %add3A_1112, %all_reduce_population_count3A_1144 : vector<16xi32>
        %add3A_1146 = arith.constant 4 : i32
        %add3A_1147 = arith.addi %while3A_1015, %add3A_1146 : i32
        %mul3A_1148 = arith.constant 16 : i32
        %mul3A_1149 = arith.muli %add3A_1147, %mul3A_1148 : i32
        %get3A_1150 = arith.index_cast %mul3A_1149 : i32 to index
        %get3A_1151 = tpu.vector_load %arg10[%get3A_1150] {strides = array<i32>} : memref<8192xf32, #tpu.memory_space<vmem>>, vector<16xf32>,
        %sub3A_1152 = arith.subf %get3A_1151, %gather3A_335 : vector<16xf32>
        %get3A_1153 = arith.index_cast %mul3A_1149 : i32 to index
        %get3A_1154 = tpu.vector_load %arg11[%get3A_1153] {strides = array<i32>} : memref<8192xf32, #tpu.memory_space<vmem>>, vector<16xf32>,
        %sub3A_1155 = arith.subf %get3A_1154, %gather3A_347 : vector<16xf32>
        %get3A_1156 = arith.index_cast %mul3A_1149 : i32 to index
        %get3A_1157 = tpu.vector_load %arg12[%get3A_1156] {strides = array<i32>} : memref<8192xf32, #tpu.memory_space<vmem>>, vector<16xf32>,
        %sub3A_1158 = arith.subf %get3A_1157, %gather3A_359 : vector<16xf32>
        %mul3A_1159 = arith.mulf %sub3A_1152, %sub3A_1152 : vector<16xf32>
        %mul3A_1160 = arith.mulf %sub3A_1155, %sub3A_1155 : vector<16xf32>
        %add3A_1161 = arith.addf %mul3A_1159, %mul3A_1160 : vector<16xf32>
        %mul3A_1162 = arith.mulf %sub3A_1158, %sub3A_1158 : vector<16xf32>
        %add3A_1163 = arith.addf %add3A_1161, %mul3A_1162 : vector<16xf32>
        %le3A_1164 = arith.constant 4.000000e-02 : f32
        %le3A_1165 = vector.broadcast %le3A_1164 : f32 to vector<16xf32>
        %le3A_1166 = arith.cmpf ole, %add3A_1163, %le3A_1165 : vector<16xf32>
        %convert_element_type3A_1167 = arith.extui %le3A_1166 : vector<16xi1> to vector<16xi32>
        %broadcast_in_dim3A_1168 = arith.constant true
        %broadcast_in_dim3A_1169 = vector.broadcast %broadcast_in_dim3A_1168 : i1 to vector<16xi1>
        %masked_cumsum3A_1170 = tpu.scan <sum>, %convert_element_type3A_1167 masked %broadcast_in_dim3A_1169 : vector<16xi32>, vector<16xi1> -> vector<16xi32>
        %add3A_1171 = arith.addi %add3A_1145, %masked_cumsum3A_1170 : vector<16xi32>
        %sub3A_1172 = arith.constant 1 : i32
        %sub3A_1173 = vector.broadcast %sub3A_1172 : i32 to vector<16xi32>
        %sub3A_1174 = arith.subi %add3A_1171, %sub3A_1173 : vector<16xi32>
        %add3A_1175 = vector.broadcast %mul3A_1149 : i32 to vector<16xi32>
        %add3A_1176 = arith.addi %iota3A, %add3A_1175 : vector<16xi32>
        tpu.vector_store_idx %arg16[%sub3A_1174], %add3A_1176 masked %le3A_1166 : memref<160xi32, #tpu.memory_space<vmem>>[vector<16xi32>], vector<16xi32>, vector<16xi1>
        %all_reduce_population_count3A_1177 = tpu.all_reduce %le3A_1166 {dim = 0 : i64, kind = #tpu.reduction_kind<sum>} : vector<16xi1> -> vector<16xi32>
        %add3A_1178 = arith.addi %add3A_1145, %all_reduce_population_count3A_1177 : vector<16xi32>
        %add3A_1179 = arith.constant 5 : i32
        %add3A_1180 = arith.addi %while3A_1015, %add3A_1179 : i32
        %mul3A_1181 = arith.constant 16 : i32
        %mul3A_1182 = arith.muli %add3A_1180, %mul3A_1181 : i32
        %get3A_1183 = arith.index_cast %mul3A_1182 : i32 to index
        %get3A_1184 = tpu.vector_load %arg10[%get3A_1183] {strides = array<i32>} : memref<8192xf32, #tpu.memory_space<vmem>>, vector<16xf32>,
        %sub3A_1185 = arith.subf %get3A_1184, %gather3A_335 : vector<16xf32>
        %get3A_1186 = arith.index_cast %mul3A_1182 : i32 to index
        %get3A_1187 = tpu.vector_load %arg11[%get3A_1186] {strides = array<i32>} : memref<8192xf32, #tpu.memory_space<vmem>>, vector<16xf32>,
        %sub3A_1188 = arith.subf %get3A_1187, %gather3A_347 : vector<16xf32>
        %get3A_1189 = arith.index_cast %mul3A_1182 : i32 to index
        %get3A_1190 = tpu.vector_load %arg12[%get3A_1189] {strides = array<i32>} : memref<8192xf32, #tpu.memory_space<vmem>>, vector<16xf32>,
        %sub3A_1191 = arith.subf %get3A_1190, %gather3A_359 : vector<16xf32>
        %mul3A_1192 = arith.mulf %sub3A_1185, %sub3A_1185 : vector<16xf32>
        %mul3A_1193 = arith.mulf %sub3A_1188, %sub3A_1188 : vector<16xf32>
        %add3A_1194 = arith.addf %mul3A_1192, %mul3A_1193 : vector<16xf32>
        %mul3A_1195 = arith.mulf %sub3A_1191, %sub3A_1191 : vector<16xf32>
        %add3A_1196 = arith.addf %add3A_1194, %mul3A_1195 : vector<16xf32>
        %le3A_1197 = arith.constant 4.000000e-02 : f32
        %le3A_1198 = vector.broadcast %le3A_1197 : f32 to vector<16xf32>
        %le3A_1199 = arith.cmpf ole, %add3A_1196, %le3A_1198 : vector<16xf32>
        %convert_element_type3A_1200 = arith.extui %le3A_1199 : vector<16xi1> to vector<16xi32>
        %broadcast_in_dim3A_1201 = arith.constant true
        %broadcast_in_dim3A_1202 = vector.broadcast %broadcast_in_dim3A_1201 : i1 to vector<16xi1>
        %masked_cumsum3A_1203 = tpu.scan <sum>, %convert_element_type3A_1200 masked %broadcast_in_dim3A_1202 : vector<16xi32>, vector<16xi1> -> vector<16xi32>
        %add3A_1204 = arith.addi %add3A_1178, %masked_cumsum3A_1203 : vector<16xi32>
        %sub3A_1205 = arith.constant 1 : i32
        %sub3A_1206 = vector.broadcast %sub3A_1205 : i32 to vector<16xi32>
        %sub3A_1207 = arith.subi %add3A_1204, %sub3A_1206 : vector<16xi32>
        %add3A_1208 = vector.broadcast %mul3A_1182 : i32 to vector<16xi32>
        %add3A_1209 = arith.addi %iota3A, %add3A_1208 : vector<16xi32>
        tpu.vector_store_idx %arg16[%sub3A_1207], %add3A_1209 masked %le3A_1199 : memref<160xi32, #tpu.memory_space<vmem>>[vector<16xi32>], vector<16xi32>, vector<16xi1>
        %all_reduce_population_count3A_1210 = tpu.all_reduce %le3A_1199 {dim = 0 : i64, kind = #tpu.reduction_kind<sum>} : vector<16xi1> -> vector<16xi32>
        %add3A_1211 = arith.addi %add3A_1178, %all_reduce_population_count3A_1210 : vector<16xi32>
        %add3A_1212 = arith.constant 6 : i32
        %add3A_1213 = arith.addi %while3A_1015, %add3A_1212 : i32
        %mul3A_1214 = arith.constant 16 : i32
        %mul3A_1215 = arith.muli %add3A_1213, %mul3A_1214 : i32
        %get3A_1216 = arith.index_cast %mul3A_1215 : i32 to index
        %get3A_1217 = tpu.vector_load %arg10[%get3A_1216] {strides = array<i32>} : memref<8192xf32, #tpu.memory_space<vmem>>, vector<16xf32>,
        %sub3A_1218 = arith.subf %get3A_1217, %gather3A_335 : vector<16xf32>
        %get3A_1219 = arith.index_cast %mul3A_1215 : i32 to index
        %get3A_1220 = tpu.vector_load %arg11[%get3A_1219] {strides = array<i32>} : memref<8192xf32, #tpu.memory_space<vmem>>, vector<16xf32>,
        %sub3A_1221 = arith.subf %get3A_1220, %gather3A_347 : vector<16xf32>
        %get3A_1222 = arith.index_cast %mul3A_1215 : i32 to index
        %get3A_1223 = tpu.vector_load %arg12[%get3A_1222] {strides = array<i32>} : memref<8192xf32, #tpu.memory_space<vmem>>, vector<16xf32>,
        %sub3A_1224 = arith.subf %get3A_1223, %gather3A_359 : vector<16xf32>
        %mul3A_1225 = arith.mulf %sub3A_1218, %sub3A_1218 : vector<16xf32>
        %mul3A_1226 = arith.mulf %sub3A_1221, %sub3A_1221 : vector<16xf32>
        %add3A_1227 = arith.addf %mul3A_1225, %mul3A_1226 : vector<16xf32>
        %mul3A_1228 = arith.mulf %sub3A_1224, %sub3A_1224 : vector<16xf32>
        %add3A_1229 = arith.addf %add3A_1227, %mul3A_1228 : vector<16xf32>
        %le3A_1230 = arith.constant 4.000000e-02 : f32
        %le3A_1231 = vector.broadcast %le3A_1230 : f32 to vector<16xf32>
        %le3A_1232 = arith.cmpf ole, %add3A_1229, %le3A_1231 : vector<16xf32>
        %convert_element_type3A_1233 = arith.extui %le3A_1232 : vector<16xi1> to vector<16xi32>
        %broadcast_in_dim3A_1234 = arith.constant true
        %broadcast_in_dim3A_1235 = vector.broadcast %broadcast_in_dim3A_1234 : i1 to vector<16xi1>
        %masked_cumsum3A_1236 = tpu.scan <sum>, %convert_element_type3A_1233 masked %broadcast_in_dim3A_1235 : vector<16xi32>, vector<16xi1> -> vector<16xi32>
        %add3A_1237 = arith.addi %add3A_1211, %masked_cumsum3A_1236 : vector<16xi32>
        %sub3A_1238 = arith.constant 1 : i32
        %sub3A_1239 = vector.broadcast %sub3A_1238 : i32 to vector<16xi32>
        %sub3A_1240 = arith.subi %add3A_1237, %sub3A_1239 : vector<16xi32>
        %add3A_1241 = vector.broadcast %mul3A_1215 : i32 to vector<16xi32>
        %add3A_1242 = arith.addi %iota3A, %add3A_1241 : vector<16xi32>
        tpu.vector_store_idx %arg16[%sub3A_1240], %add3A_1242 masked %le3A_1232 : memref<160xi32, #tpu.memory_space<vmem>>[vector<16xi32>], vector<16xi32>, vector<16xi1>
        %all_reduce_population_count3A_1243 = tpu.all_reduce %le3A_1232 {dim = 0 : i64, kind = #tpu.reduction_kind<sum>} : vector<16xi1> -> vector<16xi32>
        %add3A_1244 = arith.addi %add3A_1211, %all_reduce_population_count3A_1243 : vector<16xi32>
        %add3A_1245 = arith.constant 7 : i32
        %add3A_1246 = arith.addi %while3A_1015, %add3A_1245 : i32
        %mul3A_1247 = arith.constant 16 : i32
        %mul3A_1248 = arith.muli %add3A_1246, %mul3A_1247 : i32
        %get3A_1249 = arith.index_cast %mul3A_1248 : i32 to index
        %get3A_1250 = tpu.vector_load %arg10[%get3A_1249] {strides = array<i32>} : memref<8192xf32, #tpu.memory_space<vmem>>, vector<16xf32>,
        %sub3A_1251 = arith.subf %get3A_1250, %gather3A_335 : vector<16xf32>
        %get3A_1252 = arith.index_cast %mul3A_1248 : i32 to index
        %get3A_1253 = tpu.vector_load %arg11[%get3A_1252] {strides = array<i32>} : memref<8192xf32, #tpu.memory_space<vmem>>, vector<16xf32>,
        %sub3A_1254 = arith.subf %get3A_1253, %gather3A_347 : vector<16xf32>
        %get3A_1255 = arith.index_cast %mul3A_1248 : i32 to index
        %get3A_1256 = tpu.vector_load %arg12[%get3A_1255] {strides = array<i32>} : memref<8192xf32, #tpu.memory_space<vmem>>, vector<16xf32>,
        %sub3A_1257 = arith.subf %get3A_1256, %gather3A_359 : vector<16xf32>
        %mul3A_1258 = arith.mulf %sub3A_1251, %sub3A_1251 : vector<16xf32>
        %mul3A_1259 = arith.mulf %sub3A_1254, %sub3A_1254 : vector<16xf32>
        %add3A_1260 = arith.addf %mul3A_1258, %mul3A_1259 : vector<16xf32>
        %mul3A_1261 = arith.mulf %sub3A_1257, %sub3A_1257 : vector<16xf32>
        %add3A_1262 = arith.addf %add3A_1260, %mul3A_1261 : vector<16xf32>
        %le3A_1263 = arith.constant 4.000000e-02 : f32
        %le3A_1264 = vector.broadcast %le3A_1263 : f32 to vector<16xf32>
        %le3A_1265 = arith.cmpf ole, %add3A_1262, %le3A_1264 : vector<16xf32>
        %convert_element_type3A_1266 = arith.extui %le3A_1265 : vector<16xi1> to vector<16xi32>
        %broadcast_in_dim3A_1267 = arith.constant true
        %broadcast_in_dim3A_1268 = vector.broadcast %broadcast_in_dim3A_1267 : i1 to vector<16xi1>
        %masked_cumsum3A_1269 = tpu.scan <sum>, %convert_element_type3A_1266 masked %broadcast_in_dim3A_1268 : vector<16xi32>, vector<16xi1> -> vector<16xi32>
        %add3A_1270 = arith.addi %add3A_1244, %masked_cumsum3A_1269 : vector<16xi32>
        %sub3A_1271 = arith.constant 1 : i32
        %sub3A_1272 = vector.broadcast %sub3A_1271 : i32 to vector<16xi32>
        %sub3A_1273 = arith.subi %add3A_1270, %sub3A_1272 : vector<16xi32>
        %add3A_1274 = vector.broadcast %mul3A_1248 : i32 to vector<16xi32>
        %add3A_1275 = arith.addi %iota3A, %add3A_1274 : vector<16xi32>
        tpu.vector_store_idx %arg16[%sub3A_1273], %add3A_1275 masked %le3A_1265 : memref<160xi32, #tpu.memory_space<vmem>>[vector<16xi32>], vector<16xi32>, vector<16xi1>
        %all_reduce_population_count3A_1276 = tpu.all_reduce %le3A_1265 {dim = 0 : i64, kind = #tpu.reduction_kind<sum>} : vector<16xi1> -> vector<16xi32>
        %add3A_1277 = arith.addi %add3A_1244, %all_reduce_population_count3A_1276 : vector<16xi32>
        %add3A_1278 = arith.constant 8 : i32
        %add3A_1279 = arith.addi %while3A_1015, %add3A_1278 : i32
        %reduce_max3A = arith.constant true
        %reduce_max3A_1280 = vector.broadcast %reduce_max3A : i1 to vector<16xi1>
        %reduce_max3A_1281 = arith.constant -2147483648 : i32
        %reduce_max3A_1282 = vector.broadcast %reduce_max3A_1281 : i32 to vector<16xi32>
        %reduce_max3A_1283 = arith.xori %add3A_1277, %reduce_max3A_1282 : vector<16xi32>
        %reduce_max3A_1284 = tpu.scan <max>, %reduce_max3A_1283 masked %reduce_max3A_1280 : vector<16xi32>, vector<16xi1> -> vector<16xi32>
        %reduce_max3A_1285 = arith.xori %reduce_max3A_1284, %reduce_max3A_1282 : vector<16xi32>
        %reduce_max3A_1286 = vector.extract %reduce_max3A_1285[15] : i32 from vector<16xi32>
        scf.yield %add3A_1279, %reduce_max3A_1286 : i32, i32
      }
      %min3A_363 = arith.constant 32 : i32
      %min3A_364 = arith.minsi %while3A_362#1, %min3A_363 : i32
      %get3A_365 = arith.constant 0 : index
      %get3A_366 = tpu.vector_load %arg16[%get3A_365] {strides = array<i32>} : memref<160xi32, #tpu.memory_space<vmem>>, vector<16xi32>,
      %broadcast_in_dim3A_367 = arith.constant 0 : i32
      %broadcast_in_dim3A_368 = vector.broadcast %broadcast_in_dim3A_367 : i32 to vector<16xi32>
      %lt3A_369 = arith.constant 0 : i32
      %lt3A_370 = vector.broadcast %lt3A_369 : i32 to vector<16xi32>
      %lt3A_371 = arith.cmpi slt, %broadcast_in_dim3A_368, %lt3A_370 : vector<16xi32>
      %add3A_372 = arith.constant 16 : i32
      %add3A_373 = vector.broadcast %add3A_372 : i32 to vector<16xi32>
      %add3A_374 = arith.addi %broadcast_in_dim3A_368, %add3A_373 : vector<16xi32>
      %select_n3A_375 = arith.select %lt3A_371, %add3A_374, %broadcast_in_dim3A_368 : vector<16xi1>, vector<16xi32>
      %broadcast_in_dim3A_376 = vector.shape_cast %select_n3A_375 : vector<16xi32> to vector<16x1xi32>
      %gather3A_377 = vector.shape_cast %broadcast_in_dim3A_376 : vector<16x1xi32> to vector<16xi32>
      %gather3A_378 = tpu.dynamic_gather %get3A_366[%gather3A_377] in [0] : vector<16xi32>, vector<16xi32> -> vector<16xi32>
      %lt3A_379 = vector.broadcast %min3A_364 : i32 to vector<16xi32>
      %lt3A_380 = arith.cmpi slt, %iota3A, %lt3A_379 : vector<16xi32>
      %select_n3A_381 = arith.select %lt3A_380, %get3A_366, %gather3A_378 : vector<16xi1>, vector<16xi32>
      %add3A_382 = arith.constant 16 : i32
      %add3A_383 = vector.broadcast %add3A_382 : i32 to vector<16xi32>
      %add3A_384 = arith.addi %iota3A, %add3A_383 : vector<16xi32>
      %lt3A_385 = vector.broadcast %min3A_364 : i32 to vector<16xi32>
      %lt3A_386 = arith.cmpi slt, %add3A_384, %lt3A_385 : vector<16xi32>
      %get3A_387 = arith.constant 16 : index
      %get3A_388 = tpu.vector_load %arg16[%get3A_387] {strides = array<i32>} : memref<160xi32, #tpu.memory_space<vmem>>, vector<16xi32>,
      %select_n3A_389 = arith.select %lt3A_386, %get3A_388, %gather3A_378 : vector<16xi1>, vector<16xi32>
      %add3A_390 = vector.broadcast %mul3A_34 : i32 to vector<16xi32>
      %add3A_391 = arith.addi %select_n3A_381, %add3A_390 : vector<16xi32>
      %swap3A_392 = arith.constant 64 : index
      %swap3A_393 = tpu.vector_load %arg17[%swap3A_392] {strides = array<i32>} : memref<256xi32, #tpu.memory_space<vmem>>, vector<16xi32>,
      tpu.vector_store %arg17[%swap3A_392], %add3A_391 {strides = array<i32>} : memref<256xi32, #tpu.memory_space<vmem>>, vector<16xi32>,
      %add3A_394 = vector.broadcast %mul3A_34 : i32 to vector<16xi32>
      %add3A_395 = arith.addi %select_n3A_389, %add3A_394 : vector<16xi32>
      %swap3A_396 = arith.constant 80 : index
      %swap3A_397 = tpu.vector_load %arg17[%swap3A_396] {strides = array<i32>} : memref<256xi32, #tpu.memory_space<vmem>>, vector<16xi32>,
      tpu.vector_store %arg17[%swap3A_396], %add3A_395 {strides = array<i32>} : memref<256xi32, #tpu.memory_space<vmem>>, vector<16xi32>,
      %mul3A_398 = arith.constant 8 : i32
      %mul3A_399 = arith.muli %scan3A_40, %mul3A_398 : i32
      %add3A_400 = arith.constant 3 : i32
      %add3A_401 = arith.addi %mul3A_399, %add3A_400 : i32
      %jit3A_402 = arith.constant 16 : i32
      %div3A_403 = arith.divsi %add3A_401, %jit3A_402 : i32
      %sign3A_404 = arith.constant 0 : i32
      %sign3A_405 = arith.cmpi sgt, %add3A_401, %sign3A_404 : i32
      %sign3A_406 = arith.extui %sign3A_405 : i1 to i32
      %sign3A_407 = arith.constant 0 : i32
      %sign3A_408 = arith.cmpi slt, %add3A_401, %sign3A_407 : i32
      %sign3A_409 = arith.extui %sign3A_408 : i1 to i32
      %sign3A_410 = arith.subi %sign3A_406, %sign3A_409 : i32
      %sign3A_411 = arith.constant 0 : i32
      %sign3A_412 = arith.cmpi sgt, %jit3A_402, %sign3A_411 : i32
      %sign3A_413 = arith.extui %sign3A_412 : i1 to i32
      %sign3A_414 = arith.constant 0 : i32
      %sign3A_415 = arith.cmpi slt, %jit3A_402, %sign3A_414 : i32
      %sign3A_416 = arith.extui %sign3A_415 : i1 to i32
      %sign3A_417 = arith.subi %sign3A_413, %sign3A_416 : i32
      %ne3A_418 = arith.cmpi ne, %sign3A_410, %sign3A_417 : i32
      %rem3A_419 = arith.remsi %add3A_401, %jit3A_402 : i32
      %ne3A_420 = arith.constant 0 : i32
      %ne3A_421 = arith.cmpi ne, %rem3A_419, %ne3A_420 : i32
      %and3A_422 = arith.andi %ne3A_418, %ne3A_421 : i1
      %sub3A_423 = arith.constant 1 : i32
      %sub3A_424 = arith.subi %div3A_403, %sub3A_423 : i32
      %select_n3A_425 = arith.select %and3A_422, %sub3A_424, %div3A_403 : i32
      %mul3A_426 = arith.constant 16 : i32
      %mul3A_427 = arith.muli %select_n3A_425, %mul3A_426 : i32
      %jit3A_428 = arith.constant 16 : i32
      %eq3A_429 = arith.constant 0 : i32
      %eq3A_430 = arith.cmpi eq, %jit3A_428, %eq3A_429 : i32
      %jit3A_431 = arith.constant 1 : i32
      %select_n3A_432 = arith.select %eq3A_430, %jit3A_431, %jit3A_428 : i32
      %rem3A_433 = arith.remsi %add3A_401, %select_n3A_432 : i32
      %ne3A_434 = arith.constant 0 : i32
      %ne3A_435 = arith.cmpi ne, %rem3A_433, %ne3A_434 : i32
      %lt3A_436 = arith.constant 0 : i32
      %lt3A_437 = arith.cmpi slt, %rem3A_433, %lt3A_436 : i32
      %lt3A_438 = arith.constant 0 : i32
      %lt3A_439 = arith.cmpi slt, %select_n3A_432, %lt3A_438 : i32
      %ne3A_440 = arith.xori %lt3A_437, %lt3A_439 : i1
      %and3A_441 = arith.andi %ne3A_440, %ne3A_435 : i1
      %add3A_442 = arith.addi %rem3A_433, %select_n3A_432 : i32
      %select_n3A_443 = arith.select %and3A_441, %add3A_442, %rem3A_433 : i32
      %broadcast_in_dim3A_444 = vector.broadcast %select_n3A_443 : i32 to vector<16xi32>
      %get3A_445 = arith.index_cast %mul3A_427 : i32 to index
      %get3A_446 = tpu.vector_load %arg13[%get3A_445] {strides = array<i32>} : memref<128xf32, #tpu.memory_space<vmem>>, vector<16xf32>,
      %lt3A_447 = arith.constant 0 : i32
      %lt3A_448 = vector.broadcast %lt3A_447 : i32 to vector<16xi32>
      %lt3A_449 = arith.cmpi slt, %broadcast_in_dim3A_444, %lt3A_448 : vector<16xi32>
      %add3A_450 = arith.constant 16 : i32
      %add3A_451 = vector.broadcast %add3A_450 : i32 to vector<16xi32>
      %add3A_452 = arith.addi %broadcast_in_dim3A_444, %add3A_451 : vector<16xi32>
      %select_n3A_453 = arith.select %lt3A_449, %add3A_452, %broadcast_in_dim3A_444 : vector<16xi1>, vector<16xi32>
      %broadcast_in_dim3A_454 = vector.shape_cast %select_n3A_453 : vector<16xi32> to vector<16x1xi32>
      %gather3A_455 = vector.shape_cast %broadcast_in_dim3A_454 : vector<16x1xi32> to vector<16xi32>
      %gather3A_456 = tpu.dynamic_gather %get3A_446[%gather3A_455] in [0] : vector<16xf32>, vector<16xi32> -> vector<16xf32>
      %get3A_457 = arith.index_cast %mul3A_427 : i32 to index
      %get3A_458 = tpu.vector_load %arg14[%get3A_457] {strides = array<i32>} : memref<128xf32, #tpu.memory_space<vmem>>, vector<16xf32>,
      %lt3A_459 = arith.constant 0 : i32
      %lt3A_460 = vector.broadcast %lt3A_459 : i32 to vector<16xi32>
      %lt3A_461 = arith.cmpi slt, %broadcast_in_dim3A_444, %lt3A_460 : vector<16xi32>
      %add3A_462 = arith.constant 16 : i32
      %add3A_463 = vector.broadcast %add3A_462 : i32 to vector<16xi32>
      %add3A_464 = arith.addi %broadcast_in_dim3A_444, %add3A_463 : vector<16xi32>
      %select_n3A_465 = arith.select %lt3A_461, %add3A_464, %broadcast_in_dim3A_444 : vector<16xi1>, vector<16xi32>
      %broadcast_in_dim3A_466 = vector.shape_cast %select_n3A_465 : vector<16xi32> to vector<16x1xi32>
      %gather3A_467 = vector.shape_cast %broadcast_in_dim3A_466 : vector<16x1xi32> to vector<16xi32>
      %gather3A_468 = tpu.dynamic_gather %get3A_458[%gather3A_467] in [0] : vector<16xf32>, vector<16xi32> -> vector<16xf32>
      %get3A_469 = arith.index_cast %mul3A_427 : i32 to index
      %get3A_470 = tpu.vector_load %arg15[%get3A_469] {strides = array<i32>} : memref<128xf32, #tpu.memory_space<vmem>>, vector<16xf32>,
      %lt3A_471 = arith.constant 0 : i32
      %lt3A_472 = vector.broadcast %lt3A_471 : i32 to vector<16xi32>
      %lt3A_473 = arith.cmpi slt, %broadcast_in_dim3A_444, %lt3A_472 : vector<16xi32>
      %add3A_474 = arith.constant 16 : i32
      %add3A_475 = vector.broadcast %add3A_474 : i32 to vector<16xi32>
      %add3A_476 = arith.addi %broadcast_in_dim3A_444, %add3A_475 : vector<16xi32>
      %select_n3A_477 = arith.select %lt3A_473, %add3A_476, %broadcast_in_dim3A_444 : vector<16xi1>, vector<16xi32>
      %broadcast_in_dim3A_478 = vector.shape_cast %select_n3A_477 : vector<16xi32> to vector<16x1xi32>
      %gather3A_479 = vector.shape_cast %broadcast_in_dim3A_478 : vector<16x1xi32> to vector<16xi32>
      %gather3A_480 = tpu.dynamic_gather %get3A_470[%gather3A_479] in [0] : vector<16xf32>, vector<16xi32> -> vector<16xf32>
      %while3A_481 = arith.constant 0 : i32
      %while3A_482 = arith.constant 0 : i32
      %while3A_483:2 = scf.while (%while3A_1015 = %while3A_481, %while3A_1016 = %while3A_482) : (i32, i32) -> (i32, i32) {
        %lt3A_1017 = arith.constant 32 : i32
        %lt3A_1018 = arith.cmpi slt, %while3A_1016, %lt3A_1017 : i32
        %lt3A_1019 = arith.constant 512 : i32
        %lt3A_1020 = arith.cmpi slt, %while3A_1015, %lt3A_1019 : i32
        %and3A_1021 = arith.andi %lt3A_1018, %lt3A_1020 : i1
        scf.condition(%and3A_1021) %while3A_1015, %while3A_1016 : i32, i32
      } do {
      ^bb0(%while3A_1015: i32, %while3A_1016: i32):
        %broadcast_in_dim3A_1017 = vector.broadcast %while3A_1016 : i32 to vector<16xi32>
        %add3A_1018 = arith.constant 0 : i32
        %add3A_1019 = arith.addi %while3A_1015, %add3A_1018 : i32
        %mul3A_1020 = arith.constant 16 : i32
        %mul3A_1021 = arith.muli %add3A_1019, %mul3A_1020 : i32
        %get3A_1022 = arith.index_cast %mul3A_1021 : i32 to index
        %get3A_1023 = tpu.vector_load %arg10[%get3A_1022] {strides = array<i32>} : memref<8192xf32, #tpu.memory_space<vmem>>, vector<16xf32>,
        %sub3A_1024 = arith.subf %get3A_1023, %gather3A_456 : vector<16xf32>
        %get3A_1025 = arith.index_cast %mul3A_1021 : i32 to index
        %get3A_1026 = tpu.vector_load %arg11[%get3A_1025] {strides = array<i32>} : memref<8192xf32, #tpu.memory_space<vmem>>, vector<16xf32>,
        %sub3A_1027 = arith.subf %get3A_1026, %gather3A_468 : vector<16xf32>
        %get3A_1028 = arith.index_cast %mul3A_1021 : i32 to index
        %get3A_1029 = tpu.vector_load %arg12[%get3A_1028] {strides = array<i32>} : memref<8192xf32, #tpu.memory_space<vmem>>, vector<16xf32>,
        %sub3A_1030 = arith.subf %get3A_1029, %gather3A_480 : vector<16xf32>
        %mul3A_1031 = arith.mulf %sub3A_1024, %sub3A_1024 : vector<16xf32>
        %mul3A_1032 = arith.mulf %sub3A_1027, %sub3A_1027 : vector<16xf32>
        %add3A_1033 = arith.addf %mul3A_1031, %mul3A_1032 : vector<16xf32>
        %mul3A_1034 = arith.mulf %sub3A_1030, %sub3A_1030 : vector<16xf32>
        %add3A_1035 = arith.addf %add3A_1033, %mul3A_1034 : vector<16xf32>
        %le3A = arith.constant 4.000000e-02 : f32
        %le3A_1036 = vector.broadcast %le3A : f32 to vector<16xf32>
        %le3A_1037 = arith.cmpf ole, %add3A_1035, %le3A_1036 : vector<16xf32>
        %convert_element_type3A = arith.extui %le3A_1037 : vector<16xi1> to vector<16xi32>
        %broadcast_in_dim3A_1038 = arith.constant true
        %broadcast_in_dim3A_1039 = vector.broadcast %broadcast_in_dim3A_1038 : i1 to vector<16xi1>
        %masked_cumsum3A = tpu.scan <sum>, %convert_element_type3A masked %broadcast_in_dim3A_1039 : vector<16xi32>, vector<16xi1> -> vector<16xi32>
        %add3A_1040 = arith.addi %broadcast_in_dim3A_1017, %masked_cumsum3A : vector<16xi32>
        %sub3A_1041 = arith.constant 1 : i32
        %sub3A_1042 = vector.broadcast %sub3A_1041 : i32 to vector<16xi32>
        %sub3A_1043 = arith.subi %add3A_1040, %sub3A_1042 : vector<16xi32>
        %add3A_1044 = vector.broadcast %mul3A_1021 : i32 to vector<16xi32>
        %add3A_1045 = arith.addi %iota3A, %add3A_1044 : vector<16xi32>
        tpu.vector_store_idx %arg16[%sub3A_1043], %add3A_1045 masked %le3A_1037 : memref<160xi32, #tpu.memory_space<vmem>>[vector<16xi32>], vector<16xi32>, vector<16xi1>
        %all_reduce_population_count3A = tpu.all_reduce %le3A_1037 {dim = 0 : i64, kind = #tpu.reduction_kind<sum>} : vector<16xi1> -> vector<16xi32>
        %add3A_1046 = arith.addi %broadcast_in_dim3A_1017, %all_reduce_population_count3A : vector<16xi32>
        %add3A_1047 = arith.constant 1 : i32
        %add3A_1048 = arith.addi %while3A_1015, %add3A_1047 : i32
        %mul3A_1049 = arith.constant 16 : i32
        %mul3A_1050 = arith.muli %add3A_1048, %mul3A_1049 : i32
        %get3A_1051 = arith.index_cast %mul3A_1050 : i32 to index
        %get3A_1052 = tpu.vector_load %arg10[%get3A_1051] {strides = array<i32>} : memref<8192xf32, #tpu.memory_space<vmem>>, vector<16xf32>,
        %sub3A_1053 = arith.subf %get3A_1052, %gather3A_456 : vector<16xf32>
        %get3A_1054 = arith.index_cast %mul3A_1050 : i32 to index
        %get3A_1055 = tpu.vector_load %arg11[%get3A_1054] {strides = array<i32>} : memref<8192xf32, #tpu.memory_space<vmem>>, vector<16xf32>,
        %sub3A_1056 = arith.subf %get3A_1055, %gather3A_468 : vector<16xf32>
        %get3A_1057 = arith.index_cast %mul3A_1050 : i32 to index
        %get3A_1058 = tpu.vector_load %arg12[%get3A_1057] {strides = array<i32>} : memref<8192xf32, #tpu.memory_space<vmem>>, vector<16xf32>,
        %sub3A_1059 = arith.subf %get3A_1058, %gather3A_480 : vector<16xf32>
        %mul3A_1060 = arith.mulf %sub3A_1053, %sub3A_1053 : vector<16xf32>
        %mul3A_1061 = arith.mulf %sub3A_1056, %sub3A_1056 : vector<16xf32>
        %add3A_1062 = arith.addf %mul3A_1060, %mul3A_1061 : vector<16xf32>
        %mul3A_1063 = arith.mulf %sub3A_1059, %sub3A_1059 : vector<16xf32>
        %add3A_1064 = arith.addf %add3A_1062, %mul3A_1063 : vector<16xf32>
        %le3A_1065 = arith.constant 4.000000e-02 : f32
        %le3A_1066 = vector.broadcast %le3A_1065 : f32 to vector<16xf32>
        %le3A_1067 = arith.cmpf ole, %add3A_1064, %le3A_1066 : vector<16xf32>
        %convert_element_type3A_1068 = arith.extui %le3A_1067 : vector<16xi1> to vector<16xi32>
        %broadcast_in_dim3A_1069 = arith.constant true
        %broadcast_in_dim3A_1070 = vector.broadcast %broadcast_in_dim3A_1069 : i1 to vector<16xi1>
        %masked_cumsum3A_1071 = tpu.scan <sum>, %convert_element_type3A_1068 masked %broadcast_in_dim3A_1070 : vector<16xi32>, vector<16xi1> -> vector<16xi32>
        %add3A_1072 = arith.addi %add3A_1046, %masked_cumsum3A_1071 : vector<16xi32>
        %sub3A_1073 = arith.constant 1 : i32
        %sub3A_1074 = vector.broadcast %sub3A_1073 : i32 to vector<16xi32>
        %sub3A_1075 = arith.subi %add3A_1072, %sub3A_1074 : vector<16xi32>
        %add3A_1076 = vector.broadcast %mul3A_1050 : i32 to vector<16xi32>
        %add3A_1077 = arith.addi %iota3A, %add3A_1076 : vector<16xi32>
        tpu.vector_store_idx %arg16[%sub3A_1075], %add3A_1077 masked %le3A_1067 : memref<160xi32, #tpu.memory_space<vmem>>[vector<16xi32>], vector<16xi32>, vector<16xi1>
        %all_reduce_population_count3A_1078 = tpu.all_reduce %le3A_1067 {dim = 0 : i64, kind = #tpu.reduction_kind<sum>} : vector<16xi1> -> vector<16xi32>
        %add3A_1079 = arith.addi %add3A_1046, %all_reduce_population_count3A_1078 : vector<16xi32>
        %add3A_1080 = arith.constant 2 : i32
        %add3A_1081 = arith.addi %while3A_1015, %add3A_1080 : i32
        %mul3A_1082 = arith.constant 16 : i32
        %mul3A_1083 = arith.muli %add3A_1081, %mul3A_1082 : i32
        %get3A_1084 = arith.index_cast %mul3A_1083 : i32 to index
        %get3A_1085 = tpu.vector_load %arg10[%get3A_1084] {strides = array<i32>} : memref<8192xf32, #tpu.memory_space<vmem>>, vector<16xf32>,
        %sub3A_1086 = arith.subf %get3A_1085, %gather3A_456 : vector<16xf32>
        %get3A_1087 = arith.index_cast %mul3A_1083 : i32 to index
        %get3A_1088 = tpu.vector_load %arg11[%get3A_1087] {strides = array<i32>} : memref<8192xf32, #tpu.memory_space<vmem>>, vector<16xf32>,
        %sub3A_1089 = arith.subf %get3A_1088, %gather3A_468 : vector<16xf32>
        %get3A_1090 = arith.index_cast %mul3A_1083 : i32 to index
        %get3A_1091 = tpu.vector_load %arg12[%get3A_1090] {strides = array<i32>} : memref<8192xf32, #tpu.memory_space<vmem>>, vector<16xf32>,
        %sub3A_1092 = arith.subf %get3A_1091, %gather3A_480 : vector<16xf32>
        %mul3A_1093 = arith.mulf %sub3A_1086, %sub3A_1086 : vector<16xf32>
        %mul3A_1094 = arith.mulf %sub3A_1089, %sub3A_1089 : vector<16xf32>
        %add3A_1095 = arith.addf %mul3A_1093, %mul3A_1094 : vector<16xf32>
        %mul3A_1096 = arith.mulf %sub3A_1092, %sub3A_1092 : vector<16xf32>
        %add3A_1097 = arith.addf %add3A_1095, %mul3A_1096 : vector<16xf32>
        %le3A_1098 = arith.constant 4.000000e-02 : f32
        %le3A_1099 = vector.broadcast %le3A_1098 : f32 to vector<16xf32>
        %le3A_1100 = arith.cmpf ole, %add3A_1097, %le3A_1099 : vector<16xf32>
        %convert_element_type3A_1101 = arith.extui %le3A_1100 : vector<16xi1> to vector<16xi32>
        %broadcast_in_dim3A_1102 = arith.constant true
        %broadcast_in_dim3A_1103 = vector.broadcast %broadcast_in_dim3A_1102 : i1 to vector<16xi1>
        %masked_cumsum3A_1104 = tpu.scan <sum>, %convert_element_type3A_1101 masked %broadcast_in_dim3A_1103 : vector<16xi32>, vector<16xi1> -> vector<16xi32>
        %add3A_1105 = arith.addi %add3A_1079, %masked_cumsum3A_1104 : vector<16xi32>
        %sub3A_1106 = arith.constant 1 : i32
        %sub3A_1107 = vector.broadcast %sub3A_1106 : i32 to vector<16xi32>
        %sub3A_1108 = arith.subi %add3A_1105, %sub3A_1107 : vector<16xi32>
        %add3A_1109 = vector.broadcast %mul3A_1083 : i32 to vector<16xi32>
        %add3A_1110 = arith.addi %iota3A, %add3A_1109 : vector<16xi32>
        tpu.vector_store_idx %arg16[%sub3A_1108], %add3A_1110 masked %le3A_1100 : memref<160xi32, #tpu.memory_space<vmem>>[vector<16xi32>], vector<16xi32>, vector<16xi1>
        %all_reduce_population_count3A_1111 = tpu.all_reduce %le3A_1100 {dim = 0 : i64, kind = #tpu.reduction_kind<sum>} : vector<16xi1> -> vector<16xi32>
        %add3A_1112 = arith.addi %add3A_1079, %all_reduce_population_count3A_1111 : vector<16xi32>
        %add3A_1113 = arith.constant 3 : i32
        %add3A_1114 = arith.addi %while3A_1015, %add3A_1113 : i32
        %mul3A_1115 = arith.constant 16 : i32
        %mul3A_1116 = arith.muli %add3A_1114, %mul3A_1115 : i32
        %get3A_1117 = arith.index_cast %mul3A_1116 : i32 to index
        %get3A_1118 = tpu.vector_load %arg10[%get3A_1117] {strides = array<i32>} : memref<8192xf32, #tpu.memory_space<vmem>>, vector<16xf32>,
        %sub3A_1119 = arith.subf %get3A_1118, %gather3A_456 : vector<16xf32>
        %get3A_1120 = arith.index_cast %mul3A_1116 : i32 to index
        %get3A_1121 = tpu.vector_load %arg11[%get3A_1120] {strides = array<i32>} : memref<8192xf32, #tpu.memory_space<vmem>>, vector<16xf32>,
        %sub3A_1122 = arith.subf %get3A_1121, %gather3A_468 : vector<16xf32>
        %get3A_1123 = arith.index_cast %mul3A_1116 : i32 to index
        %get3A_1124 = tpu.vector_load %arg12[%get3A_1123] {strides = array<i32>} : memref<8192xf32, #tpu.memory_space<vmem>>, vector<16xf32>,
        %sub3A_1125 = arith.subf %get3A_1124, %gather3A_480 : vector<16xf32>
        %mul3A_1126 = arith.mulf %sub3A_1119, %sub3A_1119 : vector<16xf32>
        %mul3A_1127 = arith.mulf %sub3A_1122, %sub3A_1122 : vector<16xf32>
        %add3A_1128 = arith.addf %mul3A_1126, %mul3A_1127 : vector<16xf32>
        %mul3A_1129 = arith.mulf %sub3A_1125, %sub3A_1125 : vector<16xf32>
        %add3A_1130 = arith.addf %add3A_1128, %mul3A_1129 : vector<16xf32>
        %le3A_1131 = arith.constant 4.000000e-02 : f32
        %le3A_1132 = vector.broadcast %le3A_1131 : f32 to vector<16xf32>
        %le3A_1133 = arith.cmpf ole, %add3A_1130, %le3A_1132 : vector<16xf32>
        %convert_element_type3A_1134 = arith.extui %le3A_1133 : vector<16xi1> to vector<16xi32>
        %broadcast_in_dim3A_1135 = arith.constant true
        %broadcast_in_dim3A_1136 = vector.broadcast %broadcast_in_dim3A_1135 : i1 to vector<16xi1>
        %masked_cumsum3A_1137 = tpu.scan <sum>, %convert_element_type3A_1134 masked %broadcast_in_dim3A_1136 : vector<16xi32>, vector<16xi1> -> vector<16xi32>
        %add3A_1138 = arith.addi %add3A_1112, %masked_cumsum3A_1137 : vector<16xi32>
        %sub3A_1139 = arith.constant 1 : i32
        %sub3A_1140 = vector.broadcast %sub3A_1139 : i32 to vector<16xi32>
        %sub3A_1141 = arith.subi %add3A_1138, %sub3A_1140 : vector<16xi32>
        %add3A_1142 = vector.broadcast %mul3A_1116 : i32 to vector<16xi32>
        %add3A_1143 = arith.addi %iota3A, %add3A_1142 : vector<16xi32>
        tpu.vector_store_idx %arg16[%sub3A_1141], %add3A_1143 masked %le3A_1133 : memref<160xi32, #tpu.memory_space<vmem>>[vector<16xi32>], vector<16xi32>, vector<16xi1>
        %all_reduce_population_count3A_1144 = tpu.all_reduce %le3A_1133 {dim = 0 : i64, kind = #tpu.reduction_kind<sum>} : vector<16xi1> -> vector<16xi32>
        %add3A_1145 = arith.addi %add3A_1112, %all_reduce_population_count3A_1144 : vector<16xi32>
        %add3A_1146 = arith.constant 4 : i32
        %add3A_1147 = arith.addi %while3A_1015, %add3A_1146 : i32
        %mul3A_1148 = arith.constant 16 : i32
        %mul3A_1149 = arith.muli %add3A_1147, %mul3A_1148 : i32
        %get3A_1150 = arith.index_cast %mul3A_1149 : i32 to index
        %get3A_1151 = tpu.vector_load %arg10[%get3A_1150] {strides = array<i32>} : memref<8192xf32, #tpu.memory_space<vmem>>, vector<16xf32>,
        %sub3A_1152 = arith.subf %get3A_1151, %gather3A_456 : vector<16xf32>
        %get3A_1153 = arith.index_cast %mul3A_1149 : i32 to index
        %get3A_1154 = tpu.vector_load %arg11[%get3A_1153] {strides = array<i32>} : memref<8192xf32, #tpu.memory_space<vmem>>, vector<16xf32>,
        %sub3A_1155 = arith.subf %get3A_1154, %gather3A_468 : vector<16xf32>
        %get3A_1156 = arith.index_cast %mul3A_1149 : i32 to index
        %get3A_1157 = tpu.vector_load %arg12[%get3A_1156] {strides = array<i32>} : memref<8192xf32, #tpu.memory_space<vmem>>, vector<16xf32>,
        %sub3A_1158 = arith.subf %get3A_1157, %gather3A_480 : vector<16xf32>
        %mul3A_1159 = arith.mulf %sub3A_1152, %sub3A_1152 : vector<16xf32>
        %mul3A_1160 = arith.mulf %sub3A_1155, %sub3A_1155 : vector<16xf32>
        %add3A_1161 = arith.addf %mul3A_1159, %mul3A_1160 : vector<16xf32>
        %mul3A_1162 = arith.mulf %sub3A_1158, %sub3A_1158 : vector<16xf32>
        %add3A_1163 = arith.addf %add3A_1161, %mul3A_1162 : vector<16xf32>
        %le3A_1164 = arith.constant 4.000000e-02 : f32
        %le3A_1165 = vector.broadcast %le3A_1164 : f32 to vector<16xf32>
        %le3A_1166 = arith.cmpf ole, %add3A_1163, %le3A_1165 : vector<16xf32>
        %convert_element_type3A_1167 = arith.extui %le3A_1166 : vector<16xi1> to vector<16xi32>
        %broadcast_in_dim3A_1168 = arith.constant true
        %broadcast_in_dim3A_1169 = vector.broadcast %broadcast_in_dim3A_1168 : i1 to vector<16xi1>
        %masked_cumsum3A_1170 = tpu.scan <sum>, %convert_element_type3A_1167 masked %broadcast_in_dim3A_1169 : vector<16xi32>, vector<16xi1> -> vector<16xi32>
        %add3A_1171 = arith.addi %add3A_1145, %masked_cumsum3A_1170 : vector<16xi32>
        %sub3A_1172 = arith.constant 1 : i32
        %sub3A_1173 = vector.broadcast %sub3A_1172 : i32 to vector<16xi32>
        %sub3A_1174 = arith.subi %add3A_1171, %sub3A_1173 : vector<16xi32>
        %add3A_1175 = vector.broadcast %mul3A_1149 : i32 to vector<16xi32>
        %add3A_1176 = arith.addi %iota3A, %add3A_1175 : vector<16xi32>
        tpu.vector_store_idx %arg16[%sub3A_1174], %add3A_1176 masked %le3A_1166 : memref<160xi32, #tpu.memory_space<vmem>>[vector<16xi32>], vector<16xi32>, vector<16xi1>
        %all_reduce_population_count3A_1177 = tpu.all_reduce %le3A_1166 {dim = 0 : i64, kind = #tpu.reduction_kind<sum>} : vector<16xi1> -> vector<16xi32>
        %add3A_1178 = arith.addi %add3A_1145, %all_reduce_population_count3A_1177 : vector<16xi32>
        %add3A_1179 = arith.constant 5 : i32
        %add3A_1180 = arith.addi %while3A_1015, %add3A_1179 : i32
        %mul3A_1181 = arith.constant 16 : i32
        %mul3A_1182 = arith.muli %add3A_1180, %mul3A_1181 : i32
        %get3A_1183 = arith.index_cast %mul3A_1182 : i32 to index
        %get3A_1184 = tpu.vector_load %arg10[%get3A_1183] {strides = array<i32>} : memref<8192xf32, #tpu.memory_space<vmem>>, vector<16xf32>,
        %sub3A_1185 = arith.subf %get3A_1184, %gather3A_456 : vector<16xf32>
        %get3A_1186 = arith.index_cast %mul3A_1182 : i32 to index
        %get3A_1187 = tpu.vector_load %arg11[%get3A_1186] {strides = array<i32>} : memref<8192xf32, #tpu.memory_space<vmem>>, vector<16xf32>,
        %sub3A_1188 = arith.subf %get3A_1187, %gather3A_468 : vector<16xf32>
        %get3A_1189 = arith.index_cast %mul3A_1182 : i32 to index
        %get3A_1190 = tpu.vector_load %arg12[%get3A_1189] {strides = array<i32>} : memref<8192xf32, #tpu.memory_space<vmem>>, vector<16xf32>,
        %sub3A_1191 = arith.subf %get3A_1190, %gather3A_480 : vector<16xf32>
        %mul3A_1192 = arith.mulf %sub3A_1185, %sub3A_1185 : vector<16xf32>
        %mul3A_1193 = arith.mulf %sub3A_1188, %sub3A_1188 : vector<16xf32>
        %add3A_1194 = arith.addf %mul3A_1192, %mul3A_1193 : vector<16xf32>
        %mul3A_1195 = arith.mulf %sub3A_1191, %sub3A_1191 : vector<16xf32>
        %add3A_1196 = arith.addf %add3A_1194, %mul3A_1195 : vector<16xf32>
        %le3A_1197 = arith.constant 4.000000e-02 : f32
        %le3A_1198 = vector.broadcast %le3A_1197 : f32 to vector<16xf32>
        %le3A_1199 = arith.cmpf ole, %add3A_1196, %le3A_1198 : vector<16xf32>
        %convert_element_type3A_1200 = arith.extui %le3A_1199 : vector<16xi1> to vector<16xi32>
        %broadcast_in_dim3A_1201 = arith.constant true
        %broadcast_in_dim3A_1202 = vector.broadcast %broadcast_in_dim3A_1201 : i1 to vector<16xi1>
        %masked_cumsum3A_1203 = tpu.scan <sum>, %convert_element_type3A_1200 masked %broadcast_in_dim3A_1202 : vector<16xi32>, vector<16xi1> -> vector<16xi32>
        %add3A_1204 = arith.addi %add3A_1178, %masked_cumsum3A_1203 : vector<16xi32>
        %sub3A_1205 = arith.constant 1 : i32
        %sub3A_1206 = vector.broadcast %sub3A_1205 : i32 to vector<16xi32>
        %sub3A_1207 = arith.subi %add3A_1204, %sub3A_1206 : vector<16xi32>
        %add3A_1208 = vector.broadcast %mul3A_1182 : i32 to vector<16xi32>
        %add3A_1209 = arith.addi %iota3A, %add3A_1208 : vector<16xi32>
        tpu.vector_store_idx %arg16[%sub3A_1207], %add3A_1209 masked %le3A_1199 : memref<160xi32, #tpu.memory_space<vmem>>[vector<16xi32>], vector<16xi32>, vector<16xi1>
        %all_reduce_population_count3A_1210 = tpu.all_reduce %le3A_1199 {dim = 0 : i64, kind = #tpu.reduction_kind<sum>} : vector<16xi1> -> vector<16xi32>
        %add3A_1211 = arith.addi %add3A_1178, %all_reduce_population_count3A_1210 : vector<16xi32>
        %add3A_1212 = arith.constant 6 : i32
        %add3A_1213 = arith.addi %while3A_1015, %add3A_1212 : i32
        %mul3A_1214 = arith.constant 16 : i32
        %mul3A_1215 = arith.muli %add3A_1213, %mul3A_1214 : i32
        %get3A_1216 = arith.index_cast %mul3A_1215 : i32 to index
        %get3A_1217 = tpu.vector_load %arg10[%get3A_1216] {strides = array<i32>} : memref<8192xf32, #tpu.memory_space<vmem>>, vector<16xf32>,
        %sub3A_1218 = arith.subf %get3A_1217, %gather3A_456 : vector<16xf32>
        %get3A_1219 = arith.index_cast %mul3A_1215 : i32 to index
        %get3A_1220 = tpu.vector_load %arg11[%get3A_1219] {strides = array<i32>} : memref<8192xf32, #tpu.memory_space<vmem>>, vector<16xf32>,
        %sub3A_1221 = arith.subf %get3A_1220, %gather3A_468 : vector<16xf32>
        %get3A_1222 = arith.index_cast %mul3A_1215 : i32 to index
        %get3A_1223 = tpu.vector_load %arg12[%get3A_1222] {strides = array<i32>} : memref<8192xf32, #tpu.memory_space<vmem>>, vector<16xf32>,
        %sub3A_1224 = arith.subf %get3A_1223, %gather3A_480 : vector<16xf32>
        %mul3A_1225 = arith.mulf %sub3A_1218, %sub3A_1218 : vector<16xf32>
        %mul3A_1226 = arith.mulf %sub3A_1221, %sub3A_1221 : vector<16xf32>
        %add3A_1227 = arith.addf %mul3A_1225, %mul3A_1226 : vector<16xf32>
        %mul3A_1228 = arith.mulf %sub3A_1224, %sub3A_1224 : vector<16xf32>
        %add3A_1229 = arith.addf %add3A_1227, %mul3A_1228 : vector<16xf32>
        %le3A_1230 = arith.constant 4.000000e-02 : f32
        %le3A_1231 = vector.broadcast %le3A_1230 : f32 to vector<16xf32>
        %le3A_1232 = arith.cmpf ole, %add3A_1229, %le3A_1231 : vector<16xf32>
        %convert_element_type3A_1233 = arith.extui %le3A_1232 : vector<16xi1> to vector<16xi32>
        %broadcast_in_dim3A_1234 = arith.constant true
        %broadcast_in_dim3A_1235 = vector.broadcast %broadcast_in_dim3A_1234 : i1 to vector<16xi1>
        %masked_cumsum3A_1236 = tpu.scan <sum>, %convert_element_type3A_1233 masked %broadcast_in_dim3A_1235 : vector<16xi32>, vector<16xi1> -> vector<16xi32>
        %add3A_1237 = arith.addi %add3A_1211, %masked_cumsum3A_1236 : vector<16xi32>
        %sub3A_1238 = arith.constant 1 : i32
        %sub3A_1239 = vector.broadcast %sub3A_1238 : i32 to vector<16xi32>
        %sub3A_1240 = arith.subi %add3A_1237, %sub3A_1239 : vector<16xi32>
        %add3A_1241 = vector.broadcast %mul3A_1215 : i32 to vector<16xi32>
        %add3A_1242 = arith.addi %iota3A, %add3A_1241 : vector<16xi32>
        tpu.vector_store_idx %arg16[%sub3A_1240], %add3A_1242 masked %le3A_1232 : memref<160xi32, #tpu.memory_space<vmem>>[vector<16xi32>], vector<16xi32>, vector<16xi1>
        %all_reduce_population_count3A_1243 = tpu.all_reduce %le3A_1232 {dim = 0 : i64, kind = #tpu.reduction_kind<sum>} : vector<16xi1> -> vector<16xi32>
        %add3A_1244 = arith.addi %add3A_1211, %all_reduce_population_count3A_1243 : vector<16xi32>
        %add3A_1245 = arith.constant 7 : i32
        %add3A_1246 = arith.addi %while3A_1015, %add3A_1245 : i32
        %mul3A_1247 = arith.constant 16 : i32
        %mul3A_1248 = arith.muli %add3A_1246, %mul3A_1247 : i32
        %get3A_1249 = arith.index_cast %mul3A_1248 : i32 to index
        %get3A_1250 = tpu.vector_load %arg10[%get3A_1249] {strides = array<i32>} : memref<8192xf32, #tpu.memory_space<vmem>>, vector<16xf32>,
        %sub3A_1251 = arith.subf %get3A_1250, %gather3A_456 : vector<16xf32>
        %get3A_1252 = arith.index_cast %mul3A_1248 : i32 to index
        %get3A_1253 = tpu.vector_load %arg11[%get3A_1252] {strides = array<i32>} : memref<8192xf32, #tpu.memory_space<vmem>>, vector<16xf32>,
        %sub3A_1254 = arith.subf %get3A_1253, %gather3A_468 : vector<16xf32>
        %get3A_1255 = arith.index_cast %mul3A_1248 : i32 to index
        %get3A_1256 = tpu.vector_load %arg12[%get3A_1255] {strides = array<i32>} : memref<8192xf32, #tpu.memory_space<vmem>>, vector<16xf32>,
        %sub3A_1257 = arith.subf %get3A_1256, %gather3A_480 : vector<16xf32>
        %mul3A_1258 = arith.mulf %sub3A_1251, %sub3A_1251 : vector<16xf32>
        %mul3A_1259 = arith.mulf %sub3A_1254, %sub3A_1254 : vector<16xf32>
        %add3A_1260 = arith.addf %mul3A_1258, %mul3A_1259 : vector<16xf32>
        %mul3A_1261 = arith.mulf %sub3A_1257, %sub3A_1257 : vector<16xf32>
        %add3A_1262 = arith.addf %add3A_1260, %mul3A_1261 : vector<16xf32>
        %le3A_1263 = arith.constant 4.000000e-02 : f32
        %le3A_1264 = vector.broadcast %le3A_1263 : f32 to vector<16xf32>
        %le3A_1265 = arith.cmpf ole, %add3A_1262, %le3A_1264 : vector<16xf32>
        %convert_element_type3A_1266 = arith.extui %le3A_1265 : vector<16xi1> to vector<16xi32>
        %broadcast_in_dim3A_1267 = arith.constant true
        %broadcast_in_dim3A_1268 = vector.broadcast %broadcast_in_dim3A_1267 : i1 to vector<16xi1>
        %masked_cumsum3A_1269 = tpu.scan <sum>, %convert_element_type3A_1266 masked %broadcast_in_dim3A_1268 : vector<16xi32>, vector<16xi1> -> vector<16xi32>
        %add3A_1270 = arith.addi %add3A_1244, %masked_cumsum3A_1269 : vector<16xi32>
        %sub3A_1271 = arith.constant 1 : i32
        %sub3A_1272 = vector.broadcast %sub3A_1271 : i32 to vector<16xi32>
        %sub3A_1273 = arith.subi %add3A_1270, %sub3A_1272 : vector<16xi32>
        %add3A_1274 = vector.broadcast %mul3A_1248 : i32 to vector<16xi32>
        %add3A_1275 = arith.addi %iota3A, %add3A_1274 : vector<16xi32>
        tpu.vector_store_idx %arg16[%sub3A_1273], %add3A_1275 masked %le3A_1265 : memref<160xi32, #tpu.memory_space<vmem>>[vector<16xi32>], vector<16xi32>, vector<16xi1>
        %all_reduce_population_count3A_1276 = tpu.all_reduce %le3A_1265 {dim = 0 : i64, kind = #tpu.reduction_kind<sum>} : vector<16xi1> -> vector<16xi32>
        %add3A_1277 = arith.addi %add3A_1244, %all_reduce_population_count3A_1276 : vector<16xi32>
        %add3A_1278 = arith.constant 8 : i32
        %add3A_1279 = arith.addi %while3A_1015, %add3A_1278 : i32
        %reduce_max3A = arith.constant true
        %reduce_max3A_1280 = vector.broadcast %reduce_max3A : i1 to vector<16xi1>
        %reduce_max3A_1281 = arith.constant -2147483648 : i32
        %reduce_max3A_1282 = vector.broadcast %reduce_max3A_1281 : i32 to vector<16xi32>
        %reduce_max3A_1283 = arith.xori %add3A_1277, %reduce_max3A_1282 : vector<16xi32>
        %reduce_max3A_1284 = tpu.scan <max>, %reduce_max3A_1283 masked %reduce_max3A_1280 : vector<16xi32>, vector<16xi1> -> vector<16xi32>
        %reduce_max3A_1285 = arith.xori %reduce_max3A_1284, %reduce_max3A_1282 : vector<16xi32>
        %reduce_max3A_1286 = vector.extract %reduce_max3A_1285[15] : i32 from vector<16xi32>
        scf.yield %add3A_1279, %reduce_max3A_1286 : i32, i32
      }
      %min3A_484 = arith.constant 32 : i32
      %min3A_485 = arith.minsi %while3A_483#1, %min3A_484 : i32
      %get3A_486 = arith.constant 0 : index
      %get3A_487 = tpu.vector_load %arg16[%get3A_486] {strides = array<i32>} : memref<160xi32, #tpu.memory_space<vmem>>, vector<16xi32>,
      %broadcast_in_dim3A_488 = arith.constant 0 : i32
      %broadcast_in_dim3A_489 = vector.broadcast %broadcast_in_dim3A_488 : i32 to vector<16xi32>
      %lt3A_490 = arith.constant 0 : i32
      %lt3A_491 = vector.broadcast %lt3A_490 : i32 to vector<16xi32>
      %lt3A_492 = arith.cmpi slt, %broadcast_in_dim3A_489, %lt3A_491 : vector<16xi32>
      %add3A_493 = arith.constant 16 : i32
      %add3A_494 = vector.broadcast %add3A_493 : i32 to vector<16xi32>
      %add3A_495 = arith.addi %broadcast_in_dim3A_489, %add3A_494 : vector<16xi32>
      %select_n3A_496 = arith.select %lt3A_492, %add3A_495, %broadcast_in_dim3A_489 : vector<16xi1>, vector<16xi32>
      %broadcast_in_dim3A_497 = vector.shape_cast %select_n3A_496 : vector<16xi32> to vector<16x1xi32>
      %gather3A_498 = vector.shape_cast %broadcast_in_dim3A_497 : vector<16x1xi32> to vector<16xi32>
      %gather3A_499 = tpu.dynamic_gather %get3A_487[%gather3A_498] in [0] : vector<16xi32>, vector<16xi32> -> vector<16xi32>
      %lt3A_500 = vector.broadcast %min3A_485 : i32 to vector<16xi32>
      %lt3A_501 = arith.cmpi slt, %iota3A, %lt3A_500 : vector<16xi32>
      %select_n3A_502 = arith.select %lt3A_501, %get3A_487, %gather3A_499 : vector<16xi1>, vector<16xi32>
      %add3A_503 = arith.constant 16 : i32
      %add3A_504 = vector.broadcast %add3A_503 : i32 to vector<16xi32>
      %add3A_505 = arith.addi %iota3A, %add3A_504 : vector<16xi32>
      %lt3A_506 = vector.broadcast %min3A_485 : i32 to vector<16xi32>
      %lt3A_507 = arith.cmpi slt, %add3A_505, %lt3A_506 : vector<16xi32>
      %get3A_508 = arith.constant 16 : index
      %get3A_509 = tpu.vector_load %arg16[%get3A_508] {strides = array<i32>} : memref<160xi32, #tpu.memory_space<vmem>>, vector<16xi32>,
      %select_n3A_510 = arith.select %lt3A_507, %get3A_509, %gather3A_499 : vector<16xi1>, vector<16xi32>
      %add3A_511 = vector.broadcast %mul3A_34 : i32 to vector<16xi32>
      %add3A_512 = arith.addi %select_n3A_502, %add3A_511 : vector<16xi32>
      %swap3A_513 = arith.constant 96 : index
      %swap3A_514 = tpu.vector_load %arg17[%swap3A_513] {strides = array<i32>} : memref<256xi32, #tpu.memory_space<vmem>>, vector<16xi32>,
      tpu.vector_store %arg17[%swap3A_513], %add3A_512 {strides = array<i32>} : memref<256xi32, #tpu.memory_space<vmem>>, vector<16xi32>,
      %add3A_515 = vector.broadcast %mul3A_34 : i32 to vector<16xi32>
      %add3A_516 = arith.addi %select_n3A_510, %add3A_515 : vector<16xi32>
      %swap3A_517 = arith.constant 112 : index
      %swap3A_518 = tpu.vector_load %arg17[%swap3A_517] {strides = array<i32>} : memref<256xi32, #tpu.memory_space<vmem>>, vector<16xi32>,
      tpu.vector_store %arg17[%swap3A_517], %add3A_516 {strides = array<i32>} : memref<256xi32, #tpu.memory_space<vmem>>, vector<16xi32>,
      %mul3A_519 = arith.constant 8 : i32
      %mul3A_520 = arith.muli %scan3A_40, %mul3A_519 : i32
      %add3A_521 = arith.constant 4 : i32
      %add3A_522 = arith.addi %mul3A_520, %add3A_521 : i32
      %jit3A_523 = arith.constant 16 : i32
      %div3A_524 = arith.divsi %add3A_522, %jit3A_523 : i32
      %sign3A_525 = arith.constant 0 : i32
      %sign3A_526 = arith.cmpi sgt, %add3A_522, %sign3A_525 : i32
      %sign3A_527 = arith.extui %sign3A_526 : i1 to i32
      %sign3A_528 = arith.constant 0 : i32
      %sign3A_529 = arith.cmpi slt, %add3A_522, %sign3A_528 : i32
      %sign3A_530 = arith.extui %sign3A_529 : i1 to i32
      %sign3A_531 = arith.subi %sign3A_527, %sign3A_530 : i32
      %sign3A_532 = arith.constant 0 : i32
      %sign3A_533 = arith.cmpi sgt, %jit3A_523, %sign3A_532 : i32
      %sign3A_534 = arith.extui %sign3A_533 : i1 to i32
      %sign3A_535 = arith.constant 0 : i32
      %sign3A_536 = arith.cmpi slt, %jit3A_523, %sign3A_535 : i32
      %sign3A_537 = arith.extui %sign3A_536 : i1 to i32
      %sign3A_538 = arith.subi %sign3A_534, %sign3A_537 : i32
      %ne3A_539 = arith.cmpi ne, %sign3A_531, %sign3A_538 : i32
      %rem3A_540 = arith.remsi %add3A_522, %jit3A_523 : i32
      %ne3A_541 = arith.constant 0 : i32
      %ne3A_542 = arith.cmpi ne, %rem3A_540, %ne3A_541 : i32
      %and3A_543 = arith.andi %ne3A_539, %ne3A_542 : i1
      %sub3A_544 = arith.constant 1 : i32
      %sub3A_545 = arith.subi %div3A_524, %sub3A_544 : i32
      %select_n3A_546 = arith.select %and3A_543, %sub3A_545, %div3A_524 : i32
      %mul3A_547 = arith.constant 16 : i32
      %mul3A_548 = arith.muli %select_n3A_546, %mul3A_547 : i32
      %jit3A_549 = arith.constant 16 : i32
      %eq3A_550 = arith.constant 0 : i32
      %eq3A_551 = arith.cmpi eq, %jit3A_549, %eq3A_550 : i32
      %jit3A_552 = arith.constant 1 : i32
      %select_n3A_553 = arith.select %eq3A_551, %jit3A_552, %jit3A_549 : i32
      %rem3A_554 = arith.remsi %add3A_522, %select_n3A_553 : i32
      %ne3A_555 = arith.constant 0 : i32
      %ne3A_556 = arith.cmpi ne, %rem3A_554, %ne3A_555 : i32
      %lt3A_557 = arith.constant 0 : i32
      %lt3A_558 = arith.cmpi slt, %rem3A_554, %lt3A_557 : i32
      %lt3A_559 = arith.constant 0 : i32
      %lt3A_560 = arith.cmpi slt, %select_n3A_553, %lt3A_559 : i32
      %ne3A_561 = arith.xori %lt3A_558, %lt3A_560 : i1
      %and3A_562 = arith.andi %ne3A_561, %ne3A_556 : i1
      %add3A_563 = arith.addi %rem3A_554, %select_n3A_553 : i32
      %select_n3A_564 = arith.select %and3A_562, %add3A_563, %rem3A_554 : i32
      %broadcast_in_dim3A_565 = vector.broadcast %select_n3A_564 : i32 to vector<16xi32>
      %get3A_566 = arith.index_cast %mul3A_548 : i32 to index
      %get3A_567 = tpu.vector_load %arg13[%get3A_566] {strides = array<i32>} : memref<128xf32, #tpu.memory_space<vmem>>, vector<16xf32>,
      %lt3A_568 = arith.constant 0 : i32
      %lt3A_569 = vector.broadcast %lt3A_568 : i32 to vector<16xi32>
      %lt3A_570 = arith.cmpi slt, %broadcast_in_dim3A_565, %lt3A_569 : vector<16xi32>
      %add3A_571 = arith.constant 16 : i32
      %add3A_572 = vector.broadcast %add3A_571 : i32 to vector<16xi32>
      %add3A_573 = arith.addi %broadcast_in_dim3A_565, %add3A_572 : vector<16xi32>
      %select_n3A_574 = arith.select %lt3A_570, %add3A_573, %broadcast_in_dim3A_565 : vector<16xi1>, vector<16xi32>
      %broadcast_in_dim3A_575 = vector.shape_cast %select_n3A_574 : vector<16xi32> to vector<16x1xi32>
      %gather3A_576 = vector.shape_cast %broadcast_in_dim3A_575 : vector<16x1xi32> to vector<16xi32>
      %gather3A_577 = tpu.dynamic_gather %get3A_567[%gather3A_576] in [0] : vector<16xf32>, vector<16xi32> -> vector<16xf32>
      %get3A_578 = arith.index_cast %mul3A_548 : i32 to index
      %get3A_579 = tpu.vector_load %arg14[%get3A_578] {strides = array<i32>} : memref<128xf32, #tpu.memory_space<vmem>>, vector<16xf32>,
      %lt3A_580 = arith.constant 0 : i32
      %lt3A_581 = vector.broadcast %lt3A_580 : i32 to vector<16xi32>
      %lt3A_582 = arith.cmpi slt, %broadcast_in_dim3A_565, %lt3A_581 : vector<16xi32>
      %add3A_583 = arith.constant 16 : i32
      %add3A_584 = vector.broadcast %add3A_583 : i32 to vector<16xi32>
      %add3A_585 = arith.addi %broadcast_in_dim3A_565, %add3A_584 : vector<16xi32>
      %select_n3A_586 = arith.select %lt3A_582, %add3A_585, %broadcast_in_dim3A_565 : vector<16xi1>, vector<16xi32>
      %broadcast_in_dim3A_587 = vector.shape_cast %select_n3A_586 : vector<16xi32> to vector<16x1xi32>
      %gather3A_588 = vector.shape_cast %broadcast_in_dim3A_587 : vector<16x1xi32> to vector<16xi32>
      %gather3A_589 = tpu.dynamic_gather %get3A_579[%gather3A_588] in [0] : vector<16xf32>, vector<16xi32> -> vector<16xf32>
      %get3A_590 = arith.index_cast %mul3A_548 : i32 to index
      %get3A_591 = tpu.vector_load %arg15[%get3A_590] {strides = array<i32>} : memref<128xf32, #tpu.memory_space<vmem>>, vector<16xf32>,
      %lt3A_592 = arith.constant 0 : i32
      %lt3A_593 = vector.broadcast %lt3A_592 : i32 to vector<16xi32>
      %lt3A_594 = arith.cmpi slt, %broadcast_in_dim3A_565, %lt3A_593 : vector<16xi32>
      %add3A_595 = arith.constant 16 : i32
      %add3A_596 = vector.broadcast %add3A_595 : i32 to vector<16xi32>
      %add3A_597 = arith.addi %broadcast_in_dim3A_565, %add3A_596 : vector<16xi32>
      %select_n3A_598 = arith.select %lt3A_594, %add3A_597, %broadcast_in_dim3A_565 : vector<16xi1>, vector<16xi32>
      %broadcast_in_dim3A_599 = vector.shape_cast %select_n3A_598 : vector<16xi32> to vector<16x1xi32>
      %gather3A_600 = vector.shape_cast %broadcast_in_dim3A_599 : vector<16x1xi32> to vector<16xi32>
      %gather3A_601 = tpu.dynamic_gather %get3A_591[%gather3A_600] in [0] : vector<16xf32>, vector<16xi32> -> vector<16xf32>
      %while3A_602 = arith.constant 0 : i32
      %while3A_603 = arith.constant 0 : i32
      %while3A_604:2 = scf.while (%while3A_1015 = %while3A_602, %while3A_1016 = %while3A_603) : (i32, i32) -> (i32, i32) {
        %lt3A_1017 = arith.constant 32 : i32
        %lt3A_1018 = arith.cmpi slt, %while3A_1016, %lt3A_1017 : i32
        %lt3A_1019 = arith.constant 512 : i32
        %lt3A_1020 = arith.cmpi slt, %while3A_1015, %lt3A_1019 : i32
        %and3A_1021 = arith.andi %lt3A_1018, %lt3A_1020 : i1
        scf.condition(%and3A_1021) %while3A_1015, %while3A_1016 : i32, i32
      } do {
      ^bb0(%while3A_1015: i32, %while3A_1016: i32):
        %broadcast_in_dim3A_1017 = vector.broadcast %while3A_1016 : i32 to vector<16xi32>
        %add3A_1018 = arith.constant 0 : i32
        %add3A_1019 = arith.addi %while3A_1015, %add3A_1018 : i32
        %mul3A_1020 = arith.constant 16 : i32
        %mul3A_1021 = arith.muli %add3A_1019, %mul3A_1020 : i32
        %get3A_1022 = arith.index_cast %mul3A_1021 : i32 to index
        %get3A_1023 = tpu.vector_load %arg10[%get3A_1022] {strides = array<i32>} : memref<8192xf32, #tpu.memory_space<vmem>>, vector<16xf32>,
        %sub3A_1024 = arith.subf %get3A_1023, %gather3A_577 : vector<16xf32>
        %get3A_1025 = arith.index_cast %mul3A_1021 : i32 to index
        %get3A_1026 = tpu.vector_load %arg11[%get3A_1025] {strides = array<i32>} : memref<8192xf32, #tpu.memory_space<vmem>>, vector<16xf32>,
        %sub3A_1027 = arith.subf %get3A_1026, %gather3A_589 : vector<16xf32>
        %get3A_1028 = arith.index_cast %mul3A_1021 : i32 to index
        %get3A_1029 = tpu.vector_load %arg12[%get3A_1028] {strides = array<i32>} : memref<8192xf32, #tpu.memory_space<vmem>>, vector<16xf32>,
        %sub3A_1030 = arith.subf %get3A_1029, %gather3A_601 : vector<16xf32>
        %mul3A_1031 = arith.mulf %sub3A_1024, %sub3A_1024 : vector<16xf32>
        %mul3A_1032 = arith.mulf %sub3A_1027, %sub3A_1027 : vector<16xf32>
        %add3A_1033 = arith.addf %mul3A_1031, %mul3A_1032 : vector<16xf32>
        %mul3A_1034 = arith.mulf %sub3A_1030, %sub3A_1030 : vector<16xf32>
        %add3A_1035 = arith.addf %add3A_1033, %mul3A_1034 : vector<16xf32>
        %le3A = arith.constant 4.000000e-02 : f32
        %le3A_1036 = vector.broadcast %le3A : f32 to vector<16xf32>
        %le3A_1037 = arith.cmpf ole, %add3A_1035, %le3A_1036 : vector<16xf32>
        %convert_element_type3A = arith.extui %le3A_1037 : vector<16xi1> to vector<16xi32>
        %broadcast_in_dim3A_1038 = arith.constant true
        %broadcast_in_dim3A_1039 = vector.broadcast %broadcast_in_dim3A_1038 : i1 to vector<16xi1>
        %masked_cumsum3A = tpu.scan <sum>, %convert_element_type3A masked %broadcast_in_dim3A_1039 : vector<16xi32>, vector<16xi1> -> vector<16xi32>
        %add3A_1040 = arith.addi %broadcast_in_dim3A_1017, %masked_cumsum3A : vector<16xi32>
        %sub3A_1041 = arith.constant 1 : i32
        %sub3A_1042 = vector.broadcast %sub3A_1041 : i32 to vector<16xi32>
        %sub3A_1043 = arith.subi %add3A_1040, %sub3A_1042 : vector<16xi32>
        %add3A_1044 = vector.broadcast %mul3A_1021 : i32 to vector<16xi32>
        %add3A_1045 = arith.addi %iota3A, %add3A_1044 : vector<16xi32>
        tpu.vector_store_idx %arg16[%sub3A_1043], %add3A_1045 masked %le3A_1037 : memref<160xi32, #tpu.memory_space<vmem>>[vector<16xi32>], vector<16xi32>, vector<16xi1>
        %all_reduce_population_count3A = tpu.all_reduce %le3A_1037 {dim = 0 : i64, kind = #tpu.reduction_kind<sum>} : vector<16xi1> -> vector<16xi32>
        %add3A_1046 = arith.addi %broadcast_in_dim3A_1017, %all_reduce_population_count3A : vector<16xi32>
        %add3A_1047 = arith.constant 1 : i32
        %add3A_1048 = arith.addi %while3A_1015, %add3A_1047 : i32
        %mul3A_1049 = arith.constant 16 : i32
        %mul3A_1050 = arith.muli %add3A_1048, %mul3A_1049 : i32
        %get3A_1051 = arith.index_cast %mul3A_1050 : i32 to index
        %get3A_1052 = tpu.vector_load %arg10[%get3A_1051] {strides = array<i32>} : memref<8192xf32, #tpu.memory_space<vmem>>, vector<16xf32>,
        %sub3A_1053 = arith.subf %get3A_1052, %gather3A_577 : vector<16xf32>
        %get3A_1054 = arith.index_cast %mul3A_1050 : i32 to index
        %get3A_1055 = tpu.vector_load %arg11[%get3A_1054] {strides = array<i32>} : memref<8192xf32, #tpu.memory_space<vmem>>, vector<16xf32>,
        %sub3A_1056 = arith.subf %get3A_1055, %gather3A_589 : vector<16xf32>
        %get3A_1057 = arith.index_cast %mul3A_1050 : i32 to index
        %get3A_1058 = tpu.vector_load %arg12[%get3A_1057] {strides = array<i32>} : memref<8192xf32, #tpu.memory_space<vmem>>, vector<16xf32>,
        %sub3A_1059 = arith.subf %get3A_1058, %gather3A_601 : vector<16xf32>
        %mul3A_1060 = arith.mulf %sub3A_1053, %sub3A_1053 : vector<16xf32>
        %mul3A_1061 = arith.mulf %sub3A_1056, %sub3A_1056 : vector<16xf32>
        %add3A_1062 = arith.addf %mul3A_1060, %mul3A_1061 : vector<16xf32>
        %mul3A_1063 = arith.mulf %sub3A_1059, %sub3A_1059 : vector<16xf32>
        %add3A_1064 = arith.addf %add3A_1062, %mul3A_1063 : vector<16xf32>
        %le3A_1065 = arith.constant 4.000000e-02 : f32
        %le3A_1066 = vector.broadcast %le3A_1065 : f32 to vector<16xf32>
        %le3A_1067 = arith.cmpf ole, %add3A_1064, %le3A_1066 : vector<16xf32>
        %convert_element_type3A_1068 = arith.extui %le3A_1067 : vector<16xi1> to vector<16xi32>
        %broadcast_in_dim3A_1069 = arith.constant true
        %broadcast_in_dim3A_1070 = vector.broadcast %broadcast_in_dim3A_1069 : i1 to vector<16xi1>
        %masked_cumsum3A_1071 = tpu.scan <sum>, %convert_element_type3A_1068 masked %broadcast_in_dim3A_1070 : vector<16xi32>, vector<16xi1> -> vector<16xi32>
        %add3A_1072 = arith.addi %add3A_1046, %masked_cumsum3A_1071 : vector<16xi32>
        %sub3A_1073 = arith.constant 1 : i32
        %sub3A_1074 = vector.broadcast %sub3A_1073 : i32 to vector<16xi32>
        %sub3A_1075 = arith.subi %add3A_1072, %sub3A_1074 : vector<16xi32>
        %add3A_1076 = vector.broadcast %mul3A_1050 : i32 to vector<16xi32>
        %add3A_1077 = arith.addi %iota3A, %add3A_1076 : vector<16xi32>
        tpu.vector_store_idx %arg16[%sub3A_1075], %add3A_1077 masked %le3A_1067 : memref<160xi32, #tpu.memory_space<vmem>>[vector<16xi32>], vector<16xi32>, vector<16xi1>
        %all_reduce_population_count3A_1078 = tpu.all_reduce %le3A_1067 {dim = 0 : i64, kind = #tpu.reduction_kind<sum>} : vector<16xi1> -> vector<16xi32>
        %add3A_1079 = arith.addi %add3A_1046, %all_reduce_population_count3A_1078 : vector<16xi32>
        %add3A_1080 = arith.constant 2 : i32
        %add3A_1081 = arith.addi %while3A_1015, %add3A_1080 : i32
        %mul3A_1082 = arith.constant 16 : i32
        %mul3A_1083 = arith.muli %add3A_1081, %mul3A_1082 : i32
        %get3A_1084 = arith.index_cast %mul3A_1083 : i32 to index
        %get3A_1085 = tpu.vector_load %arg10[%get3A_1084] {strides = array<i32>} : memref<8192xf32, #tpu.memory_space<vmem>>, vector<16xf32>,
        %sub3A_1086 = arith.subf %get3A_1085, %gather3A_577 : vector<16xf32>
        %get3A_1087 = arith.index_cast %mul3A_1083 : i32 to index
        %get3A_1088 = tpu.vector_load %arg11[%get3A_1087] {strides = array<i32>} : memref<8192xf32, #tpu.memory_space<vmem>>, vector<16xf32>,
        %sub3A_1089 = arith.subf %get3A_1088, %gather3A_589 : vector<16xf32>
        %get3A_1090 = arith.index_cast %mul3A_1083 : i32 to index
        %get3A_1091 = tpu.vector_load %arg12[%get3A_1090] {strides = array<i32>} : memref<8192xf32, #tpu.memory_space<vmem>>, vector<16xf32>,
        %sub3A_1092 = arith.subf %get3A_1091, %gather3A_601 : vector<16xf32>
        %mul3A_1093 = arith.mulf %sub3A_1086, %sub3A_1086 : vector<16xf32>
        %mul3A_1094 = arith.mulf %sub3A_1089, %sub3A_1089 : vector<16xf32>
        %add3A_1095 = arith.addf %mul3A_1093, %mul3A_1094 : vector<16xf32>
        %mul3A_1096 = arith.mulf %sub3A_1092, %sub3A_1092 : vector<16xf32>
        %add3A_1097 = arith.addf %add3A_1095, %mul3A_1096 : vector<16xf32>
        %le3A_1098 = arith.constant 4.000000e-02 : f32
        %le3A_1099 = vector.broadcast %le3A_1098 : f32 to vector<16xf32>
        %le3A_1100 = arith.cmpf ole, %add3A_1097, %le3A_1099 : vector<16xf32>
        %convert_element_type3A_1101 = arith.extui %le3A_1100 : vector<16xi1> to vector<16xi32>
        %broadcast_in_dim3A_1102 = arith.constant true
        %broadcast_in_dim3A_1103 = vector.broadcast %broadcast_in_dim3A_1102 : i1 to vector<16xi1>
        %masked_cumsum3A_1104 = tpu.scan <sum>, %convert_element_type3A_1101 masked %broadcast_in_dim3A_1103 : vector<16xi32>, vector<16xi1> -> vector<16xi32>
        %add3A_1105 = arith.addi %add3A_1079, %masked_cumsum3A_1104 : vector<16xi32>
        %sub3A_1106 = arith.constant 1 : i32
        %sub3A_1107 = vector.broadcast %sub3A_1106 : i32 to vector<16xi32>
        %sub3A_1108 = arith.subi %add3A_1105, %sub3A_1107 : vector<16xi32>
        %add3A_1109 = vector.broadcast %mul3A_1083 : i32 to vector<16xi32>
        %add3A_1110 = arith.addi %iota3A, %add3A_1109 : vector<16xi32>
        tpu.vector_store_idx %arg16[%sub3A_1108], %add3A_1110 masked %le3A_1100 : memref<160xi32, #tpu.memory_space<vmem>>[vector<16xi32>], vector<16xi32>, vector<16xi1>
        %all_reduce_population_count3A_1111 = tpu.all_reduce %le3A_1100 {dim = 0 : i64, kind = #tpu.reduction_kind<sum>} : vector<16xi1> -> vector<16xi32>
        %add3A_1112 = arith.addi %add3A_1079, %all_reduce_population_count3A_1111 : vector<16xi32>
        %add3A_1113 = arith.constant 3 : i32
        %add3A_1114 = arith.addi %while3A_1015, %add3A_1113 : i32
        %mul3A_1115 = arith.constant 16 : i32
        %mul3A_1116 = arith.muli %add3A_1114, %mul3A_1115 : i32
        %get3A_1117 = arith.index_cast %mul3A_1116 : i32 to index
        %get3A_1118 = tpu.vector_load %arg10[%get3A_1117] {strides = array<i32>} : memref<8192xf32, #tpu.memory_space<vmem>>, vector<16xf32>,
        %sub3A_1119 = arith.subf %get3A_1118, %gather3A_577 : vector<16xf32>
        %get3A_1120 = arith.index_cast %mul3A_1116 : i32 to index
        %get3A_1121 = tpu.vector_load %arg11[%get3A_1120] {strides = array<i32>} : memref<8192xf32, #tpu.memory_space<vmem>>, vector<16xf32>,
        %sub3A_1122 = arith.subf %get3A_1121, %gather3A_589 : vector<16xf32>
        %get3A_1123 = arith.index_cast %mul3A_1116 : i32 to index
        %get3A_1124 = tpu.vector_load %arg12[%get3A_1123] {strides = array<i32>} : memref<8192xf32, #tpu.memory_space<vmem>>, vector<16xf32>,
        %sub3A_1125 = arith.subf %get3A_1124, %gather3A_601 : vector<16xf32>
        %mul3A_1126 = arith.mulf %sub3A_1119, %sub3A_1119 : vector<16xf32>
        %mul3A_1127 = arith.mulf %sub3A_1122, %sub3A_1122 : vector<16xf32>
        %add3A_1128 = arith.addf %mul3A_1126, %mul3A_1127 : vector<16xf32>
        %mul3A_1129 = arith.mulf %sub3A_1125, %sub3A_1125 : vector<16xf32>
        %add3A_1130 = arith.addf %add3A_1128, %mul3A_1129 : vector<16xf32>
        %le3A_1131 = arith.constant 4.000000e-02 : f32
        %le3A_1132 = vector.broadcast %le3A_1131 : f32 to vector<16xf32>
        %le3A_1133 = arith.cmpf ole, %add3A_1130, %le3A_1132 : vector<16xf32>
        %convert_element_type3A_1134 = arith.extui %le3A_1133 : vector<16xi1> to vector<16xi32>
        %broadcast_in_dim3A_1135 = arith.constant true
        %broadcast_in_dim3A_1136 = vector.broadcast %broadcast_in_dim3A_1135 : i1 to vector<16xi1>
        %masked_cumsum3A_1137 = tpu.scan <sum>, %convert_element_type3A_1134 masked %broadcast_in_dim3A_1136 : vector<16xi32>, vector<16xi1> -> vector<16xi32>
        %add3A_1138 = arith.addi %add3A_1112, %masked_cumsum3A_1137 : vector<16xi32>
        %sub3A_1139 = arith.constant 1 : i32
        %sub3A_1140 = vector.broadcast %sub3A_1139 : i32 to vector<16xi32>
        %sub3A_1141 = arith.subi %add3A_1138, %sub3A_1140 : vector<16xi32>
        %add3A_1142 = vector.broadcast %mul3A_1116 : i32 to vector<16xi32>
        %add3A_1143 = arith.addi %iota3A, %add3A_1142 : vector<16xi32>
        tpu.vector_store_idx %arg16[%sub3A_1141], %add3A_1143 masked %le3A_1133 : memref<160xi32, #tpu.memory_space<vmem>>[vector<16xi32>], vector<16xi32>, vector<16xi1>
        %all_reduce_population_count3A_1144 = tpu.all_reduce %le3A_1133 {dim = 0 : i64, kind = #tpu.reduction_kind<sum>} : vector<16xi1> -> vector<16xi32>
        %add3A_1145 = arith.addi %add3A_1112, %all_reduce_population_count3A_1144 : vector<16xi32>
        %add3A_1146 = arith.constant 4 : i32
        %add3A_1147 = arith.addi %while3A_1015, %add3A_1146 : i32
        %mul3A_1148 = arith.constant 16 : i32
        %mul3A_1149 = arith.muli %add3A_1147, %mul3A_1148 : i32
        %get3A_1150 = arith.index_cast %mul3A_1149 : i32 to index
        %get3A_1151 = tpu.vector_load %arg10[%get3A_1150] {strides = array<i32>} : memref<8192xf32, #tpu.memory_space<vmem>>, vector<16xf32>,
        %sub3A_1152 = arith.subf %get3A_1151, %gather3A_577 : vector<16xf32>
        %get3A_1153 = arith.index_cast %mul3A_1149 : i32 to index
        %get3A_1154 = tpu.vector_load %arg11[%get3A_1153] {strides = array<i32>} : memref<8192xf32, #tpu.memory_space<vmem>>, vector<16xf32>,
        %sub3A_1155 = arith.subf %get3A_1154, %gather3A_589 : vector<16xf32>
        %get3A_1156 = arith.index_cast %mul3A_1149 : i32 to index
        %get3A_1157 = tpu.vector_load %arg12[%get3A_1156] {strides = array<i32>} : memref<8192xf32, #tpu.memory_space<vmem>>, vector<16xf32>,
        %sub3A_1158 = arith.subf %get3A_1157, %gather3A_601 : vector<16xf32>
        %mul3A_1159 = arith.mulf %sub3A_1152, %sub3A_1152 : vector<16xf32>
        %mul3A_1160 = arith.mulf %sub3A_1155, %sub3A_1155 : vector<16xf32>
        %add3A_1161 = arith.addf %mul3A_1159, %mul3A_1160 : vector<16xf32>
        %mul3A_1162 = arith.mulf %sub3A_1158, %sub3A_1158 : vector<16xf32>
        %add3A_1163 = arith.addf %add3A_1161, %mul3A_1162 : vector<16xf32>
        %le3A_1164 = arith.constant 4.000000e-02 : f32
        %le3A_1165 = vector.broadcast %le3A_1164 : f32 to vector<16xf32>
        %le3A_1166 = arith.cmpf ole, %add3A_1163, %le3A_1165 : vector<16xf32>
        %convert_element_type3A_1167 = arith.extui %le3A_1166 : vector<16xi1> to vector<16xi32>
        %broadcast_in_dim3A_1168 = arith.constant true
        %broadcast_in_dim3A_1169 = vector.broadcast %broadcast_in_dim3A_1168 : i1 to vector<16xi1>
        %masked_cumsum3A_1170 = tpu.scan <sum>, %convert_element_type3A_1167 masked %broadcast_in_dim3A_1169 : vector<16xi32>, vector<16xi1> -> vector<16xi32>
        %add3A_1171 = arith.addi %add3A_1145, %masked_cumsum3A_1170 : vector<16xi32>
        %sub3A_1172 = arith.constant 1 : i32
        %sub3A_1173 = vector.broadcast %sub3A_1172 : i32 to vector<16xi32>
        %sub3A_1174 = arith.subi %add3A_1171, %sub3A_1173 : vector<16xi32>
        %add3A_1175 = vector.broadcast %mul3A_1149 : i32 to vector<16xi32>
        %add3A_1176 = arith.addi %iota3A, %add3A_1175 : vector<16xi32>
        tpu.vector_store_idx %arg16[%sub3A_1174], %add3A_1176 masked %le3A_1166 : memref<160xi32, #tpu.memory_space<vmem>>[vector<16xi32>], vector<16xi32>, vector<16xi1>
        %all_reduce_population_count3A_1177 = tpu.all_reduce %le3A_1166 {dim = 0 : i64, kind = #tpu.reduction_kind<sum>} : vector<16xi1> -> vector<16xi32>
        %add3A_1178 = arith.addi %add3A_1145, %all_reduce_population_count3A_1177 : vector<16xi32>
        %add3A_1179 = arith.constant 5 : i32
        %add3A_1180 = arith.addi %while3A_1015, %add3A_1179 : i32
        %mul3A_1181 = arith.constant 16 : i32
        %mul3A_1182 = arith.muli %add3A_1180, %mul3A_1181 : i32
        %get3A_1183 = arith.index_cast %mul3A_1182 : i32 to index
        %get3A_1184 = tpu.vector_load %arg10[%get3A_1183] {strides = array<i32>} : memref<8192xf32, #tpu.memory_space<vmem>>, vector<16xf32>,
        %sub3A_1185 = arith.subf %get3A_1184, %gather3A_577 : vector<16xf32>
        %get3A_1186 = arith.index_cast %mul3A_1182 : i32 to index
        %get3A_1187 = tpu.vector_load %arg11[%get3A_1186] {strides = array<i32>} : memref<8192xf32, #tpu.memory_space<vmem>>, vector<16xf32>,
        %sub3A_1188 = arith.subf %get3A_1187, %gather3A_589 : vector<16xf32>
        %get3A_1189 = arith.index_cast %mul3A_1182 : i32 to index
        %get3A_1190 = tpu.vector_load %arg12[%get3A_1189] {strides = array<i32>} : memref<8192xf32, #tpu.memory_space<vmem>>, vector<16xf32>,
        %sub3A_1191 = arith.subf %get3A_1190, %gather3A_601 : vector<16xf32>
        %mul3A_1192 = arith.mulf %sub3A_1185, %sub3A_1185 : vector<16xf32>
        %mul3A_1193 = arith.mulf %sub3A_1188, %sub3A_1188 : vector<16xf32>
        %add3A_1194 = arith.addf %mul3A_1192, %mul3A_1193 : vector<16xf32>
        %mul3A_1195 = arith.mulf %sub3A_1191, %sub3A_1191 : vector<16xf32>
        %add3A_1196 = arith.addf %add3A_1194, %mul3A_1195 : vector<16xf32>
        %le3A_1197 = arith.constant 4.000000e-02 : f32
        %le3A_1198 = vector.broadcast %le3A_1197 : f32 to vector<16xf32>
        %le3A_1199 = arith.cmpf ole, %add3A_1196, %le3A_1198 : vector<16xf32>
        %convert_element_type3A_1200 = arith.extui %le3A_1199 : vector<16xi1> to vector<16xi32>
        %broadcast_in_dim3A_1201 = arith.constant true
        %broadcast_in_dim3A_1202 = vector.broadcast %broadcast_in_dim3A_1201 : i1 to vector<16xi1>
        %masked_cumsum3A_1203 = tpu.scan <sum>, %convert_element_type3A_1200 masked %broadcast_in_dim3A_1202 : vector<16xi32>, vector<16xi1> -> vector<16xi32>
        %add3A_1204 = arith.addi %add3A_1178, %masked_cumsum3A_1203 : vector<16xi32>
        %sub3A_1205 = arith.constant 1 : i32
        %sub3A_1206 = vector.broadcast %sub3A_1205 : i32 to vector<16xi32>
        %sub3A_1207 = arith.subi %add3A_1204, %sub3A_1206 : vector<16xi32>
        %add3A_1208 = vector.broadcast %mul3A_1182 : i32 to vector<16xi32>
        %add3A_1209 = arith.addi %iota3A, %add3A_1208 : vector<16xi32>
        tpu.vector_store_idx %arg16[%sub3A_1207], %add3A_1209 masked %le3A_1199 : memref<160xi32, #tpu.memory_space<vmem>>[vector<16xi32>], vector<16xi32>, vector<16xi1>
        %all_reduce_population_count3A_1210 = tpu.all_reduce %le3A_1199 {dim = 0 : i64, kind = #tpu.reduction_kind<sum>} : vector<16xi1> -> vector<16xi32>
        %add3A_1211 = arith.addi %add3A_1178, %all_reduce_population_count3A_1210 : vector<16xi32>
        %add3A_1212 = arith.constant 6 : i32
        %add3A_1213 = arith.addi %while3A_1015, %add3A_1212 : i32
        %mul3A_1214 = arith.constant 16 : i32
        %mul3A_1215 = arith.muli %add3A_1213, %mul3A_1214 : i32
        %get3A_1216 = arith.index_cast %mul3A_1215 : i32 to index
        %get3A_1217 = tpu.vector_load %arg10[%get3A_1216] {strides = array<i32>} : memref<8192xf32, #tpu.memory_space<vmem>>, vector<16xf32>,
        %sub3A_1218 = arith.subf %get3A_1217, %gather3A_577 : vector<16xf32>
        %get3A_1219 = arith.index_cast %mul3A_1215 : i32 to index
        %get3A_1220 = tpu.vector_load %arg11[%get3A_1219] {strides = array<i32>} : memref<8192xf32, #tpu.memory_space<vmem>>, vector<16xf32>,
        %sub3A_1221 = arith.subf %get3A_1220, %gather3A_589 : vector<16xf32>
        %get3A_1222 = arith.index_cast %mul3A_1215 : i32 to index
        %get3A_1223 = tpu.vector_load %arg12[%get3A_1222] {strides = array<i32>} : memref<8192xf32, #tpu.memory_space<vmem>>, vector<16xf32>,
        %sub3A_1224 = arith.subf %get3A_1223, %gather3A_601 : vector<16xf32>
        %mul3A_1225 = arith.mulf %sub3A_1218, %sub3A_1218 : vector<16xf32>
        %mul3A_1226 = arith.mulf %sub3A_1221, %sub3A_1221 : vector<16xf32>
        %add3A_1227 = arith.addf %mul3A_1225, %mul3A_1226 : vector<16xf32>
        %mul3A_1228 = arith.mulf %sub3A_1224, %sub3A_1224 : vector<16xf32>
        %add3A_1229 = arith.addf %add3A_1227, %mul3A_1228 : vector<16xf32>
        %le3A_1230 = arith.constant 4.000000e-02 : f32
        %le3A_1231 = vector.broadcast %le3A_1230 : f32 to vector<16xf32>
        %le3A_1232 = arith.cmpf ole, %add3A_1229, %le3A_1231 : vector<16xf32>
        %convert_element_type3A_1233 = arith.extui %le3A_1232 : vector<16xi1> to vector<16xi32>
        %broadcast_in_dim3A_1234 = arith.constant true
        %broadcast_in_dim3A_1235 = vector.broadcast %broadcast_in_dim3A_1234 : i1 to vector<16xi1>
        %masked_cumsum3A_1236 = tpu.scan <sum>, %convert_element_type3A_1233 masked %broadcast_in_dim3A_1235 : vector<16xi32>, vector<16xi1> -> vector<16xi32>
        %add3A_1237 = arith.addi %add3A_1211, %masked_cumsum3A_1236 : vector<16xi32>
        %sub3A_1238 = arith.constant 1 : i32
        %sub3A_1239 = vector.broadcast %sub3A_1238 : i32 to vector<16xi32>
        %sub3A_1240 = arith.subi %add3A_1237, %sub3A_1239 : vector<16xi32>
        %add3A_1241 = vector.broadcast %mul3A_1215 : i32 to vector<16xi32>
        %add3A_1242 = arith.addi %iota3A, %add3A_1241 : vector<16xi32>
        tpu.vector_store_idx %arg16[%sub3A_1240], %add3A_1242 masked %le3A_1232 : memref<160xi32, #tpu.memory_space<vmem>>[vector<16xi32>], vector<16xi32>, vector<16xi1>
        %all_reduce_population_count3A_1243 = tpu.all_reduce %le3A_1232 {dim = 0 : i64, kind = #tpu.reduction_kind<sum>} : vector<16xi1> -> vector<16xi32>
        %add3A_1244 = arith.addi %add3A_1211, %all_reduce_population_count3A_1243 : vector<16xi32>
        %add3A_1245 = arith.constant 7 : i32
        %add3A_1246 = arith.addi %while3A_1015, %add3A_1245 : i32
        %mul3A_1247 = arith.constant 16 : i32
        %mul3A_1248 = arith.muli %add3A_1246, %mul3A_1247 : i32
        %get3A_1249 = arith.index_cast %mul3A_1248 : i32 to index
        %get3A_1250 = tpu.vector_load %arg10[%get3A_1249] {strides = array<i32>} : memref<8192xf32, #tpu.memory_space<vmem>>, vector<16xf32>,
        %sub3A_1251 = arith.subf %get3A_1250, %gather3A_577 : vector<16xf32>
        %get3A_1252 = arith.index_cast %mul3A_1248 : i32 to index
        %get3A_1253 = tpu.vector_load %arg11[%get3A_1252] {strides = array<i32>} : memref<8192xf32, #tpu.memory_space<vmem>>, vector<16xf32>,
        %sub3A_1254 = arith.subf %get3A_1253, %gather3A_589 : vector<16xf32>
        %get3A_1255 = arith.index_cast %mul3A_1248 : i32 to index
        %get3A_1256 = tpu.vector_load %arg12[%get3A_1255] {strides = array<i32>} : memref<8192xf32, #tpu.memory_space<vmem>>, vector<16xf32>,
        %sub3A_1257 = arith.subf %get3A_1256, %gather3A_601 : vector<16xf32>
        %mul3A_1258 = arith.mulf %sub3A_1251, %sub3A_1251 : vector<16xf32>
        %mul3A_1259 = arith.mulf %sub3A_1254, %sub3A_1254 : vector<16xf32>
        %add3A_1260 = arith.addf %mul3A_1258, %mul3A_1259 : vector<16xf32>
        %mul3A_1261 = arith.mulf %sub3A_1257, %sub3A_1257 : vector<16xf32>
        %add3A_1262 = arith.addf %add3A_1260, %mul3A_1261 : vector<16xf32>
        %le3A_1263 = arith.constant 4.000000e-02 : f32
        %le3A_1264 = vector.broadcast %le3A_1263 : f32 to vector<16xf32>
        %le3A_1265 = arith.cmpf ole, %add3A_1262, %le3A_1264 : vector<16xf32>
        %convert_element_type3A_1266 = arith.extui %le3A_1265 : vector<16xi1> to vector<16xi32>
        %broadcast_in_dim3A_1267 = arith.constant true
        %broadcast_in_dim3A_1268 = vector.broadcast %broadcast_in_dim3A_1267 : i1 to vector<16xi1>
        %masked_cumsum3A_1269 = tpu.scan <sum>, %convert_element_type3A_1266 masked %broadcast_in_dim3A_1268 : vector<16xi32>, vector<16xi1> -> vector<16xi32>
        %add3A_1270 = arith.addi %add3A_1244, %masked_cumsum3A_1269 : vector<16xi32>
        %sub3A_1271 = arith.constant 1 : i32
        %sub3A_1272 = vector.broadcast %sub3A_1271 : i32 to vector<16xi32>
        %sub3A_1273 = arith.subi %add3A_1270, %sub3A_1272 : vector<16xi32>
        %add3A_1274 = vector.broadcast %mul3A_1248 : i32 to vector<16xi32>
        %add3A_1275 = arith.addi %iota3A, %add3A_1274 : vector<16xi32>
        tpu.vector_store_idx %arg16[%sub3A_1273], %add3A_1275 masked %le3A_1265 : memref<160xi32, #tpu.memory_space<vmem>>[vector<16xi32>], vector<16xi32>, vector<16xi1>
        %all_reduce_population_count3A_1276 = tpu.all_reduce %le3A_1265 {dim = 0 : i64, kind = #tpu.reduction_kind<sum>} : vector<16xi1> -> vector<16xi32>
        %add3A_1277 = arith.addi %add3A_1244, %all_reduce_population_count3A_1276 : vector<16xi32>
        %add3A_1278 = arith.constant 8 : i32
        %add3A_1279 = arith.addi %while3A_1015, %add3A_1278 : i32
        %reduce_max3A = arith.constant true
        %reduce_max3A_1280 = vector.broadcast %reduce_max3A : i1 to vector<16xi1>
        %reduce_max3A_1281 = arith.constant -2147483648 : i32
        %reduce_max3A_1282 = vector.broadcast %reduce_max3A_1281 : i32 to vector<16xi32>
        %reduce_max3A_1283 = arith.xori %add3A_1277, %reduce_max3A_1282 : vector<16xi32>
        %reduce_max3A_1284 = tpu.scan <max>, %reduce_max3A_1283 masked %reduce_max3A_1280 : vector<16xi32>, vector<16xi1> -> vector<16xi32>
        %reduce_max3A_1285 = arith.xori %reduce_max3A_1284, %reduce_max3A_1282 : vector<16xi32>
        %reduce_max3A_1286 = vector.extract %reduce_max3A_1285[15] : i32 from vector<16xi32>
        scf.yield %add3A_1279, %reduce_max3A_1286 : i32, i32
      }
      %min3A_605 = arith.constant 32 : i32
      %min3A_606 = arith.minsi %while3A_604#1, %min3A_605 : i32
      %get3A_607 = arith.constant 0 : index
      %get3A_608 = tpu.vector_load %arg16[%get3A_607] {strides = array<i32>} : memref<160xi32, #tpu.memory_space<vmem>>, vector<16xi32>,
      %broadcast_in_dim3A_609 = arith.constant 0 : i32
      %broadcast_in_dim3A_610 = vector.broadcast %broadcast_in_dim3A_609 : i32 to vector<16xi32>
      %lt3A_611 = arith.constant 0 : i32
      %lt3A_612 = vector.broadcast %lt3A_611 : i32 to vector<16xi32>
      %lt3A_613 = arith.cmpi slt, %broadcast_in_dim3A_610, %lt3A_612 : vector<16xi32>
      %add3A_614 = arith.constant 16 : i32
      %add3A_615 = vector.broadcast %add3A_614 : i32 to vector<16xi32>
      %add3A_616 = arith.addi %broadcast_in_dim3A_610, %add3A_615 : vector<16xi32>
      %select_n3A_617 = arith.select %lt3A_613, %add3A_616, %broadcast_in_dim3A_610 : vector<16xi1>, vector<16xi32>
      %broadcast_in_dim3A_618 = vector.shape_cast %select_n3A_617 : vector<16xi32> to vector<16x1xi32>
      %gather3A_619 = vector.shape_cast %broadcast_in_dim3A_618 : vector<16x1xi32> to vector<16xi32>
      %gather3A_620 = tpu.dynamic_gather %get3A_608[%gather3A_619] in [0] : vector<16xi32>, vector<16xi32> -> vector<16xi32>
      %lt3A_621 = vector.broadcast %min3A_606 : i32 to vector<16xi32>
      %lt3A_622 = arith.cmpi slt, %iota3A, %lt3A_621 : vector<16xi32>
      %select_n3A_623 = arith.select %lt3A_622, %get3A_608, %gather3A_620 : vector<16xi1>, vector<16xi32>
      %add3A_624 = arith.constant 16 : i32
      %add3A_625 = vector.broadcast %add3A_624 : i32 to vector<16xi32>
      %add3A_626 = arith.addi %iota3A, %add3A_625 : vector<16xi32>
      %lt3A_627 = vector.broadcast %min3A_606 : i32 to vector<16xi32>
      %lt3A_628 = arith.cmpi slt, %add3A_626, %lt3A_627 : vector<16xi32>
      %get3A_629 = arith.constant 16 : index
      %get3A_630 = tpu.vector_load %arg16[%get3A_629] {strides = array<i32>} : memref<160xi32, #tpu.memory_space<vmem>>, vector<16xi32>,
      %select_n3A_631 = arith.select %lt3A_628, %get3A_630, %gather3A_620 : vector<16xi1>, vector<16xi32>
      %add3A_632 = vector.broadcast %mul3A_34 : i32 to vector<16xi32>
      %add3A_633 = arith.addi %select_n3A_623, %add3A_632 : vector<16xi32>
      %swap3A_634 = arith.constant 128 : index
      %swap3A_635 = tpu.vector_load %arg17[%swap3A_634] {strides = array<i32>} : memref<256xi32, #tpu.memory_space<vmem>>, vector<16xi32>,
      tpu.vector_store %arg17[%swap3A_634], %add3A_633 {strides = array<i32>} : memref<256xi32, #tpu.memory_space<vmem>>, vector<16xi32>,
      %add3A_636 = vector.broadcast %mul3A_34 : i32 to vector<16xi32>
      %add3A_637 = arith.addi %select_n3A_631, %add3A_636 : vector<16xi32>
      %swap3A_638 = arith.constant 144 : index
      %swap3A_639 = tpu.vector_load %arg17[%swap3A_638] {strides = array<i32>} : memref<256xi32, #tpu.memory_space<vmem>>, vector<16xi32>,
      tpu.vector_store %arg17[%swap3A_638], %add3A_637 {strides = array<i32>} : memref<256xi32, #tpu.memory_space<vmem>>, vector<16xi32>,
      %mul3A_640 = arith.constant 8 : i32
      %mul3A_641 = arith.muli %scan3A_40, %mul3A_640 : i32
      %add3A_642 = arith.constant 5 : i32
      %add3A_643 = arith.addi %mul3A_641, %add3A_642 : i32
      %jit3A_644 = arith.constant 16 : i32
      %div3A_645 = arith.divsi %add3A_643, %jit3A_644 : i32
      %sign3A_646 = arith.constant 0 : i32
      %sign3A_647 = arith.cmpi sgt, %add3A_643, %sign3A_646 : i32
      %sign3A_648 = arith.extui %sign3A_647 : i1 to i32
      %sign3A_649 = arith.constant 0 : i32
      %sign3A_650 = arith.cmpi slt, %add3A_643, %sign3A_649 : i32
      %sign3A_651 = arith.extui %sign3A_650 : i1 to i32
      %sign3A_652 = arith.subi %sign3A_648, %sign3A_651 : i32
      %sign3A_653 = arith.constant 0 : i32
      %sign3A_654 = arith.cmpi sgt, %jit3A_644, %sign3A_653 : i32
      %sign3A_655 = arith.extui %sign3A_654 : i1 to i32
      %sign3A_656 = arith.constant 0 : i32
      %sign3A_657 = arith.cmpi slt, %jit3A_644, %sign3A_656 : i32
      %sign3A_658 = arith.extui %sign3A_657 : i1 to i32
      %sign3A_659 = arith.subi %sign3A_655, %sign3A_658 : i32
      %ne3A_660 = arith.cmpi ne, %sign3A_652, %sign3A_659 : i32
      %rem3A_661 = arith.remsi %add3A_643, %jit3A_644 : i32
      %ne3A_662 = arith.constant 0 : i32
      %ne3A_663 = arith.cmpi ne, %rem3A_661, %ne3A_662 : i32
      %and3A_664 = arith.andi %ne3A_660, %ne3A_663 : i1
      %sub3A_665 = arith.constant 1 : i32
      %sub3A_666 = arith.subi %div3A_645, %sub3A_665 : i32
      %select_n3A_667 = arith.select %and3A_664, %sub3A_666, %div3A_645 : i32
      %mul3A_668 = arith.constant 16 : i32
      %mul3A_669 = arith.muli %select_n3A_667, %mul3A_668 : i32
      %jit3A_670 = arith.constant 16 : i32
      %eq3A_671 = arith.constant 0 : i32
      %eq3A_672 = arith.cmpi eq, %jit3A_670, %eq3A_671 : i32
      %jit3A_673 = arith.constant 1 : i32
      %select_n3A_674 = arith.select %eq3A_672, %jit3A_673, %jit3A_670 : i32
      %rem3A_675 = arith.remsi %add3A_643, %select_n3A_674 : i32
      %ne3A_676 = arith.constant 0 : i32
      %ne3A_677 = arith.cmpi ne, %rem3A_675, %ne3A_676 : i32
      %lt3A_678 = arith.constant 0 : i32
      %lt3A_679 = arith.cmpi slt, %rem3A_675, %lt3A_678 : i32
      %lt3A_680 = arith.constant 0 : i32
      %lt3A_681 = arith.cmpi slt, %select_n3A_674, %lt3A_680 : i32
      %ne3A_682 = arith.xori %lt3A_679, %lt3A_681 : i1
      %and3A_683 = arith.andi %ne3A_682, %ne3A_677 : i1
      %add3A_684 = arith.addi %rem3A_675, %select_n3A_674 : i32
      %select_n3A_685 = arith.select %and3A_683, %add3A_684, %rem3A_675 : i32
      %broadcast_in_dim3A_686 = vector.broadcast %select_n3A_685 : i32 to vector<16xi32>
      %get3A_687 = arith.index_cast %mul3A_669 : i32 to index
      %get3A_688 = tpu.vector_load %arg13[%get3A_687] {strides = array<i32>} : memref<128xf32, #tpu.memory_space<vmem>>, vector<16xf32>,
      %lt3A_689 = arith.constant 0 : i32
      %lt3A_690 = vector.broadcast %lt3A_689 : i32 to vector<16xi32>
      %lt3A_691 = arith.cmpi slt, %broadcast_in_dim3A_686, %lt3A_690 : vector<16xi32>
      %add3A_692 = arith.constant 16 : i32
      %add3A_693 = vector.broadcast %add3A_692 : i32 to vector<16xi32>
      %add3A_694 = arith.addi %broadcast_in_dim3A_686, %add3A_693 : vector<16xi32>
      %select_n3A_695 = arith.select %lt3A_691, %add3A_694, %broadcast_in_dim3A_686 : vector<16xi1>, vector<16xi32>
      %broadcast_in_dim3A_696 = vector.shape_cast %select_n3A_695 : vector<16xi32> to vector<16x1xi32>
      %gather3A_697 = vector.shape_cast %broadcast_in_dim3A_696 : vector<16x1xi32> to vector<16xi32>
      %gather3A_698 = tpu.dynamic_gather %get3A_688[%gather3A_697] in [0] : vector<16xf32>, vector<16xi32> -> vector<16xf32>
      %get3A_699 = arith.index_cast %mul3A_669 : i32 to index
      %get3A_700 = tpu.vector_load %arg14[%get3A_699] {strides = array<i32>} : memref<128xf32, #tpu.memory_space<vmem>>, vector<16xf32>,
      %lt3A_701 = arith.constant 0 : i32
      %lt3A_702 = vector.broadcast %lt3A_701 : i32 to vector<16xi32>
      %lt3A_703 = arith.cmpi slt, %broadcast_in_dim3A_686, %lt3A_702 : vector<16xi32>
      %add3A_704 = arith.constant 16 : i32
      %add3A_705 = vector.broadcast %add3A_704 : i32 to vector<16xi32>
      %add3A_706 = arith.addi %broadcast_in_dim3A_686, %add3A_705 : vector<16xi32>
      %select_n3A_707 = arith.select %lt3A_703, %add3A_706, %broadcast_in_dim3A_686 : vector<16xi1>, vector<16xi32>
      %broadcast_in_dim3A_708 = vector.shape_cast %select_n3A_707 : vector<16xi32> to vector<16x1xi32>
      %gather3A_709 = vector.shape_cast %broadcast_in_dim3A_708 : vector<16x1xi32> to vector<16xi32>
      %gather3A_710 = tpu.dynamic_gather %get3A_700[%gather3A_709] in [0] : vector<16xf32>, vector<16xi32> -> vector<16xf32>
      %get3A_711 = arith.index_cast %mul3A_669 : i32 to index
      %get3A_712 = tpu.vector_load %arg15[%get3A_711] {strides = array<i32>} : memref<128xf32, #tpu.memory_space<vmem>>, vector<16xf32>,
      %lt3A_713 = arith.constant 0 : i32
      %lt3A_714 = vector.broadcast %lt3A_713 : i32 to vector<16xi32>
      %lt3A_715 = arith.cmpi slt, %broadcast_in_dim3A_686, %lt3A_714 : vector<16xi32>
      %add3A_716 = arith.constant 16 : i32
      %add3A_717 = vector.broadcast %add3A_716 : i32 to vector<16xi32>
      %add3A_718 = arith.addi %broadcast_in_dim3A_686, %add3A_717 : vector<16xi32>
      %select_n3A_719 = arith.select %lt3A_715, %add3A_718, %broadcast_in_dim3A_686 : vector<16xi1>, vector<16xi32>
      %broadcast_in_dim3A_720 = vector.shape_cast %select_n3A_719 : vector<16xi32> to vector<16x1xi32>
      %gather3A_721 = vector.shape_cast %broadcast_in_dim3A_720 : vector<16x1xi32> to vector<16xi32>
      %gather3A_722 = tpu.dynamic_gather %get3A_712[%gather3A_721] in [0] : vector<16xf32>, vector<16xi32> -> vector<16xf32>
      %while3A_723 = arith.constant 0 : i32
      %while3A_724 = arith.constant 0 : i32
      %while3A_725:2 = scf.while (%while3A_1015 = %while3A_723, %while3A_1016 = %while3A_724) : (i32, i32) -> (i32, i32) {
        %lt3A_1017 = arith.constant 32 : i32
        %lt3A_1018 = arith.cmpi slt, %while3A_1016, %lt3A_1017 : i32
        %lt3A_1019 = arith.constant 512 : i32
        %lt3A_1020 = arith.cmpi slt, %while3A_1015, %lt3A_1019 : i32
        %and3A_1021 = arith.andi %lt3A_1018, %lt3A_1020 : i1
        scf.condition(%and3A_1021) %while3A_1015, %while3A_1016 : i32, i32
      } do {
      ^bb0(%while3A_1015: i32, %while3A_1016: i32):
        %broadcast_in_dim3A_1017 = vector.broadcast %while3A_1016 : i32 to vector<16xi32>
        %add3A_1018 = arith.constant 0 : i32
        %add3A_1019 = arith.addi %while3A_1015, %add3A_1018 : i32
        %mul3A_1020 = arith.constant 16 : i32
        %mul3A_1021 = arith.muli %add3A_1019, %mul3A_1020 : i32
        %get3A_1022 = arith.index_cast %mul3A_1021 : i32 to index
        %get3A_1023 = tpu.vector_load %arg10[%get3A_1022] {strides = array<i32>} : memref<8192xf32, #tpu.memory_space<vmem>>, vector<16xf32>,
        %sub3A_1024 = arith.subf %get3A_1023, %gather3A_698 : vector<16xf32>
        %get3A_1025 = arith.index_cast %mul3A_1021 : i32 to index
        %get3A_1026 = tpu.vector_load %arg11[%get3A_1025] {strides = array<i32>} : memref<8192xf32, #tpu.memory_space<vmem>>, vector<16xf32>,
        %sub3A_1027 = arith.subf %get3A_1026, %gather3A_710 : vector<16xf32>
        %get3A_1028 = arith.index_cast %mul3A_1021 : i32 to index
        %get3A_1029 = tpu.vector_load %arg12[%get3A_1028] {strides = array<i32>} : memref<8192xf32, #tpu.memory_space<vmem>>, vector<16xf32>,
        %sub3A_1030 = arith.subf %get3A_1029, %gather3A_722 : vector<16xf32>
        %mul3A_1031 = arith.mulf %sub3A_1024, %sub3A_1024 : vector<16xf32>
        %mul3A_1032 = arith.mulf %sub3A_1027, %sub3A_1027 : vector<16xf32>
        %add3A_1033 = arith.addf %mul3A_1031, %mul3A_1032 : vector<16xf32>
        %mul3A_1034 = arith.mulf %sub3A_1030, %sub3A_1030 : vector<16xf32>
        %add3A_1035 = arith.addf %add3A_1033, %mul3A_1034 : vector<16xf32>
        %le3A = arith.constant 4.000000e-02 : f32
        %le3A_1036 = vector.broadcast %le3A : f32 to vector<16xf32>
        %le3A_1037 = arith.cmpf ole, %add3A_1035, %le3A_1036 : vector<16xf32>
        %convert_element_type3A = arith.extui %le3A_1037 : vector<16xi1> to vector<16xi32>
        %broadcast_in_dim3A_1038 = arith.constant true
        %broadcast_in_dim3A_1039 = vector.broadcast %broadcast_in_dim3A_1038 : i1 to vector<16xi1>
        %masked_cumsum3A = tpu.scan <sum>, %convert_element_type3A masked %broadcast_in_dim3A_1039 : vector<16xi32>, vector<16xi1> -> vector<16xi32>
        %add3A_1040 = arith.addi %broadcast_in_dim3A_1017, %masked_cumsum3A : vector<16xi32>
        %sub3A_1041 = arith.constant 1 : i32
        %sub3A_1042 = vector.broadcast %sub3A_1041 : i32 to vector<16xi32>
        %sub3A_1043 = arith.subi %add3A_1040, %sub3A_1042 : vector<16xi32>
        %add3A_1044 = vector.broadcast %mul3A_1021 : i32 to vector<16xi32>
        %add3A_1045 = arith.addi %iota3A, %add3A_1044 : vector<16xi32>
        tpu.vector_store_idx %arg16[%sub3A_1043], %add3A_1045 masked %le3A_1037 : memref<160xi32, #tpu.memory_space<vmem>>[vector<16xi32>], vector<16xi32>, vector<16xi1>
        %all_reduce_population_count3A = tpu.all_reduce %le3A_1037 {dim = 0 : i64, kind = #tpu.reduction_kind<sum>} : vector<16xi1> -> vector<16xi32>
        %add3A_1046 = arith.addi %broadcast_in_dim3A_1017, %all_reduce_population_count3A : vector<16xi32>
        %add3A_1047 = arith.constant 1 : i32
        %add3A_1048 = arith.addi %while3A_1015, %add3A_1047 : i32
        %mul3A_1049 = arith.constant 16 : i32
        %mul3A_1050 = arith.muli %add3A_1048, %mul3A_1049 : i32
        %get3A_1051 = arith.index_cast %mul3A_1050 : i32 to index
        %get3A_1052 = tpu.vector_load %arg10[%get3A_1051] {strides = array<i32>} : memref<8192xf32, #tpu.memory_space<vmem>>, vector<16xf32>,
        %sub3A_1053 = arith.subf %get3A_1052, %gather3A_698 : vector<16xf32>
        %get3A_1054 = arith.index_cast %mul3A_1050 : i32 to index
        %get3A_1055 = tpu.vector_load %arg11[%get3A_1054] {strides = array<i32>} : memref<8192xf32, #tpu.memory_space<vmem>>, vector<16xf32>,
        %sub3A_1056 = arith.subf %get3A_1055, %gather3A_710 : vector<16xf32>
        %get3A_1057 = arith.index_cast %mul3A_1050 : i32 to index
        %get3A_1058 = tpu.vector_load %arg12[%get3A_1057] {strides = array<i32>} : memref<8192xf32, #tpu.memory_space<vmem>>, vector<16xf32>,
        %sub3A_1059 = arith.subf %get3A_1058, %gather3A_722 : vector<16xf32>
        %mul3A_1060 = arith.mulf %sub3A_1053, %sub3A_1053 : vector<16xf32>
        %mul3A_1061 = arith.mulf %sub3A_1056, %sub3A_1056 : vector<16xf32>
        %add3A_1062 = arith.addf %mul3A_1060, %mul3A_1061 : vector<16xf32>
        %mul3A_1063 = arith.mulf %sub3A_1059, %sub3A_1059 : vector<16xf32>
        %add3A_1064 = arith.addf %add3A_1062, %mul3A_1063 : vector<16xf32>
        %le3A_1065 = arith.constant 4.000000e-02 : f32
        %le3A_1066 = vector.broadcast %le3A_1065 : f32 to vector<16xf32>
        %le3A_1067 = arith.cmpf ole, %add3A_1064, %le3A_1066 : vector<16xf32>
        %convert_element_type3A_1068 = arith.extui %le3A_1067 : vector<16xi1> to vector<16xi32>
        %broadcast_in_dim3A_1069 = arith.constant true
        %broadcast_in_dim3A_1070 = vector.broadcast %broadcast_in_dim3A_1069 : i1 to vector<16xi1>
        %masked_cumsum3A_1071 = tpu.scan <sum>, %convert_element_type3A_1068 masked %broadcast_in_dim3A_1070 : vector<16xi32>, vector<16xi1> -> vector<16xi32>
        %add3A_1072 = arith.addi %add3A_1046, %masked_cumsum3A_1071 : vector<16xi32>
        %sub3A_1073 = arith.constant 1 : i32
        %sub3A_1074 = vector.broadcast %sub3A_1073 : i32 to vector<16xi32>
        %sub3A_1075 = arith.subi %add3A_1072, %sub3A_1074 : vector<16xi32>
        %add3A_1076 = vector.broadcast %mul3A_1050 : i32 to vector<16xi32>
        %add3A_1077 = arith.addi %iota3A, %add3A_1076 : vector<16xi32>
        tpu.vector_store_idx %arg16[%sub3A_1075], %add3A_1077 masked %le3A_1067 : memref<160xi32, #tpu.memory_space<vmem>>[vector<16xi32>], vector<16xi32>, vector<16xi1>
        %all_reduce_population_count3A_1078 = tpu.all_reduce %le3A_1067 {dim = 0 : i64, kind = #tpu.reduction_kind<sum>} : vector<16xi1> -> vector<16xi32>
        %add3A_1079 = arith.addi %add3A_1046, %all_reduce_population_count3A_1078 : vector<16xi32>
        %add3A_1080 = arith.constant 2 : i32
        %add3A_1081 = arith.addi %while3A_1015, %add3A_1080 : i32
        %mul3A_1082 = arith.constant 16 : i32
        %mul3A_1083 = arith.muli %add3A_1081, %mul3A_1082 : i32
        %get3A_1084 = arith.index_cast %mul3A_1083 : i32 to index
        %get3A_1085 = tpu.vector_load %arg10[%get3A_1084] {strides = array<i32>} : memref<8192xf32, #tpu.memory_space<vmem>>, vector<16xf32>,
        %sub3A_1086 = arith.subf %get3A_1085, %gather3A_698 : vector<16xf32>
        %get3A_1087 = arith.index_cast %mul3A_1083 : i32 to index
        %get3A_1088 = tpu.vector_load %arg11[%get3A_1087] {strides = array<i32>} : memref<8192xf32, #tpu.memory_space<vmem>>, vector<16xf32>,
        %sub3A_1089 = arith.subf %get3A_1088, %gather3A_710 : vector<16xf32>
        %get3A_1090 = arith.index_cast %mul3A_1083 : i32 to index
        %get3A_1091 = tpu.vector_load %arg12[%get3A_1090] {strides = array<i32>} : memref<8192xf32, #tpu.memory_space<vmem>>, vector<16xf32>,
        %sub3A_1092 = arith.subf %get3A_1091, %gather3A_722 : vector<16xf32>
        %mul3A_1093 = arith.mulf %sub3A_1086, %sub3A_1086 : vector<16xf32>
        %mul3A_1094 = arith.mulf %sub3A_1089, %sub3A_1089 : vector<16xf32>
        %add3A_1095 = arith.addf %mul3A_1093, %mul3A_1094 : vector<16xf32>
        %mul3A_1096 = arith.mulf %sub3A_1092, %sub3A_1092 : vector<16xf32>
        %add3A_1097 = arith.addf %add3A_1095, %mul3A_1096 : vector<16xf32>
        %le3A_1098 = arith.constant 4.000000e-02 : f32
        %le3A_1099 = vector.broadcast %le3A_1098 : f32 to vector<16xf32>
        %le3A_1100 = arith.cmpf ole, %add3A_1097, %le3A_1099 : vector<16xf32>
        %convert_element_type3A_1101 = arith.extui %le3A_1100 : vector<16xi1> to vector<16xi32>
        %broadcast_in_dim3A_1102 = arith.constant true
        %broadcast_in_dim3A_1103 = vector.broadcast %broadcast_in_dim3A_1102 : i1 to vector<16xi1>
        %masked_cumsum3A_1104 = tpu.scan <sum>, %convert_element_type3A_1101 masked %broadcast_in_dim3A_1103 : vector<16xi32>, vector<16xi1> -> vector<16xi32>
        %add3A_1105 = arith.addi %add3A_1079, %masked_cumsum3A_1104 : vector<16xi32>
        %sub3A_1106 = arith.constant 1 : i32
        %sub3A_1107 = vector.broadcast %sub3A_1106 : i32 to vector<16xi32>
        %sub3A_1108 = arith.subi %add3A_1105, %sub3A_1107 : vector<16xi32>
        %add3A_1109 = vector.broadcast %mul3A_1083 : i32 to vector<16xi32>
        %add3A_1110 = arith.addi %iota3A, %add3A_1109 : vector<16xi32>
        tpu.vector_store_idx %arg16[%sub3A_1108], %add3A_1110 masked %le3A_1100 : memref<160xi32, #tpu.memory_space<vmem>>[vector<16xi32>], vector<16xi32>, vector<16xi1>
        %all_reduce_population_count3A_1111 = tpu.all_reduce %le3A_1100 {dim = 0 : i64, kind = #tpu.reduction_kind<sum>} : vector<16xi1> -> vector<16xi32>
        %add3A_1112 = arith.addi %add3A_1079, %all_reduce_population_count3A_1111 : vector<16xi32>
        %add3A_1113 = arith.constant 3 : i32
        %add3A_1114 = arith.addi %while3A_1015, %add3A_1113 : i32
        %mul3A_1115 = arith.constant 16 : i32
        %mul3A_1116 = arith.muli %add3A_1114, %mul3A_1115 : i32
        %get3A_1117 = arith.index_cast %mul3A_1116 : i32 to index
        %get3A_1118 = tpu.vector_load %arg10[%get3A_1117] {strides = array<i32>} : memref<8192xf32, #tpu.memory_space<vmem>>, vector<16xf32>,
        %sub3A_1119 = arith.subf %get3A_1118, %gather3A_698 : vector<16xf32>
        %get3A_1120 = arith.index_cast %mul3A_1116 : i32 to index
        %get3A_1121 = tpu.vector_load %arg11[%get3A_1120] {strides = array<i32>} : memref<8192xf32, #tpu.memory_space<vmem>>, vector<16xf32>,
        %sub3A_1122 = arith.subf %get3A_1121, %gather3A_710 : vector<16xf32>
        %get3A_1123 = arith.index_cast %mul3A_1116 : i32 to index
        %get3A_1124 = tpu.vector_load %arg12[%get3A_1123] {strides = array<i32>} : memref<8192xf32, #tpu.memory_space<vmem>>, vector<16xf32>,
        %sub3A_1125 = arith.subf %get3A_1124, %gather3A_722 : vector<16xf32>
        %mul3A_1126 = arith.mulf %sub3A_1119, %sub3A_1119 : vector<16xf32>
        %mul3A_1127 = arith.mulf %sub3A_1122, %sub3A_1122 : vector<16xf32>
        %add3A_1128 = arith.addf %mul3A_1126, %mul3A_1127 : vector<16xf32>
        %mul3A_1129 = arith.mulf %sub3A_1125, %sub3A_1125 : vector<16xf32>
        %add3A_1130 = arith.addf %add3A_1128, %mul3A_1129 : vector<16xf32>
        %le3A_1131 = arith.constant 4.000000e-02 : f32
        %le3A_1132 = vector.broadcast %le3A_1131 : f32 to vector<16xf32>
        %le3A_1133 = arith.cmpf ole, %add3A_1130, %le3A_1132 : vector<16xf32>
        %convert_element_type3A_1134 = arith.extui %le3A_1133 : vector<16xi1> to vector<16xi32>
        %broadcast_in_dim3A_1135 = arith.constant true
        %broadcast_in_dim3A_1136 = vector.broadcast %broadcast_in_dim3A_1135 : i1 to vector<16xi1>
        %masked_cumsum3A_1137 = tpu.scan <sum>, %convert_element_type3A_1134 masked %broadcast_in_dim3A_1136 : vector<16xi32>, vector<16xi1> -> vector<16xi32>
        %add3A_1138 = arith.addi %add3A_1112, %masked_cumsum3A_1137 : vector<16xi32>
        %sub3A_1139 = arith.constant 1 : i32
        %sub3A_1140 = vector.broadcast %sub3A_1139 : i32 to vector<16xi32>
        %sub3A_1141 = arith.subi %add3A_1138, %sub3A_1140 : vector<16xi32>
        %add3A_1142 = vector.broadcast %mul3A_1116 : i32 to vector<16xi32>
        %add3A_1143 = arith.addi %iota3A, %add3A_1142 : vector<16xi32>
        tpu.vector_store_idx %arg16[%sub3A_1141], %add3A_1143 masked %le3A_1133 : memref<160xi32, #tpu.memory_space<vmem>>[vector<16xi32>], vector<16xi32>, vector<16xi1>
        %all_reduce_population_count3A_1144 = tpu.all_reduce %le3A_1133 {dim = 0 : i64, kind = #tpu.reduction_kind<sum>} : vector<16xi1> -> vector<16xi32>
        %add3A_1145 = arith.addi %add3A_1112, %all_reduce_population_count3A_1144 : vector<16xi32>
        %add3A_1146 = arith.constant 4 : i32
        %add3A_1147 = arith.addi %while3A_1015, %add3A_1146 : i32
        %mul3A_1148 = arith.constant 16 : i32
        %mul3A_1149 = arith.muli %add3A_1147, %mul3A_1148 : i32
        %get3A_1150 = arith.index_cast %mul3A_1149 : i32 to index
        %get3A_1151 = tpu.vector_load %arg10[%get3A_1150] {strides = array<i32>} : memref<8192xf32, #tpu.memory_space<vmem>>, vector<16xf32>,
        %sub3A_1152 = arith.subf %get3A_1151, %gather3A_698 : vector<16xf32>
        %get3A_1153 = arith.index_cast %mul3A_1149 : i32 to index
        %get3A_1154 = tpu.vector_load %arg11[%get3A_1153] {strides = array<i32>} : memref<8192xf32, #tpu.memory_space<vmem>>, vector<16xf32>,
        %sub3A_1155 = arith.subf %get3A_1154, %gather3A_710 : vector<16xf32>
        %get3A_1156 = arith.index_cast %mul3A_1149 : i32 to index
        %get3A_1157 = tpu.vector_load %arg12[%get3A_1156] {strides = array<i32>} : memref<8192xf32, #tpu.memory_space<vmem>>, vector<16xf32>,
        %sub3A_1158 = arith.subf %get3A_1157, %gather3A_722 : vector<16xf32>
        %mul3A_1159 = arith.mulf %sub3A_1152, %sub3A_1152 : vector<16xf32>
        %mul3A_1160 = arith.mulf %sub3A_1155, %sub3A_1155 : vector<16xf32>
        %add3A_1161 = arith.addf %mul3A_1159, %mul3A_1160 : vector<16xf32>
        %mul3A_1162 = arith.mulf %sub3A_1158, %sub3A_1158 : vector<16xf32>
        %add3A_1163 = arith.addf %add3A_1161, %mul3A_1162 : vector<16xf32>
        %le3A_1164 = arith.constant 4.000000e-02 : f32
        %le3A_1165 = vector.broadcast %le3A_1164 : f32 to vector<16xf32>
        %le3A_1166 = arith.cmpf ole, %add3A_1163, %le3A_1165 : vector<16xf32>
        %convert_element_type3A_1167 = arith.extui %le3A_1166 : vector<16xi1> to vector<16xi32>
        %broadcast_in_dim3A_1168 = arith.constant true
        %broadcast_in_dim3A_1169 = vector.broadcast %broadcast_in_dim3A_1168 : i1 to vector<16xi1>
        %masked_cumsum3A_1170 = tpu.scan <sum>, %convert_element_type3A_1167 masked %broadcast_in_dim3A_1169 : vector<16xi32>, vector<16xi1> -> vector<16xi32>
        %add3A_1171 = arith.addi %add3A_1145, %masked_cumsum3A_1170 : vector<16xi32>
        %sub3A_1172 = arith.constant 1 : i32
        %sub3A_1173 = vector.broadcast %sub3A_1172 : i32 to vector<16xi32>
        %sub3A_1174 = arith.subi %add3A_1171, %sub3A_1173 : vector<16xi32>
        %add3A_1175 = vector.broadcast %mul3A_1149 : i32 to vector<16xi32>
        %add3A_1176 = arith.addi %iota3A, %add3A_1175 : vector<16xi32>
        tpu.vector_store_idx %arg16[%sub3A_1174], %add3A_1176 masked %le3A_1166 : memref<160xi32, #tpu.memory_space<vmem>>[vector<16xi32>], vector<16xi32>, vector<16xi1>
        %all_reduce_population_count3A_1177 = tpu.all_reduce %le3A_1166 {dim = 0 : i64, kind = #tpu.reduction_kind<sum>} : vector<16xi1> -> vector<16xi32>
        %add3A_1178 = arith.addi %add3A_1145, %all_reduce_population_count3A_1177 : vector<16xi32>
        %add3A_1179 = arith.constant 5 : i32
        %add3A_1180 = arith.addi %while3A_1015, %add3A_1179 : i32
        %mul3A_1181 = arith.constant 16 : i32
        %mul3A_1182 = arith.muli %add3A_1180, %mul3A_1181 : i32
        %get3A_1183 = arith.index_cast %mul3A_1182 : i32 to index
        %get3A_1184 = tpu.vector_load %arg10[%get3A_1183] {strides = array<i32>} : memref<8192xf32, #tpu.memory_space<vmem>>, vector<16xf32>,
        %sub3A_1185 = arith.subf %get3A_1184, %gather3A_698 : vector<16xf32>
        %get3A_1186 = arith.index_cast %mul3A_1182 : i32 to index
        %get3A_1187 = tpu.vector_load %arg11[%get3A_1186] {strides = array<i32>} : memref<8192xf32, #tpu.memory_space<vmem>>, vector<16xf32>,
        %sub3A_1188 = arith.subf %get3A_1187, %gather3A_710 : vector<16xf32>
        %get3A_1189 = arith.index_cast %mul3A_1182 : i32 to index
        %get3A_1190 = tpu.vector_load %arg12[%get3A_1189] {strides = array<i32>} : memref<8192xf32, #tpu.memory_space<vmem>>, vector<16xf32>,
        %sub3A_1191 = arith.subf %get3A_1190, %gather3A_722 : vector<16xf32>
        %mul3A_1192 = arith.mulf %sub3A_1185, %sub3A_1185 : vector<16xf32>
        %mul3A_1193 = arith.mulf %sub3A_1188, %sub3A_1188 : vector<16xf32>
        %add3A_1194 = arith.addf %mul3A_1192, %mul3A_1193 : vector<16xf32>
        %mul3A_1195 = arith.mulf %sub3A_1191, %sub3A_1191 : vector<16xf32>
        %add3A_1196 = arith.addf %add3A_1194, %mul3A_1195 : vector<16xf32>
        %le3A_1197 = arith.constant 4.000000e-02 : f32
        %le3A_1198 = vector.broadcast %le3A_1197 : f32 to vector<16xf32>
        %le3A_1199 = arith.cmpf ole, %add3A_1196, %le3A_1198 : vector<16xf32>
        %convert_element_type3A_1200 = arith.extui %le3A_1199 : vector<16xi1> to vector<16xi32>
        %broadcast_in_dim3A_1201 = arith.constant true
        %broadcast_in_dim3A_1202 = vector.broadcast %broadcast_in_dim3A_1201 : i1 to vector<16xi1>
        %masked_cumsum3A_1203 = tpu.scan <sum>, %convert_element_type3A_1200 masked %broadcast_in_dim3A_1202 : vector<16xi32>, vector<16xi1> -> vector<16xi32>
        %add3A_1204 = arith.addi %add3A_1178, %masked_cumsum3A_1203 : vector<16xi32>
        %sub3A_1205 = arith.constant 1 : i32
        %sub3A_1206 = vector.broadcast %sub3A_1205 : i32 to vector<16xi32>
        %sub3A_1207 = arith.subi %add3A_1204, %sub3A_1206 : vector<16xi32>
        %add3A_1208 = vector.broadcast %mul3A_1182 : i32 to vector<16xi32>
        %add3A_1209 = arith.addi %iota3A, %add3A_1208 : vector<16xi32>
        tpu.vector_store_idx %arg16[%sub3A_1207], %add3A_1209 masked %le3A_1199 : memref<160xi32, #tpu.memory_space<vmem>>[vector<16xi32>], vector<16xi32>, vector<16xi1>
        %all_reduce_population_count3A_1210 = tpu.all_reduce %le3A_1199 {dim = 0 : i64, kind = #tpu.reduction_kind<sum>} : vector<16xi1> -> vector<16xi32>
        %add3A_1211 = arith.addi %add3A_1178, %all_reduce_population_count3A_1210 : vector<16xi32>
        %add3A_1212 = arith.constant 6 : i32
        %add3A_1213 = arith.addi %while3A_1015, %add3A_1212 : i32
        %mul3A_1214 = arith.constant 16 : i32
        %mul3A_1215 = arith.muli %add3A_1213, %mul3A_1214 : i32
        %get3A_1216 = arith.index_cast %mul3A_1215 : i32 to index
        %get3A_1217 = tpu.vector_load %arg10[%get3A_1216] {strides = array<i32>} : memref<8192xf32, #tpu.memory_space<vmem>>, vector<16xf32>,
        %sub3A_1218 = arith.subf %get3A_1217, %gather3A_698 : vector<16xf32>
        %get3A_1219 = arith.index_cast %mul3A_1215 : i32 to index
        %get3A_1220 = tpu.vector_load %arg11[%get3A_1219] {strides = array<i32>} : memref<8192xf32, #tpu.memory_space<vmem>>, vector<16xf32>,
        %sub3A_1221 = arith.subf %get3A_1220, %gather3A_710 : vector<16xf32>
        %get3A_1222 = arith.index_cast %mul3A_1215 : i32 to index
        %get3A_1223 = tpu.vector_load %arg12[%get3A_1222] {strides = array<i32>} : memref<8192xf32, #tpu.memory_space<vmem>>, vector<16xf32>,
        %sub3A_1224 = arith.subf %get3A_1223, %gather3A_722 : vector<16xf32>
        %mul3A_1225 = arith.mulf %sub3A_1218, %sub3A_1218 : vector<16xf32>
        %mul3A_1226 = arith.mulf %sub3A_1221, %sub3A_1221 : vector<16xf32>
        %add3A_1227 = arith.addf %mul3A_1225, %mul3A_1226 : vector<16xf32>
        %mul3A_1228 = arith.mulf %sub3A_1224, %sub3A_1224 : vector<16xf32>
        %add3A_1229 = arith.addf %add3A_1227, %mul3A_1228 : vector<16xf32>
        %le3A_1230 = arith.constant 4.000000e-02 : f32
        %le3A_1231 = vector.broadcast %le3A_1230 : f32 to vector<16xf32>
        %le3A_1232 = arith.cmpf ole, %add3A_1229, %le3A_1231 : vector<16xf32>
        %convert_element_type3A_1233 = arith.extui %le3A_1232 : vector<16xi1> to vector<16xi32>
        %broadcast_in_dim3A_1234 = arith.constant true
        %broadcast_in_dim3A_1235 = vector.broadcast %broadcast_in_dim3A_1234 : i1 to vector<16xi1>
        %masked_cumsum3A_1236 = tpu.scan <sum>, %convert_element_type3A_1233 masked %broadcast_in_dim3A_1235 : vector<16xi32>, vector<16xi1> -> vector<16xi32>
        %add3A_1237 = arith.addi %add3A_1211, %masked_cumsum3A_1236 : vector<16xi32>
        %sub3A_1238 = arith.constant 1 : i32
        %sub3A_1239 = vector.broadcast %sub3A_1238 : i32 to vector<16xi32>
        %sub3A_1240 = arith.subi %add3A_1237, %sub3A_1239 : vector<16xi32>
        %add3A_1241 = vector.broadcast %mul3A_1215 : i32 to vector<16xi32>
        %add3A_1242 = arith.addi %iota3A, %add3A_1241 : vector<16xi32>
        tpu.vector_store_idx %arg16[%sub3A_1240], %add3A_1242 masked %le3A_1232 : memref<160xi32, #tpu.memory_space<vmem>>[vector<16xi32>], vector<16xi32>, vector<16xi1>
        %all_reduce_population_count3A_1243 = tpu.all_reduce %le3A_1232 {dim = 0 : i64, kind = #tpu.reduction_kind<sum>} : vector<16xi1> -> vector<16xi32>
        %add3A_1244 = arith.addi %add3A_1211, %all_reduce_population_count3A_1243 : vector<16xi32>
        %add3A_1245 = arith.constant 7 : i32
        %add3A_1246 = arith.addi %while3A_1015, %add3A_1245 : i32
        %mul3A_1247 = arith.constant 16 : i32
        %mul3A_1248 = arith.muli %add3A_1246, %mul3A_1247 : i32
        %get3A_1249 = arith.index_cast %mul3A_1248 : i32 to index
        %get3A_1250 = tpu.vector_load %arg10[%get3A_1249] {strides = array<i32>} : memref<8192xf32, #tpu.memory_space<vmem>>, vector<16xf32>,
        %sub3A_1251 = arith.subf %get3A_1250, %gather3A_698 : vector<16xf32>
        %get3A_1252 = arith.index_cast %mul3A_1248 : i32 to index
        %get3A_1253 = tpu.vector_load %arg11[%get3A_1252] {strides = array<i32>} : memref<8192xf32, #tpu.memory_space<vmem>>, vector<16xf32>,
        %sub3A_1254 = arith.subf %get3A_1253, %gather3A_710 : vector<16xf32>
        %get3A_1255 = arith.index_cast %mul3A_1248 : i32 to index
        %get3A_1256 = tpu.vector_load %arg12[%get3A_1255] {strides = array<i32>} : memref<8192xf32, #tpu.memory_space<vmem>>, vector<16xf32>,
        %sub3A_1257 = arith.subf %get3A_1256, %gather3A_722 : vector<16xf32>
        %mul3A_1258 = arith.mulf %sub3A_1251, %sub3A_1251 : vector<16xf32>
        %mul3A_1259 = arith.mulf %sub3A_1254, %sub3A_1254 : vector<16xf32>
        %add3A_1260 = arith.addf %mul3A_1258, %mul3A_1259 : vector<16xf32>
        %mul3A_1261 = arith.mulf %sub3A_1257, %sub3A_1257 : vector<16xf32>
        %add3A_1262 = arith.addf %add3A_1260, %mul3A_1261 : vector<16xf32>
        %le3A_1263 = arith.constant 4.000000e-02 : f32
        %le3A_1264 = vector.broadcast %le3A_1263 : f32 to vector<16xf32>
        %le3A_1265 = arith.cmpf ole, %add3A_1262, %le3A_1264 : vector<16xf32>
        %convert_element_type3A_1266 = arith.extui %le3A_1265 : vector<16xi1> to vector<16xi32>
        %broadcast_in_dim3A_1267 = arith.constant true
        %broadcast_in_dim3A_1268 = vector.broadcast %broadcast_in_dim3A_1267 : i1 to vector<16xi1>
        %masked_cumsum3A_1269 = tpu.scan <sum>, %convert_element_type3A_1266 masked %broadcast_in_dim3A_1268 : vector<16xi32>, vector<16xi1> -> vector<16xi32>
        %add3A_1270 = arith.addi %add3A_1244, %masked_cumsum3A_1269 : vector<16xi32>
        %sub3A_1271 = arith.constant 1 : i32
        %sub3A_1272 = vector.broadcast %sub3A_1271 : i32 to vector<16xi32>
        %sub3A_1273 = arith.subi %add3A_1270, %sub3A_1272 : vector<16xi32>
        %add3A_1274 = vector.broadcast %mul3A_1248 : i32 to vector<16xi32>
        %add3A_1275 = arith.addi %iota3A, %add3A_1274 : vector<16xi32>
        tpu.vector_store_idx %arg16[%sub3A_1273], %add3A_1275 masked %le3A_1265 : memref<160xi32, #tpu.memory_space<vmem>>[vector<16xi32>], vector<16xi32>, vector<16xi1>
        %all_reduce_population_count3A_1276 = tpu.all_reduce %le3A_1265 {dim = 0 : i64, kind = #tpu.reduction_kind<sum>} : vector<16xi1> -> vector<16xi32>
        %add3A_1277 = arith.addi %add3A_1244, %all_reduce_population_count3A_1276 : vector<16xi32>
        %add3A_1278 = arith.constant 8 : i32
        %add3A_1279 = arith.addi %while3A_1015, %add3A_1278 : i32
        %reduce_max3A = arith.constant true
        %reduce_max3A_1280 = vector.broadcast %reduce_max3A : i1 to vector<16xi1>
        %reduce_max3A_1281 = arith.constant -2147483648 : i32
        %reduce_max3A_1282 = vector.broadcast %reduce_max3A_1281 : i32 to vector<16xi32>
        %reduce_max3A_1283 = arith.xori %add3A_1277, %reduce_max3A_1282 : vector<16xi32>
        %reduce_max3A_1284 = tpu.scan <max>, %reduce_max3A_1283 masked %reduce_max3A_1280 : vector<16xi32>, vector<16xi1> -> vector<16xi32>
        %reduce_max3A_1285 = arith.xori %reduce_max3A_1284, %reduce_max3A_1282 : vector<16xi32>
        %reduce_max3A_1286 = vector.extract %reduce_max3A_1285[15] : i32 from vector<16xi32>
        scf.yield %add3A_1279, %reduce_max3A_1286 : i32, i32
      }
      %min3A_726 = arith.constant 32 : i32
      %min3A_727 = arith.minsi %while3A_725#1, %min3A_726 : i32
      %get3A_728 = arith.constant 0 : index
      %get3A_729 = tpu.vector_load %arg16[%get3A_728] {strides = array<i32>} : memref<160xi32, #tpu.memory_space<vmem>>, vector<16xi32>,
      %broadcast_in_dim3A_730 = arith.constant 0 : i32
      %broadcast_in_dim3A_731 = vector.broadcast %broadcast_in_dim3A_730 : i32 to vector<16xi32>
      %lt3A_732 = arith.constant 0 : i32
      %lt3A_733 = vector.broadcast %lt3A_732 : i32 to vector<16xi32>
      %lt3A_734 = arith.cmpi slt, %broadcast_in_dim3A_731, %lt3A_733 : vector<16xi32>
      %add3A_735 = arith.constant 16 : i32
      %add3A_736 = vector.broadcast %add3A_735 : i32 to vector<16xi32>
      %add3A_737 = arith.addi %broadcast_in_dim3A_731, %add3A_736 : vector<16xi32>
      %select_n3A_738 = arith.select %lt3A_734, %add3A_737, %broadcast_in_dim3A_731 : vector<16xi1>, vector<16xi32>
      %broadcast_in_dim3A_739 = vector.shape_cast %select_n3A_738 : vector<16xi32> to vector<16x1xi32>
      %gather3A_740 = vector.shape_cast %broadcast_in_dim3A_739 : vector<16x1xi32> to vector<16xi32>
      %gather3A_741 = tpu.dynamic_gather %get3A_729[%gather3A_740] in [0] : vector<16xi32>, vector<16xi32> -> vector<16xi32>
      %lt3A_742 = vector.broadcast %min3A_727 : i32 to vector<16xi32>
      %lt3A_743 = arith.cmpi slt, %iota3A, %lt3A_742 : vector<16xi32>
      %select_n3A_744 = arith.select %lt3A_743, %get3A_729, %gather3A_741 : vector<16xi1>, vector<16xi32>
      %add3A_745 = arith.constant 16 : i32
      %add3A_746 = vector.broadcast %add3A_745 : i32 to vector<16xi32>
      %add3A_747 = arith.addi %iota3A, %add3A_746 : vector<16xi32>
      %lt3A_748 = vector.broadcast %min3A_727 : i32 to vector<16xi32>
      %lt3A_749 = arith.cmpi slt, %add3A_747, %lt3A_748 : vector<16xi32>
      %get3A_750 = arith.constant 16 : index
      %get3A_751 = tpu.vector_load %arg16[%get3A_750] {strides = array<i32>} : memref<160xi32, #tpu.memory_space<vmem>>, vector<16xi32>,
      %select_n3A_752 = arith.select %lt3A_749, %get3A_751, %gather3A_741 : vector<16xi1>, vector<16xi32>
      %add3A_753 = vector.broadcast %mul3A_34 : i32 to vector<16xi32>
      %add3A_754 = arith.addi %select_n3A_744, %add3A_753 : vector<16xi32>
      %swap3A_755 = arith.constant 160 : index
      %swap3A_756 = tpu.vector_load %arg17[%swap3A_755] {strides = array<i32>} : memref<256xi32, #tpu.memory_space<vmem>>, vector<16xi32>,
      tpu.vector_store %arg17[%swap3A_755], %add3A_754 {strides = array<i32>} : memref<256xi32, #tpu.memory_space<vmem>>, vector<16xi32>,
      %add3A_757 = vector.broadcast %mul3A_34 : i32 to vector<16xi32>
      %add3A_758 = arith.addi %select_n3A_752, %add3A_757 : vector<16xi32>
      %swap3A_759 = arith.constant 176 : index
      %swap3A_760 = tpu.vector_load %arg17[%swap3A_759] {strides = array<i32>} : memref<256xi32, #tpu.memory_space<vmem>>, vector<16xi32>,
      tpu.vector_store %arg17[%swap3A_759], %add3A_758 {strides = array<i32>} : memref<256xi32, #tpu.memory_space<vmem>>, vector<16xi32>,
      %mul3A_761 = arith.constant 8 : i32
      %mul3A_762 = arith.muli %scan3A_40, %mul3A_761 : i32
      %add3A_763 = arith.constant 6 : i32
      %add3A_764 = arith.addi %mul3A_762, %add3A_763 : i32
      %jit3A_765 = arith.constant 16 : i32
      %div3A_766 = arith.divsi %add3A_764, %jit3A_765 : i32
      %sign3A_767 = arith.constant 0 : i32
      %sign3A_768 = arith.cmpi sgt, %add3A_764, %sign3A_767 : i32
      %sign3A_769 = arith.extui %sign3A_768 : i1 to i32
      %sign3A_770 = arith.constant 0 : i32
      %sign3A_771 = arith.cmpi slt, %add3A_764, %sign3A_770 : i32
      %sign3A_772 = arith.extui %sign3A_771 : i1 to i32
      %sign3A_773 = arith.subi %sign3A_769, %sign3A_772 : i32
      %sign3A_774 = arith.constant 0 : i32
      %sign3A_775 = arith.cmpi sgt, %jit3A_765, %sign3A_774 : i32
      %sign3A_776 = arith.extui %sign3A_775 : i1 to i32
      %sign3A_777 = arith.constant 0 : i32
      %sign3A_778 = arith.cmpi slt, %jit3A_765, %sign3A_777 : i32
      %sign3A_779 = arith.extui %sign3A_778 : i1 to i32
      %sign3A_780 = arith.subi %sign3A_776, %sign3A_779 : i32
      %ne3A_781 = arith.cmpi ne, %sign3A_773, %sign3A_780 : i32
      %rem3A_782 = arith.remsi %add3A_764, %jit3A_765 : i32
      %ne3A_783 = arith.constant 0 : i32
      %ne3A_784 = arith.cmpi ne, %rem3A_782, %ne3A_783 : i32
      %and3A_785 = arith.andi %ne3A_781, %ne3A_784 : i1
      %sub3A_786 = arith.constant 1 : i32
      %sub3A_787 = arith.subi %div3A_766, %sub3A_786 : i32
      %select_n3A_788 = arith.select %and3A_785, %sub3A_787, %div3A_766 : i32
      %mul3A_789 = arith.constant 16 : i32
      %mul3A_790 = arith.muli %select_n3A_788, %mul3A_789 : i32
      %jit3A_791 = arith.constant 16 : i32
      %eq3A_792 = arith.constant 0 : i32
      %eq3A_793 = arith.cmpi eq, %jit3A_791, %eq3A_792 : i32
      %jit3A_794 = arith.constant 1 : i32
      %select_n3A_795 = arith.select %eq3A_793, %jit3A_794, %jit3A_791 : i32
      %rem3A_796 = arith.remsi %add3A_764, %select_n3A_795 : i32
      %ne3A_797 = arith.constant 0 : i32
      %ne3A_798 = arith.cmpi ne, %rem3A_796, %ne3A_797 : i32
      %lt3A_799 = arith.constant 0 : i32
      %lt3A_800 = arith.cmpi slt, %rem3A_796, %lt3A_799 : i32
      %lt3A_801 = arith.constant 0 : i32
      %lt3A_802 = arith.cmpi slt, %select_n3A_795, %lt3A_801 : i32
      %ne3A_803 = arith.xori %lt3A_800, %lt3A_802 : i1
      %and3A_804 = arith.andi %ne3A_803, %ne3A_798 : i1
      %add3A_805 = arith.addi %rem3A_796, %select_n3A_795 : i32
      %select_n3A_806 = arith.select %and3A_804, %add3A_805, %rem3A_796 : i32
      %broadcast_in_dim3A_807 = vector.broadcast %select_n3A_806 : i32 to vector<16xi32>
      %get3A_808 = arith.index_cast %mul3A_790 : i32 to index
      %get3A_809 = tpu.vector_load %arg13[%get3A_808] {strides = array<i32>} : memref<128xf32, #tpu.memory_space<vmem>>, vector<16xf32>,
      %lt3A_810 = arith.constant 0 : i32
      %lt3A_811 = vector.broadcast %lt3A_810 : i32 to vector<16xi32>
      %lt3A_812 = arith.cmpi slt, %broadcast_in_dim3A_807, %lt3A_811 : vector<16xi32>
      %add3A_813 = arith.constant 16 : i32
      %add3A_814 = vector.broadcast %add3A_813 : i32 to vector<16xi32>
      %add3A_815 = arith.addi %broadcast_in_dim3A_807, %add3A_814 : vector<16xi32>
      %select_n3A_816 = arith.select %lt3A_812, %add3A_815, %broadcast_in_dim3A_807 : vector<16xi1>, vector<16xi32>
      %broadcast_in_dim3A_817 = vector.shape_cast %select_n3A_816 : vector<16xi32> to vector<16x1xi32>
      %gather3A_818 = vector.shape_cast %broadcast_in_dim3A_817 : vector<16x1xi32> to vector<16xi32>
      %gather3A_819 = tpu.dynamic_gather %get3A_809[%gather3A_818] in [0] : vector<16xf32>, vector<16xi32> -> vector<16xf32>
      %get3A_820 = arith.index_cast %mul3A_790 : i32 to index
      %get3A_821 = tpu.vector_load %arg14[%get3A_820] {strides = array<i32>} : memref<128xf32, #tpu.memory_space<vmem>>, vector<16xf32>,
      %lt3A_822 = arith.constant 0 : i32
      %lt3A_823 = vector.broadcast %lt3A_822 : i32 to vector<16xi32>
      %lt3A_824 = arith.cmpi slt, %broadcast_in_dim3A_807, %lt3A_823 : vector<16xi32>
      %add3A_825 = arith.constant 16 : i32
      %add3A_826 = vector.broadcast %add3A_825 : i32 to vector<16xi32>
      %add3A_827 = arith.addi %broadcast_in_dim3A_807, %add3A_826 : vector<16xi32>
      %select_n3A_828 = arith.select %lt3A_824, %add3A_827, %broadcast_in_dim3A_807 : vector<16xi1>, vector<16xi32>
      %broadcast_in_dim3A_829 = vector.shape_cast %select_n3A_828 : vector<16xi32> to vector<16x1xi32>
      %gather3A_830 = vector.shape_cast %broadcast_in_dim3A_829 : vector<16x1xi32> to vector<16xi32>
      %gather3A_831 = tpu.dynamic_gather %get3A_821[%gather3A_830] in [0] : vector<16xf32>, vector<16xi32> -> vector<16xf32>
      %get3A_832 = arith.index_cast %mul3A_790 : i32 to index
      %get3A_833 = tpu.vector_load %arg15[%get3A_832] {strides = array<i32>} : memref<128xf32, #tpu.memory_space<vmem>>, vector<16xf32>,
      %lt3A_834 = arith.constant 0 : i32
      %lt3A_835 = vector.broadcast %lt3A_834 : i32 to vector<16xi32>
      %lt3A_836 = arith.cmpi slt, %broadcast_in_dim3A_807, %lt3A_835 : vector<16xi32>
      %add3A_837 = arith.constant 16 : i32
      %add3A_838 = vector.broadcast %add3A_837 : i32 to vector<16xi32>
      %add3A_839 = arith.addi %broadcast_in_dim3A_807, %add3A_838 : vector<16xi32>
      %select_n3A_840 = arith.select %lt3A_836, %add3A_839, %broadcast_in_dim3A_807 : vector<16xi1>, vector<16xi32>
      %broadcast_in_dim3A_841 = vector.shape_cast %select_n3A_840 : vector<16xi32> to vector<16x1xi32>
      %gather3A_842 = vector.shape_cast %broadcast_in_dim3A_841 : vector<16x1xi32> to vector<16xi32>
      %gather3A_843 = tpu.dynamic_gather %get3A_833[%gather3A_842] in [0] : vector<16xf32>, vector<16xi32> -> vector<16xf32>
      %while3A_844 = arith.constant 0 : i32
      %while3A_845 = arith.constant 0 : i32
      %while3A_846:2 = scf.while (%while3A_1015 = %while3A_844, %while3A_1016 = %while3A_845) : (i32, i32) -> (i32, i32) {
        %lt3A_1017 = arith.constant 32 : i32
        %lt3A_1018 = arith.cmpi slt, %while3A_1016, %lt3A_1017 : i32
        %lt3A_1019 = arith.constant 512 : i32
        %lt3A_1020 = arith.cmpi slt, %while3A_1015, %lt3A_1019 : i32
        %and3A_1021 = arith.andi %lt3A_1018, %lt3A_1020 : i1
        scf.condition(%and3A_1021) %while3A_1015, %while3A_1016 : i32, i32
      } do {
      ^bb0(%while3A_1015: i32, %while3A_1016: i32):
        %broadcast_in_dim3A_1017 = vector.broadcast %while3A_1016 : i32 to vector<16xi32>
        %add3A_1018 = arith.constant 0 : i32
        %add3A_1019 = arith.addi %while3A_1015, %add3A_1018 : i32
        %mul3A_1020 = arith.constant 16 : i32
        %mul3A_1021 = arith.muli %add3A_1019, %mul3A_1020 : i32
        %get3A_1022 = arith.index_cast %mul3A_1021 : i32 to index
        %get3A_1023 = tpu.vector_load %arg10[%get3A_1022] {strides = array<i32>} : memref<8192xf32, #tpu.memory_space<vmem>>, vector<16xf32>,
        %sub3A_1024 = arith.subf %get3A_1023, %gather3A_819 : vector<16xf32>
        %get3A_1025 = arith.index_cast %mul3A_1021 : i32 to index
        %get3A_1026 = tpu.vector_load %arg11[%get3A_1025] {strides = array<i32>} : memref<8192xf32, #tpu.memory_space<vmem>>, vector<16xf32>,
        %sub3A_1027 = arith.subf %get3A_1026, %gather3A_831 : vector<16xf32>
        %get3A_1028 = arith.index_cast %mul3A_1021 : i32 to index
        %get3A_1029 = tpu.vector_load %arg12[%get3A_1028] {strides = array<i32>} : memref<8192xf32, #tpu.memory_space<vmem>>, vector<16xf32>,
        %sub3A_1030 = arith.subf %get3A_1029, %gather3A_843 : vector<16xf32>
        %mul3A_1031 = arith.mulf %sub3A_1024, %sub3A_1024 : vector<16xf32>
        %mul3A_1032 = arith.mulf %sub3A_1027, %sub3A_1027 : vector<16xf32>
        %add3A_1033 = arith.addf %mul3A_1031, %mul3A_1032 : vector<16xf32>
        %mul3A_1034 = arith.mulf %sub3A_1030, %sub3A_1030 : vector<16xf32>
        %add3A_1035 = arith.addf %add3A_1033, %mul3A_1034 : vector<16xf32>
        %le3A = arith.constant 4.000000e-02 : f32
        %le3A_1036 = vector.broadcast %le3A : f32 to vector<16xf32>
        %le3A_1037 = arith.cmpf ole, %add3A_1035, %le3A_1036 : vector<16xf32>
        %convert_element_type3A = arith.extui %le3A_1037 : vector<16xi1> to vector<16xi32>
        %broadcast_in_dim3A_1038 = arith.constant true
        %broadcast_in_dim3A_1039 = vector.broadcast %broadcast_in_dim3A_1038 : i1 to vector<16xi1>
        %masked_cumsum3A = tpu.scan <sum>, %convert_element_type3A masked %broadcast_in_dim3A_1039 : vector<16xi32>, vector<16xi1> -> vector<16xi32>
        %add3A_1040 = arith.addi %broadcast_in_dim3A_1017, %masked_cumsum3A : vector<16xi32>
        %sub3A_1041 = arith.constant 1 : i32
        %sub3A_1042 = vector.broadcast %sub3A_1041 : i32 to vector<16xi32>
        %sub3A_1043 = arith.subi %add3A_1040, %sub3A_1042 : vector<16xi32>
        %add3A_1044 = vector.broadcast %mul3A_1021 : i32 to vector<16xi32>
        %add3A_1045 = arith.addi %iota3A, %add3A_1044 : vector<16xi32>
        tpu.vector_store_idx %arg16[%sub3A_1043], %add3A_1045 masked %le3A_1037 : memref<160xi32, #tpu.memory_space<vmem>>[vector<16xi32>], vector<16xi32>, vector<16xi1>
        %all_reduce_population_count3A = tpu.all_reduce %le3A_1037 {dim = 0 : i64, kind = #tpu.reduction_kind<sum>} : vector<16xi1> -> vector<16xi32>
        %add3A_1046 = arith.addi %broadcast_in_dim3A_1017, %all_reduce_population_count3A : vector<16xi32>
        %add3A_1047 = arith.constant 1 : i32
        %add3A_1048 = arith.addi %while3A_1015, %add3A_1047 : i32
        %mul3A_1049 = arith.constant 16 : i32
        %mul3A_1050 = arith.muli %add3A_1048, %mul3A_1049 : i32
        %get3A_1051 = arith.index_cast %mul3A_1050 : i32 to index
        %get3A_1052 = tpu.vector_load %arg10[%get3A_1051] {strides = array<i32>} : memref<8192xf32, #tpu.memory_space<vmem>>, vector<16xf32>,
        %sub3A_1053 = arith.subf %get3A_1052, %gather3A_819 : vector<16xf32>
        %get3A_1054 = arith.index_cast %mul3A_1050 : i32 to index
        %get3A_1055 = tpu.vector_load %arg11[%get3A_1054] {strides = array<i32>} : memref<8192xf32, #tpu.memory_space<vmem>>, vector<16xf32>,
        %sub3A_1056 = arith.subf %get3A_1055, %gather3A_831 : vector<16xf32>
        %get3A_1057 = arith.index_cast %mul3A_1050 : i32 to index
        %get3A_1058 = tpu.vector_load %arg12[%get3A_1057] {strides = array<i32>} : memref<8192xf32, #tpu.memory_space<vmem>>, vector<16xf32>,
        %sub3A_1059 = arith.subf %get3A_1058, %gather3A_843 : vector<16xf32>
        %mul3A_1060 = arith.mulf %sub3A_1053, %sub3A_1053 : vector<16xf32>
        %mul3A_1061 = arith.mulf %sub3A_1056, %sub3A_1056 : vector<16xf32>
        %add3A_1062 = arith.addf %mul3A_1060, %mul3A_1061 : vector<16xf32>
        %mul3A_1063 = arith.mulf %sub3A_1059, %sub3A_1059 : vector<16xf32>
        %add3A_1064 = arith.addf %add3A_1062, %mul3A_1063 : vector<16xf32>
        %le3A_1065 = arith.constant 4.000000e-02 : f32
        %le3A_1066 = vector.broadcast %le3A_1065 : f32 to vector<16xf32>
        %le3A_1067 = arith.cmpf ole, %add3A_1064, %le3A_1066 : vector<16xf32>
        %convert_element_type3A_1068 = arith.extui %le3A_1067 : vector<16xi1> to vector<16xi32>
        %broadcast_in_dim3A_1069 = arith.constant true
        %broadcast_in_dim3A_1070 = vector.broadcast %broadcast_in_dim3A_1069 : i1 to vector<16xi1>
        %masked_cumsum3A_1071 = tpu.scan <sum>, %convert_element_type3A_1068 masked %broadcast_in_dim3A_1070 : vector<16xi32>, vector<16xi1> -> vector<16xi32>
        %add3A_1072 = arith.addi %add3A_1046, %masked_cumsum3A_1071 : vector<16xi32>
        %sub3A_1073 = arith.constant 1 : i32
        %sub3A_1074 = vector.broadcast %sub3A_1073 : i32 to vector<16xi32>
        %sub3A_1075 = arith.subi %add3A_1072, %sub3A_1074 : vector<16xi32>
        %add3A_1076 = vector.broadcast %mul3A_1050 : i32 to vector<16xi32>
        %add3A_1077 = arith.addi %iota3A, %add3A_1076 : vector<16xi32>
        tpu.vector_store_idx %arg16[%sub3A_1075], %add3A_1077 masked %le3A_1067 : memref<160xi32, #tpu.memory_space<vmem>>[vector<16xi32>], vector<16xi32>, vector<16xi1>
        %all_reduce_population_count3A_1078 = tpu.all_reduce %le3A_1067 {dim = 0 : i64, kind = #tpu.reduction_kind<sum>} : vector<16xi1> -> vector<16xi32>
        %add3A_1079 = arith.addi %add3A_1046, %all_reduce_population_count3A_1078 : vector<16xi32>
        %add3A_1080 = arith.constant 2 : i32
        %add3A_1081 = arith.addi %while3A_1015, %add3A_1080 : i32
        %mul3A_1082 = arith.constant 16 : i32
        %mul3A_1083 = arith.muli %add3A_1081, %mul3A_1082 : i32
        %get3A_1084 = arith.index_cast %mul3A_1083 : i32 to index
        %get3A_1085 = tpu.vector_load %arg10[%get3A_1084] {strides = array<i32>} : memref<8192xf32, #tpu.memory_space<vmem>>, vector<16xf32>,
        %sub3A_1086 = arith.subf %get3A_1085, %gather3A_819 : vector<16xf32>
        %get3A_1087 = arith.index_cast %mul3A_1083 : i32 to index
        %get3A_1088 = tpu.vector_load %arg11[%get3A_1087] {strides = array<i32>} : memref<8192xf32, #tpu.memory_space<vmem>>, vector<16xf32>,
        %sub3A_1089 = arith.subf %get3A_1088, %gather3A_831 : vector<16xf32>
        %get3A_1090 = arith.index_cast %mul3A_1083 : i32 to index
        %get3A_1091 = tpu.vector_load %arg12[%get3A_1090] {strides = array<i32>} : memref<8192xf32, #tpu.memory_space<vmem>>, vector<16xf32>,
        %sub3A_1092 = arith.subf %get3A_1091, %gather3A_843 : vector<16xf32>
        %mul3A_1093 = arith.mulf %sub3A_1086, %sub3A_1086 : vector<16xf32>
        %mul3A_1094 = arith.mulf %sub3A_1089, %sub3A_1089 : vector<16xf32>
        %add3A_1095 = arith.addf %mul3A_1093, %mul3A_1094 : vector<16xf32>
        %mul3A_1096 = arith.mulf %sub3A_1092, %sub3A_1092 : vector<16xf32>
        %add3A_1097 = arith.addf %add3A_1095, %mul3A_1096 : vector<16xf32>
        %le3A_1098 = arith.constant 4.000000e-02 : f32
        %le3A_1099 = vector.broadcast %le3A_1098 : f32 to vector<16xf32>
        %le3A_1100 = arith.cmpf ole, %add3A_1097, %le3A_1099 : vector<16xf32>
        %convert_element_type3A_1101 = arith.extui %le3A_1100 : vector<16xi1> to vector<16xi32>
        %broadcast_in_dim3A_1102 = arith.constant true
        %broadcast_in_dim3A_1103 = vector.broadcast %broadcast_in_dim3A_1102 : i1 to vector<16xi1>
        %masked_cumsum3A_1104 = tpu.scan <sum>, %convert_element_type3A_1101 masked %broadcast_in_dim3A_1103 : vector<16xi32>, vector<16xi1> -> vector<16xi32>
        %add3A_1105 = arith.addi %add3A_1079, %masked_cumsum3A_1104 : vector<16xi32>
        %sub3A_1106 = arith.constant 1 : i32
        %sub3A_1107 = vector.broadcast %sub3A_1106 : i32 to vector<16xi32>
        %sub3A_1108 = arith.subi %add3A_1105, %sub3A_1107 : vector<16xi32>
        %add3A_1109 = vector.broadcast %mul3A_1083 : i32 to vector<16xi32>
        %add3A_1110 = arith.addi %iota3A, %add3A_1109 : vector<16xi32>
        tpu.vector_store_idx %arg16[%sub3A_1108], %add3A_1110 masked %le3A_1100 : memref<160xi32, #tpu.memory_space<vmem>>[vector<16xi32>], vector<16xi32>, vector<16xi1>
        %all_reduce_population_count3A_1111 = tpu.all_reduce %le3A_1100 {dim = 0 : i64, kind = #tpu.reduction_kind<sum>} : vector<16xi1> -> vector<16xi32>
        %add3A_1112 = arith.addi %add3A_1079, %all_reduce_population_count3A_1111 : vector<16xi32>
        %add3A_1113 = arith.constant 3 : i32
        %add3A_1114 = arith.addi %while3A_1015, %add3A_1113 : i32
        %mul3A_1115 = arith.constant 16 : i32
        %mul3A_1116 = arith.muli %add3A_1114, %mul3A_1115 : i32
        %get3A_1117 = arith.index_cast %mul3A_1116 : i32 to index
        %get3A_1118 = tpu.vector_load %arg10[%get3A_1117] {strides = array<i32>} : memref<8192xf32, #tpu.memory_space<vmem>>, vector<16xf32>,
        %sub3A_1119 = arith.subf %get3A_1118, %gather3A_819 : vector<16xf32>
        %get3A_1120 = arith.index_cast %mul3A_1116 : i32 to index
        %get3A_1121 = tpu.vector_load %arg11[%get3A_1120] {strides = array<i32>} : memref<8192xf32, #tpu.memory_space<vmem>>, vector<16xf32>,
        %sub3A_1122 = arith.subf %get3A_1121, %gather3A_831 : vector<16xf32>
        %get3A_1123 = arith.index_cast %mul3A_1116 : i32 to index
        %get3A_1124 = tpu.vector_load %arg12[%get3A_1123] {strides = array<i32>} : memref<8192xf32, #tpu.memory_space<vmem>>, vector<16xf32>,
        %sub3A_1125 = arith.subf %get3A_1124, %gather3A_843 : vector<16xf32>
        %mul3A_1126 = arith.mulf %sub3A_1119, %sub3A_1119 : vector<16xf32>
        %mul3A_1127 = arith.mulf %sub3A_1122, %sub3A_1122 : vector<16xf32>
        %add3A_1128 = arith.addf %mul3A_1126, %mul3A_1127 : vector<16xf32>
        %mul3A_1129 = arith.mulf %sub3A_1125, %sub3A_1125 : vector<16xf32>
        %add3A_1130 = arith.addf %add3A_1128, %mul3A_1129 : vector<16xf32>
        %le3A_1131 = arith.constant 4.000000e-02 : f32
        %le3A_1132 = vector.broadcast %le3A_1131 : f32 to vector<16xf32>
        %le3A_1133 = arith.cmpf ole, %add3A_1130, %le3A_1132 : vector<16xf32>
        %convert_element_type3A_1134 = arith.extui %le3A_1133 : vector<16xi1> to vector<16xi32>
        %broadcast_in_dim3A_1135 = arith.constant true
        %broadcast_in_dim3A_1136 = vector.broadcast %broadcast_in_dim3A_1135 : i1 to vector<16xi1>
        %masked_cumsum3A_1137 = tpu.scan <sum>, %convert_element_type3A_1134 masked %broadcast_in_dim3A_1136 : vector<16xi32>, vector<16xi1> -> vector<16xi32>
        %add3A_1138 = arith.addi %add3A_1112, %masked_cumsum3A_1137 : vector<16xi32>
        %sub3A_1139 = arith.constant 1 : i32
        %sub3A_1140 = vector.broadcast %sub3A_1139 : i32 to vector<16xi32>
        %sub3A_1141 = arith.subi %add3A_1138, %sub3A_1140 : vector<16xi32>
        %add3A_1142 = vector.broadcast %mul3A_1116 : i32 to vector<16xi32>
        %add3A_1143 = arith.addi %iota3A, %add3A_1142 : vector<16xi32>
        tpu.vector_store_idx %arg16[%sub3A_1141], %add3A_1143 masked %le3A_1133 : memref<160xi32, #tpu.memory_space<vmem>>[vector<16xi32>], vector<16xi32>, vector<16xi1>
        %all_reduce_population_count3A_1144 = tpu.all_reduce %le3A_1133 {dim = 0 : i64, kind = #tpu.reduction_kind<sum>} : vector<16xi1> -> vector<16xi32>
        %add3A_1145 = arith.addi %add3A_1112, %all_reduce_population_count3A_1144 : vector<16xi32>
        %add3A_1146 = arith.constant 4 : i32
        %add3A_1147 = arith.addi %while3A_1015, %add3A_1146 : i32
        %mul3A_1148 = arith.constant 16 : i32
        %mul3A_1149 = arith.muli %add3A_1147, %mul3A_1148 : i32
        %get3A_1150 = arith.index_cast %mul3A_1149 : i32 to index
        %get3A_1151 = tpu.vector_load %arg10[%get3A_1150] {strides = array<i32>} : memref<8192xf32, #tpu.memory_space<vmem>>, vector<16xf32>,
        %sub3A_1152 = arith.subf %get3A_1151, %gather3A_819 : vector<16xf32>
        %get3A_1153 = arith.index_cast %mul3A_1149 : i32 to index
        %get3A_1154 = tpu.vector_load %arg11[%get3A_1153] {strides = array<i32>} : memref<8192xf32, #tpu.memory_space<vmem>>, vector<16xf32>,
        %sub3A_1155 = arith.subf %get3A_1154, %gather3A_831 : vector<16xf32>
        %get3A_1156 = arith.index_cast %mul3A_1149 : i32 to index
        %get3A_1157 = tpu.vector_load %arg12[%get3A_1156] {strides = array<i32>} : memref<8192xf32, #tpu.memory_space<vmem>>, vector<16xf32>,
        %sub3A_1158 = arith.subf %get3A_1157, %gather3A_843 : vector<16xf32>
        %mul3A_1159 = arith.mulf %sub3A_1152, %sub3A_1152 : vector<16xf32>
        %mul3A_1160 = arith.mulf %sub3A_1155, %sub3A_1155 : vector<16xf32>
        %add3A_1161 = arith.addf %mul3A_1159, %mul3A_1160 : vector<16xf32>
        %mul3A_1162 = arith.mulf %sub3A_1158, %sub3A_1158 : vector<16xf32>
        %add3A_1163 = arith.addf %add3A_1161, %mul3A_1162 : vector<16xf32>
        %le3A_1164 = arith.constant 4.000000e-02 : f32
        %le3A_1165 = vector.broadcast %le3A_1164 : f32 to vector<16xf32>
        %le3A_1166 = arith.cmpf ole, %add3A_1163, %le3A_1165 : vector<16xf32>
        %convert_element_type3A_1167 = arith.extui %le3A_1166 : vector<16xi1> to vector<16xi32>
        %broadcast_in_dim3A_1168 = arith.constant true
        %broadcast_in_dim3A_1169 = vector.broadcast %broadcast_in_dim3A_1168 : i1 to vector<16xi1>
        %masked_cumsum3A_1170 = tpu.scan <sum>, %convert_element_type3A_1167 masked %broadcast_in_dim3A_1169 : vector<16xi32>, vector<16xi1> -> vector<16xi32>
        %add3A_1171 = arith.addi %add3A_1145, %masked_cumsum3A_1170 : vector<16xi32>
        %sub3A_1172 = arith.constant 1 : i32
        %sub3A_1173 = vector.broadcast %sub3A_1172 : i32 to vector<16xi32>
        %sub3A_1174 = arith.subi %add3A_1171, %sub3A_1173 : vector<16xi32>
        %add3A_1175 = vector.broadcast %mul3A_1149 : i32 to vector<16xi32>
        %add3A_1176 = arith.addi %iota3A, %add3A_1175 : vector<16xi32>
        tpu.vector_store_idx %arg16[%sub3A_1174], %add3A_1176 masked %le3A_1166 : memref<160xi32, #tpu.memory_space<vmem>>[vector<16xi32>], vector<16xi32>, vector<16xi1>
        %all_reduce_population_count3A_1177 = tpu.all_reduce %le3A_1166 {dim = 0 : i64, kind = #tpu.reduction_kind<sum>} : vector<16xi1> -> vector<16xi32>
        %add3A_1178 = arith.addi %add3A_1145, %all_reduce_population_count3A_1177 : vector<16xi32>
        %add3A_1179 = arith.constant 5 : i32
        %add3A_1180 = arith.addi %while3A_1015, %add3A_1179 : i32
        %mul3A_1181 = arith.constant 16 : i32
        %mul3A_1182 = arith.muli %add3A_1180, %mul3A_1181 : i32
        %get3A_1183 = arith.index_cast %mul3A_1182 : i32 to index
        %get3A_1184 = tpu.vector_load %arg10[%get3A_1183] {strides = array<i32>} : memref<8192xf32, #tpu.memory_space<vmem>>, vector<16xf32>,
        %sub3A_1185 = arith.subf %get3A_1184, %gather3A_819 : vector<16xf32>
        %get3A_1186 = arith.index_cast %mul3A_1182 : i32 to index
        %get3A_1187 = tpu.vector_load %arg11[%get3A_1186] {strides = array<i32>} : memref<8192xf32, #tpu.memory_space<vmem>>, vector<16xf32>,
        %sub3A_1188 = arith.subf %get3A_1187, %gather3A_831 : vector<16xf32>
        %get3A_1189 = arith.index_cast %mul3A_1182 : i32 to index
        %get3A_1190 = tpu.vector_load %arg12[%get3A_1189] {strides = array<i32>} : memref<8192xf32, #tpu.memory_space<vmem>>, vector<16xf32>,
        %sub3A_1191 = arith.subf %get3A_1190, %gather3A_843 : vector<16xf32>
        %mul3A_1192 = arith.mulf %sub3A_1185, %sub3A_1185 : vector<16xf32>
        %mul3A_1193 = arith.mulf %sub3A_1188, %sub3A_1188 : vector<16xf32>
        %add3A_1194 = arith.addf %mul3A_1192, %mul3A_1193 : vector<16xf32>
        %mul3A_1195 = arith.mulf %sub3A_1191, %sub3A_1191 : vector<16xf32>
        %add3A_1196 = arith.addf %add3A_1194, %mul3A_1195 : vector<16xf32>
        %le3A_1197 = arith.constant 4.000000e-02 : f32
        %le3A_1198 = vector.broadcast %le3A_1197 : f32 to vector<16xf32>
        %le3A_1199 = arith.cmpf ole, %add3A_1196, %le3A_1198 : vector<16xf32>
        %convert_element_type3A_1200 = arith.extui %le3A_1199 : vector<16xi1> to vector<16xi32>
        %broadcast_in_dim3A_1201 = arith.constant true
        %broadcast_in_dim3A_1202 = vector.broadcast %broadcast_in_dim3A_1201 : i1 to vector<16xi1>
        %masked_cumsum3A_1203 = tpu.scan <sum>, %convert_element_type3A_1200 masked %broadcast_in_dim3A_1202 : vector<16xi32>, vector<16xi1> -> vector<16xi32>
        %add3A_1204 = arith.addi %add3A_1178, %masked_cumsum3A_1203 : vector<16xi32>
        %sub3A_1205 = arith.constant 1 : i32
        %sub3A_1206 = vector.broadcast %sub3A_1205 : i32 to vector<16xi32>
        %sub3A_1207 = arith.subi %add3A_1204, %sub3A_1206 : vector<16xi32>
        %add3A_1208 = vector.broadcast %mul3A_1182 : i32 to vector<16xi32>
        %add3A_1209 = arith.addi %iota3A, %add3A_1208 : vector<16xi32>
        tpu.vector_store_idx %arg16[%sub3A_1207], %add3A_1209 masked %le3A_1199 : memref<160xi32, #tpu.memory_space<vmem>>[vector<16xi32>], vector<16xi32>, vector<16xi1>
        %all_reduce_population_count3A_1210 = tpu.all_reduce %le3A_1199 {dim = 0 : i64, kind = #tpu.reduction_kind<sum>} : vector<16xi1> -> vector<16xi32>
        %add3A_1211 = arith.addi %add3A_1178, %all_reduce_population_count3A_1210 : vector<16xi32>
        %add3A_1212 = arith.constant 6 : i32
        %add3A_1213 = arith.addi %while3A_1015, %add3A_1212 : i32
        %mul3A_1214 = arith.constant 16 : i32
        %mul3A_1215 = arith.muli %add3A_1213, %mul3A_1214 : i32
        %get3A_1216 = arith.index_cast %mul3A_1215 : i32 to index
        %get3A_1217 = tpu.vector_load %arg10[%get3A_1216] {strides = array<i32>} : memref<8192xf32, #tpu.memory_space<vmem>>, vector<16xf32>,
        %sub3A_1218 = arith.subf %get3A_1217, %gather3A_819 : vector<16xf32>
        %get3A_1219 = arith.index_cast %mul3A_1215 : i32 to index
        %get3A_1220 = tpu.vector_load %arg11[%get3A_1219] {strides = array<i32>} : memref<8192xf32, #tpu.memory_space<vmem>>, vector<16xf32>,
        %sub3A_1221 = arith.subf %get3A_1220, %gather3A_831 : vector<16xf32>
        %get3A_1222 = arith.index_cast %mul3A_1215 : i32 to index
        %get3A_1223 = tpu.vector_load %arg12[%get3A_1222] {strides = array<i32>} : memref<8192xf32, #tpu.memory_space<vmem>>, vector<16xf32>,
        %sub3A_1224 = arith.subf %get3A_1223, %gather3A_843 : vector<16xf32>
        %mul3A_1225 = arith.mulf %sub3A_1218, %sub3A_1218 : vector<16xf32>
        %mul3A_1226 = arith.mulf %sub3A_1221, %sub3A_1221 : vector<16xf32>
        %add3A_1227 = arith.addf %mul3A_1225, %mul3A_1226 : vector<16xf32>
        %mul3A_1228 = arith.mulf %sub3A_1224, %sub3A_1224 : vector<16xf32>
        %add3A_1229 = arith.addf %add3A_1227, %mul3A_1228 : vector<16xf32>
        %le3A_1230 = arith.constant 4.000000e-02 : f32
        %le3A_1231 = vector.broadcast %le3A_1230 : f32 to vector<16xf32>
        %le3A_1232 = arith.cmpf ole, %add3A_1229, %le3A_1231 : vector<16xf32>
        %convert_element_type3A_1233 = arith.extui %le3A_1232 : vector<16xi1> to vector<16xi32>
        %broadcast_in_dim3A_1234 = arith.constant true
        %broadcast_in_dim3A_1235 = vector.broadcast %broadcast_in_dim3A_1234 : i1 to vector<16xi1>
        %masked_cumsum3A_1236 = tpu.scan <sum>, %convert_element_type3A_1233 masked %broadcast_in_dim3A_1235 : vector<16xi32>, vector<16xi1> -> vector<16xi32>
        %add3A_1237 = arith.addi %add3A_1211, %masked_cumsum3A_1236 : vector<16xi32>
        %sub3A_1238 = arith.constant 1 : i32
        %sub3A_1239 = vector.broadcast %sub3A_1238 : i32 to vector<16xi32>
        %sub3A_1240 = arith.subi %add3A_1237, %sub3A_1239 : vector<16xi32>
        %add3A_1241 = vector.broadcast %mul3A_1215 : i32 to vector<16xi32>
        %add3A_1242 = arith.addi %iota3A, %add3A_1241 : vector<16xi32>
        tpu.vector_store_idx %arg16[%sub3A_1240], %add3A_1242 masked %le3A_1232 : memref<160xi32, #tpu.memory_space<vmem>>[vector<16xi32>], vector<16xi32>, vector<16xi1>
        %all_reduce_population_count3A_1243 = tpu.all_reduce %le3A_1232 {dim = 0 : i64, kind = #tpu.reduction_kind<sum>} : vector<16xi1> -> vector<16xi32>
        %add3A_1244 = arith.addi %add3A_1211, %all_reduce_population_count3A_1243 : vector<16xi32>
        %add3A_1245 = arith.constant 7 : i32
        %add3A_1246 = arith.addi %while3A_1015, %add3A_1245 : i32
        %mul3A_1247 = arith.constant 16 : i32
        %mul3A_1248 = arith.muli %add3A_1246, %mul3A_1247 : i32
        %get3A_1249 = arith.index_cast %mul3A_1248 : i32 to index
        %get3A_1250 = tpu.vector_load %arg10[%get3A_1249] {strides = array<i32>} : memref<8192xf32, #tpu.memory_space<vmem>>, vector<16xf32>,
        %sub3A_1251 = arith.subf %get3A_1250, %gather3A_819 : vector<16xf32>
        %get3A_1252 = arith.index_cast %mul3A_1248 : i32 to index
        %get3A_1253 = tpu.vector_load %arg11[%get3A_1252] {strides = array<i32>} : memref<8192xf32, #tpu.memory_space<vmem>>, vector<16xf32>,
        %sub3A_1254 = arith.subf %get3A_1253, %gather3A_831 : vector<16xf32>
        %get3A_1255 = arith.index_cast %mul3A_1248 : i32 to index
        %get3A_1256 = tpu.vector_load %arg12[%get3A_1255] {strides = array<i32>} : memref<8192xf32, #tpu.memory_space<vmem>>, vector<16xf32>,
        %sub3A_1257 = arith.subf %get3A_1256, %gather3A_843 : vector<16xf32>
        %mul3A_1258 = arith.mulf %sub3A_1251, %sub3A_1251 : vector<16xf32>
        %mul3A_1259 = arith.mulf %sub3A_1254, %sub3A_1254 : vector<16xf32>
        %add3A_1260 = arith.addf %mul3A_1258, %mul3A_1259 : vector<16xf32>
        %mul3A_1261 = arith.mulf %sub3A_1257, %sub3A_1257 : vector<16xf32>
        %add3A_1262 = arith.addf %add3A_1260, %mul3A_1261 : vector<16xf32>
        %le3A_1263 = arith.constant 4.000000e-02 : f32
        %le3A_1264 = vector.broadcast %le3A_1263 : f32 to vector<16xf32>
        %le3A_1265 = arith.cmpf ole, %add3A_1262, %le3A_1264 : vector<16xf32>
        %convert_element_type3A_1266 = arith.extui %le3A_1265 : vector<16xi1> to vector<16xi32>
        %broadcast_in_dim3A_1267 = arith.constant true
        %broadcast_in_dim3A_1268 = vector.broadcast %broadcast_in_dim3A_1267 : i1 to vector<16xi1>
        %masked_cumsum3A_1269 = tpu.scan <sum>, %convert_element_type3A_1266 masked %broadcast_in_dim3A_1268 : vector<16xi32>, vector<16xi1> -> vector<16xi32>
        %add3A_1270 = arith.addi %add3A_1244, %masked_cumsum3A_1269 : vector<16xi32>
        %sub3A_1271 = arith.constant 1 : i32
        %sub3A_1272 = vector.broadcast %sub3A_1271 : i32 to vector<16xi32>
        %sub3A_1273 = arith.subi %add3A_1270, %sub3A_1272 : vector<16xi32>
        %add3A_1274 = vector.broadcast %mul3A_1248 : i32 to vector<16xi32>
        %add3A_1275 = arith.addi %iota3A, %add3A_1274 : vector<16xi32>
        tpu.vector_store_idx %arg16[%sub3A_1273], %add3A_1275 masked %le3A_1265 : memref<160xi32, #tpu.memory_space<vmem>>[vector<16xi32>], vector<16xi32>, vector<16xi1>
        %all_reduce_population_count3A_1276 = tpu.all_reduce %le3A_1265 {dim = 0 : i64, kind = #tpu.reduction_kind<sum>} : vector<16xi1> -> vector<16xi32>
        %add3A_1277 = arith.addi %add3A_1244, %all_reduce_population_count3A_1276 : vector<16xi32>
        %add3A_1278 = arith.constant 8 : i32
        %add3A_1279 = arith.addi %while3A_1015, %add3A_1278 : i32
        %reduce_max3A = arith.constant true
        %reduce_max3A_1280 = vector.broadcast %reduce_max3A : i1 to vector<16xi1>
        %reduce_max3A_1281 = arith.constant -2147483648 : i32
        %reduce_max3A_1282 = vector.broadcast %reduce_max3A_1281 : i32 to vector<16xi32>
        %reduce_max3A_1283 = arith.xori %add3A_1277, %reduce_max3A_1282 : vector<16xi32>
        %reduce_max3A_1284 = tpu.scan <max>, %reduce_max3A_1283 masked %reduce_max3A_1280 : vector<16xi32>, vector<16xi1> -> vector<16xi32>
        %reduce_max3A_1285 = arith.xori %reduce_max3A_1284, %reduce_max3A_1282 : vector<16xi32>
        %reduce_max3A_1286 = vector.extract %reduce_max3A_1285[15] : i32 from vector<16xi32>
        scf.yield %add3A_1279, %reduce_max3A_1286 : i32, i32
      }
      %min3A_847 = arith.constant 32 : i32
      %min3A_848 = arith.minsi %while3A_846#1, %min3A_847 : i32
      %get3A_849 = arith.constant 0 : index
      %get3A_850 = tpu.vector_load %arg16[%get3A_849] {strides = array<i32>} : memref<160xi32, #tpu.memory_space<vmem>>, vector<16xi32>,
      %broadcast_in_dim3A_851 = arith.constant 0 : i32
      %broadcast_in_dim3A_852 = vector.broadcast %broadcast_in_dim3A_851 : i32 to vector<16xi32>
      %lt3A_853 = arith.constant 0 : i32
      %lt3A_854 = vector.broadcast %lt3A_853 : i32 to vector<16xi32>
      %lt3A_855 = arith.cmpi slt, %broadcast_in_dim3A_852, %lt3A_854 : vector<16xi32>
      %add3A_856 = arith.constant 16 : i32
      %add3A_857 = vector.broadcast %add3A_856 : i32 to vector<16xi32>
      %add3A_858 = arith.addi %broadcast_in_dim3A_852, %add3A_857 : vector<16xi32>
      %select_n3A_859 = arith.select %lt3A_855, %add3A_858, %broadcast_in_dim3A_852 : vector<16xi1>, vector<16xi32>
      %broadcast_in_dim3A_860 = vector.shape_cast %select_n3A_859 : vector<16xi32> to vector<16x1xi32>
      %gather3A_861 = vector.shape_cast %broadcast_in_dim3A_860 : vector<16x1xi32> to vector<16xi32>
      %gather3A_862 = tpu.dynamic_gather %get3A_850[%gather3A_861] in [0] : vector<16xi32>, vector<16xi32> -> vector<16xi32>
      %lt3A_863 = vector.broadcast %min3A_848 : i32 to vector<16xi32>
      %lt3A_864 = arith.cmpi slt, %iota3A, %lt3A_863 : vector<16xi32>
      %select_n3A_865 = arith.select %lt3A_864, %get3A_850, %gather3A_862 : vector<16xi1>, vector<16xi32>
      %add3A_866 = arith.constant 16 : i32
      %add3A_867 = vector.broadcast %add3A_866 : i32 to vector<16xi32>
      %add3A_868 = arith.addi %iota3A, %add3A_867 : vector<16xi32>
      %lt3A_869 = vector.broadcast %min3A_848 : i32 to vector<16xi32>
      %lt3A_870 = arith.cmpi slt, %add3A_868, %lt3A_869 : vector<16xi32>
      %get3A_871 = arith.constant 16 : index
      %get3A_872 = tpu.vector_load %arg16[%get3A_871] {strides = array<i32>} : memref<160xi32, #tpu.memory_space<vmem>>, vector<16xi32>,
      %select_n3A_873 = arith.select %lt3A_870, %get3A_872, %gather3A_862 : vector<16xi1>, vector<16xi32>
      %add3A_874 = vector.broadcast %mul3A_34 : i32 to vector<16xi32>
      %add3A_875 = arith.addi %select_n3A_865, %add3A_874 : vector<16xi32>
      %swap3A_876 = arith.constant 192 : index
      %swap3A_877 = tpu.vector_load %arg17[%swap3A_876] {strides = array<i32>} : memref<256xi32, #tpu.memory_space<vmem>>, vector<16xi32>,
      tpu.vector_store %arg17[%swap3A_876], %add3A_875 {strides = array<i32>} : memref<256xi32, #tpu.memory_space<vmem>>, vector<16xi32>,
      %add3A_878 = vector.broadcast %mul3A_34 : i32 to vector<16xi32>
      %add3A_879 = arith.addi %select_n3A_873, %add3A_878 : vector<16xi32>
      %swap3A_880 = arith.constant 208 : index
      %swap3A_881 = tpu.vector_load %arg17[%swap3A_880] {strides = array<i32>} : memref<256xi32, #tpu.memory_space<vmem>>, vector<16xi32>,
      tpu.vector_store %arg17[%swap3A_880], %add3A_879 {strides = array<i32>} : memref<256xi32, #tpu.memory_space<vmem>>, vector<16xi32>,
      %mul3A_882 = arith.constant 8 : i32
      %mul3A_883 = arith.muli %scan3A_40, %mul3A_882 : i32
      %add3A_884 = arith.constant 7 : i32
      %add3A_885 = arith.addi %mul3A_883, %add3A_884 : i32
      %jit3A_886 = arith.constant 16 : i32
      %div3A_887 = arith.divsi %add3A_885, %jit3A_886 : i32
      %sign3A_888 = arith.constant 0 : i32
      %sign3A_889 = arith.cmpi sgt, %add3A_885, %sign3A_888 : i32
      %sign3A_890 = arith.extui %sign3A_889 : i1 to i32
      %sign3A_891 = arith.constant 0 : i32
      %sign3A_892 = arith.cmpi slt, %add3A_885, %sign3A_891 : i32
      %sign3A_893 = arith.extui %sign3A_892 : i1 to i32
      %sign3A_894 = arith.subi %sign3A_890, %sign3A_893 : i32
      %sign3A_895 = arith.constant 0 : i32
      %sign3A_896 = arith.cmpi sgt, %jit3A_886, %sign3A_895 : i32
      %sign3A_897 = arith.extui %sign3A_896 : i1 to i32
      %sign3A_898 = arith.constant 0 : i32
      %sign3A_899 = arith.cmpi slt, %jit3A_886, %sign3A_898 : i32
      %sign3A_900 = arith.extui %sign3A_899 : i1 to i32
      %sign3A_901 = arith.subi %sign3A_897, %sign3A_900 : i32
      %ne3A_902 = arith.cmpi ne, %sign3A_894, %sign3A_901 : i32
      %rem3A_903 = arith.remsi %add3A_885, %jit3A_886 : i32
      %ne3A_904 = arith.constant 0 : i32
      %ne3A_905 = arith.cmpi ne, %rem3A_903, %ne3A_904 : i32
      %and3A_906 = arith.andi %ne3A_902, %ne3A_905 : i1
      %sub3A_907 = arith.constant 1 : i32
      %sub3A_908 = arith.subi %div3A_887, %sub3A_907 : i32
      %select_n3A_909 = arith.select %and3A_906, %sub3A_908, %div3A_887 : i32
      %mul3A_910 = arith.constant 16 : i32
      %mul3A_911 = arith.muli %select_n3A_909, %mul3A_910 : i32
      %jit3A_912 = arith.constant 16 : i32
      %eq3A_913 = arith.constant 0 : i32
      %eq3A_914 = arith.cmpi eq, %jit3A_912, %eq3A_913 : i32
      %jit3A_915 = arith.constant 1 : i32
      %select_n3A_916 = arith.select %eq3A_914, %jit3A_915, %jit3A_912 : i32
      %rem3A_917 = arith.remsi %add3A_885, %select_n3A_916 : i32
      %ne3A_918 = arith.constant 0 : i32
      %ne3A_919 = arith.cmpi ne, %rem3A_917, %ne3A_918 : i32
      %lt3A_920 = arith.constant 0 : i32
      %lt3A_921 = arith.cmpi slt, %rem3A_917, %lt3A_920 : i32
      %lt3A_922 = arith.constant 0 : i32
      %lt3A_923 = arith.cmpi slt, %select_n3A_916, %lt3A_922 : i32
      %ne3A_924 = arith.xori %lt3A_921, %lt3A_923 : i1
      %and3A_925 = arith.andi %ne3A_924, %ne3A_919 : i1
      %add3A_926 = arith.addi %rem3A_917, %select_n3A_916 : i32
      %select_n3A_927 = arith.select %and3A_925, %add3A_926, %rem3A_917 : i32
      %broadcast_in_dim3A_928 = vector.broadcast %select_n3A_927 : i32 to vector<16xi32>
      %get3A_929 = arith.index_cast %mul3A_911 : i32 to index
      %get3A_930 = tpu.vector_load %arg13[%get3A_929] {strides = array<i32>} : memref<128xf32, #tpu.memory_space<vmem>>, vector<16xf32>,
      %lt3A_931 = arith.constant 0 : i32
      %lt3A_932 = vector.broadcast %lt3A_931 : i32 to vector<16xi32>
      %lt3A_933 = arith.cmpi slt, %broadcast_in_dim3A_928, %lt3A_932 : vector<16xi32>
      %add3A_934 = arith.constant 16 : i32
      %add3A_935 = vector.broadcast %add3A_934 : i32 to vector<16xi32>
      %add3A_936 = arith.addi %broadcast_in_dim3A_928, %add3A_935 : vector<16xi32>
      %select_n3A_937 = arith.select %lt3A_933, %add3A_936, %broadcast_in_dim3A_928 : vector<16xi1>, vector<16xi32>
      %broadcast_in_dim3A_938 = vector.shape_cast %select_n3A_937 : vector<16xi32> to vector<16x1xi32>
      %gather3A_939 = vector.shape_cast %broadcast_in_dim3A_938 : vector<16x1xi32> to vector<16xi32>
      %gather3A_940 = tpu.dynamic_gather %get3A_930[%gather3A_939] in [0] : vector<16xf32>, vector<16xi32> -> vector<16xf32>
      %get3A_941 = arith.index_cast %mul3A_911 : i32 to index
      %get3A_942 = tpu.vector_load %arg14[%get3A_941] {strides = array<i32>} : memref<128xf32, #tpu.memory_space<vmem>>, vector<16xf32>,
      %lt3A_943 = arith.constant 0 : i32
      %lt3A_944 = vector.broadcast %lt3A_943 : i32 to vector<16xi32>
      %lt3A_945 = arith.cmpi slt, %broadcast_in_dim3A_928, %lt3A_944 : vector<16xi32>
      %add3A_946 = arith.constant 16 : i32
      %add3A_947 = vector.broadcast %add3A_946 : i32 to vector<16xi32>
      %add3A_948 = arith.addi %broadcast_in_dim3A_928, %add3A_947 : vector<16xi32>
      %select_n3A_949 = arith.select %lt3A_945, %add3A_948, %broadcast_in_dim3A_928 : vector<16xi1>, vector<16xi32>
      %broadcast_in_dim3A_950 = vector.shape_cast %select_n3A_949 : vector<16xi32> to vector<16x1xi32>
      %gather3A_951 = vector.shape_cast %broadcast_in_dim3A_950 : vector<16x1xi32> to vector<16xi32>
      %gather3A_952 = tpu.dynamic_gather %get3A_942[%gather3A_951] in [0] : vector<16xf32>, vector<16xi32> -> vector<16xf32>
      %get3A_953 = arith.index_cast %mul3A_911 : i32 to index
      %get3A_954 = tpu.vector_load %arg15[%get3A_953] {strides = array<i32>} : memref<128xf32, #tpu.memory_space<vmem>>, vector<16xf32>,
      %lt3A_955 = arith.constant 0 : i32
      %lt3A_956 = vector.broadcast %lt3A_955 : i32 to vector<16xi32>
      %lt3A_957 = arith.cmpi slt, %broadcast_in_dim3A_928, %lt3A_956 : vector<16xi32>
      %add3A_958 = arith.constant 16 : i32
      %add3A_959 = vector.broadcast %add3A_958 : i32 to vector<16xi32>
      %add3A_960 = arith.addi %broadcast_in_dim3A_928, %add3A_959 : vector<16xi32>
      %select_n3A_961 = arith.select %lt3A_957, %add3A_960, %broadcast_in_dim3A_928 : vector<16xi1>, vector<16xi32>
      %broadcast_in_dim3A_962 = vector.shape_cast %select_n3A_961 : vector<16xi32> to vector<16x1xi32>
      %gather3A_963 = vector.shape_cast %broadcast_in_dim3A_962 : vector<16x1xi32> to vector<16xi32>
      %gather3A_964 = tpu.dynamic_gather %get3A_954[%gather3A_963] in [0] : vector<16xf32>, vector<16xi32> -> vector<16xf32>
      %while3A_965 = arith.constant 0 : i32
      %while3A_966 = arith.constant 0 : i32
      %while3A_967:2 = scf.while (%while3A_1015 = %while3A_965, %while3A_1016 = %while3A_966) : (i32, i32) -> (i32, i32) {
        %lt3A_1017 = arith.constant 32 : i32
        %lt3A_1018 = arith.cmpi slt, %while3A_1016, %lt3A_1017 : i32
        %lt3A_1019 = arith.constant 512 : i32
        %lt3A_1020 = arith.cmpi slt, %while3A_1015, %lt3A_1019 : i32
        %and3A_1021 = arith.andi %lt3A_1018, %lt3A_1020 : i1
        scf.condition(%and3A_1021) %while3A_1015, %while3A_1016 : i32, i32
      } do {
      ^bb0(%while3A_1015: i32, %while3A_1016: i32):
        %broadcast_in_dim3A_1017 = vector.broadcast %while3A_1016 : i32 to vector<16xi32>
        %add3A_1018 = arith.constant 0 : i32
        %add3A_1019 = arith.addi %while3A_1015, %add3A_1018 : i32
        %mul3A_1020 = arith.constant 16 : i32
        %mul3A_1021 = arith.muli %add3A_1019, %mul3A_1020 : i32
        %get3A_1022 = arith.index_cast %mul3A_1021 : i32 to index
        %get3A_1023 = tpu.vector_load %arg10[%get3A_1022] {strides = array<i32>} : memref<8192xf32, #tpu.memory_space<vmem>>, vector<16xf32>,
        %sub3A_1024 = arith.subf %get3A_1023, %gather3A_940 : vector<16xf32>
        %get3A_1025 = arith.index_cast %mul3A_1021 : i32 to index
        %get3A_1026 = tpu.vector_load %arg11[%get3A_1025] {strides = array<i32>} : memref<8192xf32, #tpu.memory_space<vmem>>, vector<16xf32>,
        %sub3A_1027 = arith.subf %get3A_1026, %gather3A_952 : vector<16xf32>
        %get3A_1028 = arith.index_cast %mul3A_1021 : i32 to index
        %get3A_1029 = tpu.vector_load %arg12[%get3A_1028] {strides = array<i32>} : memref<8192xf32, #tpu.memory_space<vmem>>, vector<16xf32>,
        %sub3A_1030 = arith.subf %get3A_1029, %gather3A_964 : vector<16xf32>
        %mul3A_1031 = arith.mulf %sub3A_1024, %sub3A_1024 : vector<16xf32>
        %mul3A_1032 = arith.mulf %sub3A_1027, %sub3A_1027 : vector<16xf32>
        %add3A_1033 = arith.addf %mul3A_1031, %mul3A_1032 : vector<16xf32>
        %mul3A_1034 = arith.mulf %sub3A_1030, %sub3A_1030 : vector<16xf32>
        %add3A_1035 = arith.addf %add3A_1033, %mul3A_1034 : vector<16xf32>
        %le3A = arith.constant 4.000000e-02 : f32
        %le3A_1036 = vector.broadcast %le3A : f32 to vector<16xf32>
        %le3A_1037 = arith.cmpf ole, %add3A_1035, %le3A_1036 : vector<16xf32>
        %convert_element_type3A = arith.extui %le3A_1037 : vector<16xi1> to vector<16xi32>
        %broadcast_in_dim3A_1038 = arith.constant true
        %broadcast_in_dim3A_1039 = vector.broadcast %broadcast_in_dim3A_1038 : i1 to vector<16xi1>
        %masked_cumsum3A = tpu.scan <sum>, %convert_element_type3A masked %broadcast_in_dim3A_1039 : vector<16xi32>, vector<16xi1> -> vector<16xi32>
        %add3A_1040 = arith.addi %broadcast_in_dim3A_1017, %masked_cumsum3A : vector<16xi32>
        %sub3A_1041 = arith.constant 1 : i32
        %sub3A_1042 = vector.broadcast %sub3A_1041 : i32 to vector<16xi32>
        %sub3A_1043 = arith.subi %add3A_1040, %sub3A_1042 : vector<16xi32>
        %add3A_1044 = vector.broadcast %mul3A_1021 : i32 to vector<16xi32>
        %add3A_1045 = arith.addi %iota3A, %add3A_1044 : vector<16xi32>
        tpu.vector_store_idx %arg16[%sub3A_1043], %add3A_1045 masked %le3A_1037 : memref<160xi32, #tpu.memory_space<vmem>>[vector<16xi32>], vector<16xi32>, vector<16xi1>
        %all_reduce_population_count3A = tpu.all_reduce %le3A_1037 {dim = 0 : i64, kind = #tpu.reduction_kind<sum>} : vector<16xi1> -> vector<16xi32>
        %add3A_1046 = arith.addi %broadcast_in_dim3A_1017, %all_reduce_population_count3A : vector<16xi32>
        %add3A_1047 = arith.constant 1 : i32
        %add3A_1048 = arith.addi %while3A_1015, %add3A_1047 : i32
        %mul3A_1049 = arith.constant 16 : i32
        %mul3A_1050 = arith.muli %add3A_1048, %mul3A_1049 : i32
        %get3A_1051 = arith.index_cast %mul3A_1050 : i32 to index
        %get3A_1052 = tpu.vector_load %arg10[%get3A_1051] {strides = array<i32>} : memref<8192xf32, #tpu.memory_space<vmem>>, vector<16xf32>,
        %sub3A_1053 = arith.subf %get3A_1052, %gather3A_940 : vector<16xf32>
        %get3A_1054 = arith.index_cast %mul3A_1050 : i32 to index
        %get3A_1055 = tpu.vector_load %arg11[%get3A_1054] {strides = array<i32>} : memref<8192xf32, #tpu.memory_space<vmem>>, vector<16xf32>,
        %sub3A_1056 = arith.subf %get3A_1055, %gather3A_952 : vector<16xf32>
        %get3A_1057 = arith.index_cast %mul3A_1050 : i32 to index
        %get3A_1058 = tpu.vector_load %arg12[%get3A_1057] {strides = array<i32>} : memref<8192xf32, #tpu.memory_space<vmem>>, vector<16xf32>,
        %sub3A_1059 = arith.subf %get3A_1058, %gather3A_964 : vector<16xf32>
        %mul3A_1060 = arith.mulf %sub3A_1053, %sub3A_1053 : vector<16xf32>
        %mul3A_1061 = arith.mulf %sub3A_1056, %sub3A_1056 : vector<16xf32>
        %add3A_1062 = arith.addf %mul3A_1060, %mul3A_1061 : vector<16xf32>
        %mul3A_1063 = arith.mulf %sub3A_1059, %sub3A_1059 : vector<16xf32>
        %add3A_1064 = arith.addf %add3A_1062, %mul3A_1063 : vector<16xf32>
        %le3A_1065 = arith.constant 4.000000e-02 : f32
        %le3A_1066 = vector.broadcast %le3A_1065 : f32 to vector<16xf32>
        %le3A_1067 = arith.cmpf ole, %add3A_1064, %le3A_1066 : vector<16xf32>
        %convert_element_type3A_1068 = arith.extui %le3A_1067 : vector<16xi1> to vector<16xi32>
        %broadcast_in_dim3A_1069 = arith.constant true
        %broadcast_in_dim3A_1070 = vector.broadcast %broadcast_in_dim3A_1069 : i1 to vector<16xi1>
        %masked_cumsum3A_1071 = tpu.scan <sum>, %convert_element_type3A_1068 masked %broadcast_in_dim3A_1070 : vector<16xi32>, vector<16xi1> -> vector<16xi32>
        %add3A_1072 = arith.addi %add3A_1046, %masked_cumsum3A_1071 : vector<16xi32>
        %sub3A_1073 = arith.constant 1 : i32
        %sub3A_1074 = vector.broadcast %sub3A_1073 : i32 to vector<16xi32>
        %sub3A_1075 = arith.subi %add3A_1072, %sub3A_1074 : vector<16xi32>
        %add3A_1076 = vector.broadcast %mul3A_1050 : i32 to vector<16xi32>
        %add3A_1077 = arith.addi %iota3A, %add3A_1076 : vector<16xi32>
        tpu.vector_store_idx %arg16[%sub3A_1075], %add3A_1077 masked %le3A_1067 : memref<160xi32, #tpu.memory_space<vmem>>[vector<16xi32>], vector<16xi32>, vector<16xi1>
        %all_reduce_population_count3A_1078 = tpu.all_reduce %le3A_1067 {dim = 0 : i64, kind = #tpu.reduction_kind<sum>} : vector<16xi1> -> vector<16xi32>
        %add3A_1079 = arith.addi %add3A_1046, %all_reduce_population_count3A_1078 : vector<16xi32>
        %add3A_1080 = arith.constant 2 : i32
        %add3A_1081 = arith.addi %while3A_1015, %add3A_1080 : i32
        %mul3A_1082 = arith.constant 16 : i32
        %mul3A_1083 = arith.muli %add3A_1081, %mul3A_1082 : i32
        %get3A_1084 = arith.index_cast %mul3A_1083 : i32 to index
        %get3A_1085 = tpu.vector_load %arg10[%get3A_1084] {strides = array<i32>} : memref<8192xf32, #tpu.memory_space<vmem>>, vector<16xf32>,
        %sub3A_1086 = arith.subf %get3A_1085, %gather3A_940 : vector<16xf32>
        %get3A_1087 = arith.index_cast %mul3A_1083 : i32 to index
        %get3A_1088 = tpu.vector_load %arg11[%get3A_1087] {strides = array<i32>} : memref<8192xf32, #tpu.memory_space<vmem>>, vector<16xf32>,
        %sub3A_1089 = arith.subf %get3A_1088, %gather3A_952 : vector<16xf32>
        %get3A_1090 = arith.index_cast %mul3A_1083 : i32 to index
        %get3A_1091 = tpu.vector_load %arg12[%get3A_1090] {strides = array<i32>} : memref<8192xf32, #tpu.memory_space<vmem>>, vector<16xf32>,
        %sub3A_1092 = arith.subf %get3A_1091, %gather3A_964 : vector<16xf32>
        %mul3A_1093 = arith.mulf %sub3A_1086, %sub3A_1086 : vector<16xf32>
        %mul3A_1094 = arith.mulf %sub3A_1089, %sub3A_1089 : vector<16xf32>
        %add3A_1095 = arith.addf %mul3A_1093, %mul3A_1094 : vector<16xf32>
        %mul3A_1096 = arith.mulf %sub3A_1092, %sub3A_1092 : vector<16xf32>
        %add3A_1097 = arith.addf %add3A_1095, %mul3A_1096 : vector<16xf32>
        %le3A_1098 = arith.constant 4.000000e-02 : f32
        %le3A_1099 = vector.broadcast %le3A_1098 : f32 to vector<16xf32>
        %le3A_1100 = arith.cmpf ole, %add3A_1097, %le3A_1099 : vector<16xf32>
        %convert_element_type3A_1101 = arith.extui %le3A_1100 : vector<16xi1> to vector<16xi32>
        %broadcast_in_dim3A_1102 = arith.constant true
        %broadcast_in_dim3A_1103 = vector.broadcast %broadcast_in_dim3A_1102 : i1 to vector<16xi1>
        %masked_cumsum3A_1104 = tpu.scan <sum>, %convert_element_type3A_1101 masked %broadcast_in_dim3A_1103 : vector<16xi32>, vector<16xi1> -> vector<16xi32>
        %add3A_1105 = arith.addi %add3A_1079, %masked_cumsum3A_1104 : vector<16xi32>
        %sub3A_1106 = arith.constant 1 : i32
        %sub3A_1107 = vector.broadcast %sub3A_1106 : i32 to vector<16xi32>
        %sub3A_1108 = arith.subi %add3A_1105, %sub3A_1107 : vector<16xi32>
        %add3A_1109 = vector.broadcast %mul3A_1083 : i32 to vector<16xi32>
        %add3A_1110 = arith.addi %iota3A, %add3A_1109 : vector<16xi32>
        tpu.vector_store_idx %arg16[%sub3A_1108], %add3A_1110 masked %le3A_1100 : memref<160xi32, #tpu.memory_space<vmem>>[vector<16xi32>], vector<16xi32>, vector<16xi1>
        %all_reduce_population_count3A_1111 = tpu.all_reduce %le3A_1100 {dim = 0 : i64, kind = #tpu.reduction_kind<sum>} : vector<16xi1> -> vector<16xi32>
        %add3A_1112 = arith.addi %add3A_1079, %all_reduce_population_count3A_1111 : vector<16xi32>
        %add3A_1113 = arith.constant 3 : i32
        %add3A_1114 = arith.addi %while3A_1015, %add3A_1113 : i32
        %mul3A_1115 = arith.constant 16 : i32
        %mul3A_1116 = arith.muli %add3A_1114, %mul3A_1115 : i32
        %get3A_1117 = arith.index_cast %mul3A_1116 : i32 to index
        %get3A_1118 = tpu.vector_load %arg10[%get3A_1117] {strides = array<i32>} : memref<8192xf32, #tpu.memory_space<vmem>>, vector<16xf32>,
        %sub3A_1119 = arith.subf %get3A_1118, %gather3A_940 : vector<16xf32>
        %get3A_1120 = arith.index_cast %mul3A_1116 : i32 to index
        %get3A_1121 = tpu.vector_load %arg11[%get3A_1120] {strides = array<i32>} : memref<8192xf32, #tpu.memory_space<vmem>>, vector<16xf32>,
        %sub3A_1122 = arith.subf %get3A_1121, %gather3A_952 : vector<16xf32>
        %get3A_1123 = arith.index_cast %mul3A_1116 : i32 to index
        %get3A_1124 = tpu.vector_load %arg12[%get3A_1123] {strides = array<i32>} : memref<8192xf32, #tpu.memory_space<vmem>>, vector<16xf32>,
        %sub3A_1125 = arith.subf %get3A_1124, %gather3A_964 : vector<16xf32>
        %mul3A_1126 = arith.mulf %sub3A_1119, %sub3A_1119 : vector<16xf32>
        %mul3A_1127 = arith.mulf %sub3A_1122, %sub3A_1122 : vector<16xf32>
        %add3A_1128 = arith.addf %mul3A_1126, %mul3A_1127 : vector<16xf32>
        %mul3A_1129 = arith.mulf %sub3A_1125, %sub3A_1125 : vector<16xf32>
        %add3A_1130 = arith.addf %add3A_1128, %mul3A_1129 : vector<16xf32>
        %le3A_1131 = arith.constant 4.000000e-02 : f32
        %le3A_1132 = vector.broadcast %le3A_1131 : f32 to vector<16xf32>
        %le3A_1133 = arith.cmpf ole, %add3A_1130, %le3A_1132 : vector<16xf32>
        %convert_element_type3A_1134 = arith.extui %le3A_1133 : vector<16xi1> to vector<16xi32>
        %broadcast_in_dim3A_1135 = arith.constant true
        %broadcast_in_dim3A_1136 = vector.broadcast %broadcast_in_dim3A_1135 : i1 to vector<16xi1>
        %masked_cumsum3A_1137 = tpu.scan <sum>, %convert_element_type3A_1134 masked %broadcast_in_dim3A_1136 : vector<16xi32>, vector<16xi1> -> vector<16xi32>
        %add3A_1138 = arith.addi %add3A_1112, %masked_cumsum3A_1137 : vector<16xi32>
        %sub3A_1139 = arith.constant 1 : i32
        %sub3A_1140 = vector.broadcast %sub3A_1139 : i32 to vector<16xi32>
        %sub3A_1141 = arith.subi %add3A_1138, %sub3A_1140 : vector<16xi32>
        %add3A_1142 = vector.broadcast %mul3A_1116 : i32 to vector<16xi32>
        %add3A_1143 = arith.addi %iota3A, %add3A_1142 : vector<16xi32>
        tpu.vector_store_idx %arg16[%sub3A_1141], %add3A_1143 masked %le3A_1133 : memref<160xi32, #tpu.memory_space<vmem>>[vector<16xi32>], vector<16xi32>, vector<16xi1>
        %all_reduce_population_count3A_1144 = tpu.all_reduce %le3A_1133 {dim = 0 : i64, kind = #tpu.reduction_kind<sum>} : vector<16xi1> -> vector<16xi32>
        %add3A_1145 = arith.addi %add3A_1112, %all_reduce_population_count3A_1144 : vector<16xi32>
        %add3A_1146 = arith.constant 4 : i32
        %add3A_1147 = arith.addi %while3A_1015, %add3A_1146 : i32
        %mul3A_1148 = arith.constant 16 : i32
        %mul3A_1149 = arith.muli %add3A_1147, %mul3A_1148 : i32
        %get3A_1150 = arith.index_cast %mul3A_1149 : i32 to index
        %get3A_1151 = tpu.vector_load %arg10[%get3A_1150] {strides = array<i32>} : memref<8192xf32, #tpu.memory_space<vmem>>, vector<16xf32>,
        %sub3A_1152 = arith.subf %get3A_1151, %gather3A_940 : vector<16xf32>
        %get3A_1153 = arith.index_cast %mul3A_1149 : i32 to index
        %get3A_1154 = tpu.vector_load %arg11[%get3A_1153] {strides = array<i32>} : memref<8192xf32, #tpu.memory_space<vmem>>, vector<16xf32>,
        %sub3A_1155 = arith.subf %get3A_1154, %gather3A_952 : vector<16xf32>
        %get3A_1156 = arith.index_cast %mul3A_1149 : i32 to index
        %get3A_1157 = tpu.vector_load %arg12[%get3A_1156] {strides = array<i32>} : memref<8192xf32, #tpu.memory_space<vmem>>, vector<16xf32>,
        %sub3A_1158 = arith.subf %get3A_1157, %gather3A_964 : vector<16xf32>
        %mul3A_1159 = arith.mulf %sub3A_1152, %sub3A_1152 : vector<16xf32>
        %mul3A_1160 = arith.mulf %sub3A_1155, %sub3A_1155 : vector<16xf32>
        %add3A_1161 = arith.addf %mul3A_1159, %mul3A_1160 : vector<16xf32>
        %mul3A_1162 = arith.mulf %sub3A_1158, %sub3A_1158 : vector<16xf32>
        %add3A_1163 = arith.addf %add3A_1161, %mul3A_1162 : vector<16xf32>
        %le3A_1164 = arith.constant 4.000000e-02 : f32
        %le3A_1165 = vector.broadcast %le3A_1164 : f32 to vector<16xf32>
        %le3A_1166 = arith.cmpf ole, %add3A_1163, %le3A_1165 : vector<16xf32>
        %convert_element_type3A_1167 = arith.extui %le3A_1166 : vector<16xi1> to vector<16xi32>
        %broadcast_in_dim3A_1168 = arith.constant true
        %broadcast_in_dim3A_1169 = vector.broadcast %broadcast_in_dim3A_1168 : i1 to vector<16xi1>
        %masked_cumsum3A_1170 = tpu.scan <sum>, %convert_element_type3A_1167 masked %broadcast_in_dim3A_1169 : vector<16xi32>, vector<16xi1> -> vector<16xi32>
        %add3A_1171 = arith.addi %add3A_1145, %masked_cumsum3A_1170 : vector<16xi32>
        %sub3A_1172 = arith.constant 1 : i32
        %sub3A_1173 = vector.broadcast %sub3A_1172 : i32 to vector<16xi32>
        %sub3A_1174 = arith.subi %add3A_1171, %sub3A_1173 : vector<16xi32>
        %add3A_1175 = vector.broadcast %mul3A_1149 : i32 to vector<16xi32>
        %add3A_1176 = arith.addi %iota3A, %add3A_1175 : vector<16xi32>
        tpu.vector_store_idx %arg16[%sub3A_1174], %add3A_1176 masked %le3A_1166 : memref<160xi32, #tpu.memory_space<vmem>>[vector<16xi32>], vector<16xi32>, vector<16xi1>
        %all_reduce_population_count3A_1177 = tpu.all_reduce %le3A_1166 {dim = 0 : i64, kind = #tpu.reduction_kind<sum>} : vector<16xi1> -> vector<16xi32>
        %add3A_1178 = arith.addi %add3A_1145, %all_reduce_population_count3A_1177 : vector<16xi32>
        %add3A_1179 = arith.constant 5 : i32
        %add3A_1180 = arith.addi %while3A_1015, %add3A_1179 : i32
        %mul3A_1181 = arith.constant 16 : i32
        %mul3A_1182 = arith.muli %add3A_1180, %mul3A_1181 : i32
        %get3A_1183 = arith.index_cast %mul3A_1182 : i32 to index
        %get3A_1184 = tpu.vector_load %arg10[%get3A_1183] {strides = array<i32>} : memref<8192xf32, #tpu.memory_space<vmem>>, vector<16xf32>,
        %sub3A_1185 = arith.subf %get3A_1184, %gather3A_940 : vector<16xf32>
        %get3A_1186 = arith.index_cast %mul3A_1182 : i32 to index
        %get3A_1187 = tpu.vector_load %arg11[%get3A_1186] {strides = array<i32>} : memref<8192xf32, #tpu.memory_space<vmem>>, vector<16xf32>,
        %sub3A_1188 = arith.subf %get3A_1187, %gather3A_952 : vector<16xf32>
        %get3A_1189 = arith.index_cast %mul3A_1182 : i32 to index
        %get3A_1190 = tpu.vector_load %arg12[%get3A_1189] {strides = array<i32>} : memref<8192xf32, #tpu.memory_space<vmem>>, vector<16xf32>,
        %sub3A_1191 = arith.subf %get3A_1190, %gather3A_964 : vector<16xf32>
        %mul3A_1192 = arith.mulf %sub3A_1185, %sub3A_1185 : vector<16xf32>
        %mul3A_1193 = arith.mulf %sub3A_1188, %sub3A_1188 : vector<16xf32>
        %add3A_1194 = arith.addf %mul3A_1192, %mul3A_1193 : vector<16xf32>
        %mul3A_1195 = arith.mulf %sub3A_1191, %sub3A_1191 : vector<16xf32>
        %add3A_1196 = arith.addf %add3A_1194, %mul3A_1195 : vector<16xf32>
        %le3A_1197 = arith.constant 4.000000e-02 : f32
        %le3A_1198 = vector.broadcast %le3A_1197 : f32 to vector<16xf32>
        %le3A_1199 = arith.cmpf ole, %add3A_1196, %le3A_1198 : vector<16xf32>
        %convert_element_type3A_1200 = arith.extui %le3A_1199 : vector<16xi1> to vector<16xi32>
        %broadcast_in_dim3A_1201 = arith.constant true
        %broadcast_in_dim3A_1202 = vector.broadcast %broadcast_in_dim3A_1201 : i1 to vector<16xi1>
        %masked_cumsum3A_1203 = tpu.scan <sum>, %convert_element_type3A_1200 masked %broadcast_in_dim3A_1202 : vector<16xi32>, vector<16xi1> -> vector<16xi32>
        %add3A_1204 = arith.addi %add3A_1178, %masked_cumsum3A_1203 : vector<16xi32>
        %sub3A_1205 = arith.constant 1 : i32
        %sub3A_1206 = vector.broadcast %sub3A_1205 : i32 to vector<16xi32>
        %sub3A_1207 = arith.subi %add3A_1204, %sub3A_1206 : vector<16xi32>
        %add3A_1208 = vector.broadcast %mul3A_1182 : i32 to vector<16xi32>
        %add3A_1209 = arith.addi %iota3A, %add3A_1208 : vector<16xi32>
        tpu.vector_store_idx %arg16[%sub3A_1207], %add3A_1209 masked %le3A_1199 : memref<160xi32, #tpu.memory_space<vmem>>[vector<16xi32>], vector<16xi32>, vector<16xi1>
        %all_reduce_population_count3A_1210 = tpu.all_reduce %le3A_1199 {dim = 0 : i64, kind = #tpu.reduction_kind<sum>} : vector<16xi1> -> vector<16xi32>
        %add3A_1211 = arith.addi %add3A_1178, %all_reduce_population_count3A_1210 : vector<16xi32>
        %add3A_1212 = arith.constant 6 : i32
        %add3A_1213 = arith.addi %while3A_1015, %add3A_1212 : i32
        %mul3A_1214 = arith.constant 16 : i32
        %mul3A_1215 = arith.muli %add3A_1213, %mul3A_1214 : i32
        %get3A_1216 = arith.index_cast %mul3A_1215 : i32 to index
        %get3A_1217 = tpu.vector_load %arg10[%get3A_1216] {strides = array<i32>} : memref<8192xf32, #tpu.memory_space<vmem>>, vector<16xf32>,
        %sub3A_1218 = arith.subf %get3A_1217, %gather3A_940 : vector<16xf32>
        %get3A_1219 = arith.index_cast %mul3A_1215 : i32 to index
        %get3A_1220 = tpu.vector_load %arg11[%get3A_1219] {strides = array<i32>} : memref<8192xf32, #tpu.memory_space<vmem>>, vector<16xf32>,
        %sub3A_1221 = arith.subf %get3A_1220, %gather3A_952 : vector<16xf32>
        %get3A_1222 = arith.index_cast %mul3A_1215 : i32 to index
        %get3A_1223 = tpu.vector_load %arg12[%get3A_1222] {strides = array<i32>} : memref<8192xf32, #tpu.memory_space<vmem>>, vector<16xf32>,
        %sub3A_1224 = arith.subf %get3A_1223, %gather3A_964 : vector<16xf32>
        %mul3A_1225 = arith.mulf %sub3A_1218, %sub3A_1218 : vector<16xf32>
        %mul3A_1226 = arith.mulf %sub3A_1221, %sub3A_1221 : vector<16xf32>
        %add3A_1227 = arith.addf %mul3A_1225, %mul3A_1226 : vector<16xf32>
        %mul3A_1228 = arith.mulf %sub3A_1224, %sub3A_1224 : vector<16xf32>
        %add3A_1229 = arith.addf %add3A_1227, %mul3A_1228 : vector<16xf32>
        %le3A_1230 = arith.constant 4.000000e-02 : f32
        %le3A_1231 = vector.broadcast %le3A_1230 : f32 to vector<16xf32>
        %le3A_1232 = arith.cmpf ole, %add3A_1229, %le3A_1231 : vector<16xf32>
        %convert_element_type3A_1233 = arith.extui %le3A_1232 : vector<16xi1> to vector<16xi32>
        %broadcast_in_dim3A_1234 = arith.constant true
        %broadcast_in_dim3A_1235 = vector.broadcast %broadcast_in_dim3A_1234 : i1 to vector<16xi1>
        %masked_cumsum3A_1236 = tpu.scan <sum>, %convert_element_type3A_1233 masked %broadcast_in_dim3A_1235 : vector<16xi32>, vector<16xi1> -> vector<16xi32>
        %add3A_1237 = arith.addi %add3A_1211, %masked_cumsum3A_1236 : vector<16xi32>
        %sub3A_1238 = arith.constant 1 : i32
        %sub3A_1239 = vector.broadcast %sub3A_1238 : i32 to vector<16xi32>
        %sub3A_1240 = arith.subi %add3A_1237, %sub3A_1239 : vector<16xi32>
        %add3A_1241 = vector.broadcast %mul3A_1215 : i32 to vector<16xi32>
        %add3A_1242 = arith.addi %iota3A, %add3A_1241 : vector<16xi32>
        tpu.vector_store_idx %arg16[%sub3A_1240], %add3A_1242 masked %le3A_1232 : memref<160xi32, #tpu.memory_space<vmem>>[vector<16xi32>], vector<16xi32>, vector<16xi1>
        %all_reduce_population_count3A_1243 = tpu.all_reduce %le3A_1232 {dim = 0 : i64, kind = #tpu.reduction_kind<sum>} : vector<16xi1> -> vector<16xi32>
        %add3A_1244 = arith.addi %add3A_1211, %all_reduce_population_count3A_1243 : vector<16xi32>
        %add3A_1245 = arith.constant 7 : i32
        %add3A_1246 = arith.addi %while3A_1015, %add3A_1245 : i32
        %mul3A_1247 = arith.constant 16 : i32
        %mul3A_1248 = arith.muli %add3A_1246, %mul3A_1247 : i32
        %get3A_1249 = arith.index_cast %mul3A_1248 : i32 to index
        %get3A_1250 = tpu.vector_load %arg10[%get3A_1249] {strides = array<i32>} : memref<8192xf32, #tpu.memory_space<vmem>>, vector<16xf32>,
        %sub3A_1251 = arith.subf %get3A_1250, %gather3A_940 : vector<16xf32>
        %get3A_1252 = arith.index_cast %mul3A_1248 : i32 to index
        %get3A_1253 = tpu.vector_load %arg11[%get3A_1252] {strides = array<i32>} : memref<8192xf32, #tpu.memory_space<vmem>>, vector<16xf32>,
        %sub3A_1254 = arith.subf %get3A_1253, %gather3A_952 : vector<16xf32>
        %get3A_1255 = arith.index_cast %mul3A_1248 : i32 to index
        %get3A_1256 = tpu.vector_load %arg12[%get3A_1255] {strides = array<i32>} : memref<8192xf32, #tpu.memory_space<vmem>>, vector<16xf32>,
        %sub3A_1257 = arith.subf %get3A_1256, %gather3A_964 : vector<16xf32>
        %mul3A_1258 = arith.mulf %sub3A_1251, %sub3A_1251 : vector<16xf32>
        %mul3A_1259 = arith.mulf %sub3A_1254, %sub3A_1254 : vector<16xf32>
        %add3A_1260 = arith.addf %mul3A_1258, %mul3A_1259 : vector<16xf32>
        %mul3A_1261 = arith.mulf %sub3A_1257, %sub3A_1257 : vector<16xf32>
        %add3A_1262 = arith.addf %add3A_1260, %mul3A_1261 : vector<16xf32>
        %le3A_1263 = arith.constant 4.000000e-02 : f32
        %le3A_1264 = vector.broadcast %le3A_1263 : f32 to vector<16xf32>
        %le3A_1265 = arith.cmpf ole, %add3A_1262, %le3A_1264 : vector<16xf32>
        %convert_element_type3A_1266 = arith.extui %le3A_1265 : vector<16xi1> to vector<16xi32>
        %broadcast_in_dim3A_1267 = arith.constant true
        %broadcast_in_dim3A_1268 = vector.broadcast %broadcast_in_dim3A_1267 : i1 to vector<16xi1>
        %masked_cumsum3A_1269 = tpu.scan <sum>, %convert_element_type3A_1266 masked %broadcast_in_dim3A_1268 : vector<16xi32>, vector<16xi1> -> vector<16xi32>
        %add3A_1270 = arith.addi %add3A_1244, %masked_cumsum3A_1269 : vector<16xi32>
        %sub3A_1271 = arith.constant 1 : i32
        %sub3A_1272 = vector.broadcast %sub3A_1271 : i32 to vector<16xi32>
        %sub3A_1273 = arith.subi %add3A_1270, %sub3A_1272 : vector<16xi32>
        %add3A_1274 = vector.broadcast %mul3A_1248 : i32 to vector<16xi32>
        %add3A_1275 = arith.addi %iota3A, %add3A_1274 : vector<16xi32>
        tpu.vector_store_idx %arg16[%sub3A_1273], %add3A_1275 masked %le3A_1265 : memref<160xi32, #tpu.memory_space<vmem>>[vector<16xi32>], vector<16xi32>, vector<16xi1>
        %all_reduce_population_count3A_1276 = tpu.all_reduce %le3A_1265 {dim = 0 : i64, kind = #tpu.reduction_kind<sum>} : vector<16xi1> -> vector<16xi32>
        %add3A_1277 = arith.addi %add3A_1244, %all_reduce_population_count3A_1276 : vector<16xi32>
        %add3A_1278 = arith.constant 8 : i32
        %add3A_1279 = arith.addi %while3A_1015, %add3A_1278 : i32
        %reduce_max3A = arith.constant true
        %reduce_max3A_1280 = vector.broadcast %reduce_max3A : i1 to vector<16xi1>
        %reduce_max3A_1281 = arith.constant -2147483648 : i32
        %reduce_max3A_1282 = vector.broadcast %reduce_max3A_1281 : i32 to vector<16xi32>
        %reduce_max3A_1283 = arith.xori %add3A_1277, %reduce_max3A_1282 : vector<16xi32>
        %reduce_max3A_1284 = tpu.scan <max>, %reduce_max3A_1283 masked %reduce_max3A_1280 : vector<16xi32>, vector<16xi1> -> vector<16xi32>
        %reduce_max3A_1285 = arith.xori %reduce_max3A_1284, %reduce_max3A_1282 : vector<16xi32>
        %reduce_max3A_1286 = vector.extract %reduce_max3A_1285[15] : i32 from vector<16xi32>
        scf.yield %add3A_1279, %reduce_max3A_1286 : i32, i32
      }
      %min3A_968 = arith.constant 32 : i32
      %min3A_969 = arith.minsi %while3A_967#1, %min3A_968 : i32
      %get3A_970 = arith.constant 0 : index
      %get3A_971 = tpu.vector_load %arg16[%get3A_970] {strides = array<i32>} : memref<160xi32, #tpu.memory_space<vmem>>, vector<16xi32>,
      %broadcast_in_dim3A_972 = arith.constant 0 : i32
      %broadcast_in_dim3A_973 = vector.broadcast %broadcast_in_dim3A_972 : i32 to vector<16xi32>
      %lt3A_974 = arith.constant 0 : i32
      %lt3A_975 = vector.broadcast %lt3A_974 : i32 to vector<16xi32>
      %lt3A_976 = arith.cmpi slt, %broadcast_in_dim3A_973, %lt3A_975 : vector<16xi32>
      %add3A_977 = arith.constant 16 : i32
      %add3A_978 = vector.broadcast %add3A_977 : i32 to vector<16xi32>
      %add3A_979 = arith.addi %broadcast_in_dim3A_973, %add3A_978 : vector<16xi32>
      %select_n3A_980 = arith.select %lt3A_976, %add3A_979, %broadcast_in_dim3A_973 : vector<16xi1>, vector<16xi32>
      %broadcast_in_dim3A_981 = vector.shape_cast %select_n3A_980 : vector<16xi32> to vector<16x1xi32>
      %gather3A_982 = vector.shape_cast %broadcast_in_dim3A_981 : vector<16x1xi32> to vector<16xi32>
      %gather3A_983 = tpu.dynamic_gather %get3A_971[%gather3A_982] in [0] : vector<16xi32>, vector<16xi32> -> vector<16xi32>
      %lt3A_984 = vector.broadcast %min3A_969 : i32 to vector<16xi32>
      %lt3A_985 = arith.cmpi slt, %iota3A, %lt3A_984 : vector<16xi32>
      %select_n3A_986 = arith.select %lt3A_985, %get3A_971, %gather3A_983 : vector<16xi1>, vector<16xi32>
      %add3A_987 = arith.constant 16 : i32
      %add3A_988 = vector.broadcast %add3A_987 : i32 to vector<16xi32>
      %add3A_989 = arith.addi %iota3A, %add3A_988 : vector<16xi32>
      %lt3A_990 = vector.broadcast %min3A_969 : i32 to vector<16xi32>
      %lt3A_991 = arith.cmpi slt, %add3A_989, %lt3A_990 : vector<16xi32>
      %get3A_992 = arith.constant 16 : index
      %get3A_993 = tpu.vector_load %arg16[%get3A_992] {strides = array<i32>} : memref<160xi32, #tpu.memory_space<vmem>>, vector<16xi32>,
      %select_n3A_994 = arith.select %lt3A_991, %get3A_993, %gather3A_983 : vector<16xi1>, vector<16xi32>
      %add3A_995 = vector.broadcast %mul3A_34 : i32 to vector<16xi32>
      %add3A_996 = arith.addi %select_n3A_986, %add3A_995 : vector<16xi32>
      %swap3A_997 = arith.constant 224 : index
      %swap3A_998 = tpu.vector_load %arg17[%swap3A_997] {strides = array<i32>} : memref<256xi32, #tpu.memory_space<vmem>>, vector<16xi32>,
      tpu.vector_store %arg17[%swap3A_997], %add3A_996 {strides = array<i32>} : memref<256xi32, #tpu.memory_space<vmem>>, vector<16xi32>,
      %add3A_999 = vector.broadcast %mul3A_34 : i32 to vector<16xi32>
      %add3A_1000 = arith.addi %select_n3A_994, %add3A_999 : vector<16xi32>
      %swap3A_1001 = arith.constant 240 : index
      %swap3A_1002 = tpu.vector_load %arg17[%swap3A_1001] {strides = array<i32>} : memref<256xi32, #tpu.memory_space<vmem>>, vector<16xi32>,
      tpu.vector_store %arg17[%swap3A_1001], %add3A_1000 {strides = array<i32>} : memref<256xi32, #tpu.memory_space<vmem>>, vector<16xi32>,
      %dma_start3A = arith.constant 0 : i32
      %dma_start3A_1003 = arith.constant 0 : i32
      %dma_start3A_1004 = tpu.memref_slice %arg8[%dma_start3A, %dma_start3A_1003] : memref<65536x32xf32, #tpu.memory_space<hbm>> -> memref<65536x32xf32, #tpu.memory_space<hbm>>
      tpu.enqueue_indirect_dma source(%dma_start3A_1004 : memref<65536x32xf32, #tpu.memory_space<hbm>>) target(%arg18 : memref<256x32xf32, #tpu.memory_space<vmem>>) offsets(%arg17 : memref<256xi32, #tpu.memory_space<vmem>>) semaphore(%arg19 : memref<!tpu.dma_semaphore, #tpu.memory_space<semaphore_mem>>)
      %dma_wait3A = arith.constant 0 : i32
      %dma_wait3A_1005 = arith.constant 0 : i32
      %dma_wait3A_1006 = tpu.memref_slice %arg8[%dma_wait3A, %dma_wait3A_1005] : memref<65536x32xf32, #tpu.memory_space<hbm>> -> memref<65536x32xf32, #tpu.memory_space<hbm>>
      tpu.wait_indirect_dma semaphore(%arg19 : memref<!tpu.dma_semaphore, #tpu.memory_space<semaphore_mem>>) src(%dma_wait3A_1006 : memref<65536x32xf32, #tpu.memory_space<hbm>>) dst(%arg18 : memref<256x32xf32, #tpu.memory_space<vmem>>)
      %mul3A_1007 = arith.constant 512 : i32
      %mul3A_1008 = arith.muli %select_n3A, %mul3A_1007 : i32
      %add3A_1009 = arith.addi %mul3A_1008, %mul3A_32 : i32
      %mul3A_1010 = arith.constant 8 : i32
      %mul3A_1011 = arith.muli %scan3A_40, %mul3A_1010 : i32
      %add3A_1012 = arith.addi %add3A_1009, %mul3A_1011 : i32
      %mul3A_1013 = arith.constant 32 : i32
      %mul3A_1014 = arith.muli %add3A_1012, %mul3A_1013 : i32
      "tpu.region"() ({
        %run_scoped3A = tpu.sem_alloc : memref<!tpu.dma_semaphore, #tpu.memory_space<semaphore_mem>>
        %dma_start3A_1015 = arith.constant 0 : i32
        %dma_start3A_1016 = tpu.memref_slice %arg9[%mul3A_1014, %dma_start3A_1015] : memref<131072x32xf32, #tpu.memory_space<hbm>> -> memref<256x32xf32, #tpu.memory_space<hbm>>
        %dma_start3A_1017 = arith.constant 0 : i32
        %dma_start3A_1018 = tpu.memref_slice %arg9[%mul3A_1014, %dma_start3A_1017] : memref<131072x32xf32, #tpu.memory_space<hbm>> -> memref<256x32xf32, #tpu.memory_space<hbm>>
        tpu.enqueue_dma source(%arg18 : memref<256x32xf32, #tpu.memory_space<vmem>>) target(%dma_start3A_1018 : memref<256x32xf32, #tpu.memory_space<hbm>>) target_semaphore(%run_scoped3A : memref<!tpu.dma_semaphore, #tpu.memory_space<semaphore_mem>>)
        %dma_wait3A_1019 = arith.constant 0 : i32
        %dma_wait3A_1020 = tpu.memref_slice %arg9[%mul3A_1014, %dma_wait3A_1019] : memref<131072x32xf32, #tpu.memory_space<hbm>> -> memref<256x32xf32, #tpu.memory_space<hbm>>
        %dma_wait3A_1021 = arith.constant 0 : i32
        %dma_wait3A_1022 = tpu.memref_slice %arg9[%mul3A_1014, %dma_wait3A_1021] : memref<131072x32xf32, #tpu.memory_space<hbm>> -> memref<256x32xf32, #tpu.memory_space<hbm>>
        tpu.wait_dma2 semaphore(%run_scoped3A : memref<!tpu.dma_semaphore, #tpu.memory_space<semaphore_mem>>) src(%arg18 : memref<256x32xf32, #tpu.memory_space<vmem>>) dst(%dma_wait3A_1022 : memref<256x32xf32, #tpu.memory_space<hbm>>)
        tpu.yield
      }) : () -> ()
    }
    %scan3A_39 = arith.constant 16 : i32
    return
  }
}

module attributes {stable_mosaic.version = 14 : i64} {
  func.func @_fps_body(%arg0: memref<24x8192xf32, #tpu.memory_space<vmem>>, %arg1: memref<8x512xf32, #tpu.memory_space<vmem>>, %arg2: memref<8x512xf32, #tpu.memory_space<vmem>>, %arg3: memref<8x512xf32, #tpu.memory_space<vmem>>, %arg4: memref<8x8192xf32, #tpu.memory_space<vmem>>) attributes {dimension_semantics = [], scalar_prefetch = 0 : i64, scratch_operands = 1 : i64, tpu.core_type = #tpu.core_type<tc>} {
    %get3A = arith.constant 0 : index
    %get3A_0 = arith.constant 0 : index
    %get3A_1 = vector.load %arg0[%get3A, %get3A_0] : memref<24x8192xf32, #tpu.memory_space<vmem>>, vector<24x8192xf32>
    %slice3A = vector.extract_strided_slice %get3A_1 {offsets = [0, 0], sizes = [8, 8192], strides = [1, 1]} : vector<24x8192xf32> to vector<8x8192xf32>
    %slice3A_2 = vector.extract_strided_slice %get3A_1 {offsets = [8, 0], sizes = [8, 8192], strides = [1, 1]} : vector<24x8192xf32> to vector<8x8192xf32>
    %slice3A_3 = vector.extract_strided_slice %get3A_1 {offsets = [16, 0], sizes = [8, 8192], strides = [1, 1]} : vector<24x8192xf32> to vector<8x8192xf32>
    %broadcast_in_dim3A = arith.constant 1.000000e+10 : f32
    %broadcast_in_dim3A_4 = vector.broadcast %broadcast_in_dim3A : f32 to vector<8x8192xf32>
    %swap3A = arith.constant 0 : index
    %swap3A_5 = arith.constant 0 : index
    %swap3A_6 = vector.load %arg4[%swap3A, %swap3A_5] : memref<8x8192xf32, #tpu.memory_space<vmem>>, vector<8x8192xf32>
    tpu.vector_store %arg4[%swap3A, %swap3A_5], %broadcast_in_dim3A_4 {strides = array<i32>} : memref<8x8192xf32, #tpu.memory_space<vmem>>, vector<8x8192xf32>,
    %broadcast_in_dim3A_7 = arith.constant 0.000000e+00 : f32
    %broadcast_in_dim3A_8 = vector.broadcast %broadcast_in_dim3A_7 : f32 to vector<8x512xf32>
    %swap3A_9 = arith.constant 0 : index
    %swap3A_10 = arith.constant 0 : index
    %swap3A_11 = vector.load %arg1[%swap3A_9, %swap3A_10] : memref<8x512xf32, #tpu.memory_space<vmem>>, vector<8x512xf32>
    tpu.vector_store %arg1[%swap3A_9, %swap3A_10], %broadcast_in_dim3A_8 {strides = array<i32>} : memref<8x512xf32, #tpu.memory_space<vmem>>, vector<8x512xf32>,
    %broadcast_in_dim3A_12 = arith.constant 0.000000e+00 : f32
    %broadcast_in_dim3A_13 = vector.broadcast %broadcast_in_dim3A_12 : f32 to vector<8x512xf32>
    %swap3A_14 = arith.constant 0 : index
    %swap3A_15 = arith.constant 0 : index
    %swap3A_16 = vector.load %arg2[%swap3A_14, %swap3A_15] : memref<8x512xf32, #tpu.memory_space<vmem>>, vector<8x512xf32>
    tpu.vector_store %arg2[%swap3A_14, %swap3A_15], %broadcast_in_dim3A_13 {strides = array<i32>} : memref<8x512xf32, #tpu.memory_space<vmem>>, vector<8x512xf32>,
    %broadcast_in_dim3A_17 = arith.constant 0.000000e+00 : f32
    %broadcast_in_dim3A_18 = vector.broadcast %broadcast_in_dim3A_17 : f32 to vector<8x512xf32>
    %swap3A_19 = arith.constant 0 : index
    %swap3A_20 = arith.constant 0 : index
    %swap3A_21 = vector.load %arg3[%swap3A_19, %swap3A_20] : memref<8x512xf32, #tpu.memory_space<vmem>>, vector<8x512xf32>
    tpu.vector_store %arg3[%swap3A_19, %swap3A_20], %broadcast_in_dim3A_18 {strides = array<i32>} : memref<8x512xf32, #tpu.memory_space<vmem>>, vector<8x512xf32>,
    %iota3A = tpu.iota {dimensions = array<i32: 1>} : vector<8x8192xi32>
    %iota3A_22 = tpu.iota {dimensions = array<i32: 1>} : vector<8x512xi32>
    %broadcast_in_dim3A_23 = arith.constant 0 : i32
    %broadcast_in_dim3A_24 = vector.broadcast %broadcast_in_dim3A_23 : i32 to vector<8x1xi32>
    %scan3A = arith.constant 0 : i32
    %scan3A_25 = arith.constant 512 : i32
    %scan3A_26 = arith.addi %scan3A, %scan3A_25 : i32
    %scan3A_27 = arith.constant 1 : i32
    %scan3A_28 = scf.for %scan3A_30 = %scan3A to %scan3A_26 step %scan3A_27 iter_args(%scan3A_31 = %broadcast_in_dim3A_24) -> (vector<8x1xi32>)  : i32 {
      %eq3A = vector.broadcast %scan3A_31 : vector<8x1xi32> to vector<8x8192xi32>
      %eq3A_32 = arith.cmpi eq, %iota3A, %eq3A : vector<8x8192xi32>
      %convert_element_type3A = arith.extui %eq3A_32 : vector<8x8192xi1> to vector<8x8192xi32>
      %convert_element_type3A_33 = arith.sitofp %convert_element_type3A : vector<8x8192xi32> to vector<8x8192xf32>
      %mul3A = arith.mulf %convert_element_type3A_33, %slice3A : vector<8x8192xf32>
      %reduce_sum3A = arith.constant dense<0.000000e+00> : vector<8xf32>
      %reduce_sum3A_34 = vector.multi_reduction <add>, %mul3A, %reduce_sum3A [1] : vector<8x8192xf32> to vector<8xf32>
      %broadcast_in_dim3A_35 = vector.shape_cast %reduce_sum3A_34 : vector<8xf32> to vector<8x1xf32>
      %mul3A_36 = arith.mulf %convert_element_type3A_33, %slice3A_2 : vector<8x8192xf32>
      %reduce_sum3A_37 = arith.constant dense<0.000000e+00> : vector<8xf32>
      %reduce_sum3A_38 = vector.multi_reduction <add>, %mul3A_36, %reduce_sum3A_37 [1] : vector<8x8192xf32> to vector<8xf32>
      %broadcast_in_dim3A_39 = vector.shape_cast %reduce_sum3A_38 : vector<8xf32> to vector<8x1xf32>
      %mul3A_40 = arith.mulf %convert_element_type3A_33, %slice3A_3 : vector<8x8192xf32>
      %reduce_sum3A_41 = arith.constant dense<0.000000e+00> : vector<8xf32>
      %reduce_sum3A_42 = vector.multi_reduction <add>, %mul3A_40, %reduce_sum3A_41 [1] : vector<8x8192xf32> to vector<8xf32>
      %broadcast_in_dim3A_43 = vector.shape_cast %reduce_sum3A_42 : vector<8xf32> to vector<8x1xf32>
      %eq3A_44 = vector.broadcast %scan3A_30 : i32 to vector<8x512xi32>
      %eq3A_45 = arith.cmpi eq, %iota3A_22, %eq3A_44 : vector<8x512xi32>
      %get3A_46 = arith.constant 0 : index
      %get3A_47 = arith.constant 0 : index
      %get3A_48 = vector.load %arg1[%get3A_46, %get3A_47] : memref<8x512xf32, #tpu.memory_space<vmem>>, vector<8x512xf32>
      %jit3A = arith.constant 0.000000e+00 : f32
      %broadcast_in_dim3A_49 = vector.shape_cast %broadcast_in_dim3A_35 : vector<8x1xf32> to vector<8x1xf32>
      %broadcast_in_dim3A_50 = vector.broadcast %broadcast_in_dim3A_49 : vector<8x1xf32> to vector<8x512xf32>
      %broadcast_in_dim3A_51 = vector.broadcast %jit3A : f32 to vector<8x512xf32>
      %select_n3A = arith.select %eq3A_45, %broadcast_in_dim3A_50, %broadcast_in_dim3A_51 : vector<8x512xi1>, vector<8x512xf32>
      %add3A = arith.addf %get3A_48, %select_n3A : vector<8x512xf32>
      %swap3A_52 = arith.constant 0 : index
      %swap3A_53 = arith.constant 0 : index
      %swap3A_54 = vector.load %arg1[%swap3A_52, %swap3A_53] : memref<8x512xf32, #tpu.memory_space<vmem>>, vector<8x512xf32>
      tpu.vector_store %arg1[%swap3A_52, %swap3A_53], %add3A {strides = array<i32>} : memref<8x512xf32, #tpu.memory_space<vmem>>, vector<8x512xf32>,
      %get3A_55 = arith.constant 0 : index
      %get3A_56 = arith.constant 0 : index
      %get3A_57 = vector.load %arg2[%get3A_55, %get3A_56] : memref<8x512xf32, #tpu.memory_space<vmem>>, vector<8x512xf32>
      %jit3A_58 = arith.constant 0.000000e+00 : f32
      %broadcast_in_dim3A_59 = vector.shape_cast %broadcast_in_dim3A_39 : vector<8x1xf32> to vector<8x1xf32>
      %broadcast_in_dim3A_60 = vector.broadcast %broadcast_in_dim3A_59 : vector<8x1xf32> to vector<8x512xf32>
      %broadcast_in_dim3A_61 = vector.broadcast %jit3A_58 : f32 to vector<8x512xf32>
      %select_n3A_62 = arith.select %eq3A_45, %broadcast_in_dim3A_60, %broadcast_in_dim3A_61 : vector<8x512xi1>, vector<8x512xf32>
      %add3A_63 = arith.addf %get3A_57, %select_n3A_62 : vector<8x512xf32>
      %swap3A_64 = arith.constant 0 : index
      %swap3A_65 = arith.constant 0 : index
      %swap3A_66 = vector.load %arg2[%swap3A_64, %swap3A_65] : memref<8x512xf32, #tpu.memory_space<vmem>>, vector<8x512xf32>
      tpu.vector_store %arg2[%swap3A_64, %swap3A_65], %add3A_63 {strides = array<i32>} : memref<8x512xf32, #tpu.memory_space<vmem>>, vector<8x512xf32>,
      %get3A_67 = arith.constant 0 : index
      %get3A_68 = arith.constant 0 : index
      %get3A_69 = vector.load %arg3[%get3A_67, %get3A_68] : memref<8x512xf32, #tpu.memory_space<vmem>>, vector<8x512xf32>
      %jit3A_70 = arith.constant 0.000000e+00 : f32
      %broadcast_in_dim3A_71 = vector.shape_cast %broadcast_in_dim3A_43 : vector<8x1xf32> to vector<8x1xf32>
      %broadcast_in_dim3A_72 = vector.broadcast %broadcast_in_dim3A_71 : vector<8x1xf32> to vector<8x512xf32>
      %broadcast_in_dim3A_73 = vector.broadcast %jit3A_70 : f32 to vector<8x512xf32>
      %select_n3A_74 = arith.select %eq3A_45, %broadcast_in_dim3A_72, %broadcast_in_dim3A_73 : vector<8x512xi1>, vector<8x512xf32>
      %add3A_75 = arith.addf %get3A_69, %select_n3A_74 : vector<8x512xf32>
      %swap3A_76 = arith.constant 0 : index
      %swap3A_77 = arith.constant 0 : index
      %swap3A_78 = vector.load %arg3[%swap3A_76, %swap3A_77] : memref<8x512xf32, #tpu.memory_space<vmem>>, vector<8x512xf32>
      tpu.vector_store %arg3[%swap3A_76, %swap3A_77], %add3A_75 {strides = array<i32>} : memref<8x512xf32, #tpu.memory_space<vmem>>, vector<8x512xf32>,
      %sub3A = vector.broadcast %broadcast_in_dim3A_35 : vector<8x1xf32> to vector<8x8192xf32>
      %sub3A_79 = arith.subf %slice3A, %sub3A : vector<8x8192xf32>
      %sub3A_80 = vector.broadcast %broadcast_in_dim3A_39 : vector<8x1xf32> to vector<8x8192xf32>
      %sub3A_81 = arith.subf %slice3A_2, %sub3A_80 : vector<8x8192xf32>
      %sub3A_82 = vector.broadcast %broadcast_in_dim3A_43 : vector<8x1xf32> to vector<8x8192xf32>
      %sub3A_83 = arith.subf %slice3A_3, %sub3A_82 : vector<8x8192xf32>
      %mul3A_84 = arith.mulf %sub3A_79, %sub3A_79 : vector<8x8192xf32>
      %mul3A_85 = arith.mulf %sub3A_81, %sub3A_81 : vector<8x8192xf32>
      %add3A_86 = arith.addf %mul3A_84, %mul3A_85 : vector<8x8192xf32>
      %mul3A_87 = arith.mulf %sub3A_83, %sub3A_83 : vector<8x8192xf32>
      %add3A_88 = arith.addf %add3A_86, %mul3A_87 : vector<8x8192xf32>
      %get3A_89 = arith.constant 0 : index
      %get3A_90 = arith.constant 0 : index
      %get3A_91 = vector.load %arg4[%get3A_89, %get3A_90] : memref<8x8192xf32, #tpu.memory_space<vmem>>, vector<8x8192xf32>
      %min3A = arith.minimumf %get3A_91, %add3A_88 : vector<8x8192xf32>
      %swap3A_92 = arith.constant 0 : index
      %swap3A_93 = arith.constant 0 : index
      %swap3A_94 = vector.load %arg4[%swap3A_92, %swap3A_93] : memref<8x8192xf32, #tpu.memory_space<vmem>>, vector<8x8192xf32>
      tpu.vector_store %arg4[%swap3A_92, %swap3A_93], %min3A {strides = array<i32>} : memref<8x8192xf32, #tpu.memory_space<vmem>>, vector<8x8192xf32>,
      %reduce_max3A = arith.constant dense<0xFF800000> : vector<8xf32>
      %reduce_max3A_95 = vector.multi_reduction <maximumf>, %min3A, %reduce_max3A [1] : vector<8x8192xf32> to vector<8xf32>
      %broadcast_in_dim3A_96 = vector.shape_cast %reduce_max3A_95 : vector<8xf32> to vector<8x1xf32>
      %eq3A_97 = vector.broadcast %broadcast_in_dim3A_96 : vector<8x1xf32> to vector<8x8192xf32>
      %eq3A_98 = arith.cmpf oeq, %min3A, %eq3A_97 : vector<8x8192xf32>
      %jit3A_99 = arith.constant 8192 : i32
      %broadcast_in_dim3A_100 = vector.broadcast %jit3A_99 : i32 to vector<8x8192xi32>
      %select_n3A_101 = arith.select %eq3A_98, %iota3A, %broadcast_in_dim3A_100 : vector<8x8192xi1>, vector<8x8192xi32>
      %reduce_min3A = arith.constant dense<2147483647> : vector<8xi32>
      %reduce_min3A_102 = vector.multi_reduction <minsi>, %select_n3A_101, %reduce_min3A [1] : vector<8x8192xi32> to vector<8xi32>
      %broadcast_in_dim3A_103 = vector.shape_cast %reduce_min3A_102 : vector<8xi32> to vector<8x1xi32>
      scf.yield %broadcast_in_dim3A_103 : vector<8x1xi32>
    }
    %scan3A_29 = arith.constant 512 : i32
    return
  }
}

module attributes {stable_mosaic.version = 14 : i64} {
  func.func @_mlp_body(%arg0: i32, %arg1: memref<8192x32xf32, #tpu.memory_space<vmem>>, %arg2: memref<256x32xf32, #tpu.memory_space<vmem>>, %arg3: memref<32x32xf32, #tpu.memory_space<vmem>>, %arg4: memref<1x32xf32, #tpu.memory_space<vmem>>, %arg5: memref<1x32xf32, #tpu.memory_space<vmem>>, %arg6: memref<1x32xf32, #tpu.memory_space<vmem>>, %arg7: memref<64x32xf32, #tpu.memory_space<vmem>>, %arg8: memref<1x64xf32, #tpu.memory_space<vmem>>, %arg9: memref<1x64xf32, #tpu.memory_space<vmem>>, %arg10: memref<1x64xf32, #tpu.memory_space<vmem>>, %arg11: memref<256x64xf32, #tpu.memory_space<vmem>>, %arg12: memref<1x32xf32, #tpu.memory_space<vmem>>, %arg13: memref<1x32xf32, #tpu.memory_space<vmem>>, %arg14: memref<1x64xf32, #tpu.memory_space<vmem>>, %arg15: memref<1x64xf32, #tpu.memory_space<vmem>>) attributes {dimension_semantics = [#tpu.dimension_semantics<arbitrary>], iteration_bounds = array<i64: 48>, scalar_prefetch = 0 : i64, scratch_operands = 4 : i64, tpu.core_type = #tpu.core_type<tc>, window_params = [{transform_indices = @transform_0, window_bounds = array<i64: 8192, 32>}, {transform_indices = @transform_1, window_bounds = array<i64: 256, 32>}, {pipeline_mode = #tpu.pipeline_mode<synchronous>, transform_indices = @transform_2, window_bounds = array<i64: 32, 32>}, {pipeline_mode = #tpu.pipeline_mode<synchronous>, transform_indices = @transform_3, window_bounds = array<i64: 1, 32>}, {pipeline_mode = #tpu.pipeline_mode<synchronous>, transform_indices = @transform_4, window_bounds = array<i64: 1, 32>}, {pipeline_mode = #tpu.pipeline_mode<synchronous>, transform_indices = @transform_5, window_bounds = array<i64: 1, 32>}, {pipeline_mode = #tpu.pipeline_mode<synchronous>, transform_indices = @transform_6, window_bounds = array<i64: 64, 32>}, {pipeline_mode = #tpu.pipeline_mode<synchronous>, transform_indices = @transform_7, window_bounds = array<i64: 1, 64>}, {pipeline_mode = #tpu.pipeline_mode<synchronous>, transform_indices = @transform_8, window_bounds = array<i64: 1, 64>}, {pipeline_mode = #tpu.pipeline_mode<synchronous>, transform_indices = @transform_9, window_bounds = array<i64: 1, 64>}, {transform_indices = @transform_10, window_bounds = array<i64: 256, 64>}]} {
    %jit3A = arith.constant 16 : i32
    %div3A = arith.divsi %arg0, %jit3A : i32
    %sign3A = arith.constant 0 : i32
    %sign3A_0 = arith.cmpi sgt, %arg0, %sign3A : i32
    %sign3A_1 = arith.extui %sign3A_0 : i1 to i32
    %sign3A_2 = arith.constant 0 : i32
    %sign3A_3 = arith.cmpi slt, %arg0, %sign3A_2 : i32
    %sign3A_4 = arith.extui %sign3A_3 : i1 to i32
    %sign3A_5 = arith.subi %sign3A_1, %sign3A_4 : i32
    %sign3A_6 = arith.constant 0 : i32
    %sign3A_7 = arith.cmpi sgt, %jit3A, %sign3A_6 : i32
    %sign3A_8 = arith.extui %sign3A_7 : i1 to i32
    %sign3A_9 = arith.constant 0 : i32
    %sign3A_10 = arith.cmpi slt, %jit3A, %sign3A_9 : i32
    %sign3A_11 = arith.extui %sign3A_10 : i1 to i32
    %sign3A_12 = arith.subi %sign3A_8, %sign3A_11 : i32
    %ne3A = arith.cmpi ne, %sign3A_5, %sign3A_12 : i32
    %rem3A = arith.remsi %arg0, %jit3A : i32
    %ne3A_13 = arith.constant 0 : i32
    %ne3A_14 = arith.cmpi ne, %rem3A, %ne3A_13 : i32
    %and3A = arith.andi %ne3A, %ne3A_14 : i1
    %sub3A = arith.constant 1 : i32
    %sub3A_15 = arith.subi %div3A, %sub3A : i32
    %select_n3A = arith.select %and3A, %sub3A_15, %div3A : i32
    %eq3A = arith.constant 0 : i32
    %eq3A_16 = arith.cmpi eq, %select_n3A, %eq3A : i32
    %convert_element_type3A = arith.extui %eq3A_16 : i1 to i32
    %cond3A = arith.constant 0 : i32
    %cond3A_17 = arith.cmpi ne, %convert_element_type3A, %cond3A : i32
    scf.if %cond3A_17 {
      %get3A = arith.constant 0 : index
      %get3A_28 = arith.constant 0 : index
      %get3A_29 = vector.load %arg3[%get3A, %get3A_28] : memref<32x32xf32, #tpu.memory_space<vmem>>, vector<32x32xf32>
      %get3A_30 = arith.constant 0 : index
      %get3A_31 = arith.constant 0 : index
      %get3A_32 = vector.load %arg2[%get3A_30, %get3A_31] : memref<256x32xf32, #tpu.memory_space<vmem>>, vector<256x32xf32>
      %dot_general3A = arith.constant dense<0.000000e+00> : vector<256x32xf32>
      %dot_general3A_33 = tpu.matmul %get3A_32, %get3A_29, %dot_general3A {dimension_numbers = #tpu.dot_dimension_numbers<[1], [1], [0], [0], [0, 0, 1, 0], [], []>, transpose_lhs_hint = false} : vector<256x32xf32>, vector<32x32xf32>, vector<256x32xf32> -> vector<256x32xf32>
      %get3A_34 = arith.constant 0 : index
      %get3A_35 = arith.constant 0 : index
      %get3A_36 = vector.load %arg1[%get3A_34, %get3A_35] : memref<8192x32xf32, #tpu.memory_space<vmem>>, vector<8192x32xf32>
      %dot_general3A_37 = arith.constant dense<0.000000e+00> : vector<8192x32xf32>
      %dot_general3A_38 = tpu.matmul %get3A_36, %get3A_29, %dot_general3A_37 {dimension_numbers = #tpu.dot_dimension_numbers<[1], [1], [0], [0], [0, 0, 1, 0], [], []>, transpose_lhs_hint = false} : vector<8192x32xf32>, vector<32x32xf32>, vector<8192x32xf32> -> vector<8192x32xf32>
      %get3A_39 = arith.constant 0 : index
      %get3A_40 = arith.constant 0 : index
      %get3A_41 = vector.load %arg4[%get3A_39, %get3A_40] : memref<1x32xf32, #tpu.memory_space<vmem>>, vector<1x32xf32>
      %add3A = vector.broadcast %get3A_41 : vector<1x32xf32> to vector<8192x32xf32>
      %add3A_42 = arith.addf %dot_general3A_38, %add3A : vector<8192x32xf32>
      %reshape3A = vector.shape_cast %add3A_42 : vector<8192x32xf32> to vector<256x32x32xf32>
      %broadcast_in_dim3A = vector.shape_cast %dot_general3A_33 : vector<256x32xf32> to vector<256x1x32xf32>
      %sub3A_43 = vector.broadcast %broadcast_in_dim3A : vector<256x1x32xf32> to vector<256x32x32xf32>
      %sub3A_44 = arith.subf %reshape3A, %sub3A_43 : vector<256x32x32xf32>
      %reshape3A_45 = vector.shape_cast %sub3A_44 : vector<256x32x32xf32> to vector<8192x32xf32>
      %eq3A_46 = arith.constant 0 : i32
      %eq3A_47 = arith.cmpi eq, %arg0, %eq3A_46 : i32
      %convert_element_type3A_48 = arith.extui %eq3A_47 : i1 to i32
      %cond3A_49 = arith.constant 0 : i32
      %cond3A_50 = arith.cmpi ne, %convert_element_type3A_48, %cond3A_49 : i32
      scf.if %cond3A_50 {
        %broadcast_in_dim3A_69 = arith.constant 0.000000e+00 : f32
        %broadcast_in_dim3A_70 = vector.broadcast %broadcast_in_dim3A_69 : f32 to vector<1x32xf32>
        %swap3A_71 = arith.constant 0 : index
        %swap3A_72 = arith.constant 0 : index
        %swap3A_73 = vector.load %arg12[%swap3A_71, %swap3A_72] : memref<1x32xf32, #tpu.memory_space<vmem>>, vector<1x32xf32>
        tpu.vector_store %arg12[%swap3A_71, %swap3A_72], %broadcast_in_dim3A_70 {strides = array<i32>} : memref<1x32xf32, #tpu.memory_space<vmem>>, vector<1x32xf32>,
        %broadcast_in_dim3A_74 = arith.constant 0.000000e+00 : f32
        %broadcast_in_dim3A_75 = vector.broadcast %broadcast_in_dim3A_74 : f32 to vector<1x32xf32>
        %swap3A_76 = arith.constant 0 : index
        %swap3A_77 = arith.constant 0 : index
        %swap3A_78 = vector.load %arg13[%swap3A_76, %swap3A_77] : memref<1x32xf32, #tpu.memory_space<vmem>>, vector<1x32xf32>
        tpu.vector_store %arg13[%swap3A_76, %swap3A_77], %broadcast_in_dim3A_75 {strides = array<i32>} : memref<1x32xf32, #tpu.memory_space<vmem>>, vector<1x32xf32>,
      } else {
      }
      %get3A_51 = arith.constant 0 : index
      %get3A_52 = arith.constant 0 : index
      %get3A_53 = vector.load %arg12[%get3A_51, %get3A_52] : memref<1x32xf32, #tpu.memory_space<vmem>>, vector<1x32xf32>
      %reduce_sum3A = arith.constant dense<0.000000e+00> : vector<32xf32>
      %reduce_sum3A_54 = vector.multi_reduction <add>, %reshape3A_45, %reduce_sum3A [0] : vector<8192x32xf32> to vector<32xf32>
      %broadcast_in_dim3A_55 = vector.shape_cast %reduce_sum3A_54 : vector<32xf32> to vector<1x32xf32>
      %add3A_56 = arith.addf %get3A_53, %broadcast_in_dim3A_55 : vector<1x32xf32>
      %swap3A = arith.constant 0 : index
      %swap3A_57 = arith.constant 0 : index
      %swap3A_58 = vector.load %arg12[%swap3A, %swap3A_57] : memref<1x32xf32, #tpu.memory_space<vmem>>, vector<1x32xf32>
      tpu.vector_store %arg12[%swap3A, %swap3A_57], %add3A_56 {strides = array<i32>} : memref<1x32xf32, #tpu.memory_space<vmem>>, vector<1x32xf32>,
      %get3A_59 = arith.constant 0 : index
      %get3A_60 = arith.constant 0 : index
      %get3A_61 = vector.load %arg13[%get3A_59, %get3A_60] : memref<1x32xf32, #tpu.memory_space<vmem>>, vector<1x32xf32>
      %mul3A = arith.mulf %reshape3A_45, %reshape3A_45 : vector<8192x32xf32>
      %reduce_sum3A_62 = arith.constant dense<0.000000e+00> : vector<32xf32>
      %reduce_sum3A_63 = vector.multi_reduction <add>, %mul3A, %reduce_sum3A_62 [0] : vector<8192x32xf32> to vector<32xf32>
      %broadcast_in_dim3A_64 = vector.shape_cast %reduce_sum3A_63 : vector<32xf32> to vector<1x32xf32>
      %add3A_65 = arith.addf %get3A_61, %broadcast_in_dim3A_64 : vector<1x32xf32>
      %swap3A_66 = arith.constant 0 : index
      %swap3A_67 = arith.constant 0 : index
      %swap3A_68 = vector.load %arg13[%swap3A_66, %swap3A_67] : memref<1x32xf32, #tpu.memory_space<vmem>>, vector<1x32xf32>
      tpu.vector_store %arg13[%swap3A_66, %swap3A_67], %add3A_65 {strides = array<i32>} : memref<1x32xf32, #tpu.memory_space<vmem>>, vector<1x32xf32>,
    } else {
    }
    %eq3A_18 = arith.constant 1 : i32
    %eq3A_19 = arith.cmpi eq, %select_n3A, %eq3A_18 : i32
    %convert_element_type3A_20 = arith.extui %eq3A_19 : i1 to i32
    %cond3A_21 = arith.constant 0 : i32
    %cond3A_22 = arith.cmpi ne, %convert_element_type3A_20, %cond3A_21 : i32
    scf.if %cond3A_22 {
      %get3A = arith.constant 0 : index
      %get3A_28 = arith.constant 0 : index
      %get3A_29 = vector.load %arg12[%get3A, %get3A_28] : memref<1x32xf32, #tpu.memory_space<vmem>>, vector<1x32xf32>
      %div3A_30 = arith.constant 1.310720e+05 : f32
      %div3A_31 = vector.broadcast %div3A_30 : f32 to vector<1x32xf32>
      %div3A_32 = arith.divf %get3A_29, %div3A_31 : vector<1x32xf32>
      %get3A_33 = arith.constant 0 : index
      %get3A_34 = arith.constant 0 : index
      %get3A_35 = vector.load %arg13[%get3A_33, %get3A_34] : memref<1x32xf32, #tpu.memory_space<vmem>>, vector<1x32xf32>
      %div3A_36 = arith.constant 1.310720e+05 : f32
      %div3A_37 = vector.broadcast %div3A_36 : f32 to vector<1x32xf32>
      %div3A_38 = arith.divf %get3A_35, %div3A_37 : vector<1x32xf32>
      %mul3A = arith.mulf %div3A_32, %div3A_32 : vector<1x32xf32>
      %sub3A_39 = arith.subf %div3A_38, %mul3A : vector<1x32xf32>
      %get3A_40 = arith.constant 0 : index
      %get3A_41 = arith.constant 0 : index
      %get3A_42 = vector.load %arg5[%get3A_40, %get3A_41] : memref<1x32xf32, #tpu.memory_space<vmem>>, vector<1x32xf32>
      %add3A = arith.constant 9.99999974E-6 : f32
      %add3A_43 = vector.broadcast %add3A : f32 to vector<1x32xf32>
      %add3A_44 = arith.addf %sub3A_39, %add3A_43 : vector<1x32xf32>
      %rsqrt3A = math.rsqrt %add3A_44 : vector<1x32xf32>
      %mul3A_45 = arith.mulf %get3A_42, %rsqrt3A : vector<1x32xf32>
      %get3A_46 = arith.constant 0 : index
      %get3A_47 = arith.constant 0 : index
      %get3A_48 = vector.load %arg6[%get3A_46, %get3A_47] : memref<1x32xf32, #tpu.memory_space<vmem>>, vector<1x32xf32>
      %mul3A_49 = arith.mulf %div3A_32, %mul3A_45 : vector<1x32xf32>
      %sub3A_50 = arith.subf %get3A_48, %mul3A_49 : vector<1x32xf32>
      %get3A_51 = arith.constant 0 : index
      %get3A_52 = arith.constant 0 : index
      %get3A_53 = vector.load %arg3[%get3A_51, %get3A_52] : memref<32x32xf32, #tpu.memory_space<vmem>>, vector<32x32xf32>
      %get3A_54 = arith.constant 0 : index
      %get3A_55 = arith.constant 0 : index
      %get3A_56 = vector.load %arg2[%get3A_54, %get3A_55] : memref<256x32xf32, #tpu.memory_space<vmem>>, vector<256x32xf32>
      %dot_general3A = arith.constant dense<0.000000e+00> : vector<256x32xf32>
      %dot_general3A_57 = tpu.matmul %get3A_56, %get3A_53, %dot_general3A {dimension_numbers = #tpu.dot_dimension_numbers<[1], [1], [0], [0], [0, 0, 1, 0], [], []>, transpose_lhs_hint = false} : vector<256x32xf32>, vector<32x32xf32>, vector<256x32xf32> -> vector<256x32xf32>
      %get3A_58 = arith.constant 0 : index
      %get3A_59 = arith.constant 0 : index
      %get3A_60 = vector.load %arg1[%get3A_58, %get3A_59] : memref<8192x32xf32, #tpu.memory_space<vmem>>, vector<8192x32xf32>
      %dot_general3A_61 = arith.constant dense<0.000000e+00> : vector<8192x32xf32>
      %dot_general3A_62 = tpu.matmul %get3A_60, %get3A_53, %dot_general3A_61 {dimension_numbers = #tpu.dot_dimension_numbers<[1], [1], [0], [0], [0, 0, 1, 0], [], []>, transpose_lhs_hint = false} : vector<8192x32xf32>, vector<32x32xf32>, vector<8192x32xf32> -> vector<8192x32xf32>
      %get3A_63 = arith.constant 0 : index
      %get3A_64 = arith.constant 0 : index
      %get3A_65 = vector.load %arg4[%get3A_63, %get3A_64] : memref<1x32xf32, #tpu.memory_space<vmem>>, vector<1x32xf32>
      %add3A_66 = vector.broadcast %get3A_65 : vector<1x32xf32> to vector<8192x32xf32>
      %add3A_67 = arith.addf %dot_general3A_62, %add3A_66 : vector<8192x32xf32>
      %reshape3A = vector.shape_cast %add3A_67 : vector<8192x32xf32> to vector<256x32x32xf32>
      %broadcast_in_dim3A = vector.shape_cast %dot_general3A_57 : vector<256x32xf32> to vector<256x1x32xf32>
      %sub3A_68 = vector.broadcast %broadcast_in_dim3A : vector<256x1x32xf32> to vector<256x32x32xf32>
      %sub3A_69 = arith.subf %reshape3A, %sub3A_68 : vector<256x32x32xf32>
      %reshape3A_70 = vector.shape_cast %sub3A_69 : vector<256x32x32xf32> to vector<8192x32xf32>
      %mul3A_71 = vector.broadcast %mul3A_45 : vector<1x32xf32> to vector<8192x32xf32>
      %mul3A_72 = arith.mulf %reshape3A_70, %mul3A_71 : vector<8192x32xf32>
      %add3A_73 = vector.broadcast %sub3A_50 : vector<1x32xf32> to vector<8192x32xf32>
      %add3A_74 = arith.addf %mul3A_72, %add3A_73 : vector<8192x32xf32>
      %max3A = arith.constant 0.000000e+00 : f32
      %max3A_75 = vector.broadcast %max3A : f32 to vector<8192x32xf32>
      %max3A_76 = arith.maximumf %add3A_74, %max3A_75 : vector<8192x32xf32>
      %get3A_77 = arith.constant 0 : index
      %get3A_78 = arith.constant 0 : index
      %get3A_79 = vector.load %arg7[%get3A_77, %get3A_78] : memref<64x32xf32, #tpu.memory_space<vmem>>, vector<64x32xf32>
      %dot_general3A_80 = arith.constant dense<0.000000e+00> : vector<8192x64xf32>
      %dot_general3A_81 = tpu.matmul %max3A_76, %get3A_79, %dot_general3A_80 {dimension_numbers = #tpu.dot_dimension_numbers<[1], [1], [0], [0], [0, 0, 1, 0], [], []>, transpose_lhs_hint = false} : vector<8192x32xf32>, vector<64x32xf32>, vector<8192x64xf32> -> vector<8192x64xf32>
      %get3A_82 = arith.constant 0 : index
      %get3A_83 = arith.constant 0 : index
      %get3A_84 = vector.load %arg8[%get3A_82, %get3A_83] : memref<1x64xf32, #tpu.memory_space<vmem>>, vector<1x64xf32>
      %add3A_85 = vector.broadcast %get3A_84 : vector<1x64xf32> to vector<8192x64xf32>
      %add3A_86 = arith.addf %dot_general3A_81, %add3A_85 : vector<8192x64xf32>
      %eq3A_87 = arith.constant 16 : i32
      %eq3A_88 = arith.cmpi eq, %arg0, %eq3A_87 : i32
      %convert_element_type3A_89 = arith.extui %eq3A_88 : i1 to i32
      %cond3A_90 = arith.constant 0 : i32
      %cond3A_91 = arith.cmpi ne, %convert_element_type3A_89, %cond3A_90 : i32
      scf.if %cond3A_91 {
        %broadcast_in_dim3A_111 = arith.constant 0.000000e+00 : f32
        %broadcast_in_dim3A_112 = vector.broadcast %broadcast_in_dim3A_111 : f32 to vector<1x64xf32>
        %swap3A_113 = arith.constant 0 : index
        %swap3A_114 = arith.constant 0 : index
        %swap3A_115 = vector.load %arg14[%swap3A_113, %swap3A_114] : memref<1x64xf32, #tpu.memory_space<vmem>>, vector<1x64xf32>
        tpu.vector_store %arg14[%swap3A_113, %swap3A_114], %broadcast_in_dim3A_112 {strides = array<i32>} : memref<1x64xf32, #tpu.memory_space<vmem>>, vector<1x64xf32>,
        %broadcast_in_dim3A_116 = arith.constant 0.000000e+00 : f32
        %broadcast_in_dim3A_117 = vector.broadcast %broadcast_in_dim3A_116 : f32 to vector<1x64xf32>
        %swap3A_118 = arith.constant 0 : index
        %swap3A_119 = arith.constant 0 : index
        %swap3A_120 = vector.load %arg15[%swap3A_118, %swap3A_119] : memref<1x64xf32, #tpu.memory_space<vmem>>, vector<1x64xf32>
        tpu.vector_store %arg15[%swap3A_118, %swap3A_119], %broadcast_in_dim3A_117 {strides = array<i32>} : memref<1x64xf32, #tpu.memory_space<vmem>>, vector<1x64xf32>,
      } else {
      }
      %get3A_92 = arith.constant 0 : index
      %get3A_93 = arith.constant 0 : index
      %get3A_94 = vector.load %arg14[%get3A_92, %get3A_93] : memref<1x64xf32, #tpu.memory_space<vmem>>, vector<1x64xf32>
      %reduce_sum3A = arith.constant dense<0.000000e+00> : vector<64xf32>
      %reduce_sum3A_95 = vector.multi_reduction <add>, %add3A_86, %reduce_sum3A [0] : vector<8192x64xf32> to vector<64xf32>
      %broadcast_in_dim3A_96 = vector.shape_cast %reduce_sum3A_95 : vector<64xf32> to vector<1x64xf32>
      %add3A_97 = arith.addf %get3A_94, %broadcast_in_dim3A_96 : vector<1x64xf32>
      %swap3A = arith.constant 0 : index
      %swap3A_98 = arith.constant 0 : index
      %swap3A_99 = vector.load %arg14[%swap3A, %swap3A_98] : memref<1x64xf32, #tpu.memory_space<vmem>>, vector<1x64xf32>
      tpu.vector_store %arg14[%swap3A, %swap3A_98], %add3A_97 {strides = array<i32>} : memref<1x64xf32, #tpu.memory_space<vmem>>, vector<1x64xf32>,
      %get3A_100 = arith.constant 0 : index
      %get3A_101 = arith.constant 0 : index
      %get3A_102 = vector.load %arg15[%get3A_100, %get3A_101] : memref<1x64xf32, #tpu.memory_space<vmem>>, vector<1x64xf32>
      %mul3A_103 = arith.mulf %add3A_86, %add3A_86 : vector<8192x64xf32>
      %reduce_sum3A_104 = arith.constant dense<0.000000e+00> : vector<64xf32>
      %reduce_sum3A_105 = vector.multi_reduction <add>, %mul3A_103, %reduce_sum3A_104 [0] : vector<8192x64xf32> to vector<64xf32>
      %broadcast_in_dim3A_106 = vector.shape_cast %reduce_sum3A_105 : vector<64xf32> to vector<1x64xf32>
      %add3A_107 = arith.addf %get3A_102, %broadcast_in_dim3A_106 : vector<1x64xf32>
      %swap3A_108 = arith.constant 0 : index
      %swap3A_109 = arith.constant 0 : index
      %swap3A_110 = vector.load %arg15[%swap3A_108, %swap3A_109] : memref<1x64xf32, #tpu.memory_space<vmem>>, vector<1x64xf32>
      tpu.vector_store %arg15[%swap3A_108, %swap3A_109], %add3A_107 {strides = array<i32>} : memref<1x64xf32, #tpu.memory_space<vmem>>, vector<1x64xf32>,
    } else {
    }
    %eq3A_23 = arith.constant 2 : i32
    %eq3A_24 = arith.cmpi eq, %select_n3A, %eq3A_23 : i32
    %convert_element_type3A_25 = arith.extui %eq3A_24 : i1 to i32
    %cond3A_26 = arith.constant 0 : i32
    %cond3A_27 = arith.cmpi ne, %convert_element_type3A_25, %cond3A_26 : i32
    scf.if %cond3A_27 {
      %get3A = arith.constant 0 : index
      %get3A_28 = arith.constant 0 : index
      %get3A_29 = vector.load %arg14[%get3A, %get3A_28] : memref<1x64xf32, #tpu.memory_space<vmem>>, vector<1x64xf32>
      %div3A_30 = arith.constant 1.310720e+05 : f32
      %div3A_31 = vector.broadcast %div3A_30 : f32 to vector<1x64xf32>
      %div3A_32 = arith.divf %get3A_29, %div3A_31 : vector<1x64xf32>
      %get3A_33 = arith.constant 0 : index
      %get3A_34 = arith.constant 0 : index
      %get3A_35 = vector.load %arg15[%get3A_33, %get3A_34] : memref<1x64xf32, #tpu.memory_space<vmem>>, vector<1x64xf32>
      %div3A_36 = arith.constant 1.310720e+05 : f32
      %div3A_37 = vector.broadcast %div3A_36 : f32 to vector<1x64xf32>
      %div3A_38 = arith.divf %get3A_35, %div3A_37 : vector<1x64xf32>
      %mul3A = arith.mulf %div3A_32, %div3A_32 : vector<1x64xf32>
      %sub3A_39 = arith.subf %div3A_38, %mul3A : vector<1x64xf32>
      %get3A_40 = arith.constant 0 : index
      %get3A_41 = arith.constant 0 : index
      %get3A_42 = vector.load %arg9[%get3A_40, %get3A_41] : memref<1x64xf32, #tpu.memory_space<vmem>>, vector<1x64xf32>
      %add3A = arith.constant 9.99999974E-6 : f32
      %add3A_43 = vector.broadcast %add3A : f32 to vector<1x64xf32>
      %add3A_44 = arith.addf %sub3A_39, %add3A_43 : vector<1x64xf32>
      %rsqrt3A = math.rsqrt %add3A_44 : vector<1x64xf32>
      %mul3A_45 = arith.mulf %get3A_42, %rsqrt3A : vector<1x64xf32>
      %get3A_46 = arith.constant 0 : index
      %get3A_47 = arith.constant 0 : index
      %get3A_48 = vector.load %arg10[%get3A_46, %get3A_47] : memref<1x64xf32, #tpu.memory_space<vmem>>, vector<1x64xf32>
      %mul3A_49 = arith.mulf %div3A_32, %mul3A_45 : vector<1x64xf32>
      %sub3A_50 = arith.subf %get3A_48, %mul3A_49 : vector<1x64xf32>
      %get3A_51 = arith.constant 0 : index
      %get3A_52 = arith.constant 0 : index
      %get3A_53 = vector.load %arg12[%get3A_51, %get3A_52] : memref<1x32xf32, #tpu.memory_space<vmem>>, vector<1x32xf32>
      %div3A_54 = arith.constant 1.310720e+05 : f32
      %div3A_55 = vector.broadcast %div3A_54 : f32 to vector<1x32xf32>
      %div3A_56 = arith.divf %get3A_53, %div3A_55 : vector<1x32xf32>
      %get3A_57 = arith.constant 0 : index
      %get3A_58 = arith.constant 0 : index
      %get3A_59 = vector.load %arg13[%get3A_57, %get3A_58] : memref<1x32xf32, #tpu.memory_space<vmem>>, vector<1x32xf32>
      %div3A_60 = arith.constant 1.310720e+05 : f32
      %div3A_61 = vector.broadcast %div3A_60 : f32 to vector<1x32xf32>
      %div3A_62 = arith.divf %get3A_59, %div3A_61 : vector<1x32xf32>
      %mul3A_63 = arith.mulf %div3A_56, %div3A_56 : vector<1x32xf32>
      %sub3A_64 = arith.subf %div3A_62, %mul3A_63 : vector<1x32xf32>
      %get3A_65 = arith.constant 0 : index
      %get3A_66 = arith.constant 0 : index
      %get3A_67 = vector.load %arg5[%get3A_65, %get3A_66] : memref<1x32xf32, #tpu.memory_space<vmem>>, vector<1x32xf32>
      %add3A_68 = arith.constant 9.99999974E-6 : f32
      %add3A_69 = vector.broadcast %add3A_68 : f32 to vector<1x32xf32>
      %add3A_70 = arith.addf %sub3A_64, %add3A_69 : vector<1x32xf32>
      %rsqrt3A_71 = math.rsqrt %add3A_70 : vector<1x32xf32>
      %mul3A_72 = arith.mulf %get3A_67, %rsqrt3A_71 : vector<1x32xf32>
      %get3A_73 = arith.constant 0 : index
      %get3A_74 = arith.constant 0 : index
      %get3A_75 = vector.load %arg6[%get3A_73, %get3A_74] : memref<1x32xf32, #tpu.memory_space<vmem>>, vector<1x32xf32>
      %mul3A_76 = arith.mulf %div3A_56, %mul3A_72 : vector<1x32xf32>
      %sub3A_77 = arith.subf %get3A_75, %mul3A_76 : vector<1x32xf32>
      %get3A_78 = arith.constant 0 : index
      %get3A_79 = arith.constant 0 : index
      %get3A_80 = vector.load %arg3[%get3A_78, %get3A_79] : memref<32x32xf32, #tpu.memory_space<vmem>>, vector<32x32xf32>
      %get3A_81 = arith.constant 0 : index
      %get3A_82 = arith.constant 0 : index
      %get3A_83 = vector.load %arg2[%get3A_81, %get3A_82] : memref<256x32xf32, #tpu.memory_space<vmem>>, vector<256x32xf32>
      %dot_general3A = arith.constant dense<0.000000e+00> : vector<256x32xf32>
      %dot_general3A_84 = tpu.matmul %get3A_83, %get3A_80, %dot_general3A {dimension_numbers = #tpu.dot_dimension_numbers<[1], [1], [0], [0], [0, 0, 1, 0], [], []>, transpose_lhs_hint = false} : vector<256x32xf32>, vector<32x32xf32>, vector<256x32xf32> -> vector<256x32xf32>
      %get3A_85 = arith.constant 0 : index
      %get3A_86 = arith.constant 0 : index
      %get3A_87 = vector.load %arg1[%get3A_85, %get3A_86] : memref<8192x32xf32, #tpu.memory_space<vmem>>, vector<8192x32xf32>
      %dot_general3A_88 = arith.constant dense<0.000000e+00> : vector<8192x32xf32>
      %dot_general3A_89 = tpu.matmul %get3A_87, %get3A_80, %dot_general3A_88 {dimension_numbers = #tpu.dot_dimension_numbers<[1], [1], [0], [0], [0, 0, 1, 0], [], []>, transpose_lhs_hint = false} : vector<8192x32xf32>, vector<32x32xf32>, vector<8192x32xf32> -> vector<8192x32xf32>
      %get3A_90 = arith.constant 0 : index
      %get3A_91 = arith.constant 0 : index
      %get3A_92 = vector.load %arg4[%get3A_90, %get3A_91] : memref<1x32xf32, #tpu.memory_space<vmem>>, vector<1x32xf32>
      %add3A_93 = vector.broadcast %get3A_92 : vector<1x32xf32> to vector<8192x32xf32>
      %add3A_94 = arith.addf %dot_general3A_89, %add3A_93 : vector<8192x32xf32>
      %reshape3A = vector.shape_cast %add3A_94 : vector<8192x32xf32> to vector<256x32x32xf32>
      %broadcast_in_dim3A = vector.shape_cast %dot_general3A_84 : vector<256x32xf32> to vector<256x1x32xf32>
      %sub3A_95 = vector.broadcast %broadcast_in_dim3A : vector<256x1x32xf32> to vector<256x32x32xf32>
      %sub3A_96 = arith.subf %reshape3A, %sub3A_95 : vector<256x32x32xf32>
      %reshape3A_97 = vector.shape_cast %sub3A_96 : vector<256x32x32xf32> to vector<8192x32xf32>
      %mul3A_98 = vector.broadcast %mul3A_72 : vector<1x32xf32> to vector<8192x32xf32>
      %mul3A_99 = arith.mulf %reshape3A_97, %mul3A_98 : vector<8192x32xf32>
      %add3A_100 = vector.broadcast %sub3A_77 : vector<1x32xf32> to vector<8192x32xf32>
      %add3A_101 = arith.addf %mul3A_99, %add3A_100 : vector<8192x32xf32>
      %max3A = arith.constant 0.000000e+00 : f32
      %max3A_102 = vector.broadcast %max3A : f32 to vector<8192x32xf32>
      %max3A_103 = arith.maximumf %add3A_101, %max3A_102 : vector<8192x32xf32>
      %get3A_104 = arith.constant 0 : index
      %get3A_105 = arith.constant 0 : index
      %get3A_106 = vector.load %arg7[%get3A_104, %get3A_105] : memref<64x32xf32, #tpu.memory_space<vmem>>, vector<64x32xf32>
      %dot_general3A_107 = arith.constant dense<0.000000e+00> : vector<8192x64xf32>
      %dot_general3A_108 = tpu.matmul %max3A_103, %get3A_106, %dot_general3A_107 {dimension_numbers = #tpu.dot_dimension_numbers<[1], [1], [0], [0], [0, 0, 1, 0], [], []>, transpose_lhs_hint = false} : vector<8192x32xf32>, vector<64x32xf32>, vector<8192x64xf32> -> vector<8192x64xf32>
      %get3A_109 = arith.constant 0 : index
      %get3A_110 = arith.constant 0 : index
      %get3A_111 = vector.load %arg8[%get3A_109, %get3A_110] : memref<1x64xf32, #tpu.memory_space<vmem>>, vector<1x64xf32>
      %add3A_112 = vector.broadcast %get3A_111 : vector<1x64xf32> to vector<8192x64xf32>
      %add3A_113 = arith.addf %dot_general3A_108, %add3A_112 : vector<8192x64xf32>
      %mul3A_114 = vector.broadcast %mul3A_45 : vector<1x64xf32> to vector<8192x64xf32>
      %mul3A_115 = arith.mulf %add3A_113, %mul3A_114 : vector<8192x64xf32>
      %add3A_116 = vector.broadcast %sub3A_50 : vector<1x64xf32> to vector<8192x64xf32>
      %add3A_117 = arith.addf %mul3A_115, %add3A_116 : vector<8192x64xf32>
      %max3A_118 = arith.constant 0.000000e+00 : f32
      %max3A_119 = vector.broadcast %max3A_118 : f32 to vector<8192x64xf32>
      %max3A_120 = arith.maximumf %add3A_117, %max3A_119 : vector<8192x64xf32>
      %reshape3A_121 = vector.shape_cast %max3A_120 : vector<8192x64xf32> to vector<256x32x64xf32>
      %reduce_max3A = arith.constant dense<0xFF800000> : vector<256x64xf32>
      %reduce_max3A_122 = vector.multi_reduction <maximumf>, %reshape3A_121, %reduce_max3A [1] : vector<256x32x64xf32> to vector<256x64xf32>
      %swap3A = arith.constant 0 : index
      %swap3A_123 = arith.constant 0 : index
      %swap3A_124 = vector.load %arg11[%swap3A, %swap3A_123] : memref<256x64xf32, #tpu.memory_space<vmem>>, vector<256x64xf32>
      tpu.vector_store %arg11[%swap3A, %swap3A_123], %reduce_max3A_122 {strides = array<i32>} : memref<256x64xf32, #tpu.memory_space<vmem>>, vector<256x64xf32>,
    } else {
    }
    return
  }
  func.func @transform_0(%arg0: i32) -> (i32, i32) {
    %jit3A = arith.constant 16 : i32
    %eq3A = arith.constant 0 : i32
    %eq3A_0 = arith.cmpi eq, %jit3A, %eq3A : i32
    %jit3A_1 = arith.constant 1 : i32
    %select_n3A = arith.select %eq3A_0, %jit3A_1, %jit3A : i32
    %rem3A = arith.remsi %arg0, %select_n3A : i32
    %ne3A = arith.constant 0 : i32
    %ne3A_2 = arith.cmpi ne, %rem3A, %ne3A : i32
    %lt3A = arith.constant 0 : i32
    %lt3A_3 = arith.cmpi slt, %rem3A, %lt3A : i32
    %lt3A_4 = arith.constant 0 : i32
    %lt3A_5 = arith.cmpi slt, %select_n3A, %lt3A_4 : i32
    %ne3A_6 = arith.xori %lt3A_3, %lt3A_5 : i1
    %and3A = arith.andi %ne3A_6, %ne3A_2 : i1
    %add3A = arith.addi %rem3A, %select_n3A : i32
    %select_n3A_7 = arith.select %and3A, %add3A, %rem3A : i32
    %c0_i32 = arith.constant 0 : i32
    %c0_i32_8 = arith.constant 0 : i32
    return %select_n3A_7, %c0_i32 : i32, i32
  }
  func.func @transform_1(%arg0: i32) -> (i32, i32) {
    %jit3A = arith.constant 16 : i32
    %eq3A = arith.constant 0 : i32
    %eq3A_0 = arith.cmpi eq, %jit3A, %eq3A : i32
    %jit3A_1 = arith.constant 1 : i32
    %select_n3A = arith.select %eq3A_0, %jit3A_1, %jit3A : i32
    %rem3A = arith.remsi %arg0, %select_n3A : i32
    %ne3A = arith.constant 0 : i32
    %ne3A_2 = arith.cmpi ne, %rem3A, %ne3A : i32
    %lt3A = arith.constant 0 : i32
    %lt3A_3 = arith.cmpi slt, %rem3A, %lt3A : i32
    %lt3A_4 = arith.constant 0 : i32
    %lt3A_5 = arith.cmpi slt, %select_n3A, %lt3A_4 : i32
    %ne3A_6 = arith.xori %lt3A_3, %lt3A_5 : i1
    %and3A = arith.andi %ne3A_6, %ne3A_2 : i1
    %add3A = arith.addi %rem3A, %select_n3A : i32
    %select_n3A_7 = arith.select %and3A, %add3A, %rem3A : i32
    %c0_i32 = arith.constant 0 : i32
    %c0_i32_8 = arith.constant 0 : i32
    return %select_n3A_7, %c0_i32 : i32, i32
  }
  func.func @transform_2(%arg0: i32) -> (i32, i32) {
    %c0_i32 = arith.constant 0 : i32
    %c0_i32_0 = arith.constant 0 : i32
    %c0_i32_1 = arith.constant 0 : i32
    return %c0_i32, %c0_i32_0 : i32, i32
  }
  func.func @transform_3(%arg0: i32) -> (i32, i32) {
    %c0_i32 = arith.constant 0 : i32
    %c0_i32_0 = arith.constant 0 : i32
    %c0_i32_1 = arith.constant 0 : i32
    return %c0_i32, %c0_i32_0 : i32, i32
  }
  func.func @transform_4(%arg0: i32) -> (i32, i32) {
    %c0_i32 = arith.constant 0 : i32
    %c0_i32_0 = arith.constant 0 : i32
    %c0_i32_1 = arith.constant 0 : i32
    return %c0_i32, %c0_i32_0 : i32, i32
  }
  func.func @transform_5(%arg0: i32) -> (i32, i32) {
    %c0_i32 = arith.constant 0 : i32
    %c0_i32_0 = arith.constant 0 : i32
    %c0_i32_1 = arith.constant 0 : i32
    return %c0_i32, %c0_i32_0 : i32, i32
  }
  func.func @transform_6(%arg0: i32) -> (i32, i32) {
    %c0_i32 = arith.constant 0 : i32
    %c0_i32_0 = arith.constant 0 : i32
    %c0_i32_1 = arith.constant 0 : i32
    return %c0_i32, %c0_i32_0 : i32, i32
  }
  func.func @transform_7(%arg0: i32) -> (i32, i32) {
    %c0_i32 = arith.constant 0 : i32
    %c0_i32_0 = arith.constant 0 : i32
    %c0_i32_1 = arith.constant 0 : i32
    return %c0_i32, %c0_i32_0 : i32, i32
  }
  func.func @transform_8(%arg0: i32) -> (i32, i32) {
    %c0_i32 = arith.constant 0 : i32
    %c0_i32_0 = arith.constant 0 : i32
    %c0_i32_1 = arith.constant 0 : i32
    return %c0_i32, %c0_i32_0 : i32, i32
  }
  func.func @transform_9(%arg0: i32) -> (i32, i32) {
    %c0_i32 = arith.constant 0 : i32
    %c0_i32_0 = arith.constant 0 : i32
    %c0_i32_1 = arith.constant 0 : i32
    return %c0_i32, %c0_i32_0 : i32, i32
  }
  func.func @transform_10(%arg0: i32) -> (i32, i32) {
    %ge3A = arith.constant 32 : i32
    %ge3A_0 = arith.cmpi sge, %arg0, %ge3A : i32
    %sub3A = arith.constant 32 : i32
    %sub3A_1 = arith.subi %arg0, %sub3A : i32
    %jit3A = arith.constant 0 : i32
    %select_n3A = arith.select %ge3A_0, %sub3A_1, %jit3A : i32
    %c0_i32 = arith.constant 0 : i32
    %c0_i32_2 = arith.constant 0 : i32
    return %select_n3A, %c0_i32 : i32, i32
  }
}

</mosaic_0001>

<sc_bundles>
// kernel: kernel.5.cloned.1.call-start
scs
__scs_entry_jumppad:
0x0: {  	(pc) =	sbr.rel $0x88, $3  }
0x1: {  	(tag) =	ssettag $0x0;
	lr =	simm.s32 $0x1  }
0x2: {  	[smem:$0x3F97] =	sst lr;
	_ =	strace $0xD0000000  }
0x3: {  	_ = 	snop  }
0x4: {  	_ = 	snop  }
0x5: {  	_ = 	snop  }
0x6: {  	_ = 	snop  }
0x7: {  	_ = 	snop  }
__scs_overlays_trampoline_lowered:
0x8: {  	[smem:$0x3FA6] =	sst s0  }
0x9: {  	[smem:$0x3FA7] =	sst s1  }
0xa: {  	[smem:$0x3FA8] =	sst s2  }
0xb: {  	[smem:$0x3FA9] =	sst s3  }
0xc: {  	[smem:$0x3FAA] =	sst s4  }
0xd: {  	[smem:$0x3FAB] =	sst s5  }
0xe: {  	[smem:$0x3FAC] =	sst s6  }
0xf: {  	[smem:$0x3FAD] =	sst s7  }
0x10: {  	[smem:$0x3FAE] =	sst s8  }
0x11: {  	[smem:$0x3FAF] =	sst s9;
	s0 =	simm.s32 @!p0 $0x0  }
0x12: {  	s1 =	sld [smem:$0x3F95];
	s0 =	simm.s32 @p0 $0x1  }
0x13: {  	[smem:$0x3FB0] =	sst s0;
	s0 =	simm.s32 @!p1 $0x0  }
0x14: {  	s2 =	sld [smem:$0x3F94];
	s0 =	simm.s32 @p1 $0x1  }
0x15: {  	[smem:$0x3FB1] =	sst s0;
	s0 =	simm.s32 @!p2 $0x0  }
0x16: {  	s3 =	sld [smem:$0x3FDB];
	s0 =	simm.s32 @p2 $0x1  }
0x17: {  	s4 =	simm.s32 $0x1BF5;
	[smem:$0x3FB3] =	sst s0  }
0x18: {  	s0 =	sld [smem:$0x3F96];
	_ =	swait.ge [sflag:s4], $0x0  }
0x19: {  	s7 =	sld [smem:$0x3F97]  }
0x1a: {  	s8 =	sadd.s32 $0xFFFFE003, lr  }
0x1b: {  	s9 =	sadd.s32 $0xFFFFFEF7, lr;
	s5 =	simm.s32 $0xFFFFFFFF;
	p2 =	slt.u32 s8, $0xFFFFF086  }
0x1c: {  	p1 =	slt.u32 s9, $0xF7A;
	s5 =	simm.s32 @!p2 $0x0  }
0x1d: {  	s5 =	simm.s32 @p1 $0x1;
	p0 =	seq.s32 s7, s2  }
0x1e: {  	s7 =	smul.u32 @!p0 $0xF7A, s2;
	p2 =	seq.s32 @!p0 s5, $0x0  }
0x1f: {  	s9 =	smul.u32 $0xF7A, s1;
	s8 =	simm.s32 @!p0 $0x1BF5;
	p2 =	por !p2, p0  }
0x20: {  	[sflag:s8] =	ssyncset.s32 @!p0 $0xFFFFF086;
	s6 =	sadd.s32 @!p0 s3, s7;
	s7 =	simm.s32 @!p0 $0x108  }
0x21: {  	s3 =	sadd.s32 s3, s9;
	s6 =	sadd.s32 @!p0 $0x88, s6;
	s7 =	simm.s32 @p2 $0x1082  }
0x22: {  	[simem:s7], [sflag:s8] =	dma.local @!p0 [hbm:s6], $0xF7A  }
0x23: {  	s9 =	sor.u32 $0xD0000000, s2;
	s6 =	simm.s32 $0x108;
	_ =	swait.ge @!p0 [sflag:s8], $0x0  }
0x24: {  	s3 =	sadd.s32 $0x88, s3;
	s6 =	simm.s32 @!p1 $0x1082;
	[sflag:s4] =	ssyncset.s32 $0xFFFFF086  }
0x25: {  	[simem:s6], [sflag:s4] =	dma.local [hbm:s3], $0xF7A  }
0x26: {  	[smem:$0x3F97] =	sst s1;
	(tag) =	ssettag s2;
	_ =	strace s9  }
0x27: {  	s1 =	sld [smem:$0x3FA7]  }
0x28: {  	s2 =	sld [smem:$0x3FA8]  }
0x29: {  	s4 =	sld [smem:$0x3FAA]  }
0x2a: {  	p0 =	seq.s32 s5, $0x0;
	s5 =	sld [smem:$0x3FAB]  }
0x2b: {  	s6 =	sld [smem:$0x3FAC]  }
0x2c: {  	s7 =	sld [smem:$0x3FAD]  }
0x2d: {  	s3 =	simm.s32 $0x108;
	s8 =	sld [smem:$0x3FAE]  }
0x2e: {  	s3 =	simm.s32 @!p0 $0x1082;
	s9 =	sld [smem:$0x3FAF]  }
0x2f: {  	lr =	sadd.s32 s0, s3;
	s0 =	sld [smem:$0x3FA6]  }
0x30: {  	s3 =	sld [smem:$0x3FA9]  }
0x31: {  	[smem:$0x3FB2] =	sst s10  }
0x32: {  	s10 =	sld [smem:$0x3FB0];
	_ =	sdelay $0x3  }
0x33: {  	p0 =	seq.s32 s10, $0x1;
	s10 =	sld [smem:$0x3FB2];
	_ =	sdelay $0x3  }
0x34: {  	[smem:$0x3FB2] =	sst s10  }
0x35: {  	s10 =	sld [smem:$0x3FB1];
	_ =	sdelay $0x3  }
0x36: {  	p1 =	seq.s32 s10, $0x1;
	s10 =	sld [smem:$0x3FB2];
	_ =	sdelay $0x3  }
0x37: {  	[smem:$0x3FB2] =	sst s10  }
0x38: {  	s10 =	sld [smem:$0x3FB3]  }
0x39: {  	_ = 	snop;
	(pc) =	sbr.ind lr, $3  }
0x3a: {  	_ = 	snop  }
0x3b: {  	_ = 	snop  }
0x3c: {  	p2 =	seq.s32 s10, $0x1;
	s10 =	sld [smem:$0x3FB2]  }
0x3d: {  	_ =	shalt  }
0x3e: {  	_ =	shalt  }
0x3f: {  	_ =	shalt  }
0x40: {  	_ =	shalt  }
0x41: {  	_ =	shalt  }
0x42: {  	_ =	shalt  }
0x43: {  	_ =	shalt  }
0x44: {  	_ =	shalt  }
0x45: {  	_ =	shalt  }
0x46: {  	_ =	shalt  }
0x47: {  	_ =	shalt  }
0x48: {  	_ =	shalt  }
0x49: {  	_ =	shalt  }
0x4a: {  	_ =	shalt  }
0x4b: {  	_ =	shalt  }
0x4c: {  	_ =	shalt  }
0x4d: {  	_ =	shalt  }
0x4e: {  	_ =	shalt  }
0x4f: {  	_ =	shalt  }
0x50: {  	_ =	shalt  }
0x51: {  	_ =	shalt  }
0x52: {  	_ =	shalt  }
0x53: {  	_ =	shalt  }
0x54: {  	_ =	shalt  }
0x55: {  	_ =	shalt  }
0x56: {  	_ =	shalt  }
0x57: {  	_ =	shalt  }
0x58: {  	_ =	shalt  }
0x59: {  	_ =	shalt  }
0x5a: {  	_ =	shalt  }
0x5b: {  	_ =	shalt  }
0x5c: {  	_ =	shalt  }
0x5d: {  	_ =	shalt  }
0x5e: {  	_ =	shalt  }
0x5f: {  	_ =	shalt  }
0x60: {  	_ =	shalt  }
0x61: {  	_ =	shalt  }
0x62: {  	_ =	shalt  }
0x63: {  	_ =	shalt  }
0x64: {  	_ =	shalt  }
0x65: {  	_ =	shalt  }
0x66: {  	_ =	shalt  }
0x67: {  	_ =	shalt  }
0x68: {  	_ =	shalt  }
0x69: {  	_ =	shalt  }
0x6a: {  	_ =	shalt  }
0x6b: {  	_ =	shalt  }
0x6c: {  	_ =	shalt  }
0x6d: {  	_ =	shalt  }
0x6e: {  	_ =	shalt  }
0x6f: {  	_ =	shalt  }
0x70: {  	_ =	shalt  }
0x71: {  	_ =	shalt  }
0x72: {  	_ =	shalt  }
0x73: {  	_ =	shalt  }
0x74: {  	_ =	shalt  }
0x75: {  	_ =	shalt  }
0x76: {  	_ =	shalt  }
0x77: {  	_ =	shalt  }
0x78: {  	_ =	shalt  }
0x79: {  	_ =	shalt  }
0x7a: {  	_ =	shalt  }
0x7b: {  	_ =	shalt  }
0x7c: {  	_ =	shalt  }
0x7d: {  	_ =	shalt  }
0x7e: {  	_ =	shalt  }
0x7f: {  	_ =	shalt  }
0x80: {  	_ =	shalt  }
0x81: {  	_ =	shalt  }
0x82: {  	_ =	shalt  }
0x83: {  	_ =	shalt  }
0x84: {  	_ =	shalt  }
0x85: {  	_ =	shalt  }
0x86: {  	_ =	shalt  }
0x87: {  	_ =	shalt  }
.Lfunc_end0:
.L_simem_size_0:
called_computation_lowered:
.L_overlay_start_0:
0x88: {  	s2 =	sld [smem:$0x3FD9]  }
0x89: {  	s3 =	sld [smem:$0x3FFE];
	_ =	sdelay $0x1  }
0x8a: {  	s1 =	srdreg.scid  }
0x8b: {  	s0 =	sand.u32 $0x1, s1  }
0x8c: {  	s14 =	sshll.u32 s0, $0xA;
	s2 =	sadd.s32 s3, s2  }
0x8d: {  	s2 =	sadd.s32 s2, s14  }
0x8e: {  	[smem:$0x3FBE] =	sst s2  }
0x8f: {  	_ = 	snop  }
0x90: {  	s2 =	sld [smem:$0x3FD0];
	_ =	sdelay $0x2  }
0x91: {  	s15 =	simm.s32 $0xA;
	s4 =	simm.s32 $0x10  }
0x92: {  	[smem:s4], [sflag:s15] =	dma.local [hbm:s2], $0x1  }
0x93: {  	_ =	swait.eq [sflag:s15], $0x1  }
0x94: {  	[sflag:s15] =	ssyncset.done $0x0  }
0x95: {  	[sflag:s15] =	ssyncadd.s32 $0xFFFFFFFF  }
0x96: {  	s16 =	sld [smem:$0x11];
	(tm) =	ssettm $0x1  }
0x97: {  	s17 =	sld [smem:$0x3FFB];
	_ =	sdelay $0x3  }
0x98: {  	_ =	strace s17  }
0x99: {  	s3 =	sld [smem:$0x3FFC];
	_ =	sdelay $0x3  }
0x9a: {  	_ =	strace s3  }
0x9b: {  	s3 =	sld [smem:$0x3FFD];
	_ =	sdelay $0x3  }
0x9c: {  	_ =	strace s3  }
0x9d: {  	_ =	strace $0x8FFFFFFF  }
0x9e: {  	s18 =	sld [smem:$0x3FDB];
	_ =	sdelay $0x1  }
0x9f: {  	s19 =	simm.s32 $_scs_section_size  }
0xa0: {  	s5 =	simm.s32 $_size__tile_overlayer_lowered;
	s6 =	simm.s32 $_tile_overlayer_lowered  }
0xa1: {  	s22 =	simm.s32 $0x1BFF;
	s21 =	sshll.u32 s6, $0x1;
	s3 =	sadd.s32 s19, s18  }
0xa2: {  	s7 =	simm.s32 $0x0;
	s20 =	sshll.u32 s5, $0x1;
	s5 =	sadd.s32 s21, s3  }
0xa3: {  	[timem:s7], [sflag:s22] =	dma.local [hbm:s5], s20  }
0xa4: {  	_ =	swait.ge [sflag:s22], s20  }
0xa5: {  	s4 =	ssub.s32 $0x0, s20;
	[sflag:s22] =	ssyncset.done $0x0  }
0xa6: {  	[sflag:s22] =	ssyncadd.s32 s4;
	_ =	sdelay $0x1  }
0xa7: {  	s23 =	simm.s32 $0x1B8B  }
0xa8: {  	_ =	swait.ge [sflag:s23], $0x1  }
0xa9: {  	[sflag:s23] =	ssyncset.done $0x0  }
0xaa: {  	s25 =	simm.s32 $0x1B8E;
	s24 =	sld [smem:$0x3FFE];
	[sflag:s23] =	ssyncadd.s32 $0xFFFFFFFF  }
0xab: {  	s26 =	simm.s32 $execute0_lowered;
	[smem:$0x3FD2] =	sst s25  }
0xac: {  	s5 =	sshll.u32 s26, $0x1;
	_ =	strace $0x80000046;
	[dreg:$0x1] =	wrdreg $0xFFFFFFFF  }
0xad: {  	s28 =	simm.s32 $_size_execute0_lowered;
	s3 =	sadd.s32 s3, s5;
	[dreg:$0x0] =	wrdreg $0x0  }
0xae: {  	s5 =	sshll.u32 s28, $0x1;
	[dreg:$0x2] =	wrdreg s3  }
0xaf: {  	[dreg:$0x3] =	wrdreg s5  }
0xb0: {  	[dreg:$0x4] =	wrdreg $0xC0  }
0xb1: {  	_ =	task [dreg:s7], $0x5FFFF  }
0xb2: {  	[dreg:$0x1] =	wrdreg $0xFFFFFFFF  }
0xb3: {  	[dreg:$0x0] =	wrdreg $0x60  }
0xb4: {  	[dreg:$0x2] =	wrdreg s16  }
0xb5: {  	[dreg:$0x3] =	wrdreg s24  }
0xb6: {  	[dreg:$0x4] =	wrdreg $0x9  }
0xb7: {  	_ =	task.clear_ibuf [dreg:s7], $0x5FFFF;
	_ =	strace $0x90000046  }
0xb8: {  	s29 =	simm.s32 $0x9;
	_ =	strace $0x80000048  }
0xb9: {  	_ =	swait.ge [sflag:s29], $0x1  }
0xba: {  	[sflag:s29] =	ssyncadd.s32 $0xFFFFFFFF  }
0xbb: {  	_ =	strace $0x90000048  }
0xbc: {  	_ =	sfence  }
0xbd: {  	s30 =	sld [smem:$0x0];
	_ =	sdelay $0x2  }
0xbe: {  	s31 =	sshll.u32 s1, $0xD;
	s1 =	sshrl.u32 s1, $0x2  }
0xbf: {  	s3 =	sand.u32 $0x4000, s31;
	s1 =	sadd.s32 s1, s30  }
0xc0: {  	s0 =	sor.u32 s3, s0;
	s1 =	sshll.u32 s1, $0x11  }
0xc1: {  	s0 =	sor.u32 s1, s0  }
0xc2: {  	s0 =	sadd.s32 $0x8F2B, s0  }
0xc3: {  	[sflag:s0] =	ssyncadd.remote.s32 $0x1  }
0xc4: {  	_ =	sfence.sel $0xFFFF  }
0xc5: {  	[dreg:$0x0] =	wrdreg $0xFFFFFFFF;
	(pc) =	sbr.abs _section_cstart, $3  }
0xc6: {  	[dreg:$0x1] =	wrdreg $0xFFFFFFFF  }
0xc7: {  	_ =	task.clear_ibuf [dreg:s7], $0x2FFFF;
	_ =	strace $0x9FFFFFFF  }
0xc8: {  	(tm) =	ssettm $0x7FFFFFFF  }
0xc9: {  	_ =	shalt  }
tec
execute0_lowered:
.L_overlay_start_1:
0x0: {  	(tag) =	ssettag $0x1  }
0x1: {  	s3 =	stileid.u32;
	s0 =	rddreg [dreg:$0x0]  }
0x2: {  	s1 =	srdreg.scid;
	s5 =	rddreg [dreg:$0x1];
	s13 =	simm.s32 $0x2  }
0x3: {  	s17 =	simm.s32 $0x6080;
	s18 =	simm.s32 $0x6100;
	s19 =	simm.s32 $0x6180  }
0x4: {  	s20 =	simm.s32 $0x100;
	s21 =	simm.s32 $0x6220;
	s22 =	simm.s32 $0x6320  }
0x5: {  	s23 =	simm.s32 $0x1;
	s24 =	simm.s32 $0x0;
	s2 =	sshll.u32 s3, $0x1  }
0x6: {  	s1 =	sand.u32 $0x1, s1;
	s6 =	sshrl.u32 s3, $0x1;
	s2 =	sand.u32 $0x2, s2  }
0x7: {  	s4 =	sshll.u32 s6, $0x9;
	s7 =	sshll.u32 s6, $0xA;
	s14 =	sshll.u32 s6, $0xD  }
0x8: {  	s31 =	sor.u32 s1, s2;
	s2 =	simm.s32 $0x0;
	s8 =	sadd.s32 s7, s5  }
0x9: {  	s1 =	ssub.s32 $0x2, s1;
	s6 =	sadd.s32 s0, s7;
	s3 =	sshll.u32 s31, $0x7  }
0xa: {  	[smem:$0x7FF] =	sst s2;
	s9 =	sshrl.u32 s1, $0x1;
	s7 =	sadd.s32 $0x4000, s8  }
0xb: {  	s8 =	sadd.s32 $0x2000, s8;
	s3 =	sor.u32 s4, s3;
	s1 =	ssub.s32 s1, s9  }
0xc: {  	_ =	strace $0x80000047;
	s4 =	sshrl.u32 s3, $0x3;
	s12 =	smax.u32 s1, $0x1  }
0xd: {  	v0 =	vlaneseq.u32;
	s11 =	sadd.s32 s4, s5;
	s4 =	sadd.s32 $0x106000, s5;
	s5 =	sadd.s32 $0x6000, s5  }
0xe: {  	v2 =	vimm.s32 $0x0;
	v3 =	vor.u32 $0x10, v0;
	v1 =	vmov s14;
	s9 =	sadd.s32 $0x1E00, s11;
	s10 =	sadd.s32 $0x1C00, s11;
	s11 =	sadd.s32 $0x1A00, s11  }
.LBB2_1:
0xf: {  	[tilespmem:s2], [sflag:$0x2] =	stream.linear.gather [hbm4b:s6+s2], $0x2000, $0x38;
	[tilespmem:$0x8320] =	vst v63  }
0x10: {  	_ =	swait.ge [sflag:s13], $0x2000  }
0x11: {  	[sflag:s13] =	ssyncset.done $0x0  }
0x12: {  	s0 =	simm.s32 $0x2000;
	[sflag:s13] =	ssyncadd.s32 $0xFFFFE000  }
0x13: {  	[tilespmem:s0], [sflag:$0x2] =	stream.linear.gather [hbm4b:s7+s2], $0x2000, $0x38;
	[tilespmem:$0x8320] =	vst v63  }
0x14: {  	_ =	swait.ge [sflag:s13], $0x2000  }
0x15: {  	[sflag:s13] =	ssyncset.done $0x0  }
0x16: {  	s30 =	simm.s32 $0x4000;
	[sflag:s13] =	ssyncadd.s32 $0xFFFFE000  }
0x17: {  	[tilespmem:s30], [sflag:$0x2] =	stream.linear.gather [hbm4b:s8+s2], $0x2000, $0x38;
	[tilespmem:$0x8320] =	vst v63  }
0x18: {  	_ =	swait.ge [sflag:s13], $0x2000  }
0x19: {  	[sflag:s13] =	ssyncset.done $0x0  }
0x1a: {  	s31 =	simm.s32 $0x6000;
	[sflag:s13] =	ssyncadd.s32 $0xFFFFE000  }
0x1b: {  	[tilespmem:s31], [sflag:$0x2] =	stream.linear.gather [hbm4b:s9+s2], $0x80, $0x38;
	[tilespmem:$0x8320] =	vst v63  }
0x1c: {  	_ =	swait.ge [sflag:s13], $0x80  }
0x1d: {  	[sflag:s13] =	ssyncset.done $0x0  }
0x1e: {  	[sflag:s13] =	ssyncadd.s32 $0xFFFFFF80  }
0x1f: {  	[tilespmem:s17], [sflag:$0x2] =	stream.linear.gather [hbm4b:s10+s2], $0x80, $0x38;
	[tilespmem:$0x8320] =	vst v63  }
0x20: {  	_ =	swait.ge [sflag:s13], $0x80  }
0x21: {  	[sflag:s13] =	ssyncset.done $0x0  }
0x22: {  	[sflag:s13] =	ssyncadd.s32 $0xFFFFFF80  }
0x23: {  	[tilespmem:s18], [sflag:$0x2] =	stream.linear.gather [hbm4b:s11+s2], $0x80, $0x38;
	[tilespmem:$0x8320] =	vst v63  }
0x24: {  	_ =	swait.ge [sflag:s13], $0x80  }
0x25: {  	[sflag:s13] =	ssyncset.done $0x0  }
0x26: {  	s25 =	simm.s32 $0x0;
	[sflag:s13] =	ssyncadd.s32 $0xFFFFFF80  }
.LBB2_2:
0x27: {  	s26 =	sshll.u32 s25, $0x3  }
0x28: {  	s28 =	sand.u32 $0x70, s26  }
0x29: {  	v4 =	vld [tilespmem:s28+$0x6000]  }
0x2a: {  	v5 =	vld [tilespmem:s28+$0x6080]  }
0x2b: {  	v6 =	vld [tilespmem:s28+$0x6100];
	_ =	sdelay $0x1  }
0x2c: {  	s29 =	sand.u32 $0x8, s26  }
0x2d: {  	v7 =	vmov s29  }
0x2e: {  	s15 =	simm.s32 $0x0;
	s30 =	simm.s32 $0x70;
	s31 =	simm.s32 $0x4040;
	v4 =	vperm.xlane v4, v7  }
0x2f: {  	s1 =	simm.s32 $0x2040;
	s0 =	simm.s32 $0x40;
	s14 =	simm.s32 $0x0;
	v5 =	vperm.xlane v5, v7;
	v6 =	vperm.xlane v6, v7  }
.LBB2_3:
0x30: {  	v7 =	vld [tilespmem:s0+$0xFFFFFFC0]  }
0x31: {  	v8 =	vld [tilespmem:s1+$0xFFFFFFC0];
	_ =	sdelay $0x1  }
0x32: {  	v9 =	vld [tilespmem:s31+$0xFFFFFFC0];
	_ =	sdelay $0x2  }
0x33: {  	v7 =	vsub.f32 v7, v4;
	v8 =	vsub.f32 v8, v5;
	_ =	sdelay $0x1  }
0x34: {  	v9 =	vsub.f32 v9, v6;
	v7 =	vmul.f32 v7, v7;
	v8 =	vmul.f32 v8, v8;
	_ =	sdelay $0x1  }
0x35: {  	v7 =	vadd.f32 v8, v7;
	v8 =	vmul.f32 v9, v9;
	_ =	sdelay $0x1  }
0x36: {  	v7 =	vadd.f32 v8, v7;
	_ =	sdelay $0x1  }
0x37: {  	vm0 =	vle.f32 v7, $3.999999910e-02  }
0x38: {  	v7 =	vsel vm0, $0x1, v2  }
0x39: {  	(xrf0) =	vadd.scan.msk.s32 $0xffff, v7;
	_ =	sdelay $0x5  }
0x3a: {  	v7, _, _ =	vpop (xrf0)  }
0x3b: {  	v7 =	vadd.s32 s15, v7  }
0x3c: {  	v7 =	vadd.s32 $0xFFFFFFFF, v7;
	_ =	sdelay $0x2  }
0x3d: {  	s16 =	sadd.s32 $0xFFFFFF90, s30  }
0x3e: {  	v8 =	vor.u32 s16, v0  }
0x3f: {  	[tilespmem:v7+s19+$0x0] =	vst.idx.msk vm0, v8  }
0x40: {  	v7 =	vld [tilespmem:s0+$0xFFFFFFD0]  }
0x41: {  	v8 =	vld [tilespmem:s1+$0xFFFFFFD0];
	_ =	sdelay $0x1  }
0x42: {  	v43 =	vld [tilespmem:s31+$0xFFFFFFD0];
	_ =	sdelay $0x2  }
0x43: {  	v7 =	vsub.f32 v7, v4;
	v8 =	vsub.f32 v8, v5;
	_ =	sdelay $0x1  }
0x44: {  	v9 =	vsub.f32 v43, v6;
	v7 =	vmul.f32 v7, v7;
	v8 =	vmul.f32 v8, v8;
	_ =	sdelay $0x1  }
0x45: {  	v7 =	vadd.f32 v8, v7;
	v8 =	vmul.f32 v9, v9;
	_ =	sdelay $0x1  }
0x46: {  	v7 =	vadd.f32 v8, v7;
	_ =	sdelay $0x1  }
0x47: {  	vm1 =	vle.f32 v7, $3.999999910e-02  }
0x48: {  	v7 =	vsel vm1, $0x1, v2  }
0x49: {  	(xrf0) =	vadd.scan.msk.s32 $0xffff, v7;
	_ =	sdelay $0x3  }
0x4a: {  	v7 =	vmpcnt.ones.xlane vm0;
	_ =	sdelay $0x1  }
0x4b: {  	v7 =	vadd.s32 s15, v7;
	v8, _, _ =	vpop (xrf0)  }
0x4c: {  	v8 =	vadd.s32 v8, v7  }
0x4d: {  	v8 =	vadd.s32 $0xFFFFFFFF, v8;
	_ =	sdelay $0x2  }
0x4e: {  	s16 =	sadd.s32 $0xFFFFFFA0, s30  }
0x4f: {  	v44 =	vor.u32 s16, v0  }
0x50: {  	[tilespmem:v8+s19+$0x0] =	vst.idx.msk vm1, v44  }
0x51: {  	v8 =	vld [tilespmem:s0+$0xFFFFFFE0]  }
0x52: {  	v9 =	vld [tilespmem:s1+$0xFFFFFFE0];
	_ =	sdelay $0x1  }
0x53: {  	v10 =	vld [tilespmem:s31+$0xFFFFFFE0];
	_ =	sdelay $0x2  }
0x54: {  	v8 =	vsub.f32 v8, v4;
	v9 =	vsub.f32 v9, v5;
	_ =	sdelay $0x1  }
0x55: {  	v10 =	vsub.f32 v10, v6;
	v8 =	vmul.f32 v8, v8;
	v9 =	vmul.f32 v9, v9;
	_ =	sdelay $0x1  }
0x56: {  	v45 =	vmul.f32 v10, v10;
	v8 =	vadd.f32 v9, v8;
	_ =	sdelay $0x1  }
0x57: {  	v8 =	vadd.f32 v45, v8;
	_ =	sdelay $0x1  }
0x58: {  	vm10 =	vle.f32 v8, $3.999999910e-02  }
0x59: {  	v8 =	vsel vm10, $0x1, v2  }
0x5a: {  	(xrf0) =	vadd.scan.msk.s32 $0xffff, v8;
	_ =	sdelay $0x1  }
0x5b: {  	v8 =	vmpcnt.ones.xlane vm1;
	_ =	sdelay $0x3  }
0x5c: {  	v7 =	vadd.s32 v7, v8;
	v8, _, _ =	vpop (xrf0)  }
0x5d: {  	v8 =	vadd.s32 v8, v7  }
0x5e: {  	v8 =	vadd.s32 $0xFFFFFFFF, v8;
	_ =	sdelay $0x2  }
0x5f: {  	s16 =	sadd.s32 $0xFFFFFFB0, s30  }
0x60: {  	v46 =	vor.u32 s16, v0  }
0x61: {  	[tilespmem:v8+s19+$0x0] =	vst.idx.msk vm10, v46  }
0x62: {  	v8 =	vld [tilespmem:s0+$0xFFFFFFF0]  }
0x63: {  	v9 =	vld [tilespmem:s1+$0xFFFFFFF0];
	_ =	sdelay $0x1  }
0x64: {  	v47 =	vld [tilespmem:s31+$0xFFFFFFF0];
	_ =	sdelay $0x2  }
0x65: {  	v8 =	vsub.f32 v8, v4;
	v9 =	vsub.f32 v9, v5;
	_ =	sdelay $0x1  }
0x66: {  	v10 =	vsub.f32 v47, v6;
	v8 =	vmul.f32 v8, v8;
	v9 =	vmul.f32 v9, v9;
	_ =	sdelay $0x1  }
0x67: {  	v48 =	vmul.f32 v10, v10;
	v8 =	vadd.f32 v9, v8;
	_ =	sdelay $0x1  }
0x68: {  	v8 =	vadd.f32 v48, v8;
	_ =	sdelay $0x1  }
0x69: {  	vm11 =	vle.f32 v8, $3.999999910e-02  }
0x6a: {  	v8 =	vsel vm11, $0x1, v2  }
0x6b: {  	(xrf0) =	vadd.scan.msk.s32 $0xffff, v8;
	_ =	sdelay $0x1  }
0x6c: {  	v8 =	vmpcnt.ones.xlane vm10;
	_ =	sdelay $0x3  }
0x6d: {  	v7 =	vadd.s32 v7, v8;
	v8, _, _ =	vpop (xrf0)  }
0x6e: {  	v8 =	vadd.s32 v8, v7  }
0x6f: {  	v8 =	vadd.s32 $0xFFFFFFFF, v8;
	_ =	sdelay $0x2  }
0x70: {  	s16 =	sadd.s32 $0xFFFFFFC0, s30  }
0x71: {  	v49 =	vor.u32 s16, v0  }
0x72: {  	[tilespmem:v8+s19+$0x0] =	vst.idx.msk vm11, v49  }
0x73: {  	v8 =	vld [tilespmem:s0+$0x0]  }
0x74: {  	v9 =	vld [tilespmem:s1+$0x0];
	_ =	sdelay $0x1  }
0x75: {  	v50 =	vld [tilespmem:s31+$0x0];
	_ =	sdelay $0x2  }
0x76: {  	v8 =	vsub.f32 v8, v4;
	v9 =	vsub.f32 v9, v5;
	_ =	sdelay $0x1  }
0x77: {  	v10 =	vsub.f32 v50, v6;
	v8 =	vmul.f32 v8, v8;
	v9 =	vmul.f32 v9, v9;
	_ =	sdelay $0x1  }
0x78: {  	v51 =	vmul.f32 v10, v10;
	v8 =	vadd.f32 v9, v8;
	_ =	sdelay $0x1  }
0x79: {  	v8 =	vadd.f32 v51, v8;
	_ =	sdelay $0x1  }
0x7a: {  	vm12 =	vle.f32 v8, $3.999999910e-02  }
0x7b: {  	v8 =	vsel vm12, $0x1, v2  }
0x7c: {  	(xrf0) =	vadd.scan.msk.s32 $0xffff, v8;
	_ =	sdelay $0x1  }
0x7d: {  	v8 =	vmpcnt.ones.xlane vm11;
	_ =	sdelay $0x3  }
0x7e: {  	v7 =	vadd.s32 v7, v8;
	v8, _, _ =	vpop (xrf0)  }
0x7f: {  	v8 =	vadd.s32 v8, v7  }
0x80: {  	v8 =	vadd.s32 $0xFFFFFFFF, v8;
	_ =	sdelay $0x2  }
0x81: {  	s16 =	sadd.s32 $0xFFFFFFD0, s30  }
0x82: {  	v52 =	vor.u32 s16, v0  }
0x83: {  	[tilespmem:v8+s19+$0x0] =	vst.idx.msk vm12, v52  }
0x84: {  	v8 =	vld [tilespmem:s0+$0x10]  }
0x85: {  	v9 =	vld [tilespmem:s1+$0x10];
	_ =	sdelay $0x1  }
0x86: {  	v53 =	vld [tilespmem:s31+$0x10];
	_ =	sdelay $0x2  }
0x87: {  	v8 =	vsub.f32 v8, v4;
	v9 =	vsub.f32 v9, v5;
	_ =	sdelay $0x1  }
0x88: {  	v10 =	vsub.f32 v53, v6;
	v8 =	vmul.f32 v8, v8;
	v9 =	vmul.f32 v9, v9;
	_ =	sdelay $0x1  }
0x89: {  	v54 =	vmul.f32 v10, v10;
	v8 =	vadd.f32 v9, v8;
	_ =	sdelay $0x1  }
0x8a: {  	v8 =	vadd.f32 v54, v8;
	_ =	sdelay $0x1  }
0x8b: {  	vm13 =	vle.f32 v8, $3.999999910e-02  }
0x8c: {  	v8 =	vsel vm13, $0x1, v2  }
0x8d: {  	(xrf0) =	vadd.scan.msk.s32 $0xffff, v8;
	_ =	sdelay $0x1  }
0x8e: {  	v8 =	vmpcnt.ones.xlane vm12;
	_ =	sdelay $0x3  }
0x8f: {  	v7 =	vadd.s32 v7, v8;
	v8, _, _ =	vpop (xrf0)  }
0x90: {  	v8 =	vadd.s32 v8, v7  }
0x91: {  	v8 =	vadd.s32 $0xFFFFFFFF, v8;
	_ =	sdelay $0x2  }
0x92: {  	s16 =	sadd.s32 $0xFFFFFFE0, s30  }
0x93: {  	v55 =	vor.u32 s16, v0  }
0x94: {  	[tilespmem:v8+s19+$0x0] =	vst.idx.msk vm13, v55  }
0x95: {  	v8 =	vld [tilespmem:s0+$0x20]  }
0x96: {  	v9 =	vld [tilespmem:s1+$0x20];
	_ =	sdelay $0x1  }
0x97: {  	v56 =	vld [tilespmem:s31+$0x20];
	_ =	sdelay $0x2  }
0x98: {  	v8 =	vsub.f32 v8, v4;
	v9 =	vsub.f32 v9, v5;
	_ =	sdelay $0x1  }
0x99: {  	v10 =	vsub.f32 v56, v6;
	v8 =	vmul.f32 v8, v8;
	v9 =	vmul.f32 v9, v9;
	_ =	sdelay $0x1  }
0x9a: {  	v57 =	vmul.f32 v10, v10;
	v8 =	vadd.f32 v9, v8;
	_ =	sdelay $0x1  }
0x9b: {  	v8 =	vadd.f32 v57, v8;
	_ =	sdelay $0x1  }
0x9c: {  	vm14 =	vle.f32 v8, $3.999999910e-02  }
0x9d: {  	v8 =	vsel vm14, $0x1, v2  }
0x9e: {  	(xrf0) =	vadd.scan.msk.s32 $0xffff, v8;
	_ =	sdelay $0x1  }
0x9f: {  	v8 =	vmpcnt.ones.xlane vm13;
	_ =	sdelay $0x3  }
0xa0: {  	v7 =	vadd.s32 v7, v8;
	v8, _, _ =	vpop (xrf0)  }
0xa1: {  	v8 =	vadd.s32 v8, v7  }
0xa2: {  	v8 =	vadd.s32 $0xFFFFFFFF, v8;
	_ =	sdelay $0x2  }
0xa3: {  	s16 =	sadd.s32 $0xFFFFFFF0, s30  }
0xa4: {  	v58 =	vor.u32 s16, v0  }
0xa5: {  	[tilespmem:v8+s19+$0x0] =	vst.idx.msk vm14, v58  }
0xa6: {  	v8 =	vld [tilespmem:s0+$0x30]  }
0xa7: {  	v9 =	vld [tilespmem:s1+$0x30];
	_ =	sdelay $0x1  }
0xa8: {  	v59 =	vld [tilespmem:s31+$0x30];
	_ =	sdelay $0x2  }
0xa9: {  	v8 =	vsub.f32 v8, v4;
	v9 =	vsub.f32 v9, v5;
	_ =	sdelay $0x1  }
0xaa: {  	v10 =	vsub.f32 v59, v6;
	v8 =	vmul.f32 v8, v8;
	v9 =	vmul.f32 v9, v9;
	_ =	sdelay $0x1  }
0xab: {  	v60 =	vmul.f32 v10, v10;
	v8 =	vadd.f32 v9, v8;
	_ =	sdelay $0x1  }
0xac: {  	v8 =	vadd.f32 v60, v8;
	_ =	sdelay $0x1  }
0xad: {  	v61 =	vmpcnt.ones.xlane vm14;
	vm15 =	vle.f32 v8, $3.999999910e-02  }
0xae: {  	v8 =	vmpcnt.ones.xlane vm15  }
0xaf: {  	v7 =	vadd.s32 v7, v61  }
0xb0: {  	v62 =	vsel vm15, $0x1, v2;
	v8 =	vadd.s32 v7, v8  }
0xb1: {  	(xrf0) =	vadd.scan.msk.s32 $0xffff, v62;
	v8 =	vxor.u32 $0x80000000, v8  }
0xb2: {  	(xrf0) =	vmax.scan.msk.u32 $0xffff, v8;
	_ =	sdelay $0x4  }
0xb3: {  	v8, _, _ =	vpop (xrf0)  }
0xb4: {  	v63, _, _ =	vpop (xrf0)  }
0xb5: {  	(v2sf) =	vpush v63, $0xF;
	_ =	sdelay $0xe  }
0xb6: {  	s16 =	spop (v2sf)  }
0xb7: {  	p0 =	sgt.u32 s14, $0x1F7;
	s15 =	sxor.u32 $0x80000000, s16  }
0xb8: {  	v7 =	vadd.s32 v8, v7;
	p1 =	slt.s32 @!p0 s15, $0x20  }
0xb9: {  	v7 =	vadd.s32 $0xFFFFFFFF, v7;
	p0 =	por p0, !p1  }
.Ltmp0:
0xba: {  	_ = 	snop;
	(pc) =	sbr.rel @!p0 .LBB2_3-.Ltmp0, $3  }
0xbb: {  	_ =	sdelay $0x1  }
0xbc: {  	s14 =	sadd.s32 $0x8, s14;
	s31 =	sadd.s32 $0x80, s31;
	v8 =	vor.u32 s30, v0  }
0xbd: {  	s1 =	sadd.s32 $0x80, s1;
	s0 =	sadd.s32 $0x80, s0;
	s30 =	sadd.s32 $0x80, s30;
	[tilespmem:v7+s19+$0x0] =	vst.idx.msk vm15, v8  }
0xbe: {  	v4 =	vld [tilespmem:$0x6180];
	_ =	sdelay $0x2  }
0xbf: {  	p0 =	slt.s32 s15, $0x20;
	v5 =	vld [tilespmem:$0x6190]  }
0xc0: {  	s15 =	simm.s32 @!p0 $0x20  }
0xc1: {  	v7 =	vmov s15;
	v6 =	vperm.xlane v4, v2  }
0xc2: {  	vm0 =	vgt.s32 v7, v0  }
0xc3: {  	vm15 =	vgt.s32 v7, v3;
	v4 =	vsel vm0, v4, v6  }
0xc4: {  	v5 =	vsel vm15, v5, v6;
	v4 =	vadd.s32 v1, v4  }
0xc5: {  	[tilespmem:$0x6220] =	vst v4;
	v4 =	vadd.s32 v1, v5  }
0xc6: {  	[tilespmem:$0x6230] =	vst v4  }
0xc7: {  	v4 =	vld [tilespmem:s28+$0x6000]  }
0xc8: {  	v5 =	vld [tilespmem:s28+$0x6080]  }
0xc9: {  	v6 =	vld [tilespmem:s28+$0x6100];
	_ =	sdelay $0x1  }
0xca: {  	s0 =	sor.u32 $0x1, s29  }
0xcb: {  	v7 =	vmov s0  }
0xcc: {  	s30 =	simm.s32 $0x70;
	s31 =	simm.s32 $0x4040;
	s1 =	simm.s32 $0x2040;
	v4 =	vperm.xlane v4, v7  }
0xcd: {  	s14 =	simm.s32 $0x0;
	s15 =	simm.s32 $0x0;
	s0 =	simm.s32 $0x40;
	v5 =	vperm.xlane v5, v7;
	v6 =	vperm.xlane v6, v7  }
.LBB2_5:
0xce: {  	v7 =	vld [tilespmem:s0+$0xFFFFFFC0]  }
0xcf: {  	v8 =	vld [tilespmem:s1+$0xFFFFFFC0];
	_ =	sdelay $0x1  }
0xd0: {  	v9 =	vld [tilespmem:s31+$0xFFFFFFC0];
	_ =	sdelay $0x2  }
0xd1: {  	v7 =	vsub.f32 v7, v4;
	v8 =	vsub.f32 v8, v5;
	_ =	sdelay $0x1  }
0xd2: {  	v9 =	vsub.f32 v9, v6;
	v7 =	vmul.f32 v7, v7;
	v8 =	vmul.f32 v8, v8;
	_ =	sdelay $0x1  }
0xd3: {  	v7 =	vadd.f32 v8, v7;
	v8 =	vmul.f32 v9, v9;
	_ =	sdelay $0x1  }
0xd4: {  	v7 =	vadd.f32 v8, v7;
	_ =	sdelay $0x1  }
0xd5: {  	vm0 =	vle.f32 v7, $3.999999910e-02  }
0xd6: {  	v7 =	vsel vm0, $0x1, v2  }
0xd7: {  	(xrf0) =	vadd.scan.msk.s32 $0xffff, v7;
	_ =	sdelay $0x5  }
0xd8: {  	v7, _, _ =	vpop (xrf0)  }
0xd9: {  	v7 =	vadd.s32 s15, v7  }
0xda: {  	v7 =	vadd.s32 $0xFFFFFFFF, v7;
	_ =	sdelay $0x2  }
0xdb: {  	s16 =	sadd.s32 $0xFFFFFF90, s30  }
0xdc: {  	v8 =	vor.u32 s16, v0  }
0xdd: {  	[tilespmem:v7+s19+$0x0] =	vst.idx.msk vm0, v8  }
0xde: {  	v7 =	vld [tilespmem:s0+$0xFFFFFFD0]  }
0xdf: {  	v8 =	vld [tilespmem:s1+$0xFFFFFFD0];
	_ =	sdelay $0x1  }
0xe0: {  	v43 =	vld [tilespmem:s31+$0xFFFFFFD0];
	_ =	sdelay $0x2  }
0xe1: {  	v7 =	vsub.f32 v7, v4;
	v8 =	vsub.f32 v8, v5;
	_ =	sdelay $0x1  }
0xe2: {  	v9 =	vsub.f32 v43, v6;
	v7 =	vmul.f32 v7, v7;
	v8 =	vmul.f32 v8, v8;
	_ =	sdelay $0x1  }
0xe3: {  	v7 =	vadd.f32 v8, v7;
	v8 =	vmul.f32 v9, v9;
	_ =	sdelay $0x1  }
0xe4: {  	v7 =	vadd.f32 v8, v7;
	_ =	sdelay $0x1  }
0xe5: {  	vm1 =	vle.f32 v7, $3.999999910e-02  }
0xe6: {  	v7 =	vsel vm1, $0x1, v2  }
0xe7: {  	(xrf0) =	vadd.scan.msk.s32 $0xffff, v7;
	_ =	sdelay $0x3  }
0xe8: {  	v7 =	vmpcnt.ones.xlane vm0;
	_ =	sdelay $0x1  }
0xe9: {  	v7 =	vadd.s32 s15, v7;
	v8, _, _ =	vpop (xrf0)  }
0xea: {  	v8 =	vadd.s32 v8, v7  }
0xeb: {  	v8 =	vadd.s32 $0xFFFFFFFF, v8;
	_ =	sdelay $0x2  }
0xec: {  	s16 =	sadd.s32 $0xFFFFFFA0, s30  }
0xed: {  	v44 =	vor.u32 s16, v0  }
0xee: {  	[tilespmem:v8+s19+$0x0] =	vst.idx.msk vm1, v44  }
0xef: {  	v8 =	vld [tilespmem:s0+$0xFFFFFFE0]  }
0xf0: {  	v9 =	vld [tilespmem:s1+$0xFFFFFFE0];
	_ =	sdelay $0x1  }
0xf1: {  	v10 =	vld [tilespmem:s31+$0xFFFFFFE0];
	_ =	sdelay $0x2  }
0xf2: {  	v8 =	vsub.f32 v8, v4;
	v9 =	vsub.f32 v9, v5;
	_ =	sdelay $0x1  }
0xf3: {  	v10 =	vsub.f32 v10, v6;
	v8 =	vmul.f32 v8, v8;
	v9 =	vmul.f32 v9, v9;
	_ =	sdelay $0x1  }
0xf4: {  	v45 =	vmul.f32 v10, v10;
	v8 =	vadd.f32 v9, v8;
	_ =	sdelay $0x1  }
0xf5: {  	v8 =	vadd.f32 v45, v8;
	_ =	sdelay $0x1  }
0xf6: {  	vm10 =	vle.f32 v8, $3.999999910e-02  }
0xf7: {  	v8 =	vsel vm10, $0x1, v2  }
0xf8: {  	(xrf0) =	vadd.scan.msk.s32 $0xffff, v8;
	_ =	sdelay $0x1  }
0xf9: {  	v8 =	vmpcnt.ones.xlane vm1;
	_ =	sdelay $0x3  }
0xfa: {  	v7 =	vadd.s32 v7, v8;
	v8, _, _ =	vpop (xrf0)  }
0xfb: {  	v8 =	vadd.s32 v8, v7  }
0xfc: {  	v8 =	vadd.s32 $0xFFFFFFFF, v8;
	_ =	sdelay $0x2  }
0xfd: {  	s16 =	sadd.s32 $0xFFFFFFB0, s30  }
0xfe: {  	v46 =	vor.u32 s16, v0  }
0xff: {  	[tilespmem:v8+s19+$0x0] =	vst.idx.msk vm10, v46  }
0x100: {  	v8 =	vld [tilespmem:s0+$0xFFFFFFF0]  }
0x101: {  	v9 =	vld [tilespmem:s1+$0xFFFFFFF0];
	_ =	sdelay $0x1  }
0x102: {  	v47 =	vld [tilespmem:s31+$0xFFFFFFF0];
	_ =	sdelay $0x2  }
0x103: {  	v8 =	vsub.f32 v8, v4;
	v9 =	vsub.f32 v9, v5;
	_ =	sdelay $0x1  }
0x104: {  	v10 =	vsub.f32 v47, v6;
	v8 =	vmul.f32 v8, v8;
	v9 =	vmul.f32 v9, v9;
	_ =	sdelay $0x1  }
0x105: {  	v48 =	vmul.f32 v10, v10;
	v8 =	vadd.f32 v9, v8;
	_ =	sdelay $0x1  }
0x106: {  	v8 =	vadd.f32 v48, v8;
	_ =	sdelay $0x1  }
0x107: {  	vm11 =	vle.f32 v8, $3.999999910e-02  }
0x108: {  	v8 =	vsel vm11, $0x1, v2  }
0x109: {  	(xrf0) =	vadd.scan.msk.s32 $0xffff, v8;
	_ =	sdelay $0x1  }
0x10a: {  	v8 =	vmpcnt.ones.xlane vm10;
	_ =	sdelay $0x3  }
0x10b: {  	v7 =	vadd.s32 v7, v8;
	v8, _, _ =	vpop (xrf0)  }
0x10c: {  	v8 =	vadd.s32 v8, v7  }
0x10d: {  	v8 =	vadd.s32 $0xFFFFFFFF, v8;
	_ =	sdelay $0x2  }
0x10e: {  	s16 =	sadd.s32 $0xFFFFFFC0, s30  }
0x10f: {  	v49 =	vor.u32 s16, v0  }
0x110: {  	[tilespmem:v8+s19+$0x0] =	vst.idx.msk vm11, v49  }
0x111: {  	v8 =	vld [tilespmem:s0+$0x0]  }
0x112: {  	v9 =	vld [tilespmem:s1+$0x0];
	_ =	sdelay $0x1  }
0x113: {  	v50 =	vld [tilespmem:s31+$0x0];
	_ =	sdelay $0x2  }
0x114: {  	v8 =	vsub.f32 v8, v4;
	v9 =	vsub.f32 v9, v5;
	_ =	sdelay $0x1  }
0x115: {  	v10 =	vsub.f32 v50, v6;
	v8 =	vmul.f32 v8, v8;
	v9 =	vmul.f32 v9, v9;
	_ =	sdelay $0x1  }
0x116: {  	v51 =	vmul.f32 v10, v10;
	v8 =	vadd.f32 v9, v8;
	_ =	sdelay $0x1  }
0x117: {  	v8 =	vadd.f32 v51, v8;
	_ =	sdelay $0x1  }
0x118: {  	vm12 =	vle.f32 v8, $3.999999910e-02  }
0x119: {  	v8 =	vsel vm12, $0x1, v2  }
0x11a: {  	(xrf0) =	vadd.scan.msk.s32 $0xffff, v8;
	_ =	sdelay $0x1  }
0x11b: {  	v8 =	vmpcnt.ones.xlane vm11;
	_ =	sdelay $0x3  }
0x11c: {  	v7 =	vadd.s32 v7, v8;
	v8, _, _ =	vpop (xrf0)  }
0x11d: {  	v8 =	vadd.s32 v8, v7  }
0x11e: {  	v8 =	vadd.s32 $0xFFFFFFFF, v8;
	_ =	sdelay $0x2  }
0x11f: {  	s16 =	sadd.s32 $0xFFFFFFD0, s30  }
0x120: {  	v52 =	vor.u32 s16, v0  }
0x121: {  	[tilespmem:v8+s19+$0x0] =	vst.idx.msk vm12, v52  }
0x122: {  	v8 =	vld [tilespmem:s0+$0x10]  }
0x123: {  	v9 =	vld [tilespmem:s1+$0x10];
	_ =	sdelay $0x1  }
0x124: {  	v53 =	vld [tilespmem:s31+$0x10];
	_ =	sdelay $0x2  }
0x125: {  	v8 =	vsub.f32 v8, v4;
	v9 =	vsub.f32 v9, v5;
	_ =	sdelay $0x1  }
0x126: {  	v10 =	vsub.f32 v53, v6;
	v8 =	vmul.f32 v8, v8;
	v9 =	vmul.f32 v9, v9;
	_ =	sdelay $0x1  }
0x127: {  	v54 =	vmul.f32 v10, v10;
	v8 =	vadd.f32 v9, v8;
	_ =	sdelay $0x1  }
0x128: {  	v8 =	vadd.f32 v54, v8;
	_ =	sdelay $0x1  }
0x129: {  	vm13 =	vle.f32 v8, $3.999999910e-02  }
0x12a: {  	v8 =	vsel vm13, $0x1, v2  }
0x12b: {  	(xrf0) =	vadd.scan.msk.s32 $0xffff, v8;
	_ =	sdelay $0x1  }
0x12c: {  	v8 =	vmpcnt.ones.xlane vm12;
	_ =	sdelay $0x3  }
0x12d: {  	v7 =	vadd.s32 v7, v8;
	v8, _, _ =	vpop (xrf0)  }
0x12e: {  	v8 =	vadd.s32 v8, v7  }
0x12f: {  	v8 =	vadd.s32 $0xFFFFFFFF, v8;
	_ =	sdelay $0x2  }
0x130: {  	s16 =	sadd.s32 $0xFFFFFFE0, s30  }
0x131: {  	v55 =	vor.u32 s16, v0  }
0x132: {  	[tilespmem:v8+s19+$0x0] =	vst.idx.msk vm13, v55  }
0x133: {  	v8 =	vld [tilespmem:s0+$0x20]  }
0x134: {  	v9 =	vld [tilespmem:s1+$0x20];
	_ =	sdelay $0x1  }
0x135: {  	v56 =	vld [tilespmem:s31+$0x20];
	_ =	sdelay $0x2  }
0x136: {  	v8 =	vsub.f32 v8, v4;
	v9 =	vsub.f32 v9, v5;
	_ =	sdelay $0x1  }
0x137: {  	v10 =	vsub.f32 v56, v6;
	v8 =	vmul.f32 v8, v8;
	v9 =	vmul.f32 v9, v9;
	_ =	sdelay $0x1  }
0x138: {  	v57 =	vmul.f32 v10, v10;
	v8 =	vadd.f32 v9, v8;
	_ =	sdelay $0x1  }
0x139: {  	v8 =	vadd.f32 v57, v8;
	_ =	sdelay $0x1  }
0x13a: {  	vm14 =	vle.f32 v8, $3.999999910e-02  }
0x13b: {  	v8 =	vsel vm14, $0x1, v2  }
0x13c: {  	(xrf0) =	vadd.scan.msk.s32 $0xffff, v8;
	_ =	sdelay $0x1  }
0x13d: {  	v8 =	vmpcnt.ones.xlane vm13;
	_ =	sdelay $0x3  }
0x13e: {  	v7 =	vadd.s32 v7, v8;
	v8, _, _ =	vpop (xrf0)  }
0x13f: {  	v8 =	vadd.s32 v8, v7  }
0x140: {  	v8 =	vadd.s32 $0xFFFFFFFF, v8;
	_ =	sdelay $0x2  }
0x141: {  	s16 =	sadd.s32 $0xFFFFFFF0, s30  }
0x142: {  	v58 =	vor.u32 s16, v0  }
0x143: {  	[tilespmem:v8+s19+$0x0] =	vst.idx.msk vm14, v58  }
0x144: {  	v8 =	vld [tilespmem:s0+$0x30]  }
0x145: {  	v9 =	vld [tilespmem:s1+$0x30];
	_ =	sdelay $0x1  }
0x146: {  	v59 =	vld [tilespmem:s31+$0x30];
	_ =	sdelay $0x2  }
0x147: {  	v8 =	vsub.f32 v8, v4;
	v9 =	vsub.f32 v9, v5;
	_ =	sdelay $0x1  }
0x148: {  	v10 =	vsub.f32 v59, v6;
	v8 =	vmul.f32 v8, v8;
	v9 =	vmul.f32 v9, v9;
	_ =	sdelay $0x1  }
0x149: {  	v60 =	vmul.f32 v10, v10;
	v8 =	vadd.f32 v9, v8;
	_ =	sdelay $0x1  }
0x14a: {  	v8 =	vadd.f32 v60, v8;
	_ =	sdelay $0x1  }
0x14b: {  	v61 =	vmpcnt.ones.xlane vm14;
	vm15 =	vle.f32 v8, $3.999999910e-02  }
0x14c: {  	v8 =	vmpcnt.ones.xlane vm15  }
0x14d: {  	v7 =	vadd.s32 v7, v61  }
0x14e: {  	v62 =	vsel vm15, $0x1, v2;
	v8 =	vadd.s32 v7, v8  }
0x14f: {  	(xrf0) =	vadd.scan.msk.s32 $0xffff, v62;
	v8 =	vxor.u32 $0x80000000, v8  }
0x150: {  	(xrf0) =	vmax.scan.msk.u32 $0xffff, v8;
	_ =	sdelay $0x4  }
0x151: {  	v8, _, _ =	vpop (xrf0)  }
0x152: {  	v63, _, _ =	vpop (xrf0)  }
0x153: {  	(v2sf) =	vpush v63, $0xF;
	_ =	sdelay $0xe  }
0x154: {  	s16 =	spop (v2sf)  }
0x155: {  	p0 =	sgt.u32 s14, $0x1F7;
	s15 =	sxor.u32 $0x80000000, s16  }
0x156: {  	v7 =	vadd.s32 v8, v7;
	p1 =	slt.s32 @!p0 s15, $0x20  }
0x157: {  	v7 =	vadd.s32 $0xFFFFFFFF, v7;
	p0 =	por p0, !p1  }
.Ltmp1:
0x158: {  	_ = 	snop;
	(pc) =	sbr.rel @!p0 .LBB2_5-.Ltmp1, $3  }
0x159: {  	_ =	sdelay $0x1  }
0x15a: {  	s14 =	sadd.s32 $0x8, s14;
	s31 =	sadd.s32 $0x80, s31;
	v8 =	vor.u32 s30, v0  }
0x15b: {  	s1 =	sadd.s32 $0x80, s1;
	s0 =	sadd.s32 $0x80, s0;
	s30 =	sadd.s32 $0x80, s30;
	[tilespmem:v7+s19+$0x0] =	vst.idx.msk vm15, v8  }
0x15c: {  	v4 =	vld [tilespmem:$0x6180];
	_ =	sdelay $0x2  }
0x15d: {  	p0 =	slt.s32 s15, $0x20;
	v5 =	vld [tilespmem:$0x6190]  }
0x15e: {  	s15 =	simm.s32 @!p0 $0x20  }
0x15f: {  	v7 =	vmov s15;
	v6 =	vperm.xlane v4, v2  }
0x160: {  	vm0 =	vgt.s32 v7, v0  }
0x161: {  	vm15 =	vgt.s32 v7, v3;
	v4 =	vsel vm0, v4, v6  }
0x162: {  	v5 =	vsel vm15, v5, v6;
	v4 =	vadd.s32 v1, v4  }
0x163: {  	[tilespmem:$0x6240] =	vst v4;
	v4 =	vadd.s32 v1, v5  }
0x164: {  	[tilespmem:$0x6250] =	vst v4  }
0x165: {  	v4 =	vld [tilespmem:s28+$0x6000]  }
0x166: {  	v5 =	vld [tilespmem:s28+$0x6080]  }
0x167: {  	v6 =	vld [tilespmem:s28+$0x6100];
	_ =	sdelay $0x1  }
0x168: {  	s0 =	sor.u32 $0x2, s29  }
0x169: {  	v7 =	vmov s0  }
0x16a: {  	s30 =	simm.s32 $0x70;
	s31 =	simm.s32 $0x4040;
	s1 =	simm.s32 $0x2040;
	v4 =	vperm.xlane v4, v7  }
0x16b: {  	s14 =	simm.s32 $0x0;
	s15 =	simm.s32 $0x0;
	s0 =	simm.s32 $0x40;
	v5 =	vperm.xlane v5, v7;
	v6 =	vperm.xlane v6, v7  }
.LBB2_7:
0x16c: {  	v7 =	vld [tilespmem:s0+$0xFFFFFFC0]  }
0x16d: {  	v8 =	vld [tilespmem:s1+$0xFFFFFFC0];
	_ =	sdelay $0x1  }
0x16e: {  	v9 =	vld [tilespmem:s31+$0xFFFFFFC0];
	_ =	sdelay $0x2  }
0x16f: {  	v7 =	vsub.f32 v7, v4;
	v8 =	vsub.f32 v8, v5;
	_ =	sdelay $0x1  }
0x170: {  	v9 =	vsub.f32 v9, v6;
	v7 =	vmul.f32 v7, v7;
	v8 =	vmul.f32 v8, v8;
	_ =	sdelay $0x1  }
0x171: {  	v7 =	vadd.f32 v8, v7;
	v8 =	vmul.f32 v9, v9;
	_ =	sdelay $0x1  }
0x172: {  	v7 =	vadd.f32 v8, v7;
	_ =	sdelay $0x1  }
0x173: {  	vm0 =	vle.f32 v7, $3.999999910e-02  }
0x174: {  	v7 =	vsel vm0, $0x1, v2  }
0x175: {  	(xrf0) =	vadd.scan.msk.s32 $0xffff, v7;
	_ =	sdelay $0x5  }
0x176: {  	v7, _, _ =	vpop (xrf0)  }
0x177: {  	v7 =	vadd.s32 s15, v7  }
0x178: {  	v7 =	vadd.s32 $0xFFFFFFFF, v7;
	_ =	sdelay $0x2  }
0x179: {  	s16 =	sadd.s32 $0xFFFFFF90, s30  }
0x17a: {  	v8 =	vor.u32 s16, v0  }
0x17b: {  	[tilespmem:v7+s19+$0x0] =	vst.idx.msk vm0, v8  }
0x17c: {  	v7 =	vld [tilespmem:s0+$0xFFFFFFD0]  }
0x17d: {  	v8 =	vld [tilespmem:s1+$0xFFFFFFD0];
	_ =	sdelay $0x1  }
0x17e: {  	v43 =	vld [tilespmem:s31+$0xFFFFFFD0];
	_ =	sdelay $0x2  }
0x17f: {  	v7 =	vsub.f32 v7, v4;
	v8 =	vsub.f32 v8, v5;
	_ =	sdelay $0x1  }
0x180: {  	v9 =	vsub.f32 v43, v6;
	v7 =	vmul.f32 v7, v7;
	v8 =	vmul.f32 v8, v8;
	_ =	sdelay $0x1  }
0x181: {  	v7 =	vadd.f32 v8, v7;
	v8 =	vmul.f32 v9, v9;
	_ =	sdelay $0x1  }
0x182: {  	v7 =	vadd.f32 v8, v7;
	_ =	sdelay $0x1  }
0x183: {  	vm1 =	vle.f32 v7, $3.999999910e-02  }
0x184: {  	v7 =	vsel vm1, $0x1, v2  }
0x185: {  	(xrf0) =	vadd.scan.msk.s32 $0xffff, v7;
	_ =	sdelay $0x3  }
0x186: {  	v7 =	vmpcnt.ones.xlane vm0;
	_ =	sdelay $0x1  }
0x187: {  	v7 =	vadd.s32 s15, v7;
	v8, _, _ =	vpop (xrf0)  }
0x188: {  	v8 =	vadd.s32 v8, v7  }
0x189: {  	v8 =	vadd.s32 $0xFFFFFFFF, v8;
	_ =	sdelay $0x2  }
0x18a: {  	s16 =	sadd.s32 $0xFFFFFFA0, s30  }
0x18b: {  	v44 =	vor.u32 s16, v0  }
0x18c: {  	[tilespmem:v8+s19+$0x0] =	vst.idx.msk vm1, v44  }
0x18d: {  	v8 =	vld [tilespmem:s0+$0xFFFFFFE0]  }
0x18e: {  	v9 =	vld [tilespmem:s1+$0xFFFFFFE0];
	_ =	sdelay $0x1  }
0x18f: {  	v10 =	vld [tilespmem:s31+$0xFFFFFFE0];
	_ =	sdelay $0x2  }
0x190: {  	v8 =	vsub.f32 v8, v4;
	v9 =	vsub.f32 v9, v5;
	_ =	sdelay $0x1  }
0x191: {  	v10 =	vsub.f32 v10, v6;
	v8 =	vmul.f32 v8, v8;
	v9 =	vmul.f32 v9, v9;
	_ =	sdelay $0x1  }
0x192: {  	v45 =	vmul.f32 v10, v10;
	v8 =	vadd.f32 v9, v8;
	_ =	sdelay $0x1  }
0x193: {  	v8 =	vadd.f32 v45, v8;
	_ =	sdelay $0x1  }
0x194: {  	vm10 =	vle.f32 v8, $3.999999910e-02  }
0x195: {  	v8 =	vsel vm10, $0x1, v2  }
0x196: {  	(xrf0) =	vadd.scan.msk.s32 $0xffff, v8;
	_ =	sdelay $0x1  }
0x197: {  	v8 =	vmpcnt.ones.xlane vm1;
	_ =	sdelay $0x3  }
0x198: {  	v7 =	vadd.s32 v7, v8;
	v8, _, _ =	vpop (xrf0)  }
0x199: {  	v8 =	vadd.s32 v8, v7  }
0x19a: {  	v8 =	vadd.s32 $0xFFFFFFFF, v8;
	_ =	sdelay $0x2  }
0x19b: {  	s16 =	sadd.s32 $0xFFFFFFB0, s30  }
0x19c: {  	v46 =	vor.u32 s16, v0  }
0x19d: {  	[tilespmem:v8+s19+$0x0] =	vst.idx.msk vm10, v46  }
0x19e: {  	v8 =	vld [tilespmem:s0+$0xFFFFFFF0]  }
0x19f: {  	v9 =	vld [tilespmem:s1+$0xFFFFFFF0];
	_ =	sdelay $0x1  }
0x1a0: {  	v47 =	vld [tilespmem:s31+$0xFFFFFFF0];
	_ =	sdelay $0x2  }
0x1a1: {  	v8 =	vsub.f32 v8, v4;
	v9 =	vsub.f32 v9, v5;
	_ =	sdelay $0x1  }
0x1a2: {  	v10 =	vsub.f32 v47, v6;
	v8 =	vmul.f32 v8, v8;
	v9 =	vmul.f32 v9, v9;
	_ =	sdelay $0x1  }
0x1a3: {  	v48 =	vmul.f32 v10, v10;
	v8 =	vadd.f32 v9, v8;
	_ =	sdelay $0x1  }
0x1a4: {  	v8 =	vadd.f32 v48, v8;
	_ =	sdelay $0x1  }
0x1a5: {  	vm11 =	vle.f32 v8, $3.999999910e-02  }
0x1a6: {  	v8 =	vsel vm11, $0x1, v2  }
0x1a7: {  	(xrf0) =	vadd.scan.msk.s32 $0xffff, v8;
	_ =	sdelay $0x1  }
0x1a8: {  	v8 =	vmpcnt.ones.xlane vm10;
	_ =	sdelay $0x3  }
0x1a9: {  	v7 =	vadd.s32 v7, v8;
	v8, _, _ =	vpop (xrf0)  }
0x1aa: {  	v8 =	vadd.s32 v8, v7  }
0x1ab: {  	v8 =	vadd.s32 $0xFFFFFFFF, v8;
	_ =	sdelay $0x2  }
0x1ac: {  	s16 =	sadd.s32 $0xFFFFFFC0, s30  }
0x1ad: {  	v49 =	vor.u32 s16, v0  }
0x1ae: {  	[tilespmem:v8+s19+$0x0] =	vst.idx.msk vm11, v49  }
0x1af: {  	v8 =	vld [tilespmem:s0+$0x0]  }
0x1b0: {  	v9 =	vld [tilespmem:s1+$0x0];
	_ =	sdelay $0x1  }
0x1b1: {  	v50 =	vld [tilespmem:s31+$0x0];
	_ =	sdelay $0x2  }
0x1b2: {  	v8 =	vsub.f32 v8, v4;
	v9 =	vsub.f32 v9, v5;
	_ =	sdelay $0x1  }
0x1b3: {  	v10 =	vsub.f32 v50, v6;
	v8 =	vmul.f32 v8, v8;
	v9 =	vmul.f32 v9, v9;
	_ =	sdelay $0x1  }
0x1b4: {  	v51 =	vmul.f32 v10, v10;
	v8 =	vadd.f32 v9, v8;
	_ =	sdelay $0x1  }
0x1b5: {  	v8 =	vadd.f32 v51, v8;
	_ =	sdelay $0x1  }
0x1b6: {  	vm12 =	vle.f32 v8, $3.999999910e-02  }
0x1b7: {  	v8 =	vsel vm12, $0x1, v2  }
0x1b8: {  	(xrf0) =	vadd.scan.msk.s32 $0xffff, v8;
	_ =	sdelay $0x1  }
0x1b9: {  	v8 =	vmpcnt.ones.xlane vm11;
	_ =	sdelay $0x3  }
0x1ba: {  	v7 =	vadd.s32 v7, v8;
	v8, _, _ =	vpop (xrf0)  }
0x1bb: {  	v8 =	vadd.s32 v8, v7  }
0x1bc: {  	v8 =	vadd.s32 $0xFFFFFFFF, v8;
	_ =	sdelay $0x2  }
0x1bd: {  	s16 =	sadd.s32 $0xFFFFFFD0, s30  }
0x1be: {  	v52 =	vor.u32 s16, v0  }
0x1bf: {  	[tilespmem:v8+s19+$0x0] =	vst.idx.msk vm12, v52  }
0x1c0: {  	v8 =	vld [tilespmem:s0+$0x10]  }
0x1c1: {  	v9 =	vld [tilespmem:s1+$0x10];
	_ =	sdelay $0x1  }
0x1c2: {  	v53 =	vld [tilespmem:s31+$0x10];
	_ =	sdelay $0x2  }
0x1c3: {  	v8 =	vsub.f32 v8, v4;
	v9 =	vsub.f32 v9, v5;
	_ =	sdelay $0x1  }
0x1c4: {  	v10 =	vsub.f32 v53, v6;
	v8 =	vmul.f32 v8, v8;
	v9 =	vmul.f32 v9, v9;
	_ =	sdelay $0x1  }
0x1c5: {  	v54 =	vmul.f32 v10, v10;
	v8 =	vadd.f32 v9, v8;
	_ =	sdelay $0x1  }
0x1c6: {  	v8 =	vadd.f32 v54, v8;
	_ =	sdelay $0x1  }
0x1c7: {  	vm13 =	vle.f32 v8, $3.999999910e-02  }
0x1c8: {  	v8 =	vsel vm13, $0x1, v2  }
0x1c9: {  	(xrf0) =	vadd.scan.msk.s32 $0xffff, v8;
	_ =	sdelay $0x1  }
0x1ca: {  	v8 =	vmpcnt.ones.xlane vm12;
	_ =	sdelay $0x3  }
0x1cb: {  	v7 =	vadd.s32 v7, v8;
	v8, _, _ =	vpop (xrf0)  }
0x1cc: {  	v8 =	vadd.s32 v8, v7  }
0x1cd: {  	v8 =	vadd.s32 $0xFFFFFFFF, v8;
	_ =	sdelay $0x2  }
0x1ce: {  	s16 =	sadd.s32 $0xFFFFFFE0, s30  }
0x1cf: {  	v55 =	vor.u32 s16, v0  }
0x1d0: {  	[tilespmem:v8+s19+$0x0] =	vst.idx.msk vm13, v55  }
0x1d1: {  	v8 =	vld [tilespmem:s0+$0x20]  }
0x1d2: {  	v9 =	vld [tilespmem:s1+$0x20];
	_ =	sdelay $0x1  }
0x1d3: {  	v56 =	vld [tilespmem:s31+$0x20];
	_ =	sdelay $0x2  }
0x1d4: {  	v8 =	vsub.f32 v8, v4;
	v9 =	vsub.f32 v9, v5;
	_ =	sdelay $0x1  }
0x1d5: {  	v10 =	vsub.f32 v56, v6;
	v8 =	vmul.f32 v8, v8;
	v9 =	vmul.f32 v9, v9;
	_ =	sdelay $0x1  }
0x1d6: {  	v57 =	vmul.f32 v10, v10;
	v8 =	vadd.f32 v9, v8;
	_ =	sdelay $0x1  }
0x1d7: {  	v8 =	vadd.f32 v57, v8;
	_ =	sdelay $0x1  }
0x1d8: {  	vm14 =	vle.f32 v8, $3.999999910e-02  }
0x1d9: {  	v8 =	vsel vm14, $0x1, v2  }
0x1da: {  	(xrf0) =	vadd.scan.msk.s32 $0xffff, v8;
	_ =	sdelay $0x1  }
0x1db: {  	v8 =	vmpcnt.ones.xlane vm13;
	_ =	sdelay $0x3  }
0x1dc: {  	v7 =	vadd.s32 v7, v8;
	v8, _, _ =	vpop (xrf0)  }
0x1dd: {  	v8 =	vadd.s32 v8, v7  }
0x1de: {  	v8 =	vadd.s32 $0xFFFFFFFF, v8;
	_ =	sdelay $0x2  }
0x1df: {  	s16 =	sadd.s32 $0xFFFFFFF0, s30  }
0x1e0: {  	v58 =	vor.u32 s16, v0  }
0x1e1: {  	[tilespmem:v8+s19+$0x0] =	vst.idx.msk vm14, v58  }
0x1e2: {  	v8 =	vld [tilespmem:s0+$0x30]  }
0x1e3: {  	v9 =	vld [tilespmem:s1+$0x30];
	_ =	sdelay $0x1  }
0x1e4: {  	v59 =	vld [tilespmem:s31+$0x30];
	_ =	sdelay $0x2  }
0x1e5: {  	v8 =	vsub.f32 v8, v4;
	v9 =	vsub.f32 v9, v5;
	_ =	sdelay $0x1  }
0x1e6: {  	v10 =	vsub.f32 v59, v6;
	v8 =	vmul.f32 v8, v8;
	v9 =	vmul.f32 v9, v9;
	_ =	sdelay $0x1  }
0x1e7: {  	v60 =	vmul.f32 v10, v10;
	v8 =	vadd.f32 v9, v8;
	_ =	sdelay $0x1  }
0x1e8: {  	v8 =	vadd.f32 v60, v8;
	_ =	sdelay $0x1  }
0x1e9: {  	v61 =	vmpcnt.ones.xlane vm14;
	vm15 =	vle.f32 v8, $3.999999910e-02  }
0x1ea: {  	v8 =	vmpcnt.ones.xlane vm15  }
0x1eb: {  	v7 =	vadd.s32 v7, v61  }
0x1ec: {  	v62 =	vsel vm15, $0x1, v2;
	v8 =	vadd.s32 v7, v8  }
0x1ed: {  	(xrf0) =	vadd.scan.msk.s32 $0xffff, v62;
	v8 =	vxor.u32 $0x80000000, v8  }
0x1ee: {  	(xrf0) =	vmax.scan.msk.u32 $0xffff, v8;
	_ =	sdelay $0x4  }
0x1ef: {  	v8, _, _ =	vpop (xrf0)  }
0x1f0: {  	v63, _, _ =	vpop (xrf0)  }
0x1f1: {  	(v2sf) =	vpush v63, $0xF;
	_ =	sdelay $0xe  }
0x1f2: {  	s16 =	spop (v2sf)  }
0x1f3: {  	p0 =	sgt.u32 s14, $0x1F7;
	s15 =	sxor.u32 $0x80000000, s16  }
0x1f4: {  	v7 =	vadd.s32 v8, v7;
	p1 =	slt.s32 @!p0 s15, $0x20  }
0x1f5: {  	v7 =	vadd.s32 $0xFFFFFFFF, v7;
	p0 =	por p0, !p1  }
.Ltmp2:
0x1f6: {  	_ = 	snop;
	(pc) =	sbr.rel @!p0 .LBB2_7-.Ltmp2, $3  }
0x1f7: {  	_ =	sdelay $0x1  }
0x1f8: {  	s14 =	sadd.s32 $0x8, s14;
	s31 =	sadd.s32 $0x80, s31;
	v8 =	vor.u32 s30, v0  }
0x1f9: {  	s1 =	sadd.s32 $0x80, s1;
	s0 =	sadd.s32 $0x80, s0;
	s30 =	sadd.s32 $0x80, s30;
	[tilespmem:v7+s19+$0x0] =	vst.idx.msk vm15, v8  }
0x1fa: {  	v4 =	vld [tilespmem:$0x6180];
	_ =	sdelay $0x2  }
0x1fb: {  	p0 =	slt.s32 s15, $0x20;
	v5 =	vld [tilespmem:$0x6190]  }
0x1fc: {  	s15 =	simm.s32 @!p0 $0x20  }
0x1fd: {  	v7 =	vmov s15;
	v6 =	vperm.xlane v4, v2  }
0x1fe: {  	vm0 =	vgt.s32 v7, v0  }
0x1ff: {  	vm15 =	vgt.s32 v7, v3;
	v4 =	vsel vm0, v4, v6  }
0x200: {  	v5 =	vsel vm15, v5, v6;
	v4 =	vadd.s32 v1, v4  }
0x201: {  	[tilespmem:$0x6260] =	vst v4;
	v4 =	vadd.s32 v1, v5  }
0x202: {  	[tilespmem:$0x6270] =	vst v4  }
0x203: {  	v4 =	vld [tilespmem:s28+$0x6000]  }
0x204: {  	v5 =	vld [tilespmem:s28+$0x6080]  }
0x205: {  	v6 =	vld [tilespmem:s28+$0x6100];
	_ =	sdelay $0x1  }
0x206: {  	s0 =	sor.u32 $0x3, s29  }
0x207: {  	v7 =	vmov s0  }
0x208: {  	s30 =	simm.s32 $0x70;
	s31 =	simm.s32 $0x4040;
	s1 =	simm.s32 $0x2040;
	v4 =	vperm.xlane v4, v7  }
0x209: {  	s14 =	simm.s32 $0x0;
	s15 =	simm.s32 $0x0;
	s0 =	simm.s32 $0x40;
	v5 =	vperm.xlane v5, v7;
	v6 =	vperm.xlane v6, v7  }
.LBB2_9:
0x20a: {  	v7 =	vld [tilespmem:s0+$0xFFFFFFC0]  }
0x20b: {  	v8 =	vld [tilespmem:s1+$0xFFFFFFC0];
	_ =	sdelay $0x1  }
0x20c: {  	v9 =	vld [tilespmem:s31+$0xFFFFFFC0];
	_ =	sdelay $0x2  }
0x20d: {  	v7 =	vsub.f32 v7, v4;
	v8 =	vsub.f32 v8, v5;
	_ =	sdelay $0x1  }
0x20e: {  	v9 =	vsub.f32 v9, v6;
	v7 =	vmul.f32 v7, v7;
	v8 =	vmul.f32 v8, v8;
	_ =	sdelay $0x1  }
0x20f: {  	v7 =	vadd.f32 v8, v7;
	v8 =	vmul.f32 v9, v9;
	_ =	sdelay $0x1  }
0x210: {  	v7 =	vadd.f32 v8, v7;
	_ =	sdelay $0x1  }
0x211: {  	vm0 =	vle.f32 v7, $3.999999910e-02  }
0x212: {  	v7 =	vsel vm0, $0x1, v2  }
0x213: {  	(xrf0) =	vadd.scan.msk.s32 $0xffff, v7;
	_ =	sdelay $0x5  }
0x214: {  	v7, _, _ =	vpop (xrf0)  }
0x215: {  	v7 =	vadd.s32 s15, v7  }
0x216: {  	v7 =	vadd.s32 $0xFFFFFFFF, v7;
	_ =	sdelay $0x2  }
0x217: {  	s16 =	sadd.s32 $0xFFFFFF90, s30  }
0x218: {  	v8 =	vor.u32 s16, v0  }
0x219: {  	[tilespmem:v7+s19+$0x0] =	vst.idx.msk vm0, v8  }
0x21a: {  	v7 =	vld [tilespmem:s0+$0xFFFFFFD0]  }
0x21b: {  	v8 =	vld [tilespmem:s1+$0xFFFFFFD0];
	_ =	sdelay $0x1  }
0x21c: {  	v43 =	vld [tilespmem:s31+$0xFFFFFFD0];
	_ =	sdelay $0x2  }
0x21d: {  	v7 =	vsub.f32 v7, v4;
	v8 =	vsub.f32 v8, v5;
	_ =	sdelay $0x1  }
0x21e: {  	v9 =	vsub.f32 v43, v6;
	v7 =	vmul.f32 v7, v7;
	v8 =	vmul.f32 v8, v8;
	_ =	sdelay $0x1  }
0x21f: {  	v7 =	vadd.f32 v8, v7;
	v8 =	vmul.f32 v9, v9;
	_ =	sdelay $0x1  }
0x220: {  	v7 =	vadd.f32 v8, v7;
	_ =	sdelay $0x1  }
0x221: {  	vm1 =	vle.f32 v7, $3.999999910e-02  }
0x222: {  	v7 =	vsel vm1, $0x1, v2  }
0x223: {  	(xrf0) =	vadd.scan.msk.s32 $0xffff, v7;
	_ =	sdelay $0x3  }
0x224: {  	v7 =	vmpcnt.ones.xlane vm0;
	_ =	sdelay $0x1  }
0x225: {  	v7 =	vadd.s32 s15, v7;
	v8, _, _ =	vpop (xrf0)  }
0x226: {  	v8 =	vadd.s32 v8, v7  }
0x227: {  	v8 =	vadd.s32 $0xFFFFFFFF, v8;
	_ =	sdelay $0x2  }
0x228: {  	s16 =	sadd.s32 $0xFFFFFFA0, s30  }
0x229: {  	v44 =	vor.u32 s16, v0  }
0x22a: {  	[tilespmem:v8+s19+$0x0] =	vst.idx.msk vm1, v44  }
0x22b: {  	v8 =	vld [tilespmem:s0+$0xFFFFFFE0]  }
0x22c: {  	v9 =	vld [tilespmem:s1+$0xFFFFFFE0];
	_ =	sdelay $0x1  }
0x22d: {  	v10 =	vld [tilespmem:s31+$0xFFFFFFE0];
	_ =	sdelay $0x2  }
0x22e: {  	v8 =	vsub.f32 v8, v4;
	v9 =	vsub.f32 v9, v5;
	_ =	sdelay $0x1  }
0x22f: {  	v10 =	vsub.f32 v10, v6;
	v8 =	vmul.f32 v8, v8;
	v9 =	vmul.f32 v9, v9;
	_ =	sdelay $0x1  }
0x230: {  	v45 =	vmul.f32 v10, v10;
	v8 =	vadd.f32 v9, v8;
	_ =	sdelay $0x1  }
0x231: {  	v8 =	vadd.f32 v45, v8;
	_ =	sdelay $0x1  }
0x232: {  	vm10 =	vle.f32 v8, $3.999999910e-02  }
0x233: {  	v8 =	vsel vm10, $0x1, v2  }
0x234: {  	(xrf0) =	vadd.scan.msk.s32 $0xffff, v8;
	_ =	sdelay $0x1  }
0x235: {  	v8 =	vmpcnt.ones.xlane vm1;
	_ =	sdelay $0x3  }
0x236: {  	v7 =	vadd.s32 v7, v8;
	v8, _, _ =	vpop (xrf0)  }
0x237: {  	v8 =	vadd.s32 v8, v7  }
0x238: {  	v8 =	vadd.s32 $0xFFFFFFFF, v8;
	_ =	sdelay $0x2  }
0x239: {  	s16 =	sadd.s32 $0xFFFFFFB0, s30  }
0x23a: {  	v46 =	vor.u32 s16, v0  }
0x23b: {  	[tilespmem:v8+s19+$0x0] =	vst.idx.msk vm10, v46  }
0x23c: {  	v8 =	vld [tilespmem:s0+$0xFFFFFFF0]  }
0x23d: {  	v9 =	vld [tilespmem:s1+$0xFFFFFFF0];
	_ =	sdelay $0x1  }
0x23e: {  	v47 =	vld [tilespmem:s31+$0xFFFFFFF0];
	_ =	sdelay $0x2  }
0x23f: {  	v8 =	vsub.f32 v8, v4;
	v9 =	vsub.f32 v9, v5;
	_ =	sdelay $0x1  }
0x240: {  	v10 =	vsub.f32 v47, v6;
	v8 =	vmul.f32 v8, v8;
	v9 =	vmul.f32 v9, v9;
	_ =	sdelay $0x1  }
0x241: {  	v48 =	vmul.f32 v10, v10;
	v8 =	vadd.f32 v9, v8;
	_ =	sdelay $0x1  }
0x242: {  	v8 =	vadd.f32 v48, v8;
	_ =	sdelay $0x1  }
0x243: {  	vm11 =	vle.f32 v8, $3.999999910e-02  }
0x244: {  	v8 =	vsel vm11, $0x1, v2  }
0x245: {  	(xrf0) =	vadd.scan.msk.s32 $0xffff, v8;
	_ =	sdelay $0x1  }
0x246: {  	v8 =	vmpcnt.ones.xlane vm10;
	_ =	sdelay $0x3  }
0x247: {  	v7 =	vadd.s32 v7, v8;
	v8, _, _ =	vpop (xrf0)  }
0x248: {  	v8 =	vadd.s32 v8, v7  }
0x249: {  	v8 =	vadd.s32 $0xFFFFFFFF, v8;
	_ =	sdelay $0x2  }
0x24a: {  	s16 =	sadd.s32 $0xFFFFFFC0, s30  }
0x24b: {  	v49 =	vor.u32 s16, v0  }
0x24c: {  	[tilespmem:v8+s19+$0x0] =	vst.idx.msk vm11, v49  }
0x24d: {  	v8 =	vld [tilespmem:s0+$0x0]  }
0x24e: {  	v9 =	vld [tilespmem:s1+$0x0];
	_ =	sdelay $0x1  }
0x24f: {  	v50 =	vld [tilespmem:s31+$0x0];
	_ =	sdelay $0x2  }
0x250: {  	v8 =	vsub.f32 v8, v4;
	v9 =	vsub.f32 v9, v5;
	_ =	sdelay $0x1  }
0x251: {  	v10 =	vsub.f32 v50, v6;
	v8 =	vmul.f32 v8, v8;
	v9 =	vmul.f32 v9, v9;
	_ =	sdelay $0x1  }
0x252: {  	v51 =	vmul.f32 v10, v10;
	v8 =	vadd.f32 v9, v8;
	_ =	sdelay $0x1  }
0x253: {  	v8 =	vadd.f32 v51, v8;
	_ =	sdelay $0x1  }
0x254: {  	vm12 =	vle.f32 v8, $3.999999910e-02  }
0x255: {  	v8 =	vsel vm12, $0x1, v2  }
0x256: {  	(xrf0) =	vadd.scan.msk.s32 $0xffff, v8;
	_ =	sdelay $0x1  }
0x257: {  	v8 =	vmpcnt.ones.xlane vm11;
	_ =	sdelay $0x3  }
0x258: {  	v7 =	vadd.s32 v7, v8;
	v8, _, _ =	vpop (xrf0)  }
0x259: {  	v8 =	vadd.s32 v8, v7  }
0x25a: {  	v8 =	vadd.s32 $0xFFFFFFFF, v8;
	_ =	sdelay $0x2  }
0x25b: {  	s16 =	sadd.s32 $0xFFFFFFD0, s30  }
0x25c: {  	v52 =	vor.u32 s16, v0  }
0x25d: {  	[tilespmem:v8+s19+$0x0] =	vst.idx.msk vm12, v52  }
0x25e: {  	v8 =	vld [tilespmem:s0+$0x10]  }
0x25f: {  	v9 =	vld [tilespmem:s1+$0x10];
	_ =	sdelay $0x1  }
0x260: {  	v53 =	vld [tilespmem:s31+$0x10];
	_ =	sdelay $0x2  }
0x261: {  	v8 =	vsub.f32 v8, v4;
	v9 =	vsub.f32 v9, v5;
	_ =	sdelay $0x1  }
0x262: {  	v10 =	vsub.f32 v53, v6;
	v8 =	vmul.f32 v8, v8;
	v9 =	vmul.f32 v9, v9;
	_ =	sdelay $0x1  }
0x263: {  	v54 =	vmul.f32 v10, v10;
	v8 =	vadd.f32 v9, v8;
	_ =	sdelay $0x1  }
0x264: {  	v8 =	vadd.f32 v54, v8;
	_ =	sdelay $0x1  }
0x265: {  	vm13 =	vle.f32 v8, $3.999999910e-02  }
0x266: {  	v8 =	vsel vm13, $0x1, v2  }
0x267: {  	(xrf0) =	vadd.scan.msk.s32 $0xffff, v8;
	_ =	sdelay $0x1  }
0x268: {  	v8 =	vmpcnt.ones.xlane vm12;
	_ =	sdelay $0x3  }
0x269: {  	v7 =	vadd.s32 v7, v8;
	v8, _, _ =	vpop (xrf0)  }
0x26a: {  	v8 =	vadd.s32 v8, v7  }
0x26b: {  	v8 =	vadd.s32 $0xFFFFFFFF, v8;
	_ =	sdelay $0x2  }
0x26c: {  	s16 =	sadd.s32 $0xFFFFFFE0, s30  }
0x26d: {  	v55 =	vor.u32 s16, v0  }
0x26e: {  	[tilespmem:v8+s19+$0x0] =	vst.idx.msk vm13, v55  }
0x26f: {  	v8 =	vld [tilespmem:s0+$0x20]  }
0x270: {  	v9 =	vld [tilespmem:s1+$0x20];
	_ =	sdelay $0x1  }
0x271: {  	v56 =	vld [tilespmem:s31+$0x20];
	_ =	sdelay $0x2  }
0x272: {  	v8 =	vsub.f32 v8, v4;
	v9 =	vsub.f32 v9, v5;
	_ =	sdelay $0x1  }
0x273: {  	v10 =	vsub.f32 v56, v6;
	v8 =	vmul.f32 v8, v8;
	v9 =	vmul.f32 v9, v9;
	_ =	sdelay $0x1  }
0x274: {  	v57 =	vmul.f32 v10, v10;
	v8 =	vadd.f32 v9, v8;
	_ =	sdelay $0x1  }
0x275: {  	v8 =	vadd.f32 v57, v8;
	_ =	sdelay $0x1  }
0x276: {  	vm14 =	vle.f32 v8, $3.999999910e-02  }
0x277: {  	v8 =	vsel vm14, $0x1, v2  }
0x278: {  	(xrf0) =	vadd.scan.msk.s32 $0xffff, v8;
	_ =	sdelay $0x1  }
0x279: {  	v8 =	vmpcnt.ones.xlane vm13;
	_ =	sdelay $0x3  }
0x27a: {  	v7 =	vadd.s32 v7, v8;
	v8, _, _ =	vpop (xrf0)  }
0x27b: {  	v8 =	vadd.s32 v8, v7  }
0x27c: {  	v8 =	vadd.s32 $0xFFFFFFFF, v8;
	_ =	sdelay $0x2  }
0x27d: {  	s16 =	sadd.s32 $0xFFFFFFF0, s30  }
0x27e: {  	v58 =	vor.u32 s16, v0  }
0x27f: {  	[tilespmem:v8+s19+$0x0] =	vst.idx.msk vm14, v58  }
0x280: {  	v8 =	vld [tilespmem:s0+$0x30]  }
0x281: {  	v9 =	vld [tilespmem:s1+$0x30];
	_ =	sdelay $0x1  }
0x282: {  	v59 =	vld [tilespmem:s31+$0x30];
	_ =	sdelay $0x2  }
0x283: {  	v8 =	vsub.f32 v8, v4;
	v9 =	vsub.f32 v9, v5;
	_ =	sdelay $0x1  }
0x284: {  	v10 =	vsub.f32 v59, v6;
	v8 =	vmul.f32 v8, v8;
	v9 =	vmul.f32 v9, v9;
	_ =	sdelay $0x1  }
0x285: {  	v60 =	vmul.f32 v10, v10;
	v8 =	vadd.f32 v9, v8;
	_ =	sdelay $0x1  }
0x286: {  	v8 =	vadd.f32 v60, v8;
	_ =	sdelay $0x1  }
0x287: {  	v61 =	vmpcnt.ones.xlane vm14;
	vm15 =	vle.f32 v8, $3.999999910e-02  }
0x288: {  	v8 =	vmpcnt.ones.xlane vm15  }
0x289: {  	v7 =	vadd.s32 v7, v61  }
0x28a: {  	v62 =	vsel vm15, $0x1, v2;
	v8 =	vadd.s32 v7, v8  }
0x28b: {  	(xrf0) =	vadd.scan.msk.s32 $0xffff, v62;
	v8 =	vxor.u32 $0x80000000, v8  }
0x28c: {  	(xrf0) =	vmax.scan.msk.u32 $0xffff, v8;
	_ =	sdelay $0x4  }
0x28d: {  	v8, _, _ =	vpop (xrf0)  }
0x28e: {  	v63, _, _ =	vpop (xrf0)  }
0x28f: {  	(v2sf) =	vpush v63, $0xF;
	_ =	sdelay $0xe  }
0x290: {  	s16 =	spop (v2sf)  }
0x291: {  	p0 =	sgt.u32 s14, $0x1F7;
	s15 =	sxor.u32 $0x80000000, s16  }
0x292: {  	v7 =	vadd.s32 v8, v7;
	p1 =	slt.s32 @!p0 s15, $0x20  }
0x293: {  	v7 =	vadd.s32 $0xFFFFFFFF, v7;
	p0 =	por p0, !p1  }
.Ltmp3:
0x294: {  	_ = 	snop;
	(pc) =	sbr.rel @!p0 .LBB2_9-.Ltmp3, $3  }
0x295: {  	_ =	sdelay $0x1  }
0x296: {  	s14 =	sadd.s32 $0x8, s14;
	s31 =	sadd.s32 $0x80, s31;
	v8 =	vor.u32 s30, v0  }
0x297: {  	s1 =	sadd.s32 $0x80, s1;
	s0 =	sadd.s32 $0x80, s0;
	s30 =	sadd.s32 $0x80, s30;
	[tilespmem:v7+s19+$0x0] =	vst.idx.msk vm15, v8  }
0x298: {  	v4 =	vld [tilespmem:$0x6180];
	_ =	sdelay $0x2  }
0x299: {  	p0 =	slt.s32 s15, $0x20;
	v5 =	vld [tilespmem:$0x6190]  }
0x29a: {  	s15 =	simm.s32 @!p0 $0x20  }
0x29b: {  	v7 =	vmov s15;
	v6 =	vperm.xlane v4, v2  }
0x29c: {  	vm0 =	vgt.s32 v7, v0  }
0x29d: {  	vm15 =	vgt.s32 v7, v3;
	v4 =	vsel vm0, v4, v6  }
0x29e: {  	v5 =	vsel vm15, v5, v6;
	v4 =	vadd.s32 v1, v4  }
0x29f: {  	[tilespmem:$0x6280] =	vst v4;
	v4 =	vadd.s32 v1, v5  }
0x2a0: {  	[tilespmem:$0x6290] =	vst v4  }
0x2a1: {  	v4 =	vld [tilespmem:s28+$0x6000]  }
0x2a2: {  	v5 =	vld [tilespmem:s28+$0x6080]  }
0x2a3: {  	v6 =	vld [tilespmem:s28+$0x6100];
	_ =	sdelay $0x1  }
0x2a4: {  	s0 =	sor.u32 $0x4, s29  }
0x2a5: {  	v7 =	vmov s0  }
0x2a6: {  	s30 =	simm.s32 $0x70;
	s31 =	simm.s32 $0x4040;
	s1 =	simm.s32 $0x2040;
	v4 =	vperm.xlane v4, v7  }
0x2a7: {  	s14 =	simm.s32 $0x0;
	s15 =	simm.s32 $0x0;
	s0 =	simm.s32 $0x40;
	v5 =	vperm.xlane v5, v7;
	v6 =	vperm.xlane v6, v7  }
.LBB2_11:
0x2a8: {  	v7 =	vld [tilespmem:s0+$0xFFFFFFC0]  }
0x2a9: {  	v8 =	vld [tilespmem:s1+$0xFFFFFFC0];
	_ =	sdelay $0x1  }
0x2aa: {  	v9 =	vld [tilespmem:s31+$0xFFFFFFC0];
	_ =	sdelay $0x2  }
0x2ab: {  	v7 =	vsub.f32 v7, v4;
	v8 =	vsub.f32 v8, v5;
	_ =	sdelay $0x1  }
0x2ac: {  	v9 =	vsub.f32 v9, v6;
	v7 =	vmul.f32 v7, v7;
	v8 =	vmul.f32 v8, v8;
	_ =	sdelay $0x1  }
0x2ad: {  	v7 =	vadd.f32 v8, v7;
	v8 =	vmul.f32 v9, v9;
	_ =	sdelay $0x1  }
0x2ae: {  	v7 =	vadd.f32 v8, v7;
	_ =	sdelay $0x1  }
0x2af: {  	vm0 =	vle.f32 v7, $3.999999910e-02  }
0x2b0: {  	v7 =	vsel vm0, $0x1, v2  }
0x2b1: {  	(xrf0) =	vadd.scan.msk.s32 $0xffff, v7;
	_ =	sdelay $0x5  }
0x2b2: {  	v7, _, _ =	vpop (xrf0)  }
0x2b3: {  	v7 =	vadd.s32 s15, v7  }
0x2b4: {  	v7 =	vadd.s32 $0xFFFFFFFF, v7;
	_ =	sdelay $0x2  }
0x2b5: {  	s16 =	sadd.s32 $0xFFFFFF90, s30  }
0x2b6: {  	v8 =	vor.u32 s16, v0  }
0x2b7: {  	[tilespmem:v7+s19+$0x0] =	vst.idx.msk vm0, v8  }
0x2b8: {  	v7 =	vld [tilespmem:s0+$0xFFFFFFD0]  }
0x2b9: {  	v8 =	vld [tilespmem:s1+$0xFFFFFFD0];
	_ =	sdelay $0x1  }
0x2ba: {  	v43 =	vld [tilespmem:s31+$0xFFFFFFD0];
	_ =	sdelay $0x2  }
0x2bb: {  	v7 =	vsub.f32 v7, v4;
	v8 =	vsub.f32 v8, v5;
	_ =	sdelay $0x1  }
0x2bc: {  	v9 =	vsub.f32 v43, v6;
	v7 =	vmul.f32 v7, v7;
	v8 =	vmul.f32 v8, v8;
	_ =	sdelay $0x1  }
0x2bd: {  	v7 =	vadd.f32 v8, v7;
	v8 =	vmul.f32 v9, v9;
	_ =	sdelay $0x1  }
0x2be: {  	v7 =	vadd.f32 v8, v7;
	_ =	sdelay $0x1  }
0x2bf: {  	vm1 =	vle.f32 v7, $3.999999910e-02  }
0x2c0: {  	v7 =	vsel vm1, $0x1, v2  }
0x2c1: {  	(xrf0) =	vadd.scan.msk.s32 $0xffff, v7;
	_ =	sdelay $0x3  }
0x2c2: {  	v7 =	vmpcnt.ones.xlane vm0;
	_ =	sdelay $0x1  }
0x2c3: {  	v7 =	vadd.s32 s15, v7;
	v8, _, _ =	vpop (xrf0)  }
0x2c4: {  	v8 =	vadd.s32 v8, v7  }
0x2c5: {  	v8 =	vadd.s32 $0xFFFFFFFF, v8;
	_ =	sdelay $0x2  }
0x2c6: {  	s16 =	sadd.s32 $0xFFFFFFA0, s30  }
0x2c7: {  	v44 =	vor.u32 s16, v0  }
0x2c8: {  	[tilespmem:v8+s19+$0x0] =	vst.idx.msk vm1, v44  }
0x2c9: {  	v8 =	vld [tilespmem:s0+$0xFFFFFFE0]  }
0x2ca: {  	v9 =	vld [tilespmem:s1+$0xFFFFFFE0];
	_ =	sdelay $0x1  }
0x2cb: {  	v10 =	vld [tilespmem:s31+$0xFFFFFFE0];
	_ =	sdelay $0x2  }
0x2cc: {  	v8 =	vsub.f32 v8, v4;
	v9 =	vsub.f32 v9, v5;
	_ =	sdelay $0x1  }
0x2cd: {  	v10 =	vsub.f32 v10, v6;
	v8 =	vmul.f32 v8, v8;
	v9 =	vmul.f32 v9, v9;
	_ =	sdelay $0x1  }
0x2ce: {  	v45 =	vmul.f32 v10, v10;
	v8 =	vadd.f32 v9, v8;
	_ =	sdelay $0x1  }
0x2cf: {  	v8 =	vadd.f32 v45, v8;
	_ =	sdelay $0x1  }
0x2d0: {  	vm10 =	vle.f32 v8, $3.999999910e-02  }
0x2d1: {  	v8 =	vsel vm10, $0x1, v2  }
0x2d2: {  	(xrf0) =	vadd.scan.msk.s32 $0xffff, v8;
	_ =	sdelay $0x1  }
0x2d3: {  	v8 =	vmpcnt.ones.xlane vm1;
	_ =	sdelay $0x3  }
0x2d4: {  	v7 =	vadd.s32 v7, v8;
	v8, _, _ =	vpop (xrf0)  }
0x2d5: {  	v8 =	vadd.s32 v8, v7  }
0x2d6: {  	v8 =	vadd.s32 $0xFFFFFFFF, v8;
	_ =	sdelay $0x2  }
0x2d7: {  	s16 =	sadd.s32 $0xFFFFFFB0, s30  }
0x2d8: {  	v46 =	vor.u32 s16, v0  }
0x2d9: {  	[tilespmem:v8+s19+$0x0] =	vst.idx.msk vm10, v46  }
0x2da: {  	v8 =	vld [tilespmem:s0+$0xFFFFFFF0]  }
0x2db: {  	v9 =	vld [tilespmem:s1+$0xFFFFFFF0];
	_ =	sdelay $0x1  }
0x2dc: {  	v47 =	vld [tilespmem:s31+$0xFFFFFFF0];
	_ =	sdelay $0x2  }
0x2dd: {  	v8 =	vsub.f32 v8, v4;
	v9 =	vsub.f32 v9, v5;
	_ =	sdelay $0x1  }
0x2de: {  	v10 =	vsub.f32 v47, v6;
	v8 =	vmul.f32 v8, v8;
	v9 =	vmul.f32 v9, v9;
	_ =	sdelay $0x1  }
0x2df: {  	v48 =	vmul.f32 v10, v10;
	v8 =	vadd.f32 v9, v8;
	_ =	sdelay $0x1  }
0x2e0: {  	v8 =	vadd.f32 v48, v8;
	_ =	sdelay $0x1  }
0x2e1: {  	vm11 =	vle.f32 v8, $3.999999910e-02  }
0x2e2: {  	v8 =	vsel vm11, $0x1, v2  }
0x2e3: {  	(xrf0) =	vadd.scan.msk.s32 $0xffff, v8;
	_ =	sdelay $0x1  }
0x2e4: {  	v8 =	vmpcnt.ones.xlane vm10;
	_ =	sdelay $0x3  }
0x2e5: {  	v7 =	vadd.s32 v7, v8;
	v8, _, _ =	vpop (xrf0)  }
0x2e6: {  	v8 =	vadd.s32 v8, v7  }
0x2e7: {  	v8 =	vadd.s32 $0xFFFFFFFF, v8;
	_ =	sdelay $0x2  }
0x2e8: {  	s16 =	sadd.s32 $0xFFFFFFC0, s30  }
0x2e9: {  	v49 =	vor.u32 s16, v0  }
0x2ea: {  	[tilespmem:v8+s19+$0x0] =	vst.idx.msk vm11, v49  }
0x2eb: {  	v8 =	vld [tilespmem:s0+$0x0]  }
0x2ec: {  	v9 =	vld [tilespmem:s1+$0x0];
	_ =	sdelay $0x1  }
0x2ed: {  	v50 =	vld [tilespmem:s31+$0x0];
	_ =	sdelay $0x2  }
0x2ee: {  	v8 =	vsub.f32 v8, v4;
	v9 =	vsub.f32 v9, v5;
	_ =	sdelay $0x1  }
0x2ef: {  	v10 =	vsub.f32 v50, v6;
	v8 =	vmul.f32 v8, v8;
	v9 =	vmul.f32 v9, v9;
	_ =	sdelay $0x1  }
0x2f0: {  	v51 =	vmul.f32 v10, v10;
	v8 =	vadd.f32 v9, v8;
	_ =	sdelay $0x1  }
0x2f1: {  	v8 =	vadd.f32 v51, v8;
	_ =	sdelay $0x1  }
0x2f2: {  	vm12 =	vle.f32 v8, $3.999999910e-02  }
0x2f3: {  	v8 =	vsel vm12, $0x1, v2  }
0x2f4: {  	(xrf0) =	vadd.scan.msk.s32 $0xffff, v8;
	_ =	sdelay $0x1  }
0x2f5: {  	v8 =	vmpcnt.ones.xlane vm11;
	_ =	sdelay $0x3  }
0x2f6: {  	v7 =	vadd.s32 v7, v8;
	v8, _, _ =	vpop (xrf0)  }
0x2f7: {  	v8 =	vadd.s32 v8, v7  }
0x2f8: {  	v8 =	vadd.s32 $0xFFFFFFFF, v8;
	_ =	sdelay $0x2  }
0x2f9: {  	s16 =	sadd.s32 $0xFFFFFFD0, s30  }
0x2fa: {  	v52 =	vor.u32 s16, v0  }
0x2fb: {  	[tilespmem:v8+s19+$0x0] =	vst.idx.msk vm12, v52  }
0x2fc: {  	v8 =	vld [tilespmem:s0+$0x10]  }
0x2fd: {  	v9 =	vld [tilespmem:s1+$0x10];
	_ =	sdelay $0x1  }
0x2fe: {  	v53 =	vld [tilespmem:s31+$0x10];
	_ =	sdelay $0x2  }
0x2ff: {  	v8 =	vsub.f32 v8, v4;
	v9 =	vsub.f32 v9, v5;
	_ =	sdelay $0x1  }
0x300: {  	v10 =	vsub.f32 v53, v6;
	v8 =	vmul.f32 v8, v8;
	v9 =	vmul.f32 v9, v9;
	_ =	sdelay $0x1  }
0x301: {  	v54 =	vmul.f32 v10, v10;
	v8 =	vadd.f32 v9, v8;
	_ =	sdelay $0x1  }
0x302: {  	v8 =	vadd.f32 v54, v8;
	_ =	sdelay $0x1  }
0x303: {  	vm13 =	vle.f32 v8, $3.999999910e-02  }
0x304: {  	v8 =	vsel vm13, $0x1, v2  }
0x305: {  	(xrf0) =	vadd.scan.msk.s32 $0xffff, v8;
	_ =	sdelay $0x1  }
0x306: {  	v8 =	vmpcnt.ones.xlane vm12;
	_ =	sdelay $0x3  }
0x307: {  	v7 =	vadd.s32 v7, v8;
	v8, _, _ =	vpop (xrf0)  }
0x308: {  	v8 =	vadd.s32 v8, v7  }
0x309: {  	v8 =	vadd.s32 $0xFFFFFFFF, v8;
	_ =	sdelay $0x2  }
0x30a: {  	s16 =	sadd.s32 $0xFFFFFFE0, s30  }
0x30b: {  	v55 =	vor.u32 s16, v0  }
0x30c: {  	[tilespmem:v8+s19+$0x0] =	vst.idx.msk vm13, v55  }
0x30d: {  	v8 =	vld [tilespmem:s0+$0x20]  }
0x30e: {  	v9 =	vld [tilespmem:s1+$0x20];
	_ =	sdelay $0x1  }
0x30f: {  	v56 =	vld [tilespmem:s31+$0x20];
	_ =	sdelay $0x2  }
0x310: {  	v8 =	vsub.f32 v8, v4;
	v9 =	vsub.f32 v9, v5;
	_ =	sdelay $0x1  }
0x311: {  	v10 =	vsub.f32 v56, v6;
	v8 =	vmul.f32 v8, v8;
	v9 =	vmul.f32 v9, v9;
	_ =	sdelay $0x1  }
0x312: {  	v57 =	vmul.f32 v10, v10;
	v8 =	vadd.f32 v9, v8;
	_ =	sdelay $0x1  }
0x313: {  	v8 =	vadd.f32 v57, v8;
	_ =	sdelay $0x1  }
0x314: {  	vm14 =	vle.f32 v8, $3.999999910e-02  }
0x315: {  	v8 =	vsel vm14, $0x1, v2  }
0x316: {  	(xrf0) =	vadd.scan.msk.s32 $0xffff, v8;
	_ =	sdelay $0x1  }
0x317: {  	v8 =	vmpcnt.ones.xlane vm13;
	_ =	sdelay $0x3  }
0x318: {  	v7 =	vadd.s32 v7, v8;
	v8, _, _ =	vpop (xrf0)  }
0x319: {  	v8 =	vadd.s32 v8, v7  }
0x31a: {  	v8 =	vadd.s32 $0xFFFFFFFF, v8;
	_ =	sdelay $0x2  }
0x31b: {  	s16 =	sadd.s32 $0xFFFFFFF0, s30  }
0x31c: {  	v58 =	vor.u32 s16, v0  }
0x31d: {  	[tilespmem:v8+s19+$0x0] =	vst.idx.msk vm14, v58  }
0x31e: {  	v8 =	vld [tilespmem:s0+$0x30]  }
0x31f: {  	v9 =	vld [tilespmem:s1+$0x30];
	_ =	sdelay $0x1  }
0x320: {  	v59 =	vld [tilespmem:s31+$0x30];
	_ =	sdelay $0x2  }
0x321: {  	v8 =	vsub.f32 v8, v4;
	v9 =	vsub.f32 v9, v5;
	_ =	sdelay $0x1  }
0x322: {  	v10 =	vsub.f32 v59, v6;
	v8 =	vmul.f32 v8, v8;
	v9 =	vmul.f32 v9, v9;
	_ =	sdelay $0x1  }
0x323: {  	v60 =	vmul.f32 v10, v10;
	v8 =	vadd.f32 v9, v8;
	_ =	sdelay $0x1  }
0x324: {  	v8 =	vadd.f32 v60, v8;
	_ =	sdelay $0x1  }
0x325: {  	v61 =	vmpcnt.ones.xlane vm14;
	vm15 =	vle.f32 v8, $3.999999910e-02  }
0x326: {  	v8 =	vmpcnt.ones.xlane vm15  }
0x327: {  	v7 =	vadd.s32 v7, v61  }
0x328: {  	v62 =	vsel vm15, $0x1, v2;
	v8 =	vadd.s32 v7, v8  }
0x329: {  	(xrf0) =	vadd.scan.msk.s32 $0xffff, v62;
	v8 =	vxor.u32 $0x80000000, v8  }
0x32a: {  	(xrf0) =	vmax.scan.msk.u32 $0xffff, v8;
	_ =	sdelay $0x4  }
0x32b: {  	v8, _, _ =	vpop (xrf0)  }
0x32c: {  	v63, _, _ =	vpop (xrf0)  }
0x32d: {  	(v2sf) =	vpush v63, $0xF;
	_ =	sdelay $0xe  }
0x32e: {  	s16 =	spop (v2sf)  }
0x32f: {  	p0 =	sgt.u32 s14, $0x1F7;
	s15 =	sxor.u32 $0x80000000, s16  }
0x330: {  	v7 =	vadd.s32 v8, v7;
	p1 =	slt.s32 @!p0 s15, $0x20  }
0x331: {  	v7 =	vadd.s32 $0xFFFFFFFF, v7;
	p0 =	por p0, !p1  }
.Ltmp4:
0x332: {  	_ = 	snop;
	(pc) =	sbr.rel @!p0 .LBB2_11-.Ltmp4, $3  }
0x333: {  	_ =	sdelay $0x1  }
0x334: {  	s14 =	sadd.s32 $0x8, s14;
	s31 =	sadd.s32 $0x80, s31;
	v8 =	vor.u32 s30, v0  }
0x335: {  	s1 =	sadd.s32 $0x80, s1;
	s0 =	sadd.s32 $0x80, s0;
	s30 =	sadd.s32 $0x80, s30;
	[tilespmem:v7+s19+$0x0] =	vst.idx.msk vm15, v8  }
0x336: {  	v4 =	vld [tilespmem:$0x6180];
	_ =	sdelay $0x2  }
0x337: {  	p0 =	slt.s32 s15, $0x20;
	v5 =	vld [tilespmem:$0x6190]  }
0x338: {  	s15 =	simm.s32 @!p0 $0x20  }
0x339: {  	v7 =	vmov s15;
	v6 =	vperm.xlane v4, v2  }
0x33a: {  	vm0 =	vgt.s32 v7, v0  }
0x33b: {  	vm15 =	vgt.s32 v7, v3;
	v4 =	vsel vm0, v4, v6  }
0x33c: {  	v5 =	vsel vm15, v5, v6;
	v4 =	vadd.s32 v1, v4  }
0x33d: {  	[tilespmem:$0x62A0] =	vst v4;
	v4 =	vadd.s32 v1, v5  }
0x33e: {  	[tilespmem:$0x62B0] =	vst v4  }
0x33f: {  	v4 =	vld [tilespmem:s28+$0x6000]  }
0x340: {  	v5 =	vld [tilespmem:s28+$0x6080]  }
0x341: {  	v6 =	vld [tilespmem:s28+$0x6100];
	_ =	sdelay $0x1  }
0x342: {  	s0 =	sor.u32 $0x5, s29  }
0x343: {  	v7 =	vmov s0  }
0x344: {  	s30 =	simm.s32 $0x70;
	s31 =	simm.s32 $0x4040;
	s1 =	simm.s32 $0x2040;
	v4 =	vperm.xlane v4, v7  }
0x345: {  	s14 =	simm.s32 $0x0;
	s15 =	simm.s32 $0x0;
	s0 =	simm.s32 $0x40;
	v5 =	vperm.xlane v5, v7;
	v6 =	vperm.xlane v6, v7  }
.LBB2_13:
0x346: {  	v7 =	vld [tilespmem:s0+$0xFFFFFFC0]  }
0x347: {  	v8 =	vld [tilespmem:s1+$0xFFFFFFC0];
	_ =	sdelay $0x1  }
0x348: {  	v9 =	vld [tilespmem:s31+$0xFFFFFFC0];
	_ =	sdelay $0x2  }
0x349: {  	v7 =	vsub.f32 v7, v4;
	v8 =	vsub.f32 v8, v5;
	_ =	sdelay $0x1  }
0x34a: {  	v9 =	vsub.f32 v9, v6;
	v7 =	vmul.f32 v7, v7;
	v8 =	vmul.f32 v8, v8;
	_ =	sdelay $0x1  }
0x34b: {  	v7 =	vadd.f32 v8, v7;
	v8 =	vmul.f32 v9, v9;
	_ =	sdelay $0x1  }
0x34c: {  	v7 =	vadd.f32 v8, v7;
	_ =	sdelay $0x1  }
0x34d: {  	vm0 =	vle.f32 v7, $3.999999910e-02  }
0x34e: {  	v7 =	vsel vm0, $0x1, v2  }
0x34f: {  	(xrf0) =	vadd.scan.msk.s32 $0xffff, v7;
	_ =	sdelay $0x5  }
0x350: {  	v7, _, _ =	vpop (xrf0)  }
0x351: {  	v7 =	vadd.s32 s15, v7  }
0x352: {  	v7 =	vadd.s32 $0xFFFFFFFF, v7;
	_ =	sdelay $0x2  }
0x353: {  	s16 =	sadd.s32 $0xFFFFFF90, s30  }
0x354: {  	v8 =	vor.u32 s16, v0  }
0x355: {  	[tilespmem:v7+s19+$0x0] =	vst.idx.msk vm0, v8  }
0x356: {  	v7 =	vld [tilespmem:s0+$0xFFFFFFD0]  }
0x357: {  	v8 =	vld [tilespmem:s1+$0xFFFFFFD0];
	_ =	sdelay $0x1  }
0x358: {  	v43 =	vld [tilespmem:s31+$0xFFFFFFD0];
	_ =	sdelay $0x2  }
0x359: {  	v7 =	vsub.f32 v7, v4;
	v8 =	vsub.f32 v8, v5;
	_ =	sdelay $0x1  }
0x35a: {  	v9 =	vsub.f32 v43, v6;
	v7 =	vmul.f32 v7, v7;
	v8 =	vmul.f32 v8, v8;
	_ =	sdelay $0x1  }
0x35b: {  	v7 =	vadd.f32 v8, v7;
	v8 =	vmul.f32 v9, v9;
	_ =	sdelay $0x1  }
0x35c: {  	v7 =	vadd.f32 v8, v7;
	_ =	sdelay $0x1  }
0x35d: {  	vm1 =	vle.f32 v7, $3.999999910e-02  }
0x35e: {  	v7 =	vsel vm1, $0x1, v2  }
0x35f: {  	(xrf0) =	vadd.scan.msk.s32 $0xffff, v7;
	_ =	sdelay $0x3  }
0x360: {  	v7 =	vmpcnt.ones.xlane vm0;
	_ =	sdelay $0x1  }
0x361: {  	v7 =	vadd.s32 s15, v7;
	v8, _, _ =	vpop (xrf0)  }
0x362: {  	v8 =	vadd.s32 v8, v7  }
0x363: {  	v8 =	vadd.s32 $0xFFFFFFFF, v8;
	_ =	sdelay $0x2  }
0x364: {  	s16 =	sadd.s32 $0xFFFFFFA0, s30  }
0x365: {  	v44 =	vor.u32 s16, v0  }
0x366: {  	[tilespmem:v8+s19+$0x0] =	vst.idx.msk vm1, v44  }
0x367: {  	v8 =	vld [tilespmem:s0+$0xFFFFFFE0]  }
0x368: {  	v9 =	vld [tilespmem:s1+$0xFFFFFFE0];
	_ =	sdelay $0x1  }
0x369: {  	v10 =	vld [tilespmem:s31+$0xFFFFFFE0];
	_ =	sdelay $0x2  }
0x36a: {  	v8 =	vsub.f32 v8, v4;
	v9 =	vsub.f32 v9, v5;
	_ =	sdelay $0x1  }
0x36b: {  	v10 =	vsub.f32 v10, v6;
	v8 =	vmul.f32 v8, v8;
	v9 =	vmul.f32 v9, v9;
	_ =	sdelay $0x1  }
0x36c: {  	v45 =	vmul.f32 v10, v10;
	v8 =	vadd.f32 v9, v8;
	_ =	sdelay $0x1  }
0x36d: {  	v8 =	vadd.f32 v45, v8;
	_ =	sdelay $0x1  }
0x36e: {  	vm10 =	vle.f32 v8, $3.999999910e-02  }
0x36f: {  	v8 =	vsel vm10, $0x1, v2  }
0x370: {  	(xrf0) =	vadd.scan.msk.s32 $0xffff, v8;
	_ =	sdelay $0x1  }
0x371: {  	v8 =	vmpcnt.ones.xlane vm1;
	_ =	sdelay $0x3  }
0x372: {  	v7 =	vadd.s32 v7, v8;
	v8, _, _ =	vpop (xrf0)  }
0x373: {  	v8 =	vadd.s32 v8, v7  }
0x374: {  	v8 =	vadd.s32 $0xFFFFFFFF, v8;
	_ =	sdelay $0x2  }
0x375: {  	s16 =	sadd.s32 $0xFFFFFFB0, s30  }
0x376: {  	v46 =	vor.u32 s16, v0  }
0x377: {  	[tilespmem:v8+s19+$0x0] =	vst.idx.msk vm10, v46  }
0x378: {  	v8 =	vld [tilespmem:s0+$0xFFFFFFF0]  }
0x379: {  	v9 =	vld [tilespmem:s1+$0xFFFFFFF0];
	_ =	sdelay $0x1  }
0x37a: {  	v47 =	vld [tilespmem:s31+$0xFFFFFFF0];
	_ =	sdelay $0x2  }
0x37b: {  	v8 =	vsub.f32 v8, v4;
	v9 =	vsub.f32 v9, v5;
	_ =	sdelay $0x1  }
0x37c: {  	v10 =	vsub.f32 v47, v6;
	v8 =	vmul.f32 v8, v8;
	v9 =	vmul.f32 v9, v9;
	_ =	sdelay $0x1  }
0x37d: {  	v48 =	vmul.f32 v10, v10;
	v8 =	vadd.f32 v9, v8;
	_ =	sdelay $0x1  }
0x37e: {  	v8 =	vadd.f32 v48, v8;
	_ =	sdelay $0x1  }
0x37f: {  	vm11 =	vle.f32 v8, $3.999999910e-02  }
0x380: {  	v8 =	vsel vm11, $0x1, v2  }
0x381: {  	(xrf0) =	vadd.scan.msk.s32 $0xffff, v8;
	_ =	sdelay $0x1  }
0x382: {  	v8 =	vmpcnt.ones.xlane vm10;
	_ =	sdelay $0x3  }
0x383: {  	v7 =	vadd.s32 v7, v8;
	v8, _, _ =	vpop (xrf0)  }
0x384: {  	v8 =	vadd.s32 v8, v7  }
0x385: {  	v8 =	vadd.s32 $0xFFFFFFFF, v8;
	_ =	sdelay $0x2  }
0x386: {  	s16 =	sadd.s32 $0xFFFFFFC0, s30  }
0x387: {  	v49 =	vor.u32 s16, v0  }
0x388: {  	[tilespmem:v8+s19+$0x0] =	vst.idx.msk vm11, v49  }
0x389: {  	v8 =	vld [tilespmem:s0+$0x0]  }
0x38a: {  	v9 =	vld [tilespmem:s1+$0x0];
	_ =	sdelay $0x1  }
0x38b: {  	v50 =	vld [tilespmem:s31+$0x0];
	_ =	sdelay $0x2  }
0x38c: {  	v8 =	vsub.f32 v8, v4;
	v9 =	vsub.f32 v9, v5;
	_ =	sdelay $0x1  }
0x38d: {  	v10 =	vsub.f32 v50, v6;
	v8 =	vmul.f32 v8, v8;
	v9 =	vmul.f32 v9, v9;
	_ =	sdelay $0x1  }
0x38e: {  	v51 =	vmul.f32 v10, v10;
	v8 =	vadd.f32 v9, v8;
	_ =	sdelay $0x1  }
0x38f: {  	v8 =	vadd.f32 v51, v8;
	_ =	sdelay $0x1  }
0x390: {  	vm12 =	vle.f32 v8, $3.999999910e-02  }
0x391: {  	v8 =	vsel vm12, $0x1, v2  }
0x392: {  	(xrf0) =	vadd.scan.msk.s32 $0xffff, v8;
	_ =	sdelay $0x1  }
0x393: {  	v8 =	vmpcnt.ones.xlane vm11;
	_ =	sdelay $0x3  }
0x394: {  	v7 =	vadd.s32 v7, v8;
	v8, _, _ =	vpop (xrf0)  }
0x395: {  	v8 =	vadd.s32 v8, v7  }
0x396: {  	v8 =	vadd.s32 $0xFFFFFFFF, v8;
	_ =	sdelay $0x2  }
0x397: {  	s16 =	sadd.s32 $0xFFFFFFD0, s30  }
0x398: {  	v52 =	vor.u32 s16, v0  }
0x399: {  	[tilespmem:v8+s19+$0x0] =	vst.idx.msk vm12, v52  }
0x39a: {  	v8 =	vld [tilespmem:s0+$0x10]  }
0x39b: {  	v9 =	vld [tilespmem:s1+$0x10];
	_ =	sdelay $0x1  }
0x39c: {  	v53 =	vld [tilespmem:s31+$0x10];
	_ =	sdelay $0x2  }
0x39d: {  	v8 =	vsub.f32 v8, v4;
	v9 =	vsub.f32 v9, v5;
	_ =	sdelay $0x1  }
0x39e: {  	v10 =	vsub.f32 v53, v6;
	v8 =	vmul.f32 v8, v8;
	v9 =	vmul.f32 v9, v9;
	_ =	sdelay $0x1  }
0x39f: {  	v54 =	vmul.f32 v10, v10;
	v8 =	vadd.f32 v9, v8;
	_ =	sdelay $0x1  }
0x3a0: {  	v8 =	vadd.f32 v54, v8;
	_ =	sdelay $0x1  }
0x3a1: {  	vm13 =	vle.f32 v8, $3.999999910e-02  }
0x3a2: {  	v8 =	vsel vm13, $0x1, v2  }
0x3a3: {  	(xrf0) =	vadd.scan.msk.s32 $0xffff, v8;
	_ =	sdelay $0x1  }
0x3a4: {  	v8 =	vmpcnt.ones.xlane vm12;
	_ =	sdelay $0x3  }
0x3a5: {  	v7 =	vadd.s32 v7, v8;
	v8, _, _ =	vpop (xrf0)  }
0x3a6: {  	v8 =	vadd.s32 v8, v7  }
0x3a7: {  	v8 =	vadd.s32 $0xFFFFFFFF, v8;
	_ =	sdelay $0x2  }
0x3a8: {  	s16 =	sadd.s32 $0xFFFFFFE0, s30  }
0x3a9: {  	v55 =	vor.u32 s16, v0  }
0x3aa: {  	[tilespmem:v8+s19+$0x0] =	vst.idx.msk vm13, v55  }
0x3ab: {  	v8 =	vld [tilespmem:s0+$0x20]  }
0x3ac: {  	v9 =	vld [tilespmem:s1+$0x20];
	_ =	sdelay $0x1  }
0x3ad: {  	v56 =	vld [tilespmem:s31+$0x20];
	_ =	sdelay $0x2  }
0x3ae: {  	v8 =	vsub.f32 v8, v4;
	v9 =	vsub.f32 v9, v5;
	_ =	sdelay $0x1  }
0x3af: {  	v10 =	vsub.f32 v56, v6;
	v8 =	vmul.f32 v8, v8;
	v9 =	vmul.f32 v9, v9;
	_ =	sdelay $0x1  }
0x3b0: {  	v57 =	vmul.f32 v10, v10;
	v8 =	vadd.f32 v9, v8;
	_ =	sdelay $0x1  }
0x3b1: {  	v8 =	vadd.f32 v57, v8;
	_ =	sdelay $0x1  }
0x3b2: {  	vm14 =	vle.f32 v8, $3.999999910e-02  }
0x3b3: {  	v8 =	vsel vm14, $0x1, v2  }
0x3b4: {  	(xrf0) =	vadd.scan.msk.s32 $0xffff, v8;
	_ =	sdelay $0x1  }
0x3b5: {  	v8 =	vmpcnt.ones.xlane vm13;
	_ =	sdelay $0x3  }
0x3b6: {  	v7 =	vadd.s32 v7, v8;
	v8, _, _ =	vpop (xrf0)  }
0x3b7: {  	v8 =	vadd.s32 v8, v7  }
0x3b8: {  	v8 =	vadd.s32 $0xFFFFFFFF, v8;
	_ =	sdelay $0x2  }
0x3b9: {  	s16 =	sadd.s32 $0xFFFFFFF0, s30  }
0x3ba: {  	v58 =	vor.u32 s16, v0  }
0x3bb: {  	[tilespmem:v8+s19+$0x0] =	vst.idx.msk vm14, v58  }
0x3bc: {  	v8 =	vld [tilespmem:s0+$0x30]  }
0x3bd: {  	v9 =	vld [tilespmem:s1+$0x30];
	_ =	sdelay $0x1  }
0x3be: {  	v59 =	vld [tilespmem:s31+$0x30];
	_ =	sdelay $0x2  }
0x3bf: {  	v8 =	vsub.f32 v8, v4;
	v9 =	vsub.f32 v9, v5;
	_ =	sdelay $0x1  }
0x3c0: {  	v10 =	vsub.f32 v59, v6;
	v8 =	vmul.f32 v8, v8;
	v9 =	vmul.f32 v9, v9;
	_ =	sdelay $0x1  }
0x3c1: {  	v60 =	vmul.f32 v10, v10;
	v8 =	vadd.f32 v9, v8;
	_ =	sdelay $0x1  }
0x3c2: {  	v8 =	vadd.f32 v60, v8;
	_ =	sdelay $0x1  }
0x3c3: {  	v61 =	vmpcnt.ones.xlane vm14;
	vm15 =	vle.f32 v8, $3.999999910e-02  }
0x3c4: {  	v8 =	vmpcnt.ones.xlane vm15  }
0x3c5: {  	v7 =	vadd.s32 v7, v61  }
0x3c6: {  	v62 =	vsel vm15, $0x1, v2;
	v8 =	vadd.s32 v7, v8  }
0x3c7: {  	(xrf0) =	vadd.scan.msk.s32 $0xffff, v62;
	v8 =	vxor.u32 $0x80000000, v8  }
0x3c8: {  	(xrf0) =	vmax.scan.msk.u32 $0xffff, v8;
	_ =	sdelay $0x4  }
0x3c9: {  	v8, _, _ =	vpop (xrf0)  }
0x3ca: {  	v63, _, _ =	vpop (xrf0)  }
0x3cb: {  	(v2sf) =	vpush v63, $0xF;
	_ =	sdelay $0xe  }
0x3cc: {  	s16 =	spop (v2sf)  }
0x3cd: {  	p0 =	sgt.u32 s14, $0x1F7;
	s15 =	sxor.u32 $0x80000000, s16  }
0x3ce: {  	v7 =	vadd.s32 v8, v7;
	p1 =	slt.s32 @!p0 s15, $0x20  }
0x3cf: {  	v7 =	vadd.s32 $0xFFFFFFFF, v7;
	p0 =	por p0, !p1  }
.Ltmp5:
0x3d0: {  	_ = 	snop;
	(pc) =	sbr.rel @!p0 .LBB2_13-.Ltmp5, $3  }
0x3d1: {  	_ =	sdelay $0x1  }
0x3d2: {  	s14 =	sadd.s32 $0x8, s14;
	s31 =	sadd.s32 $0x80, s31;
	v8 =	vor.u32 s30, v0  }
0x3d3: {  	s1 =	sadd.s32 $0x80, s1;
	s0 =	sadd.s32 $0x80, s0;
	s30 =	sadd.s32 $0x80, s30;
	[tilespmem:v7+s19+$0x0] =	vst.idx.msk vm15, v8  }
0x3d4: {  	v4 =	vld [tilespmem:$0x6180];
	_ =	sdelay $0x2  }
0x3d5: {  	p0 =	slt.s32 s15, $0x20;
	v5 =	vld [tilespmem:$0x6190]  }
0x3d6: {  	s15 =	simm.s32 @!p0 $0x20  }
0x3d7: {  	v7 =	vmov s15;
	v6 =	vperm.xlane v4, v2  }
0x3d8: {  	vm0 =	vgt.s32 v7, v0  }
0x3d9: {  	vm15 =	vgt.s32 v7, v3;
	v4 =	vsel vm0, v4, v6  }
0x3da: {  	v5 =	vsel vm15, v5, v6;
	v4 =	vadd.s32 v1, v4  }
0x3db: {  	[tilespmem:$0x62C0] =	vst v4;
	v4 =	vadd.s32 v1, v5  }
0x3dc: {  	[tilespmem:$0x62D0] =	vst v4  }
0x3dd: {  	v4 =	vld [tilespmem:s28+$0x6000]  }
0x3de: {  	v5 =	vld [tilespmem:s28+$0x6080]  }
0x3df: {  	v6 =	vld [tilespmem:s28+$0x6100];
	_ =	sdelay $0x1  }
0x3e0: {  	s0 =	sor.u32 $0x6, s29  }
0x3e1: {  	v7 =	vmov s0  }
0x3e2: {  	s30 =	simm.s32 $0x70;
	s31 =	simm.s32 $0x4040;
	s1 =	simm.s32 $0x2040;
	v4 =	vperm.xlane v4, v7  }
0x3e3: {  	s14 =	simm.s32 $0x0;
	s15 =	simm.s32 $0x0;
	s0 =	simm.s32 $0x40;
	v5 =	vperm.xlane v5, v7;
	v6 =	vperm.xlane v6, v7  }
.LBB2_15:
0x3e4: {  	v7 =	vld [tilespmem:s0+$0xFFFFFFC0]  }
0x3e5: {  	v8 =	vld [tilespmem:s1+$0xFFFFFFC0];
	_ =	sdelay $0x1  }
0x3e6: {  	v9 =	vld [tilespmem:s31+$0xFFFFFFC0];
	_ =	sdelay $0x2  }
0x3e7: {  	v7 =	vsub.f32 v7, v4;
	v8 =	vsub.f32 v8, v5;
	_ =	sdelay $0x1  }
0x3e8: {  	v9 =	vsub.f32 v9, v6;
	v7 =	vmul.f32 v7, v7;
	v8 =	vmul.f32 v8, v8;
	_ =	sdelay $0x1  }
0x3e9: {  	v7 =	vadd.f32 v8, v7;
	v8 =	vmul.f32 v9, v9;
	_ =	sdelay $0x1  }
0x3ea: {  	v7 =	vadd.f32 v8, v7;
	_ =	sdelay $0x1  }
0x3eb: {  	vm0 =	vle.f32 v7, $3.999999910e-02  }
0x3ec: {  	v7 =	vsel vm0, $0x1, v2  }
0x3ed: {  	(xrf0) =	vadd.scan.msk.s32 $0xffff, v7;
	_ =	sdelay $0x5  }
0x3ee: {  	v7, _, _ =	vpop (xrf0)  }
0x3ef: {  	v7 =	vadd.s32 s15, v7  }
0x3f0: {  	v7 =	vadd.s32 $0xFFFFFFFF, v7;
	_ =	sdelay $0x2  }
0x3f1: {  	s16 =	sadd.s32 $0xFFFFFF90, s30  }
0x3f2: {  	v8 =	vor.u32 s16, v0  }
0x3f3: {  	[tilespmem:v7+s19+$0x0] =	vst.idx.msk vm0, v8  }
0x3f4: {  	v7 =	vld [tilespmem:s0+$0xFFFFFFD0]  }
0x3f5: {  	v8 =	vld [tilespmem:s1+$0xFFFFFFD0];
	_ =	sdelay $0x1  }
0x3f6: {  	v43 =	vld [tilespmem:s31+$0xFFFFFFD0];
	_ =	sdelay $0x2  }
0x3f7: {  	v7 =	vsub.f32 v7, v4;
	v8 =	vsub.f32 v8, v5;
	_ =	sdelay $0x1  }
0x3f8: {  	v9 =	vsub.f32 v43, v6;
	v7 =	vmul.f32 v7, v7;
	v8 =	vmul.f32 v8, v8;
	_ =	sdelay $0x1  }
0x3f9: {  	v7 =	vadd.f32 v8, v7;
	v8 =	vmul.f32 v9, v9;
	_ =	sdelay $0x1  }
0x3fa: {  	v7 =	vadd.f32 v8, v7;
	_ =	sdelay $0x1  }
0x3fb: {  	vm1 =	vle.f32 v7, $3.999999910e-02  }
0x3fc: {  	v7 =	vsel vm1, $0x1, v2  }
0x3fd: {  	(xrf0) =	vadd.scan.msk.s32 $0xffff, v7;
	_ =	sdelay $0x3  }
0x3fe: {  	v7 =	vmpcnt.ones.xlane vm0;
	_ =	sdelay $0x1  }
0x3ff: {  	v7 =	vadd.s32 s15, v7;
	v8, _, _ =	vpop (xrf0)  }
0x400: {  	v8 =	vadd.s32 v8, v7  }
0x401: {  	v8 =	vadd.s32 $0xFFFFFFFF, v8;
	_ =	sdelay $0x2  }
0x402: {  	s16 =	sadd.s32 $0xFFFFFFA0, s30  }
0x403: {  	v44 =	vor.u32 s16, v0  }
0x404: {  	[tilespmem:v8+s19+$0x0] =	vst.idx.msk vm1, v44  }
0x405: {  	v8 =	vld [tilespmem:s0+$0xFFFFFFE0]  }
0x406: {  	v9 =	vld [tilespmem:s1+$0xFFFFFFE0];
	_ =	sdelay $0x1  }
0x407: {  	v10 =	vld [tilespmem:s31+$0xFFFFFFE0];
	_ =	sdelay $0x2  }
0x408: {  	v8 =	vsub.f32 v8, v4;
	v9 =	vsub.f32 v9, v5;
	_ =	sdelay $0x1  }
0x409: {  	v10 =	vsub.f32 v10, v6;
	v8 =	vmul.f32 v8, v8;
	v9 =	vmul.f32 v9, v9;
	_ =	sdelay $0x1  }
0x40a: {  	v45 =	vmul.f32 v10, v10;
	v8 =	vadd.f32 v9, v8;
	_ =	sdelay $0x1  }
0x40b: {  	v8 =	vadd.f32 v45, v8;
	_ =	sdelay $0x1  }
0x40c: {  	vm10 =	vle.f32 v8, $3.999999910e-02  }
0x40d: {  	v8 =	vsel vm10, $0x1, v2  }
0x40e: {  	(xrf0) =	vadd.scan.msk.s32 $0xffff, v8;
	_ =	sdelay $0x1  }
0x40f: {  	v8 =	vmpcnt.ones.xlane vm1;
	_ =	sdelay $0x3  }
0x410: {  	v7 =	vadd.s32 v7, v8;
	v8, _, _ =	vpop (xrf0)  }
0x411: {  	v8 =	vadd.s32 v8, v7  }
0x412: {  	v8 =	vadd.s32 $0xFFFFFFFF, v8;
	_ =	sdelay $0x2  }
0x413: {  	s16 =	sadd.s32 $0xFFFFFFB0, s30  }
0x414: {  	v46 =	vor.u32 s16, v0  }
0x415: {  	[tilespmem:v8+s19+$0x0] =	vst.idx.msk vm10, v46  }
0x416: {  	v8 =	vld [tilespmem:s0+$0xFFFFFFF0]  }
0x417: {  	v9 =	vld [tilespmem:s1+$0xFFFFFFF0];
	_ =	sdelay $0x1  }
0x418: {  	v47 =	vld [tilespmem:s31+$0xFFFFFFF0];
	_ =	sdelay $0x2  }
0x419: {  	v8 =	vsub.f32 v8, v4;
	v9 =	vsub.f32 v9, v5;
	_ =	sdelay $0x1  }
0x41a: {  	v10 =	vsub.f32 v47, v6;
	v8 =	vmul.f32 v8, v8;
	v9 =	vmul.f32 v9, v9;
	_ =	sdelay $0x1  }
0x41b: {  	v48 =	vmul.f32 v10, v10;
	v8 =	vadd.f32 v9, v8;
	_ =	sdelay $0x1  }
0x41c: {  	v8 =	vadd.f32 v48, v8;
	_ =	sdelay $0x1  }
0x41d: {  	vm11 =	vle.f32 v8, $3.999999910e-02  }
0x41e: {  	v8 =	vsel vm11, $0x1, v2  }
0x41f: {  	(xrf0) =	vadd.scan.msk.s32 $0xffff, v8;
	_ =	sdelay $0x1  }
0x420: {  	v8 =	vmpcnt.ones.xlane vm10;
	_ =	sdelay $0x3  }
0x421: {  	v7 =	vadd.s32 v7, v8;
	v8, _, _ =	vpop (xrf0)  }
0x422: {  	v8 =	vadd.s32 v8, v7  }
0x423: {  	v8 =	vadd.s32 $0xFFFFFFFF, v8;
	_ =	sdelay $0x2  }
0x424: {  	s16 =	sadd.s32 $0xFFFFFFC0, s30  }
0x425: {  	v49 =	vor.u32 s16, v0  }
0x426: {  	[tilespmem:v8+s19+$0x0] =	vst.idx.msk vm11, v49  }
0x427: {  	v8 =	vld [tilespmem:s0+$0x0]  }
0x428: {  	v9 =	vld [tilespmem:s1+$0x0];
	_ =	sdelay $0x1  }
0x429: {  	v50 =	vld [tilespmem:s31+$0x0];
	_ =	sdelay $0x2  }
0x42a: {  	v8 =	vsub.f32 v8, v4;
	v9 =	vsub.f32 v9, v5;
	_ =	sdelay $0x1  }
0x42b: {  	v10 =	vsub.f32 v50, v6;
	v8 =	vmul.f32 v8, v8;
	v9 =	vmul.f32 v9, v9;
	_ =	sdelay $0x1  }
0x42c: {  	v51 =	vmul.f32 v10, v10;
	v8 =	vadd.f32 v9, v8;
	_ =	sdelay $0x1  }
0x42d: {  	v8 =	vadd.f32 v51, v8;
	_ =	sdelay $0x1  }
0x42e: {  	vm12 =	vle.f32 v8, $3.999999910e-02  }
0x42f: {  	v8 =	vsel vm12, $0x1, v2  }
0x430: {  	(xrf0) =	vadd.scan.msk.s32 $0xffff, v8;
	_ =	sdelay $0x1  }
0x431: {  	v8 =	vmpcnt.ones.xlane vm11;
	_ =	sdelay $0x3  }
0x432: {  	v7 =	vadd.s32 v7, v8;
	v8, _, _ =	vpop (xrf0)  }
0x433: {  	v8 =	vadd.s32 v8, v7  }
0x434: {  	v8 =	vadd.s32 $0xFFFFFFFF, v8;
	_ =	sdelay $0x2  }
0x435: {  	s16 =	sadd.s32 $0xFFFFFFD0, s30  }
0x436: {  	v52 =	vor.u32 s16, v0  }
0x437: {  	[tilespmem:v8+s19+$0x0] =	vst.idx.msk vm12, v52  }
0x438: {  	v8 =	vld [tilespmem:s0+$0x10]  }
0x439: {  	v9 =	vld [tilespmem:s1+$0x10];
	_ =	sdelay $0x1  }
0x43a: {  	v53 =	vld [tilespmem:s31+$0x10];
	_ =	sdelay $0x2  }
0x43b: {  	v8 =	vsub.f32 v8, v4;
	v9 =	vsub.f32 v9, v5;
	_ =	sdelay $0x1  }
0x43c: {  	v10 =	vsub.f32 v53, v6;
	v8 =	vmul.f32 v8, v8;
	v9 =	vmul.f32 v9, v9;
	_ =	sdelay $0x1  }
0x43d: {  	v54 =	vmul.f32 v10, v10;
	v8 =	vadd.f32 v9, v8;
	_ =	sdelay $0x1  }
0x43e: {  	v8 =	vadd.f32 v54, v8;
	_ =	sdelay $0x1  }
0x43f: {  	vm13 =	vle.f32 v8, $3.999999910e-02  }
0x440: {  	v8 =	vsel vm13, $0x1, v2  }
0x441: {  	(xrf0) =	vadd.scan.msk.s32 $0xffff, v8;
	_ =	sdelay $0x1  }
0x442: {  	v8 =	vmpcnt.ones.xlane vm12;
	_ =	sdelay $0x3  }
0x443: {  	v7 =	vadd.s32 v7, v8;
	v8, _, _ =	vpop (xrf0)  }
0x444: {  	v8 =	vadd.s32 v8, v7  }
0x445: {  	v8 =	vadd.s32 $0xFFFFFFFF, v8;
	_ =	sdelay $0x2  }
0x446: {  	s16 =	sadd.s32 $0xFFFFFFE0, s30  }
0x447: {  	v55 =	vor.u32 s16, v0  }
0x448: {  	[tilespmem:v8+s19+$0x0] =	vst.idx.msk vm13, v55  }
0x449: {  	v8 =	vld [tilespmem:s0+$0x20]  }
0x44a: {  	v9 =	vld [tilespmem:s1+$0x20];
	_ =	sdelay $0x1  }
0x44b: {  	v56 =	vld [tilespmem:s31+$0x20];
	_ =	sdelay $0x2  }
0x44c: {  	v8 =	vsub.f32 v8, v4;
	v9 =	vsub.f32 v9, v5;
	_ =	sdelay $0x1  }
0x44d: {  	v10 =	vsub.f32 v56, v6;
	v8 =	vmul.f32 v8, v8;
	v9 =	vmul.f32 v9, v9;
	_ =	sdelay $0x1  }
0x44e: {  	v57 =	vmul.f32 v10, v10;
	v8 =	vadd.f32 v9, v8;
	_ =	sdelay $0x1  }
0x44f: {  	v8 =	vadd.f32 v57, v8;
	_ =	sdelay $0x1  }
0x450: {  	vm14 =	vle.f32 v8, $3.999999910e-02  }
0x451: {  	v8 =	vsel vm14, $0x1, v2  }
0x452: {  	(xrf0) =	vadd.scan.msk.s32 $0xffff, v8;
	_ =	sdelay $0x1  }
0x453: {  	v8 =	vmpcnt.ones.xlane vm13;
	_ =	sdelay $0x3  }
0x454: {  	v7 =	vadd.s32 v7, v8;
	v8, _, _ =	vpop (xrf0)  }
0x455: {  	v8 =	vadd.s32 v8, v7  }
0x456: {  	v8 =	vadd.s32 $0xFFFFFFFF, v8;
	_ =	sdelay $0x2  }
0x457: {  	s16 =	sadd.s32 $0xFFFFFFF0, s30  }
0x458: {  	v58 =	vor.u32 s16, v0  }
0x459: {  	[tilespmem:v8+s19+$0x0] =	vst.idx.msk vm14, v58  }
0x45a: {  	v8 =	vld [tilespmem:s0+$0x30]  }
0x45b: {  	v9 =	vld [tilespmem:s1+$0x30];
	_ =	sdelay $0x1  }
0x45c: {  	v59 =	vld [tilespmem:s31+$0x30];
	_ =	sdelay $0x2  }
0x45d: {  	v8 =	vsub.f32 v8, v4;
	v9 =	vsub.f32 v9, v5;
	_ =	sdelay $0x1  }
0x45e: {  	v10 =	vsub.f32 v59, v6;
	v8 =	vmul.f32 v8, v8;
	v9 =	vmul.f32 v9, v9;
	_ =	sdelay $0x1  }
0x45f: {  	v60 =	vmul.f32 v10, v10;
	v8 =	vadd.f32 v9, v8;
	_ =	sdelay $0x1  }
0x460: {  	v8 =	vadd.f32 v60, v8;
	_ =	sdelay $0x1  }
0x461: {  	v61 =	vmpcnt.ones.xlane vm14;
	vm15 =	vle.f32 v8, $3.999999910e-02  }
0x462: {  	v8 =	vmpcnt.ones.xlane vm15  }
0x463: {  	v7 =	vadd.s32 v7, v61  }
0x464: {  	v62 =	vsel vm15, $0x1, v2;
	v8 =	vadd.s32 v7, v8  }
0x465: {  	(xrf0) =	vadd.scan.msk.s32 $0xffff, v62;
	v8 =	vxor.u32 $0x80000000, v8  }
0x466: {  	(xrf0) =	vmax.scan.msk.u32 $0xffff, v8;
	_ =	sdelay $0x4  }
0x467: {  	v8, _, _ =	vpop (xrf0)  }
0x468: {  	v63, _, _ =	vpop (xrf0)  }
0x469: {  	(v2sf) =	vpush v63, $0xF;
	_ =	sdelay $0xe  }
0x46a: {  	s16 =	spop (v2sf)  }
0x46b: {  	p0 =	sgt.u32 s14, $0x1F7;
	s15 =	sxor.u32 $0x80000000, s16  }
0x46c: {  	v7 =	vadd.s32 v8, v7;
	p1 =	slt.s32 @!p0 s15, $0x20  }
0x46d: {  	v7 =	vadd.s32 $0xFFFFFFFF, v7;
	p0 =	por p0, !p1  }
.Ltmp6:
0x46e: {  	_ = 	snop;
	(pc) =	sbr.rel @!p0 .LBB2_15-.Ltmp6, $3  }
0x46f: {  	_ =	sdelay $0x1  }
0x470: {  	s14 =	sadd.s32 $0x8, s14;
	s31 =	sadd.s32 $0x80, s31;
	v8 =	vor.u32 s30, v0  }
0x471: {  	s1 =	sadd.s32 $0x80, s1;
	s0 =	sadd.s32 $0x80, s0;
	s30 =	sadd.s32 $0x80, s30;
	[tilespmem:v7+s19+$0x0] =	vst.idx.msk vm15, v8  }
0x472: {  	v4 =	vld [tilespmem:$0x6180];
	_ =	sdelay $0x2  }
0x473: {  	p0 =	slt.s32 s15, $0x20;
	v5 =	vld [tilespmem:$0x6190]  }
0x474: {  	s15 =	simm.s32 @!p0 $0x20  }
0x475: {  	v7 =	vmov s15;
	v6 =	vperm.xlane v4, v2  }
0x476: {  	vm0 =	vgt.s32 v7, v0  }
0x477: {  	vm15 =	vgt.s32 v7, v3;
	v4 =	vsel vm0, v4, v6  }
0x478: {  	v5 =	vsel vm15, v5, v6;
	v4 =	vadd.s32 v1, v4  }
0x479: {  	[tilespmem:$0x62E0] =	vst v4;
	v4 =	vadd.s32 v1, v5  }
0x47a: {  	[tilespmem:$0x62F0] =	vst v4  }
0x47b: {  	v4 =	vld [tilespmem:s28+$0x6000]  }
0x47c: {  	v5 =	vld [tilespmem:s28+$0x6080]  }
0x47d: {  	v6 =	vld [tilespmem:s28+$0x6100];
	_ =	sdelay $0x1  }
0x47e: {  	s0 =	sor.u32 $0x7, s29  }
0x47f: {  	v7 =	vmov s0  }
0x480: {  	s29 =	simm.s32 $0x4040;
	s1 =	simm.s32 $0x2040;
	s14 =	simm.s32 $0x0;
	v4 =	vperm.xlane v4, v7  }
0x481: {  	s15 =	simm.s32 $0x0;
	s0 =	simm.s32 $0x40;
	s28 =	simm.s32 $0x70;
	v5 =	vperm.xlane v5, v7;
	v6 =	vperm.xlane v6, v7  }
.LBB2_17:
0x482: {  	v7 =	vld [tilespmem:s0+$0xFFFFFFC0]  }
0x483: {  	v8 =	vld [tilespmem:s1+$0xFFFFFFC0];
	_ =	sdelay $0x1  }
0x484: {  	v9 =	vld [tilespmem:s29+$0xFFFFFFC0];
	_ =	sdelay $0x2  }
0x485: {  	v7 =	vsub.f32 v7, v4;
	v8 =	vsub.f32 v8, v5;
	_ =	sdelay $0x1  }
0x486: {  	v9 =	vsub.f32 v9, v6;
	v7 =	vmul.f32 v7, v7;
	v8 =	vmul.f32 v8, v8;
	_ =	sdelay $0x1  }
0x487: {  	v7 =	vadd.f32 v8, v7;
	v8 =	vmul.f32 v9, v9;
	_ =	sdelay $0x1  }
0x488: {  	v7 =	vadd.f32 v8, v7;
	_ =	sdelay $0x1  }
0x489: {  	vm0 =	vle.f32 v7, $3.999999910e-02  }
0x48a: {  	v7 =	vsel vm0, $0x1, v2  }
0x48b: {  	(xrf0) =	vadd.scan.msk.s32 $0xffff, v7;
	_ =	sdelay $0x5  }
0x48c: {  	v7, _, _ =	vpop (xrf0)  }
0x48d: {  	v7 =	vadd.s32 s15, v7  }
0x48e: {  	v7 =	vadd.s32 $0xFFFFFFFF, v7;
	_ =	sdelay $0x2  }
0x48f: {  	s16 =	sadd.s32 $0xFFFFFF90, s28  }
0x490: {  	v8 =	vor.u32 s16, v0  }
0x491: {  	[tilespmem:v7+s19+$0x0] =	vst.idx.msk vm0, v8  }
0x492: {  	v7 =	vld [tilespmem:s0+$0xFFFFFFD0]  }
0x493: {  	v8 =	vld [tilespmem:s1+$0xFFFFFFD0];
	_ =	sdelay $0x1  }
0x494: {  	v43 =	vld [tilespmem:s29+$0xFFFFFFD0];
	_ =	sdelay $0x2  }
0x495: {  	v7 =	vsub.f32 v7, v4;
	v8 =	vsub.f32 v8, v5;
	_ =	sdelay $0x1  }
0x496: {  	v9 =	vsub.f32 v43, v6;
	v7 =	vmul.f32 v7, v7;
	v8 =	vmul.f32 v8, v8;
	_ =	sdelay $0x1  }
0x497: {  	v7 =	vadd.f32 v8, v7;
	v8 =	vmul.f32 v9, v9;
	_ =	sdelay $0x1  }
0x498: {  	v7 =	vadd.f32 v8, v7;
	_ =	sdelay $0x1  }
0x499: {  	vm1 =	vle.f32 v7, $3.999999910e-02  }
0x49a: {  	v7 =	vsel vm1, $0x1, v2  }
0x49b: {  	(xrf0) =	vadd.scan.msk.s32 $0xffff, v7;
	_ =	sdelay $0x3  }
0x49c: {  	v7 =	vmpcnt.ones.xlane vm0;
	_ =	sdelay $0x1  }
0x49d: {  	v7 =	vadd.s32 s15, v7;
	v8, _, _ =	vpop (xrf0)  }
0x49e: {  	v8 =	vadd.s32 v8, v7  }
0x49f: {  	v8 =	vadd.s32 $0xFFFFFFFF, v8;
	_ =	sdelay $0x2  }
0x4a0: {  	s31 =	sadd.s32 $0xFFFFFFA0, s28  }
0x4a1: {  	v44 =	vor.u32 s31, v0  }
0x4a2: {  	[tilespmem:v8+s19+$0x0] =	vst.idx.msk vm1, v44  }
0x4a3: {  	v8 =	vld [tilespmem:s0+$0xFFFFFFE0]  }
0x4a4: {  	v9 =	vld [tilespmem:s1+$0xFFFFFFE0];
	_ =	sdelay $0x1  }
0x4a5: {  	v10 =	vld [tilespmem:s29+$0xFFFFFFE0];
	_ =	sdelay $0x2  }
0x4a6: {  	v8 =	vsub.f32 v8, v4;
	v9 =	vsub.f32 v9, v5;
	_ =	sdelay $0x1  }
0x4a7: {  	v10 =	vsub.f32 v10, v6;
	v8 =	vmul.f32 v8, v8;
	v9 =	vmul.f32 v9, v9;
	_ =	sdelay $0x1  }
0x4a8: {  	v45 =	vmul.f32 v10, v10;
	v8 =	vadd.f32 v9, v8;
	_ =	sdelay $0x1  }
0x4a9: {  	v8 =	vadd.f32 v45, v8;
	_ =	sdelay $0x1  }
0x4aa: {  	vm10 =	vle.f32 v8, $3.999999910e-02  }
0x4ab: {  	v8 =	vsel vm10, $0x1, v2  }
0x4ac: {  	(xrf0) =	vadd.scan.msk.s32 $0xffff, v8;
	_ =	sdelay $0x1  }
0x4ad: {  	v8 =	vmpcnt.ones.xlane vm1;
	_ =	sdelay $0x3  }
0x4ae: {  	v7 =	vadd.s32 v7, v8;
	v8, _, _ =	vpop (xrf0)  }
0x4af: {  	v8 =	vadd.s32 v8, v7  }
0x4b0: {  	v8 =	vadd.s32 $0xFFFFFFFF, v8;
	_ =	sdelay $0x2  }
0x4b1: {  	s16 =	sadd.s32 $0xFFFFFFB0, s28  }
0x4b2: {  	v46 =	vor.u32 s16, v0  }
0x4b3: {  	[tilespmem:v8+s19+$0x0] =	vst.idx.msk vm10, v46  }
0x4b4: {  	v8 =	vld [tilespmem:s0+$0xFFFFFFF0]  }
0x4b5: {  	v9 =	vld [tilespmem:s1+$0xFFFFFFF0];
	_ =	sdelay $0x1  }
0x4b6: {  	v47 =	vld [tilespmem:s29+$0xFFFFFFF0];
	_ =	sdelay $0x2  }
0x4b7: {  	v8 =	vsub.f32 v8, v4;
	v9 =	vsub.f32 v9, v5;
	_ =	sdelay $0x1  }
0x4b8: {  	v10 =	vsub.f32 v47, v6;
	v8 =	vmul.f32 v8, v8;
	v9 =	vmul.f32 v9, v9;
	_ =	sdelay $0x1  }
0x4b9: {  	v48 =	vmul.f32 v10, v10;
	v8 =	vadd.f32 v9, v8;
	_ =	sdelay $0x1  }
0x4ba: {  	v8 =	vadd.f32 v48, v8;
	_ =	sdelay $0x1  }
0x4bb: {  	vm11 =	vle.f32 v8, $3.999999910e-02  }
0x4bc: {  	v8 =	vsel vm11, $0x1, v2  }
0x4bd: {  	(xrf0) =	vadd.scan.msk.s32 $0xffff, v8;
	_ =	sdelay $0x1  }
0x4be: {  	v8 =	vmpcnt.ones.xlane vm10;
	_ =	sdelay $0x3  }
0x4bf: {  	v7 =	vadd.s32 v7, v8;
	v8, _, _ =	vpop (xrf0)  }
0x4c0: {  	v8 =	vadd.s32 v8, v7  }
0x4c1: {  	v8 =	vadd.s32 $0xFFFFFFFF, v8;
	_ =	sdelay $0x2  }
0x4c2: {  	s30 =	sadd.s32 $0xFFFFFFC0, s28  }
0x4c3: {  	v49 =	vor.u32 s30, v0  }
0x4c4: {  	[tilespmem:v8+s19+$0x0] =	vst.idx.msk vm11, v49  }
0x4c5: {  	v8 =	vld [tilespmem:s0+$0x0]  }
0x4c6: {  	v9 =	vld [tilespmem:s1+$0x0];
	_ =	sdelay $0x1  }
0x4c7: {  	v50 =	vld [tilespmem:s29+$0x0];
	_ =	sdelay $0x2  }
0x4c8: {  	v8 =	vsub.f32 v8, v4;
	v9 =	vsub.f32 v9, v5;
	_ =	sdelay $0x1  }
0x4c9: {  	v10 =	vsub.f32 v50, v6;
	v8 =	vmul.f32 v8, v8;
	v9 =	vmul.f32 v9, v9;
	_ =	sdelay $0x1  }
0x4ca: {  	v51 =	vmul.f32 v10, v10;
	v8 =	vadd.f32 v9, v8;
	_ =	sdelay $0x1  }
0x4cb: {  	v8 =	vadd.f32 v51, v8;
	_ =	sdelay $0x1  }
0x4cc: {  	vm12 =	vle.f32 v8, $3.999999910e-02  }
0x4cd: {  	v8 =	vsel vm12, $0x1, v2  }
0x4ce: {  	(xrf0) =	vadd.scan.msk.s32 $0xffff, v8;
	_ =	sdelay $0x1  }
0x4cf: {  	v8 =	vmpcnt.ones.xlane vm11;
	_ =	sdelay $0x3  }
0x4d0: {  	v7 =	vadd.s32 v7, v8;
	v8, _, _ =	vpop (xrf0)  }
0x4d1: {  	v8 =	vadd.s32 v8, v7  }
0x4d2: {  	v8 =	vadd.s32 $0xFFFFFFFF, v8;
	_ =	sdelay $0x2  }
0x4d3: {  	s31 =	sadd.s32 $0xFFFFFFD0, s28  }
0x4d4: {  	v52 =	vor.u32 s31, v0  }
0x4d5: {  	[tilespmem:v8+s19+$0x0] =	vst.idx.msk vm12, v52  }
0x4d6: {  	v8 =	vld [tilespmem:s0+$0x10]  }
0x4d7: {  	v9 =	vld [tilespmem:s1+$0x10];
	_ =	sdelay $0x1  }
0x4d8: {  	v53 =	vld [tilespmem:s29+$0x10];
	_ =	sdelay $0x2  }
0x4d9: {  	v8 =	vsub.f32 v8, v4;
	v9 =	vsub.f32 v9, v5;
	_ =	sdelay $0x1  }
0x4da: {  	v10 =	vsub.f32 v53, v6;
	v8 =	vmul.f32 v8, v8;
	v9 =	vmul.f32 v9, v9;
	_ =	sdelay $0x1  }
0x4db: {  	v54 =	vmul.f32 v10, v10;
	v8 =	vadd.f32 v9, v8;
	_ =	sdelay $0x1  }
0x4dc: {  	v8 =	vadd.f32 v54, v8;
	_ =	sdelay $0x1  }
0x4dd: {  	vm13 =	vle.f32 v8, $3.999999910e-02  }
0x4de: {  	v8 =	vsel vm13, $0x1, v2  }
0x4df: {  	(xrf0) =	vadd.scan.msk.s32 $0xffff, v8;
	_ =	sdelay $0x1  }
0x4e0: {  	v8 =	vmpcnt.ones.xlane vm12;
	_ =	sdelay $0x3  }
0x4e1: {  	v7 =	vadd.s32 v7, v8;
	v8, _, _ =	vpop (xrf0)  }
0x4e2: {  	v8 =	vadd.s32 v8, v7  }
0x4e3: {  	v8 =	vadd.s32 $0xFFFFFFFF, v8;
	_ =	sdelay $0x2  }
0x4e4: {  	s16 =	sadd.s32 $0xFFFFFFE0, s28  }
0x4e5: {  	v55 =	vor.u32 s16, v0  }
0x4e6: {  	[tilespmem:v8+s19+$0x0] =	vst.idx.msk vm13, v55  }
0x4e7: {  	v8 =	vld [tilespmem:s0+$0x20]  }
0x4e8: {  	v9 =	vld [tilespmem:s1+$0x20];
	_ =	sdelay $0x1  }
0x4e9: {  	v56 =	vld [tilespmem:s29+$0x20];
	_ =	sdelay $0x2  }
0x4ea: {  	v8 =	vsub.f32 v8, v4;
	v9 =	vsub.f32 v9, v5;
	_ =	sdelay $0x1  }
0x4eb: {  	v10 =	vsub.f32 v56, v6;
	v8 =	vmul.f32 v8, v8;
	v9 =	vmul.f32 v9, v9;
	_ =	sdelay $0x1  }
0x4ec: {  	v57 =	vmul.f32 v10, v10;
	v8 =	vadd.f32 v9, v8;
	_ =	sdelay $0x1  }
0x4ed: {  	v8 =	vadd.f32 v57, v8;
	_ =	sdelay $0x1  }
0x4ee: {  	vm14 =	vle.f32 v8, $3.999999910e-02  }
0x4ef: {  	v8 =	vsel vm14, $0x1, v2  }
0x4f0: {  	(xrf0) =	vadd.scan.msk.s32 $0xffff, v8;
	_ =	sdelay $0x1  }
0x4f1: {  	v8 =	vmpcnt.ones.xlane vm13;
	_ =	sdelay $0x3  }
0x4f2: {  	v7 =	vadd.s32 v7, v8;
	v8, _, _ =	vpop (xrf0)  }
0x4f3: {  	v8 =	vadd.s32 v8, v7  }
0x4f4: {  	v8 =	vadd.s32 $0xFFFFFFFF, v8;
	_ =	sdelay $0x2  }
0x4f5: {  	s30 =	sadd.s32 $0xFFFFFFF0, s28  }
0x4f6: {  	v58 =	vor.u32 s30, v0  }
0x4f7: {  	[tilespmem:v8+s19+$0x0] =	vst.idx.msk vm14, v58  }
0x4f8: {  	v8 =	vld [tilespmem:s0+$0x30]  }
0x4f9: {  	v9 =	vld [tilespmem:s1+$0x30];
	_ =	sdelay $0x1  }
0x4fa: {  	v59 =	vld [tilespmem:s29+$0x30];
	_ =	sdelay $0x2  }
0x4fb: {  	v8 =	vsub.f32 v8, v4;
	v9 =	vsub.f32 v9, v5;
	_ =	sdelay $0x1  }
0x4fc: {  	v10 =	vsub.f32 v59, v6;
	v8 =	vmul.f32 v8, v8;
	v9 =	vmul.f32 v9, v9;
	_ =	sdelay $0x1  }
0x4fd: {  	v60 =	vmul.f32 v10, v10;
	v8 =	vadd.f32 v9, v8;
	_ =	sdelay $0x1  }
0x4fe: {  	v8 =	vadd.f32 v60, v8;
	_ =	sdelay $0x1  }
0x4ff: {  	v61 =	vmpcnt.ones.xlane vm14;
	vm15 =	vle.f32 v8, $3.999999910e-02  }
0x500: {  	v8 =	vmpcnt.ones.xlane vm15  }
0x501: {  	v7 =	vadd.s32 v7, v61  }
0x502: {  	v62 =	vsel vm15, $0x1, v2;
	v8 =	vadd.s32 v7, v8  }
0x503: {  	(xrf0) =	vadd.scan.msk.s32 $0xffff, v62;
	v8 =	vxor.u32 $0x80000000, v8  }
0x504: {  	(xrf0) =	vmax.scan.msk.u32 $0xffff, v8;
	_ =	sdelay $0x4  }
0x505: {  	v8, _, _ =	vpop (xrf0)  }
0x506: {  	v63, _, _ =	vpop (xrf0)  }
0x507: {  	(v2sf) =	vpush v63, $0xF;
	_ =	sdelay $0xe  }
0x508: {  	s31 =	spop (v2sf)  }
0x509: {  	p0 =	sgt.u32 s14, $0x1F7;
	s15 =	sxor.u32 $0x80000000, s31  }
0x50a: {  	v7 =	vadd.s32 v8, v7;
	p1 =	slt.s32 @!p0 s15, $0x20  }
0x50b: {  	v7 =	vadd.s32 $0xFFFFFFFF, v7;
	p0 =	por p0, !p1  }
.Ltmp7:
0x50c: {  	_ = 	snop;
	(pc) =	sbr.rel @!p0 .LBB2_17-.Ltmp7, $3  }
0x50d: {  	_ =	sdelay $0x1  }
0x50e: {  	s14 =	sadd.s32 $0x8, s14;
	s29 =	sadd.s32 $0x80, s29;
	v8 =	vor.u32 s28, v0  }
0x50f: {  	s1 =	sadd.s32 $0x80, s1;
	s0 =	sadd.s32 $0x80, s0;
	s28 =	sadd.s32 $0x80, s28;
	[tilespmem:v7+s19+$0x0] =	vst.idx.msk vm15, v8  }
0x510: {  	v4 =	vld [tilespmem:$0x6180];
	_ =	sdelay $0x2  }
0x511: {  	p0 =	slt.s32 s15, $0x20;
	v5 =	vld [tilespmem:$0x6190]  }
0x512: {  	s15 =	simm.s32 @!p0 $0x20  }
0x513: {  	v7 =	vmov s15;
	v6 =	vperm.xlane v4, v2  }
0x514: {  	vm0 =	vgt.s32 v7, v0  }
0x515: {  	vm15 =	vgt.s32 v7, v3;
	v4 =	vsel vm0, v4, v6  }
0x516: {  	v5 =	vsel vm15, v5, v6;
	v4 =	vadd.s32 v1, v4  }
0x517: {  	[tilespmem:$0x6300] =	vst v4;
	v4 =	vadd.s32 v1, v5  }
0x518: {  	s0 =	sadd.s32 s3, s26;
	[tilespmem:$0x6310] =	vst v4  }
0x519: {  	[tilespmem:s22], [sflag:$0x1] =	stream.indirect.gather [hbm4b:s4+s20], $0x20, s21, s20, $0xb8;
	[tilespmem:$0x8320] =	vst v63  }
0x51a: {  	s25 =	sadd.s32 $0x1, s25;
	s0 =	sshll.u32 s0, $0x7;
	_ =	swait.ge [sflag:s23], $0x2000  }
0x51b: {  	p0 =	sne.s32 s25, $0x10;
	s0 =	sand.u32 $0x1FFFFC00, s0;
	[sflag:s23] =	ssyncset.done $0x0  }
.Ltmp8:
0x51c: {  	s0 =	sadd.s32 s5, s0;
	[sflag:s23] =	ssyncadd.s32 $0xFFFFE000;
	(pc) =	sbr.rel @p0 .LBB2_2-.Ltmp8, $4  }
0x51d: {  	[hbm4b:s0+s2] =	stream.linear.scatter [tilespmem:s22], [sflag:$0x2], $0x2000, $0x38;
	[tilespmem:$0x8320] =	vst v63  }
0x51e: {  	_ =	swait.ge [sflag:s13], $0x2000  }
0x51f: {  	[sflag:s13] =	ssyncset.done $0x0  }
0x520: {  	[sflag:s13] =	ssyncadd.s32 $0xFFFFE000  }
0x521: {  	s24 =	sadd.s32 $0x1, s24  }
0x522: {  	p0 =	sne.s32 s24, s12  }
.Ltmp9:
0x523: {  	_ = 	snop;
	(pc) =	sbr.rel @p0 .LBB2_1-.Ltmp9, $1  }
0x524: {  	_ =	sdelay $0x3  }
0x525: {  	_ =	sfence.sel $0x180000  }
0x526: {  	[bflag:$0x0] =	sbarrier.arrive $0xFFFF  }
0x527: {  	_ =	strace $0x90000047  }
0x528: {  	s0 =	stileid.u32;
	[bflag:$0x2] =	sbarrier.arrive $0xFFFF  }
0x529: {  	p0 =	sne.s32 s0, $0x0;
	s0 =	rddreg [dreg:$0x2]  }
0x52a: {  	s0 =	sadd.s32 @!p0 $0x100000, s0  }
0x52b: {  	[sflag:s0] =	ssyncadd.tile.s32 @!p0 $0x1;
	_ =	shalt  }
.Lfunc_end2:
_tile_overlayer_lowered:
.L_overlay_start_2:
0x52c: {  	(tag) =	ssettag $0x2  }
0x52d: {  	s0 =	rddreg [dreg:$0x0];
	s2 =	stileid.u32  }
0x52e: {  	s1 =	rddreg [dreg:$0x1];
	p0 =	sne.s32 s2, $0x0  }
0x52f: {  	s3 =	rddreg [dreg:$0x2];
	[bflag:$0x3] =	sbarrier.arrive $0xFFFF;
	s2 =	simm.s32 @!p0 $0x1C02  }
0x530: {  	[timem:s3], [sflag:s2] =	dma.local @!p0 [hbm:s0], s1  }
0x531: {  	s0 =	simm.s32 @!p0 $0x2  }
0x532: {  	_ =	swait.ge @!p0 [sflag:s0], s1  }
0x533: {  	s1 =	ssub.s32 @!p0 $0x0, s1;
	[sflag:s0] =	ssyncset.done @!p0 $0x0  }
0x534: {  	[sflag:s0] =	ssyncadd.s32 @!p0 s1  }
0x535: {  	[bflag:$0x3] =	sbarrier.arrive $0xFFFF  }
0x536: {  	_ =	shalt  }

</sc_bundles>
